<compile_context>
chip_gen: v7x
topology: tpu7x:2x2x1
jax: 0.10.2.dev20260603
libtpu: 0.0.44.dev20260713+nightly
codegen_flags: <defaults>
</compile_context>

<pallas_src>
import functools

import jax
import jax.numpy as jnp
from jax import lax
from jax.experimental import pallas as pl
from jax.experimental.pallas import tpu as pltpu
from jax.experimental.pallas import tpu_sc as plsc

_N_GAUSS = 2_000_000
_B = 640
_W = 128
_S = _B // _W
_NCHUNKS = _N_GAUSS // _B
_NC = 2
_NS = 16
_NW = _NC * _NS
_L = 16


def _splat(v):
    return jnp.full((_L,), v, jnp.int32)


def _body(fid_hbm, f0_hbm, f1_hbm, f2_hbm, vx_hbm, vy_hbm, vz_hbm,
          b0_hbm, b1_hbm, b2_hbm,
          ox_hbm, oy_hbm, oz_hbm,
          fid_v, vid_v, g_v, bary_v, out_v,
          s_fid, s_bary, s_vid, s_pl, s_out):
    wid = lax.axis_index("s") * _NC + lax.axis_index("c")
    n_w = (_NCHUNKS - wid + _NW - 1) // _NW
    lane = lax.iota(jnp.int32, _L)
    planes = (vx_hbm, vy_hbm, vz_hbm)
    faces = (f0_hbm, f1_hbm, f2_hbm)
    barys = (b0_hbm, b1_hbm, b2_hbm)
    outs = (ox_hbm, oy_hbm, oz_hbm)

    def chunk(i):
        return wid + i * _NW

    def fid_copy(i):
        base = pl.multiple_of(chunk(i) * _B, _B)
        return pltpu.make_async_copy(
            fid_hbm.at[pl.ds(base, _B)], fid_v.at[i % 2], s_fid)

    def bary_copies(i):
        base = pl.multiple_of(chunk(i) * _B, _B)
        return [pltpu.make_async_copy(
                    barys[j].at[pl.ds(base, _B)],
                    bary_v.at[(i % 2) * 3 + j], s_bary)
                for j in range(3)]

    def vid_copies(i, s):
        sl = pl.ds(pl.multiple_of(s * _W, _W), _W)
        return [pltpu.make_async_copy(
                    faces[j].at[fid_v.at[i % 2, sl]],
                    vid_v.at[(i % 3) * 3 + j, sl], s_vid)
                for j in range(3)]

    def plane_copies(i, s):
        sl = pl.ds(pl.multiple_of(s * _W, _W), _W)
        return [pltpu.make_async_copy(
                    planes[c].at[vid_v.at[(i % 3) * 3 + j, sl]],
                    g_v.at[(i % 2) * 9 + 3 * j + c, sl], s_pl)
                for j in range(3) for c in range(3)]

    def out_copies(i):
        base = pl.multiple_of(chunk(i) * _B, _B)
        return [pltpu.make_async_copy(
                    out_v.at[(i % 2) * 3 + c], outs[c].at[pl.ds(base, _B)],
                    s_out)
                for c in range(3)]

    def start(cps):
        if not isinstance(cps, (list, tuple)):
            cps = [cps]
        for cp in cps:
            cp.start()

    def wait(cps):
        if not isinstance(cps, (list, tuple)):
            cps = [cps]
        for cp in cps:
            cp.wait()

    def start_sliced(mk, i):
        def body(s, c):
            start(mk(i, s))
            return c
        lax.fori_loop(0, _S, body, 0)

    def wait_sliced(mk, i):
        def body(s, c):
            wait(mk(i, s))
            return c
        lax.fori_loop(0, _S, body, 0)

    start(fid_copy(0))
    start(fid_copy(1))
    start(bary_copies(0))
    wait(fid_copy(0))
    start_sliced(vid_copies, 0)
    wait_sliced(vid_copies, 0)
    start_sliced(plane_copies, 0)
    wait(fid_copy(1))
    start_sliced(vid_copies, 1)
    start(fid_copy(2))

    def loop_body(i, carry):
        p = i % 2

        @pl.when(i + 1 < n_w)
        def _():
            wait_sliced(vid_copies, i + 1)
            start_sliced(plane_copies, i + 1)
            start(bary_copies(i + 1))

        @pl.when(i + 2 < n_w)
        def _():
            wait(fid_copy(i + 2))
            start_sliced(vid_copies, i + 2)

        @pl.when(i + 3 < n_w)
        def _():
            start(fid_copy(i + 3))

        wait_sliced(plane_copies, i)
        wait(bary_copies(i))

        @pl.when(i >= 2)
        def _():
            wait(out_copies(i - 2))

        def compute_static(pv):
            gb = pv * 9
            bb = pv * 3

            def comp(t, c_):
                sl = pl.ds(t * _L, _L)
                w0 = bary_v[bb, sl]
                w1 = bary_v[bb + 1, sl]
                w2 = bary_v[bb + 2, sl]
                for c in range(3):
                    acc = (w0 * g_v[gb + c, sl] + w1 * g_v[gb + 3 + c, sl]
                           + w2 * g_v[gb + 6 + c, sl])
                    out_v[bb + c, sl] = acc
                return c_

            lax.fori_loop(0, _B // _L, comp, 0)

        @pl.when(p == 0)
        def _():
            compute_static(0)

        @pl.when(p == 1)
        def _():
            compute_static(1)
        start(out_copies(i))
        return carry

    lax.fori_loop(0, n_w, loop_body, 0)
    wait(out_copies(n_w - 2))
    wait(out_copies(n_w - 1))


@jax.jit
def _sc_interp(fid, f0, f1, f2, vx, vy, vz, b0, b1, b2):
    mesh = plsc.VectorSubcoreMesh(core_axis_name="c", subcore_axis_name="s")
    out_plane = jax.ShapeDtypeStruct((_N_GAUSS,), jnp.float32)
    run = functools.partial(
        pl.kernel,
        mesh=mesh,
        compiler_params=pltpu.CompilerParams(needs_layout_passes=False),
        out_type=(out_plane, out_plane, out_plane),
        scratch_types=[
            pltpu.VMEM((2, _B), jnp.int32),
            pltpu.VMEM((9, _B), jnp.int32),
            pltpu.VMEM((18, _B), jnp.float32),
            pltpu.VMEM((6, _B), jnp.float32),
            pltpu.VMEM((6, _B), jnp.float32),
            pltpu.SemaphoreType.DMA,
            pltpu.SemaphoreType.DMA,
            pltpu.SemaphoreType.DMA,
            pltpu.SemaphoreType.DMA,
            pltpu.SemaphoreType.DMA,
        ],
    )(_body)
    return run(fid, f0, f1, f2, vx, vy, vz, b0, b1, b2)


def kernel(deformed_vertices, face, face_ids, face_bary):
    f0 = face[0]
    f1 = face[1]
    f2 = face[2]
    vx = deformed_vertices[:, 0]
    vy = deformed_vertices[:, 1]
    vz = deformed_vertices[:, 2]
    b0 = face_bary[:, 0]
    b1 = face_bary[:, 1]
    b2 = face_bary[:, 2]
    ox, oy, oz = _sc_interp(face_ids, f0, f1, f2, vx, vy, vz, b0, b1, b2)
    return jnp.stack([ox, oy, oz], axis=1)

# --- scband reference (transcript-rebuilt; emitter-appended) ---
"""Pipeline reference for scband-mesh-gaussian-model-73753178407661 (READ-ONLY COPY).

The authoritative reference and input builder live on the scoring server;
editing this copy changes nothing except your own understanding.
"""

import jax, jax.numpy as jnp
import numpy as np

N_VERTICES = 500000
N_FACES = 1000000
N_GAUSS = 2000000

def setup_inputs(seed: int = 0) -> dict:
    key = jax.random.key(seed)
    k1, k2, k3, k4 = jax.random.split(key, 4)
    deformed_vertices = jax.random.normal(k1, (N_VERTICES, 3), dtype=jnp.float32)
    face = jax.random.randint(k2, (3, N_FACES), 0, N_VERTICES, dtype=jnp.int64 if jax.config.jax_enable_x64 else jnp.int32).astype(jnp.int32)
    face_ids = jnp.sort(jax.random.randint(k3, (N_GAUSS,), 0, N_FACES, dtype=jnp.int32))
    # barycentric coordinates: positive, normalized to sum to 1 (as in initialize_from_mesh)
    face_bary = jax.random.uniform(k4, (N_GAUSS, 3), dtype=jnp.float32) + 1e-3
    face_bary = face_bary / face_bary.sum(axis=1, keepdims=True)
    return {
        "deformed_vertices": deformed_vertices,
        "face": face,
        "face_ids": face_ids,
        "face_bary": face_bary,
    }

def reference(deformed_vertices, face, face_ids, face_bary):
    # vertice_ids = self.mesh.face[:, self.face_ids].transpose(0, 1)  -> (n_gauss, 3)
    vertice_ids = jnp.take(face, face_ids, axis=1).T
    # face_pos = deformed_vertices[vertice_ids]  -> (n_gauss, 3, 3) gather
    face_pos = jnp.take(deformed_vertices, vertice_ids, axis=0)
    # xyz = sum_j bary_j * v_j  (barycentric interpolation)
    xyz = (face_bary[:, :, None] * face_pos).sum(axis=1)
    return xyz

if __name__ == "__main__":
    import jax
    _d = setup_inputs()
    print(jax.jit(kernel)(*tuple(_d.values())))

</pallas_src>

<mosaic_0001>
#map = affine_map<(d0, d1) -> (0)>
module attributes {stable_mosaic.version = 14 : i64} {
  func.func @_body(%arg0: i32, %arg1: i32, %arg2: memref<2000000xi32, #tpu.memory_space<hbm>>, %arg3: memref<1000000xi32, #tpu.memory_space<hbm>>, %arg4: memref<1000000xi32, #tpu.memory_space<hbm>>, %arg5: memref<1000000xi32, #tpu.memory_space<hbm>>, %arg6: memref<500000xf32, #tpu.memory_space<hbm>>, %arg7: memref<500000xf32, #tpu.memory_space<hbm>>, %arg8: memref<500000xf32, #tpu.memory_space<hbm>>, %arg9: memref<2000000xf32, #tpu.memory_space<hbm>>, %arg10: memref<2000000xf32, #tpu.memory_space<hbm>>, %arg11: memref<2000000xf32, #tpu.memory_space<hbm>>, %arg12: memref<2000000xf32, #tpu.memory_space<hbm>>, %arg13: memref<2000000xf32, #tpu.memory_space<hbm>>, %arg14: memref<2000000xf32, #tpu.memory_space<hbm>>, %arg15: memref<2x640xi32, #tpu.memory_space<vmem>>, %arg16: memref<9x640xi32, #tpu.memory_space<vmem>>, %arg17: memref<18x640xf32, #tpu.memory_space<vmem>>, %arg18: memref<6x640xf32, #tpu.memory_space<vmem>>, %arg19: memref<6x640xf32, #tpu.memory_space<vmem>>, %arg20: memref<!tpu.dma_semaphore, #tpu.memory_space<semaphore_mem>>, %arg21: memref<!tpu.dma_semaphore, #tpu.memory_space<semaphore_mem>>, %arg22: memref<!tpu.dma_semaphore, #tpu.memory_space<semaphore_mem>>, %arg23: memref<!tpu.dma_semaphore, #tpu.memory_space<semaphore_mem>>, %arg24: memref<!tpu.dma_semaphore, #tpu.memory_space<semaphore_mem>>) attributes {dimension_semantics = [#tpu.dimension_semantics<core_parallel>, #tpu.dimension_semantics<subcore_parallel>], iteration_bounds = array<i64: 2, 16>, scalar_prefetch = 0 : i64, scratch_operands = 10 : i64, tpu.core_type = #tpu.core_type<sc_vector_subcore>, window_params = [{transform_indices = #map}, {transform_indices = #map}, {transform_indices = #map}, {transform_indices = #map}, {transform_indices = #map}, {transform_indices = #map}, {transform_indices = #map}, {transform_indices = #map}, {transform_indices = #map}, {transform_indices = #map}, {transform_indices = #map}, {transform_indices = #map}, {transform_indices = #map}]} {
    %mul3A = arith.constant 2 : i32
    %mul3A_0 = arith.muli %arg1, %mul3A : i32
    %add3A = arith.addi %mul3A_0, %arg0 : i32
    %sub3A = arith.constant 3125 : i32
    %sub3A_1 = arith.subi %sub3A, %add3A : i32
    %add3A_2 = arith.constant 32 : i32
    %add3A_3 = arith.addi %sub3A_1, %add3A_2 : i32
    %sub3A_4 = arith.constant 1 : i32
    %sub3A_5 = arith.subi %add3A_3, %sub3A_4 : i32
    %jit3A = arith.constant 32 : i32
    %div3A = arith.divsi %sub3A_5, %jit3A : i32
    %sign3A = arith.constant 0 : i32
    %sign3A_6 = arith.cmpi sgt, %sub3A_5, %sign3A : i32
    %sign3A_7 = arith.extui %sign3A_6 : i1 to i32
    %sign3A_8 = arith.constant 0 : i32
    %sign3A_9 = arith.cmpi slt, %sub3A_5, %sign3A_8 : i32
    %sign3A_10 = arith.extui %sign3A_9 : i1 to i32
    %sign3A_11 = arith.subi %sign3A_7, %sign3A_10 : i32
    %sign3A_12 = arith.constant 0 : i32
    %sign3A_13 = arith.cmpi sgt, %jit3A, %sign3A_12 : i32
    %sign3A_14 = arith.extui %sign3A_13 : i1 to i32
    %sign3A_15 = arith.constant 0 : i32
    %sign3A_16 = arith.cmpi slt, %jit3A, %sign3A_15 : i32
    %sign3A_17 = arith.extui %sign3A_16 : i1 to i32
    %sign3A_18 = arith.subi %sign3A_14, %sign3A_17 : i32
    %ne3A = arith.cmpi ne, %sign3A_11, %sign3A_18 : i32
    %rem3A = arith.remsi %sub3A_5, %jit3A : i32
    %ne3A_19 = arith.constant 0 : i32
    %ne3A_20 = arith.cmpi ne, %rem3A, %ne3A_19 : i32
    %and3A = arith.andi %ne3A, %ne3A_20 : i1
    %sub3A_21 = arith.constant 1 : i32
    %sub3A_22 = arith.subi %div3A, %sub3A_21 : i32
    %select_n3A = arith.select %and3A, %sub3A_22, %div3A : i32
    %iota3A = tpu.iota {dimensions = array<i32: 0>} : vector<16xi32>
    %add3A_23 = arith.constant 0 : i32
    %add3A_24 = arith.addi %add3A, %add3A_23 : i32
    %mul3A_25 = arith.constant 640 : i32
    %mul3A_26 = arith.muli %add3A_24, %mul3A_25 : i32
    %multiple_of3A = tpu.assume_multiple %mul3A_26, 640 : i32
    %dma_start3A = arith.constant 0 : i32
    %dma_start3A_27 = arith.constant 0 : i32
    %dma_start3A_28 = tpu.memref_slice %arg15[%dma_start3A, %dma_start3A_27] : memref<2x640xi32, #tpu.memory_space<vmem>> -> memref<1x640xi32, #tpu.memory_space<vmem>>
    %dma_start3A_29 = tpu.memref_squeeze %dma_start3A_28 : memref<1x640xi32, #tpu.memory_space<vmem>> -> memref<640xi32, #tpu.memory_space<vmem>>
    %dma_start3A_30 = tpu.memref_slice %arg2[%multiple_of3A] : memref<2000000xi32, #tpu.memory_space<hbm>> -> memref<640xi32, #tpu.memory_space<hbm>>
    %dma_start3A_31 = arith.constant 0 : i32
    %dma_start3A_32 = tpu.memref_slice %arg15[%dma_start3A, %dma_start3A_31] : memref<2x640xi32, #tpu.memory_space<vmem>> -> memref<1x640xi32, #tpu.memory_space<vmem>>
    %dma_start3A_33 = tpu.memref_squeeze %dma_start3A_32 : memref<1x640xi32, #tpu.memory_space<vmem>> -> memref<640xi32, #tpu.memory_space<vmem>>
    %dma_start3A_34 = tpu.memref_slice %arg2[%multiple_of3A] : memref<2000000xi32, #tpu.memory_space<hbm>> -> memref<640xi32, #tpu.memory_space<hbm>>
    tpu.enqueue_dma source(%dma_start3A_34 : memref<640xi32, #tpu.memory_space<hbm>>) target(%dma_start3A_33 : memref<640xi32, #tpu.memory_space<vmem>>) target_semaphore(%arg20 : memref<!tpu.dma_semaphore, #tpu.memory_space<semaphore_mem>>)
    %add3A_35 = arith.constant 32 : i32
    %add3A_36 = arith.addi %add3A, %add3A_35 : i32
    %mul3A_37 = arith.constant 640 : i32
    %mul3A_38 = arith.muli %add3A_36, %mul3A_37 : i32
    %multiple_of3A_39 = tpu.assume_multiple %mul3A_38, 640 : i32
    %dma_start3A_40 = arith.constant 1 : i32
    %dma_start3A_41 = arith.constant 0 : i32
    %dma_start3A_42 = tpu.memref_slice %arg15[%dma_start3A_40, %dma_start3A_41] : memref<2x640xi32, #tpu.memory_space<vmem>> -> memref<1x640xi32, #tpu.memory_space<vmem>>
    %dma_start3A_43 = tpu.memref_squeeze %dma_start3A_42 : memref<1x640xi32, #tpu.memory_space<vmem>> -> memref<640xi32, #tpu.memory_space<vmem>>
    %dma_start3A_44 = tpu.memref_slice %arg2[%multiple_of3A_39] : memref<2000000xi32, #tpu.memory_space<hbm>> -> memref<640xi32, #tpu.memory_space<hbm>>
    %dma_start3A_45 = arith.constant 0 : i32
    %dma_start3A_46 = tpu.memref_slice %arg15[%dma_start3A_40, %dma_start3A_45] : memref<2x640xi32, #tpu.memory_space<vmem>> -> memref<1x640xi32, #tpu.memory_space<vmem>>
    %dma_start3A_47 = tpu.memref_squeeze %dma_start3A_46 : memref<1x640xi32, #tpu.memory_space<vmem>> -> memref<640xi32, #tpu.memory_space<vmem>>
    %dma_start3A_48 = tpu.memref_slice %arg2[%multiple_of3A_39] : memref<2000000xi32, #tpu.memory_space<hbm>> -> memref<640xi32, #tpu.memory_space<hbm>>
    tpu.enqueue_dma source(%dma_start3A_48 : memref<640xi32, #tpu.memory_space<hbm>>) target(%dma_start3A_47 : memref<640xi32, #tpu.memory_space<vmem>>) target_semaphore(%arg20 : memref<!tpu.dma_semaphore, #tpu.memory_space<semaphore_mem>>)
    %add3A_49 = arith.constant 0 : i32
    %add3A_50 = arith.addi %add3A, %add3A_49 : i32
    %mul3A_51 = arith.constant 640 : i32
    %mul3A_52 = arith.muli %add3A_50, %mul3A_51 : i32
    %multiple_of3A_53 = tpu.assume_multiple %mul3A_52, 640 : i32
    %dma_start3A_54 = arith.constant 0 : i32
    %dma_start3A_55 = arith.constant 0 : i32
    %dma_start3A_56 = tpu.memref_slice %arg18[%dma_start3A_54, %dma_start3A_55] : memref<6x640xf32, #tpu.memory_space<vmem>> -> memref<1x640xf32, #tpu.memory_space<vmem>>
    %dma_start3A_57 = tpu.memref_squeeze %dma_start3A_56 : memref<1x640xf32, #tpu.memory_space<vmem>> -> memref<640xf32, #tpu.memory_space<vmem>>
    %dma_start3A_58 = tpu.memref_slice %arg9[%multiple_of3A_53] : memref<2000000xf32, #tpu.memory_space<hbm>> -> memref<640xf32, #tpu.memory_space<hbm>>
    %dma_start3A_59 = arith.constant 0 : i32
    %dma_start3A_60 = tpu.memref_slice %arg18[%dma_start3A_54, %dma_start3A_59] : memref<6x640xf32, #tpu.memory_space<vmem>> -> memref<1x640xf32, #tpu.memory_space<vmem>>
    %dma_start3A_61 = tpu.memref_squeeze %dma_start3A_60 : memref<1x640xf32, #tpu.memory_space<vmem>> -> memref<640xf32, #tpu.memory_space<vmem>>
    %dma_start3A_62 = tpu.memref_slice %arg9[%multiple_of3A_53] : memref<2000000xf32, #tpu.memory_space<hbm>> -> memref<640xf32, #tpu.memory_space<hbm>>
    tpu.enqueue_dma source(%dma_start3A_62 : memref<640xf32, #tpu.memory_space<hbm>>) target(%dma_start3A_61 : memref<640xf32, #tpu.memory_space<vmem>>) target_semaphore(%arg21 : memref<!tpu.dma_semaphore, #tpu.memory_space<semaphore_mem>>)
    %dma_start3A_63 = arith.constant 1 : i32
    %dma_start3A_64 = arith.constant 0 : i32
    %dma_start3A_65 = tpu.memref_slice %arg18[%dma_start3A_63, %dma_start3A_64] : memref<6x640xf32, #tpu.memory_space<vmem>> -> memref<1x640xf32, #tpu.memory_space<vmem>>
    %dma_start3A_66 = tpu.memref_squeeze %dma_start3A_65 : memref<1x640xf32, #tpu.memory_space<vmem>> -> memref<640xf32, #tpu.memory_space<vmem>>
    %dma_start3A_67 = tpu.memref_slice %arg10[%multiple_of3A_53] : memref<2000000xf32, #tpu.memory_space<hbm>> -> memref<640xf32, #tpu.memory_space<hbm>>
    %dma_start3A_68 = arith.constant 0 : i32
    %dma_start3A_69 = tpu.memref_slice %arg18[%dma_start3A_63, %dma_start3A_68] : memref<6x640xf32, #tpu.memory_space<vmem>> -> memref<1x640xf32, #tpu.memory_space<vmem>>
    %dma_start3A_70 = tpu.memref_squeeze %dma_start3A_69 : memref<1x640xf32, #tpu.memory_space<vmem>> -> memref<640xf32, #tpu.memory_space<vmem>>
    %dma_start3A_71 = tpu.memref_slice %arg10[%multiple_of3A_53] : memref<2000000xf32, #tpu.memory_space<hbm>> -> memref<640xf32, #tpu.memory_space<hbm>>
    tpu.enqueue_dma source(%dma_start3A_71 : memref<640xf32, #tpu.memory_space<hbm>>) target(%dma_start3A_70 : memref<640xf32, #tpu.memory_space<vmem>>) target_semaphore(%arg21 : memref<!tpu.dma_semaphore, #tpu.memory_space<semaphore_mem>>)
    %dma_start3A_72 = arith.constant 2 : i32
    %dma_start3A_73 = arith.constant 0 : i32
    %dma_start3A_74 = tpu.memref_slice %arg18[%dma_start3A_72, %dma_start3A_73] : memref<6x640xf32, #tpu.memory_space<vmem>> -> memref<1x640xf32, #tpu.memory_space<vmem>>
    %dma_start3A_75 = tpu.memref_squeeze %dma_start3A_74 : memref<1x640xf32, #tpu.memory_space<vmem>> -> memref<640xf32, #tpu.memory_space<vmem>>
    %dma_start3A_76 = tpu.memref_slice %arg11[%multiple_of3A_53] : memref<2000000xf32, #tpu.memory_space<hbm>> -> memref<640xf32, #tpu.memory_space<hbm>>
    %dma_start3A_77 = arith.constant 0 : i32
    %dma_start3A_78 = tpu.memref_slice %arg18[%dma_start3A_72, %dma_start3A_77] : memref<6x640xf32, #tpu.memory_space<vmem>> -> memref<1x640xf32, #tpu.memory_space<vmem>>
    %dma_start3A_79 = tpu.memref_squeeze %dma_start3A_78 : memref<1x640xf32, #tpu.memory_space<vmem>> -> memref<640xf32, #tpu.memory_space<vmem>>
    %dma_start3A_80 = tpu.memref_slice %arg11[%multiple_of3A_53] : memref<2000000xf32, #tpu.memory_space<hbm>> -> memref<640xf32, #tpu.memory_space<hbm>>
    tpu.enqueue_dma source(%dma_start3A_80 : memref<640xf32, #tpu.memory_space<hbm>>) target(%dma_start3A_79 : memref<640xf32, #tpu.memory_space<vmem>>) target_semaphore(%arg21 : memref<!tpu.dma_semaphore, #tpu.memory_space<semaphore_mem>>)
    %add3A_81 = arith.constant 0 : i32
    %add3A_82 = arith.addi %add3A, %add3A_81 : i32
    %mul3A_83 = arith.constant 640 : i32
    %mul3A_84 = arith.muli %add3A_82, %mul3A_83 : i32
    %multiple_of3A_85 = tpu.assume_multiple %mul3A_84, 640 : i32
    %dma_wait3A = arith.constant 0 : i32
    %dma_wait3A_86 = arith.constant 0 : i32
    %dma_wait3A_87 = tpu.memref_slice %arg15[%dma_wait3A, %dma_wait3A_86] : memref<2x640xi32, #tpu.memory_space<vmem>> -> memref<1x640xi32, #tpu.memory_space<vmem>>
    %dma_wait3A_88 = tpu.memref_squeeze %dma_wait3A_87 : memref<1x640xi32, #tpu.memory_space<vmem>> -> memref<640xi32, #tpu.memory_space<vmem>>
    %dma_wait3A_89 = tpu.memref_slice %arg2[%multiple_of3A_85] : memref<2000000xi32, #tpu.memory_space<hbm>> -> memref<640xi32, #tpu.memory_space<hbm>>
    %dma_wait3A_90 = arith.constant 0 : i32
    %dma_wait3A_91 = tpu.memref_slice %arg15[%dma_wait3A, %dma_wait3A_90] : memref<2x640xi32, #tpu.memory_space<vmem>> -> memref<1x640xi32, #tpu.memory_space<vmem>>
    %dma_wait3A_92 = tpu.memref_squeeze %dma_wait3A_91 : memref<1x640xi32, #tpu.memory_space<vmem>> -> memref<640xi32, #tpu.memory_space<vmem>>
    %dma_wait3A_93 = tpu.memref_slice %arg2[%multiple_of3A_85] : memref<2000000xi32, #tpu.memory_space<hbm>> -> memref<640xi32, #tpu.memory_space<hbm>>
    tpu.wait_dma2 semaphore(%arg20 : memref<!tpu.dma_semaphore, #tpu.memory_space<semaphore_mem>>) src(%dma_wait3A_93 : memref<640xi32, #tpu.memory_space<hbm>>) dst(%dma_wait3A_92 : memref<640xi32, #tpu.memory_space<vmem>>)
    %scan3A = arith.constant 0 : i32
    %scan3A_94 = arith.constant 0 : i32
    %scan3A_95 = arith.constant 5 : i32
    %scan3A_96 = arith.addi %scan3A_94, %scan3A_95 : i32
    %scan3A_97 = arith.constant 1 : i32
    scf.for %scan3A_336 = %scan3A_94 to %scan3A_96 step %scan3A_97  : i32 {
      %mul3A_337 = arith.constant 128 : i32
      %mul3A_338 = arith.muli %scan3A_336, %mul3A_337 : i32
      %multiple_of3A_339 = tpu.assume_multiple %mul3A_338, 128 : i32
      %dma_start3A_340 = arith.constant 0 : i32
      %dma_start3A_341 = arith.constant 0 : i32
      %dma_start3A_342 = tpu.memref_slice %arg16[%dma_start3A_341, %multiple_of3A_339] : memref<9x640xi32, #tpu.memory_space<vmem>> -> memref<1x128xi32, #tpu.memory_space<vmem>>
      %dma_start3A_343 = tpu.memref_squeeze %dma_start3A_342 : memref<1x128xi32, #tpu.memory_space<vmem>> -> memref<128xi32, #tpu.memory_space<vmem>>
      %dma_start3A_344 = tpu.memref_slice %arg15[%dma_start3A_340, %multiple_of3A_339] : memref<2x640xi32, #tpu.memory_space<vmem>> -> memref<1x128xi32, #tpu.memory_space<vmem>>
      %dma_start3A_345 = tpu.memref_squeeze %dma_start3A_344 : memref<1x128xi32, #tpu.memory_space<vmem>> -> memref<128xi32, #tpu.memory_space<vmem>>
      %dma_start3A_346 = arith.constant 0 : i32
      %dma_start3A_347 = tpu.memref_slice %arg3[%dma_start3A_346] : memref<1000000xi32, #tpu.memory_space<hbm>> -> memref<1000000xi32, #tpu.memory_space<hbm>>
      tpu.enqueue_indirect_dma source(%dma_start3A_347 : memref<1000000xi32, #tpu.memory_space<hbm>>) target(%dma_start3A_343 : memref<128xi32, #tpu.memory_space<vmem>>) offsets(%dma_start3A_345 : memref<128xi32, #tpu.memory_space<vmem>>) semaphore(%arg22 : memref<!tpu.dma_semaphore, #tpu.memory_space<semaphore_mem>>)
      %dma_start3A_348 = arith.constant 0 : i32
      %dma_start3A_349 = arith.constant 1 : i32
      %dma_start3A_350 = tpu.memref_slice %arg16[%dma_start3A_349, %multiple_of3A_339] : memref<9x640xi32, #tpu.memory_space<vmem>> -> memref<1x128xi32, #tpu.memory_space<vmem>>
      %dma_start3A_351 = tpu.memref_squeeze %dma_start3A_350 : memref<1x128xi32, #tpu.memory_space<vmem>> -> memref<128xi32, #tpu.memory_space<vmem>>
      %dma_start3A_352 = tpu.memref_slice %arg15[%dma_start3A_348, %multiple_of3A_339] : memref<2x640xi32, #tpu.memory_space<vmem>> -> memref<1x128xi32, #tpu.memory_space<vmem>>
      %dma_start3A_353 = tpu.memref_squeeze %dma_start3A_352 : memref<1x128xi32, #tpu.memory_space<vmem>> -> memref<128xi32, #tpu.memory_space<vmem>>
      %dma_start3A_354 = arith.constant 0 : i32
      %dma_start3A_355 = tpu.memref_slice %arg4[%dma_start3A_354] : memref<1000000xi32, #tpu.memory_space<hbm>> -> memref<1000000xi32, #tpu.memory_space<hbm>>
      tpu.enqueue_indirect_dma source(%dma_start3A_355 : memref<1000000xi32, #tpu.memory_space<hbm>>) target(%dma_start3A_351 : memref<128xi32, #tpu.memory_space<vmem>>) offsets(%dma_start3A_353 : memref<128xi32, #tpu.memory_space<vmem>>) semaphore(%arg22 : memref<!tpu.dma_semaphore, #tpu.memory_space<semaphore_mem>>)
      %dma_start3A_356 = arith.constant 0 : i32
      %dma_start3A_357 = arith.constant 2 : i32
      %dma_start3A_358 = tpu.memref_slice %arg16[%dma_start3A_357, %multiple_of3A_339] : memref<9x640xi32, #tpu.memory_space<vmem>> -> memref<1x128xi32, #tpu.memory_space<vmem>>
      %dma_start3A_359 = tpu.memref_squeeze %dma_start3A_358 : memref<1x128xi32, #tpu.memory_space<vmem>> -> memref<128xi32, #tpu.memory_space<vmem>>
      %dma_start3A_360 = tpu.memref_slice %arg15[%dma_start3A_356, %multiple_of3A_339] : memref<2x640xi32, #tpu.memory_space<vmem>> -> memref<1x128xi32, #tpu.memory_space<vmem>>
      %dma_start3A_361 = tpu.memref_squeeze %dma_start3A_360 : memref<1x128xi32, #tpu.memory_space<vmem>> -> memref<128xi32, #tpu.memory_space<vmem>>
      %dma_start3A_362 = arith.constant 0 : i32
      %dma_start3A_363 = tpu.memref_slice %arg5[%dma_start3A_362] : memref<1000000xi32, #tpu.memory_space<hbm>> -> memref<1000000xi32, #tpu.memory_space<hbm>>
      tpu.enqueue_indirect_dma source(%dma_start3A_363 : memref<1000000xi32, #tpu.memory_space<hbm>>) target(%dma_start3A_359 : memref<128xi32, #tpu.memory_space<vmem>>) offsets(%dma_start3A_361 : memref<128xi32, #tpu.memory_space<vmem>>) semaphore(%arg22 : memref<!tpu.dma_semaphore, #tpu.memory_space<semaphore_mem>>)
    }
    %scan3A_98 = arith.constant 5 : i32
    %scan3A_99 = arith.constant 0 : i32
    %scan3A_100 = arith.constant 0 : i32
    %scan3A_101 = arith.constant 5 : i32
    %scan3A_102 = arith.addi %scan3A_100, %scan3A_101 : i32
    %scan3A_103 = arith.constant 1 : i32
    scf.for %scan3A_336 = %scan3A_100 to %scan3A_102 step %scan3A_103  : i32 {
      %mul3A_337 = arith.constant 128 : i32
      %mul3A_338 = arith.muli %scan3A_336, %mul3A_337 : i32
      %multiple_of3A_339 = tpu.assume_multiple %mul3A_338, 128 : i32
      %dma_wait3A_340 = arith.constant 0 : i32
      %dma_wait3A_341 = arith.constant 0 : i32
      %dma_wait3A_342 = tpu.memref_slice %arg16[%dma_wait3A_341, %multiple_of3A_339] : memref<9x640xi32, #tpu.memory_space<vmem>> -> memref<1x128xi32, #tpu.memory_space<vmem>>
      %dma_wait3A_343 = tpu.memref_squeeze %dma_wait3A_342 : memref<1x128xi32, #tpu.memory_space<vmem>> -> memref<128xi32, #tpu.memory_space<vmem>>
      %dma_wait3A_344 = tpu.memref_slice %arg15[%dma_wait3A_340, %multiple_of3A_339] : memref<2x640xi32, #tpu.memory_space<vmem>> -> memref<1x128xi32, #tpu.memory_space<vmem>>
      %dma_wait3A_345 = tpu.memref_squeeze %dma_wait3A_344 : memref<1x128xi32, #tpu.memory_space<vmem>> -> memref<128xi32, #tpu.memory_space<vmem>>
      %dma_wait3A_346 = arith.constant 0 : i32
      %dma_wait3A_347 = tpu.memref_slice %arg3[%dma_wait3A_346] : memref<1000000xi32, #tpu.memory_space<hbm>> -> memref<1000000xi32, #tpu.memory_space<hbm>>
      tpu.wait_indirect_dma semaphore(%arg22 : memref<!tpu.dma_semaphore, #tpu.memory_space<semaphore_mem>>) src(%dma_wait3A_347 : memref<1000000xi32, #tpu.memory_space<hbm>>) dst(%dma_wait3A_343 : memref<128xi32, #tpu.memory_space<vmem>>)
      %dma_wait3A_348 = arith.constant 0 : i32
      %dma_wait3A_349 = arith.constant 1 : i32
      %dma_wait3A_350 = tpu.memref_slice %arg16[%dma_wait3A_349, %multiple_of3A_339] : memref<9x640xi32, #tpu.memory_space<vmem>> -> memref<1x128xi32, #tpu.memory_space<vmem>>
      %dma_wait3A_351 = tpu.memref_squeeze %dma_wait3A_350 : memref<1x128xi32, #tpu.memory_space<vmem>> -> memref<128xi32, #tpu.memory_space<vmem>>
      %dma_wait3A_352 = tpu.memref_slice %arg15[%dma_wait3A_348, %multiple_of3A_339] : memref<2x640xi32, #tpu.memory_space<vmem>> -> memref<1x128xi32, #tpu.memory_space<vmem>>
      %dma_wait3A_353 = tpu.memref_squeeze %dma_wait3A_352 : memref<1x128xi32, #tpu.memory_space<vmem>> -> memref<128xi32, #tpu.memory_space<vmem>>
      %dma_wait3A_354 = arith.constant 0 : i32
      %dma_wait3A_355 = tpu.memref_slice %arg4[%dma_wait3A_354] : memref<1000000xi32, #tpu.memory_space<hbm>> -> memref<1000000xi32, #tpu.memory_space<hbm>>
      tpu.wait_indirect_dma semaphore(%arg22 : memref<!tpu.dma_semaphore, #tpu.memory_space<semaphore_mem>>) src(%dma_wait3A_355 : memref<1000000xi32, #tpu.memory_space<hbm>>) dst(%dma_wait3A_351 : memref<128xi32, #tpu.memory_space<vmem>>)
      %dma_wait3A_356 = arith.constant 0 : i32
      %dma_wait3A_357 = arith.constant 2 : i32
      %dma_wait3A_358 = tpu.memref_slice %arg16[%dma_wait3A_357, %multiple_of3A_339] : memref<9x640xi32, #tpu.memory_space<vmem>> -> memref<1x128xi32, #tpu.memory_space<vmem>>
      %dma_wait3A_359 = tpu.memref_squeeze %dma_wait3A_358 : memref<1x128xi32, #tpu.memory_space<vmem>> -> memref<128xi32, #tpu.memory_space<vmem>>
      %dma_wait3A_360 = tpu.memref_slice %arg15[%dma_wait3A_356, %multiple_of3A_339] : memref<2x640xi32, #tpu.memory_space<vmem>> -> memref<1x128xi32, #tpu.memory_space<vmem>>
      %dma_wait3A_361 = tpu.memref_squeeze %dma_wait3A_360 : memref<1x128xi32, #tpu.memory_space<vmem>> -> memref<128xi32, #tpu.memory_space<vmem>>
      %dma_wait3A_362 = arith.constant 0 : i32
      %dma_wait3A_363 = tpu.memref_slice %arg5[%dma_wait3A_362] : memref<1000000xi32, #tpu.memory_space<hbm>> -> memref<1000000xi32, #tpu.memory_space<hbm>>
      tpu.wait_indirect_dma semaphore(%arg22 : memref<!tpu.dma_semaphore, #tpu.memory_space<semaphore_mem>>) src(%dma_wait3A_363 : memref<1000000xi32, #tpu.memory_space<hbm>>) dst(%dma_wait3A_359 : memref<128xi32, #tpu.memory_space<vmem>>)
    }
    %scan3A_104 = arith.constant 5 : i32
    %scan3A_105 = arith.constant 0 : i32
    %scan3A_106 = arith.constant 0 : i32
    %scan3A_107 = arith.constant 5 : i32
    %scan3A_108 = arith.addi %scan3A_106, %scan3A_107 : i32
    %scan3A_109 = arith.constant 1 : i32
    scf.for %scan3A_336 = %scan3A_106 to %scan3A_108 step %scan3A_109  : i32 {
      %mul3A_337 = arith.constant 128 : i32
      %mul3A_338 = arith.muli %scan3A_336, %mul3A_337 : i32
      %multiple_of3A_339 = tpu.assume_multiple %mul3A_338, 128 : i32
      %dma_start3A_340 = arith.constant 0 : i32
      %dma_start3A_341 = arith.constant 0 : i32
      %dma_start3A_342 = tpu.memref_slice %arg17[%dma_start3A_341, %multiple_of3A_339] : memref<18x640xf32, #tpu.memory_space<vmem>> -> memref<1x128xf32, #tpu.memory_space<vmem>>
      %dma_start3A_343 = tpu.memref_squeeze %dma_start3A_342 : memref<1x128xf32, #tpu.memory_space<vmem>> -> memref<128xf32, #tpu.memory_space<vmem>>
      %dma_start3A_344 = tpu.memref_slice %arg16[%dma_start3A_340, %multiple_of3A_339] : memref<9x640xi32, #tpu.memory_space<vmem>> -> memref<1x128xi32, #tpu.memory_space<vmem>>
      %dma_start3A_345 = tpu.memref_squeeze %dma_start3A_344 : memref<1x128xi32, #tpu.memory_space<vmem>> -> memref<128xi32, #tpu.memory_space<vmem>>
      %dma_start3A_346 = arith.constant 0 : i32
      %dma_start3A_347 = tpu.memref_slice %arg6[%dma_start3A_346] : memref<500000xf32, #tpu.memory_space<hbm>> -> memref<500000xf32, #tpu.memory_space<hbm>>
      tpu.enqueue_indirect_dma source(%dma_start3A_347 : memref<500000xf32, #tpu.memory_space<hbm>>) target(%dma_start3A_343 : memref<128xf32, #tpu.memory_space<vmem>>) offsets(%dma_start3A_345 : memref<128xi32, #tpu.memory_space<vmem>>) semaphore(%arg23 : memref<!tpu.dma_semaphore, #tpu.memory_space<semaphore_mem>>)
      %dma_start3A_348 = arith.constant 0 : i32
      %dma_start3A_349 = arith.constant 1 : i32
      %dma_start3A_350 = tpu.memref_slice %arg17[%dma_start3A_349, %multiple_of3A_339] : memref<18x640xf32, #tpu.memory_space<vmem>> -> memref<1x128xf32, #tpu.memory_space<vmem>>
      %dma_start3A_351 = tpu.memref_squeeze %dma_start3A_350 : memref<1x128xf32, #tpu.memory_space<vmem>> -> memref<128xf32, #tpu.memory_space<vmem>>
      %dma_start3A_352 = tpu.memref_slice %arg16[%dma_start3A_348, %multiple_of3A_339] : memref<9x640xi32, #tpu.memory_space<vmem>> -> memref<1x128xi32, #tpu.memory_space<vmem>>
      %dma_start3A_353 = tpu.memref_squeeze %dma_start3A_352 : memref<1x128xi32, #tpu.memory_space<vmem>> -> memref<128xi32, #tpu.memory_space<vmem>>
      %dma_start3A_354 = arith.constant 0 : i32
      %dma_start3A_355 = tpu.memref_slice %arg7[%dma_start3A_354] : memref<500000xf32, #tpu.memory_space<hbm>> -> memref<500000xf32, #tpu.memory_space<hbm>>
      tpu.enqueue_indirect_dma source(%dma_start3A_355 : memref<500000xf32, #tpu.memory_space<hbm>>) target(%dma_start3A_351 : memref<128xf32, #tpu.memory_space<vmem>>) offsets(%dma_start3A_353 : memref<128xi32, #tpu.memory_space<vmem>>) semaphore(%arg23 : memref<!tpu.dma_semaphore, #tpu.memory_space<semaphore_mem>>)
      %dma_start3A_356 = arith.constant 0 : i32
      %dma_start3A_357 = arith.constant 2 : i32
      %dma_start3A_358 = tpu.memref_slice %arg17[%dma_start3A_357, %multiple_of3A_339] : memref<18x640xf32, #tpu.memory_space<vmem>> -> memref<1x128xf32, #tpu.memory_space<vmem>>
      %dma_start3A_359 = tpu.memref_squeeze %dma_start3A_358 : memref<1x128xf32, #tpu.memory_space<vmem>> -> memref<128xf32, #tpu.memory_space<vmem>>
      %dma_start3A_360 = tpu.memref_slice %arg16[%dma_start3A_356, %multiple_of3A_339] : memref<9x640xi32, #tpu.memory_space<vmem>> -> memref<1x128xi32, #tpu.memory_space<vmem>>
      %dma_start3A_361 = tpu.memref_squeeze %dma_start3A_360 : memref<1x128xi32, #tpu.memory_space<vmem>> -> memref<128xi32, #tpu.memory_space<vmem>>
      %dma_start3A_362 = arith.constant 0 : i32
      %dma_start3A_363 = tpu.memref_slice %arg8[%dma_start3A_362] : memref<500000xf32, #tpu.memory_space<hbm>> -> memref<500000xf32, #tpu.memory_space<hbm>>
      tpu.enqueue_indirect_dma source(%dma_start3A_363 : memref<500000xf32, #tpu.memory_space<hbm>>) target(%dma_start3A_359 : memref<128xf32, #tpu.memory_space<vmem>>) offsets(%dma_start3A_361 : memref<128xi32, #tpu.memory_space<vmem>>) semaphore(%arg23 : memref<!tpu.dma_semaphore, #tpu.memory_space<semaphore_mem>>)
      %dma_start3A_364 = arith.constant 1 : i32
      %dma_start3A_365 = arith.constant 3 : i32
      %dma_start3A_366 = tpu.memref_slice %arg17[%dma_start3A_365, %multiple_of3A_339] : memref<18x640xf32, #tpu.memory_space<vmem>> -> memref<1x128xf32, #tpu.memory_space<vmem>>
      %dma_start3A_367 = tpu.memref_squeeze %dma_start3A_366 : memref<1x128xf32, #tpu.memory_space<vmem>> -> memref<128xf32, #tpu.memory_space<vmem>>
      %dma_start3A_368 = tpu.memref_slice %arg16[%dma_start3A_364, %multiple_of3A_339] : memref<9x640xi32, #tpu.memory_space<vmem>> -> memref<1x128xi32, #tpu.memory_space<vmem>>
      %dma_start3A_369 = tpu.memref_squeeze %dma_start3A_368 : memref<1x128xi32, #tpu.memory_space<vmem>> -> memref<128xi32, #tpu.memory_space<vmem>>
      %dma_start3A_370 = arith.constant 0 : i32
      %dma_start3A_371 = tpu.memref_slice %arg6[%dma_start3A_370] : memref<500000xf32, #tpu.memory_space<hbm>> -> memref<500000xf32, #tpu.memory_space<hbm>>
      tpu.enqueue_indirect_dma source(%dma_start3A_371 : memref<500000xf32, #tpu.memory_space<hbm>>) target(%dma_start3A_367 : memref<128xf32, #tpu.memory_space<vmem>>) offsets(%dma_start3A_369 : memref<128xi32, #tpu.memory_space<vmem>>) semaphore(%arg23 : memref<!tpu.dma_semaphore, #tpu.memory_space<semaphore_mem>>)
      %dma_start3A_372 = arith.constant 1 : i32
      %dma_start3A_373 = arith.constant 4 : i32
      %dma_start3A_374 = tpu.memref_slice %arg17[%dma_start3A_373, %multiple_of3A_339] : memref<18x640xf32, #tpu.memory_space<vmem>> -> memref<1x128xf32, #tpu.memory_space<vmem>>
      %dma_start3A_375 = tpu.memref_squeeze %dma_start3A_374 : memref<1x128xf32, #tpu.memory_space<vmem>> -> memref<128xf32, #tpu.memory_space<vmem>>
      %dma_start3A_376 = tpu.memref_slice %arg16[%dma_start3A_372, %multiple_of3A_339] : memref<9x640xi32, #tpu.memory_space<vmem>> -> memref<1x128xi32, #tpu.memory_space<vmem>>
      %dma_start3A_377 = tpu.memref_squeeze %dma_start3A_376 : memref<1x128xi32, #tpu.memory_space<vmem>> -> memref<128xi32, #tpu.memory_space<vmem>>
      %dma_start3A_378 = arith.constant 0 : i32
      %dma_start3A_379 = tpu.memref_slice %arg7[%dma_start3A_378] : memref<500000xf32, #tpu.memory_space<hbm>> -> memref<500000xf32, #tpu.memory_space<hbm>>
      tpu.enqueue_indirect_dma source(%dma_start3A_379 : memref<500000xf32, #tpu.memory_space<hbm>>) target(%dma_start3A_375 : memref<128xf32, #tpu.memory_space<vmem>>) offsets(%dma_start3A_377 : memref<128xi32, #tpu.memory_space<vmem>>) semaphore(%arg23 : memref<!tpu.dma_semaphore, #tpu.memory_space<semaphore_mem>>)
      %dma_start3A_380 = arith.constant 1 : i32
      %dma_start3A_381 = arith.constant 5 : i32
      %dma_start3A_382 = tpu.memref_slice %arg17[%dma_start3A_381, %multiple_of3A_339] : memref<18x640xf32, #tpu.memory_space<vmem>> -> memref<1x128xf32, #tpu.memory_space<vmem>>
      %dma_start3A_383 = tpu.memref_squeeze %dma_start3A_382 : memref<1x128xf32, #tpu.memory_space<vmem>> -> memref<128xf32, #tpu.memory_space<vmem>>
      %dma_start3A_384 = tpu.memref_slice %arg16[%dma_start3A_380, %multiple_of3A_339] : memref<9x640xi32, #tpu.memory_space<vmem>> -> memref<1x128xi32, #tpu.memory_space<vmem>>
      %dma_start3A_385 = tpu.memref_squeeze %dma_start3A_384 : memref<1x128xi32, #tpu.memory_space<vmem>> -> memref<128xi32, #tpu.memory_space<vmem>>
      %dma_start3A_386 = arith.constant 0 : i32
      %dma_start3A_387 = tpu.memref_slice %arg8[%dma_start3A_386] : memref<500000xf32, #tpu.memory_space<hbm>> -> memref<500000xf32, #tpu.memory_space<hbm>>
      tpu.enqueue_indirect_dma source(%dma_start3A_387 : memref<500000xf32, #tpu.memory_space<hbm>>) target(%dma_start3A_383 : memref<128xf32, #tpu.memory_space<vmem>>) offsets(%dma_start3A_385 : memref<128xi32, #tpu.memory_space<vmem>>) semaphore(%arg23 : memref<!tpu.dma_semaphore, #tpu.memory_space<semaphore_mem>>)
      %dma_start3A_388 = arith.constant 2 : i32
      %dma_start3A_389 = arith.constant 6 : i32
      %dma_start3A_390 = tpu.memref_slice %arg17[%dma_start3A_389, %multiple_of3A_339] : memref<18x640xf32, #tpu.memory_space<vmem>> -> memref<1x128xf32, #tpu.memory_space<vmem>>
      %dma_start3A_391 = tpu.memref_squeeze %dma_start3A_390 : memref<1x128xf32, #tpu.memory_space<vmem>> -> memref<128xf32, #tpu.memory_space<vmem>>
      %dma_start3A_392 = tpu.memref_slice %arg16[%dma_start3A_388, %multiple_of3A_339] : memref<9x640xi32, #tpu.memory_space<vmem>> -> memref<1x128xi32, #tpu.memory_space<vmem>>
      %dma_start3A_393 = tpu.memref_squeeze %dma_start3A_392 : memref<1x128xi32, #tpu.memory_space<vmem>> -> memref<128xi32, #tpu.memory_space<vmem>>
      %dma_start3A_394 = arith.constant 0 : i32
      %dma_start3A_395 = tpu.memref_slice %arg6[%dma_start3A_394] : memref<500000xf32, #tpu.memory_space<hbm>> -> memref<500000xf32, #tpu.memory_space<hbm>>
      tpu.enqueue_indirect_dma source(%dma_start3A_395 : memref<500000xf32, #tpu.memory_space<hbm>>) target(%dma_start3A_391 : memref<128xf32, #tpu.memory_space<vmem>>) offsets(%dma_start3A_393 : memref<128xi32, #tpu.memory_space<vmem>>) semaphore(%arg23 : memref<!tpu.dma_semaphore, #tpu.memory_space<semaphore_mem>>)
      %dma_start3A_396 = arith.constant 2 : i32
      %dma_start3A_397 = arith.constant 7 : i32
      %dma_start3A_398 = tpu.memref_slice %arg17[%dma_start3A_397, %multiple_of3A_339] : memref<18x640xf32, #tpu.memory_space<vmem>> -> memref<1x128xf32, #tpu.memory_space<vmem>>
      %dma_start3A_399 = tpu.memref_squeeze %dma_start3A_398 : memref<1x128xf32, #tpu.memory_space<vmem>> -> memref<128xf32, #tpu.memory_space<vmem>>
      %dma_start3A_400 = tpu.memref_slice %arg16[%dma_start3A_396, %multiple_of3A_339] : memref<9x640xi32, #tpu.memory_space<vmem>> -> memref<1x128xi32, #tpu.memory_space<vmem>>
      %dma_start3A_401 = tpu.memref_squeeze %dma_start3A_400 : memref<1x128xi32, #tpu.memory_space<vmem>> -> memref<128xi32, #tpu.memory_space<vmem>>
      %dma_start3A_402 = arith.constant 0 : i32
      %dma_start3A_403 = tpu.memref_slice %arg7[%dma_start3A_402] : memref<500000xf32, #tpu.memory_space<hbm>> -> memref<500000xf32, #tpu.memory_space<hbm>>
      tpu.enqueue_indirect_dma source(%dma_start3A_403 : memref<500000xf32, #tpu.memory_space<hbm>>) target(%dma_start3A_399 : memref<128xf32, #tpu.memory_space<vmem>>) offsets(%dma_start3A_401 : memref<128xi32, #tpu.memory_space<vmem>>) semaphore(%arg23 : memref<!tpu.dma_semaphore, #tpu.memory_space<semaphore_mem>>)
      %dma_start3A_404 = arith.constant 2 : i32
      %dma_start3A_405 = arith.constant 8 : i32
      %dma_start3A_406 = tpu.memref_slice %arg17[%dma_start3A_405, %multiple_of3A_339] : memref<18x640xf32, #tpu.memory_space<vmem>> -> memref<1x128xf32, #tpu.memory_space<vmem>>
      %dma_start3A_407 = tpu.memref_squeeze %dma_start3A_406 : memref<1x128xf32, #tpu.memory_space<vmem>> -> memref<128xf32, #tpu.memory_space<vmem>>
      %dma_start3A_408 = tpu.memref_slice %arg16[%dma_start3A_404, %multiple_of3A_339] : memref<9x640xi32, #tpu.memory_space<vmem>> -> memref<1x128xi32, #tpu.memory_space<vmem>>
      %dma_start3A_409 = tpu.memref_squeeze %dma_start3A_408 : memref<1x128xi32, #tpu.memory_space<vmem>> -> memref<128xi32, #tpu.memory_space<vmem>>
      %dma_start3A_410 = arith.constant 0 : i32
      %dma_start3A_411 = tpu.memref_slice %arg8[%dma_start3A_410] : memref<500000xf32, #tpu.memory_space<hbm>> -> memref<500000xf32, #tpu.memory_space<hbm>>
      tpu.enqueue_indirect_dma source(%dma_start3A_411 : memref<500000xf32, #tpu.memory_space<hbm>>) target(%dma_start3A_407 : memref<128xf32, #tpu.memory_space<vmem>>) offsets(%dma_start3A_409 : memref<128xi32, #tpu.memory_space<vmem>>) semaphore(%arg23 : memref<!tpu.dma_semaphore, #tpu.memory_space<semaphore_mem>>)
    }
    %scan3A_110 = arith.constant 5 : i32
    %add3A_111 = arith.constant 32 : i32
    %add3A_112 = arith.addi %add3A, %add3A_111 : i32
    %mul3A_113 = arith.constant 640 : i32
    %mul3A_114 = arith.muli %add3A_112, %mul3A_113 : i32
    %multiple_of3A_115 = tpu.assume_multiple %mul3A_114, 640 : i32
    %dma_wait3A_116 = arith.constant 1 : i32
    %dma_wait3A_117 = arith.constant 0 : i32
    %dma_wait3A_118 = tpu.memref_slice %arg15[%dma_wait3A_116, %dma_wait3A_117] : memref<2x640xi32, #tpu.memory_space<vmem>> -> memref<1x640xi32, #tpu.memory_space<vmem>>
    %dma_wait3A_119 = tpu.memref_squeeze %dma_wait3A_118 : memref<1x640xi32, #tpu.memory_space<vmem>> -> memref<640xi32, #tpu.memory_space<vmem>>
    %dma_wait3A_120 = tpu.memref_slice %arg2[%multiple_of3A_115] : memref<2000000xi32, #tpu.memory_space<hbm>> -> memref<640xi32, #tpu.memory_space<hbm>>
    %dma_wait3A_121 = arith.constant 0 : i32
    %dma_wait3A_122 = tpu.memref_slice %arg15[%dma_wait3A_116, %dma_wait3A_121] : memref<2x640xi32, #tpu.memory_space<vmem>> -> memref<1x640xi32, #tpu.memory_space<vmem>>
    %dma_wait3A_123 = tpu.memref_squeeze %dma_wait3A_122 : memref<1x640xi32, #tpu.memory_space<vmem>> -> memref<640xi32, #tpu.memory_space<vmem>>
    %dma_wait3A_124 = tpu.memref_slice %arg2[%multiple_of3A_115] : memref<2000000xi32, #tpu.memory_space<hbm>> -> memref<640xi32, #tpu.memory_space<hbm>>
    tpu.wait_dma2 semaphore(%arg20 : memref<!tpu.dma_semaphore, #tpu.memory_space<semaphore_mem>>) src(%dma_wait3A_124 : memref<640xi32, #tpu.memory_space<hbm>>) dst(%dma_wait3A_123 : memref<640xi32, #tpu.memory_space<vmem>>)
    %scan3A_125 = arith.constant 0 : i32
    %scan3A_126 = arith.constant 0 : i32
    %scan3A_127 = arith.constant 5 : i32
    %scan3A_128 = arith.addi %scan3A_126, %scan3A_127 : i32
    %scan3A_129 = arith.constant 1 : i32
    scf.for %scan3A_336 = %scan3A_126 to %scan3A_128 step %scan3A_129  : i32 {
      %mul3A_337 = arith.constant 128 : i32
      %mul3A_338 = arith.muli %scan3A_336, %mul3A_337 : i32
      %multiple_of3A_339 = tpu.assume_multiple %mul3A_338, 128 : i32
      %dma_start3A_340 = arith.constant 1 : i32
      %dma_start3A_341 = arith.constant 3 : i32
      %dma_start3A_342 = tpu.memref_slice %arg16[%dma_start3A_341, %multiple_of3A_339] : memref<9x640xi32, #tpu.memory_space<vmem>> -> memref<1x128xi32, #tpu.memory_space<vmem>>
      %dma_start3A_343 = tpu.memref_squeeze %dma_start3A_342 : memref<1x128xi32, #tpu.memory_space<vmem>> -> memref<128xi32, #tpu.memory_space<vmem>>
      %dma_start3A_344 = tpu.memref_slice %arg15[%dma_start3A_340, %multiple_of3A_339] : memref<2x640xi32, #tpu.memory_space<vmem>> -> memref<1x128xi32, #tpu.memory_space<vmem>>
      %dma_start3A_345 = tpu.memref_squeeze %dma_start3A_344 : memref<1x128xi32, #tpu.memory_space<vmem>> -> memref<128xi32, #tpu.memory_space<vmem>>
      %dma_start3A_346 = arith.constant 0 : i32
      %dma_start3A_347 = tpu.memref_slice %arg3[%dma_start3A_346] : memref<1000000xi32, #tpu.memory_space<hbm>> -> memref<1000000xi32, #tpu.memory_space<hbm>>
      tpu.enqueue_indirect_dma source(%dma_start3A_347 : memref<1000000xi32, #tpu.memory_space<hbm>>) target(%dma_start3A_343 : memref<128xi32, #tpu.memory_space<vmem>>) offsets(%dma_start3A_345 : memref<128xi32, #tpu.memory_space<vmem>>) semaphore(%arg22 : memref<!tpu.dma_semaphore, #tpu.memory_space<semaphore_mem>>)
      %dma_start3A_348 = arith.constant 1 : i32
      %dma_start3A_349 = arith.constant 4 : i32
      %dma_start3A_350 = tpu.memref_slice %arg16[%dma_start3A_349, %multiple_of3A_339] : memref<9x640xi32, #tpu.memory_space<vmem>> -> memref<1x128xi32, #tpu.memory_space<vmem>>
      %dma_start3A_351 = tpu.memref_squeeze %dma_start3A_350 : memref<1x128xi32, #tpu.memory_space<vmem>> -> memref<128xi32, #tpu.memory_space<vmem>>
      %dma_start3A_352 = tpu.memref_slice %arg15[%dma_start3A_348, %multiple_of3A_339] : memref<2x640xi32, #tpu.memory_space<vmem>> -> memref<1x128xi32, #tpu.memory_space<vmem>>
      %dma_start3A_353 = tpu.memref_squeeze %dma_start3A_352 : memref<1x128xi32, #tpu.memory_space<vmem>> -> memref<128xi32, #tpu.memory_space<vmem>>
      %dma_start3A_354 = arith.constant 0 : i32
      %dma_start3A_355 = tpu.memref_slice %arg4[%dma_start3A_354] : memref<1000000xi32, #tpu.memory_space<hbm>> -> memref<1000000xi32, #tpu.memory_space<hbm>>
      tpu.enqueue_indirect_dma source(%dma_start3A_355 : memref<1000000xi32, #tpu.memory_space<hbm>>) target(%dma_start3A_351 : memref<128xi32, #tpu.memory_space<vmem>>) offsets(%dma_start3A_353 : memref<128xi32, #tpu.memory_space<vmem>>) semaphore(%arg22 : memref<!tpu.dma_semaphore, #tpu.memory_space<semaphore_mem>>)
      %dma_start3A_356 = arith.constant 1 : i32
      %dma_start3A_357 = arith.constant 5 : i32
      %dma_start3A_358 = tpu.memref_slice %arg16[%dma_start3A_357, %multiple_of3A_339] : memref<9x640xi32, #tpu.memory_space<vmem>> -> memref<1x128xi32, #tpu.memory_space<vmem>>
      %dma_start3A_359 = tpu.memref_squeeze %dma_start3A_358 : memref<1x128xi32, #tpu.memory_space<vmem>> -> memref<128xi32, #tpu.memory_space<vmem>>
      %dma_start3A_360 = tpu.memref_slice %arg15[%dma_start3A_356, %multiple_of3A_339] : memref<2x640xi32, #tpu.memory_space<vmem>> -> memref<1x128xi32, #tpu.memory_space<vmem>>
      %dma_start3A_361 = tpu.memref_squeeze %dma_start3A_360 : memref<1x128xi32, #tpu.memory_space<vmem>> -> memref<128xi32, #tpu.memory_space<vmem>>
      %dma_start3A_362 = arith.constant 0 : i32
      %dma_start3A_363 = tpu.memref_slice %arg5[%dma_start3A_362] : memref<1000000xi32, #tpu.memory_space<hbm>> -> memref<1000000xi32, #tpu.memory_space<hbm>>
      tpu.enqueue_indirect_dma source(%dma_start3A_363 : memref<1000000xi32, #tpu.memory_space<hbm>>) target(%dma_start3A_359 : memref<128xi32, #tpu.memory_space<vmem>>) offsets(%dma_start3A_361 : memref<128xi32, #tpu.memory_space<vmem>>) semaphore(%arg22 : memref<!tpu.dma_semaphore, #tpu.memory_space<semaphore_mem>>)
    }
    %scan3A_130 = arith.constant 5 : i32
    %add3A_131 = arith.constant 64 : i32
    %add3A_132 = arith.addi %add3A, %add3A_131 : i32
    %mul3A_133 = arith.constant 640 : i32
    %mul3A_134 = arith.muli %add3A_132, %mul3A_133 : i32
    %multiple_of3A_135 = tpu.assume_multiple %mul3A_134, 640 : i32
    %dma_start3A_136 = arith.constant 0 : i32
    %dma_start3A_137 = arith.constant 0 : i32
    %dma_start3A_138 = tpu.memref_slice %arg15[%dma_start3A_136, %dma_start3A_137] : memref<2x640xi32, #tpu.memory_space<vmem>> -> memref<1x640xi32, #tpu.memory_space<vmem>>
    %dma_start3A_139 = tpu.memref_squeeze %dma_start3A_138 : memref<1x640xi32, #tpu.memory_space<vmem>> -> memref<640xi32, #tpu.memory_space<vmem>>
    %dma_start3A_140 = tpu.memref_slice %arg2[%multiple_of3A_135] : memref<2000000xi32, #tpu.memory_space<hbm>> -> memref<640xi32, #tpu.memory_space<hbm>>
    %dma_start3A_141 = arith.constant 0 : i32
    %dma_start3A_142 = tpu.memref_slice %arg15[%dma_start3A_136, %dma_start3A_141] : memref<2x640xi32, #tpu.memory_space<vmem>> -> memref<1x640xi32, #tpu.memory_space<vmem>>
    %dma_start3A_143 = tpu.memref_squeeze %dma_start3A_142 : memref<1x640xi32, #tpu.memory_space<vmem>> -> memref<640xi32, #tpu.memory_space<vmem>>
    %dma_start3A_144 = tpu.memref_slice %arg2[%multiple_of3A_135] : memref<2000000xi32, #tpu.memory_space<hbm>> -> memref<640xi32, #tpu.memory_space<hbm>>
    tpu.enqueue_dma source(%dma_start3A_144 : memref<640xi32, #tpu.memory_space<hbm>>) target(%dma_start3A_143 : memref<640xi32, #tpu.memory_space<vmem>>) target_semaphore(%arg20 : memref<!tpu.dma_semaphore, #tpu.memory_space<semaphore_mem>>)
    %while3A = arith.constant 0 : i32
    %while3A_145 = arith.constant 0 : i32
    %while3A_146 = arith.subi %select_n3A, %while3A_145 : i32
    %while3A_147 = arith.addi %while3A_145, %while3A_146 : i32
    %while3A_148 = arith.constant 1 : i32
    %while3A_149 = arith.divsi %while3A_146, %while3A_148 : i32
    %while3A_150 = arith.muli %while3A_149, %while3A_148 : i32
    %while3A_151 = arith.addi %while3A_145, %while3A_150 : i32
    %while3A_152 = arith.constant 1 : i32
    scf.for %while3A_336 = %while3A_145 to %while3A_151 step %while3A_152  : i32 {
      %jit3A_337 = arith.constant 2 : i32
      %eq3A_338 = arith.constant 0 : i32
      %eq3A_339 = arith.cmpi eq, %jit3A_337, %eq3A_338 : i32
      %jit3A_340 = arith.constant 1 : i32
      %select_n3A_341 = arith.select %eq3A_339, %jit3A_340, %jit3A_337 : i32
      %rem3A_342 = arith.remsi %while3A_336, %select_n3A_341 : i32
      %ne3A_343 = arith.constant 0 : i32
      %ne3A_344 = arith.cmpi ne, %rem3A_342, %ne3A_343 : i32
      %lt3A_345 = arith.constant 0 : i32
      %lt3A_346 = arith.cmpi slt, %rem3A_342, %lt3A_345 : i32
      %lt3A_347 = arith.constant 0 : i32
      %lt3A_348 = arith.cmpi slt, %select_n3A_341, %lt3A_347 : i32
      %ne3A_349 = arith.xori %lt3A_346, %lt3A_348 : i1
      %and3A_350 = arith.andi %ne3A_349, %ne3A_344 : i1
      %add3A_351 = arith.addi %rem3A_342, %select_n3A_341 : i32
      %select_n3A_352 = arith.select %and3A_350, %add3A_351, %rem3A_342 : i32
      %add3A_353 = arith.constant 1 : i32
      %add3A_354 = arith.addi %while3A_336, %add3A_353 : i32
      %lt3A_355 = arith.cmpi slt, %add3A_354, %select_n3A : i32
      %convert_element_type3A = arith.extui %lt3A_355 : i1 to i32
      %cond3A = arith.constant 0 : i32
      %cond3A_356 = arith.cmpi ne, %convert_element_type3A, %cond3A : i32
      scf.if %cond3A_356 {
        %add3A_569 = arith.constant 1 : i32
        %add3A_570 = arith.addi %while3A_336, %add3A_569 : i32
        %scan3A_571 = arith.constant 0 : i32
        %scan3A_572 = arith.constant 0 : i32
        %scan3A_573 = arith.constant 5 : i32
        %scan3A_574 = arith.addi %scan3A_572, %scan3A_573 : i32
        %scan3A_575 = arith.constant 1 : i32
        scf.for %scan3A_677 = %scan3A_572 to %scan3A_574 step %scan3A_575  : i32 {
          %mul3A_678 = arith.constant 128 : i32
          %mul3A_679 = arith.muli %scan3A_677, %mul3A_678 : i32
          %multiple_of3A_680 = tpu.assume_multiple %mul3A_679, 128 : i32
          %jit3A_681 = arith.constant 2 : i32
          %eq3A_682 = arith.constant 0 : i32
          %eq3A_683 = arith.cmpi eq, %jit3A_681, %eq3A_682 : i32
          %jit3A_684 = arith.constant 1 : i32
          %select_n3A_685 = arith.select %eq3A_683, %jit3A_684, %jit3A_681 : i32
          %rem3A_686 = arith.remsi %add3A_570, %select_n3A_685 : i32
          %ne3A_687 = arith.constant 0 : i32
          %ne3A_688 = arith.cmpi ne, %rem3A_686, %ne3A_687 : i32
          %lt3A_689 = arith.constant 0 : i32
          %lt3A_690 = arith.cmpi slt, %rem3A_686, %lt3A_689 : i32
          %lt3A_691 = arith.constant 0 : i32
          %lt3A_692 = arith.cmpi slt, %select_n3A_685, %lt3A_691 : i32
          %ne3A_693 = arith.xori %lt3A_690, %lt3A_692 : i1
          %and3A_694 = arith.andi %ne3A_693, %ne3A_688 : i1
          %add3A_695 = arith.addi %rem3A_686, %select_n3A_685 : i32
          %select_n3A_696 = arith.select %and3A_694, %add3A_695, %rem3A_686 : i32
          %jit3A_697 = arith.constant 3 : i32
          %eq3A_698 = arith.constant 0 : i32
          %eq3A_699 = arith.cmpi eq, %jit3A_697, %eq3A_698 : i32
          %jit3A_700 = arith.constant 1 : i32
          %select_n3A_701 = arith.select %eq3A_699, %jit3A_700, %jit3A_697 : i32
          %rem3A_702 = arith.remsi %add3A_570, %select_n3A_701 : i32
          %ne3A_703 = arith.constant 0 : i32
          %ne3A_704 = arith.cmpi ne, %rem3A_702, %ne3A_703 : i32
          %lt3A_705 = arith.constant 0 : i32
          %lt3A_706 = arith.cmpi slt, %rem3A_702, %lt3A_705 : i32
          %lt3A_707 = arith.constant 0 : i32
          %lt3A_708 = arith.cmpi slt, %select_n3A_701, %lt3A_707 : i32
          %ne3A_709 = arith.xori %lt3A_706, %lt3A_708 : i1
          %and3A_710 = arith.andi %ne3A_709, %ne3A_704 : i1
          %add3A_711 = arith.addi %rem3A_702, %select_n3A_701 : i32
          %select_n3A_712 = arith.select %and3A_710, %add3A_711, %rem3A_702 : i32
          %mul3A_713 = arith.constant 3 : i32
          %mul3A_714 = arith.muli %select_n3A_712, %mul3A_713 : i32
          %add3A_715 = arith.constant 0 : i32
          %add3A_716 = arith.addi %mul3A_714, %add3A_715 : i32
          %jit3A_717 = arith.constant 2 : i32
          %eq3A_718 = arith.constant 0 : i32
          %eq3A_719 = arith.cmpi eq, %jit3A_717, %eq3A_718 : i32
          %jit3A_720 = arith.constant 1 : i32
          %select_n3A_721 = arith.select %eq3A_719, %jit3A_720, %jit3A_717 : i32
          %rem3A_722 = arith.remsi %add3A_570, %select_n3A_721 : i32
          %ne3A_723 = arith.constant 0 : i32
          %ne3A_724 = arith.cmpi ne, %rem3A_722, %ne3A_723 : i32
          %lt3A_725 = arith.constant 0 : i32
          %lt3A_726 = arith.cmpi slt, %rem3A_722, %lt3A_725 : i32
          %lt3A_727 = arith.constant 0 : i32
          %lt3A_728 = arith.cmpi slt, %select_n3A_721, %lt3A_727 : i32
          %ne3A_729 = arith.xori %lt3A_726, %lt3A_728 : i1
          %and3A_730 = arith.andi %ne3A_729, %ne3A_724 : i1
          %add3A_731 = arith.addi %rem3A_722, %select_n3A_721 : i32
          %select_n3A_732 = arith.select %and3A_730, %add3A_731, %rem3A_722 : i32
          %jit3A_733 = arith.constant 3 : i32
          %eq3A_734 = arith.constant 0 : i32
          %eq3A_735 = arith.cmpi eq, %jit3A_733, %eq3A_734 : i32
          %jit3A_736 = arith.constant 1 : i32
          %select_n3A_737 = arith.select %eq3A_735, %jit3A_736, %jit3A_733 : i32
          %rem3A_738 = arith.remsi %add3A_570, %select_n3A_737 : i32
          %ne3A_739 = arith.constant 0 : i32
          %ne3A_740 = arith.cmpi ne, %rem3A_738, %ne3A_739 : i32
          %lt3A_741 = arith.constant 0 : i32
          %lt3A_742 = arith.cmpi slt, %rem3A_738, %lt3A_741 : i32
          %lt3A_743 = arith.constant 0 : i32
          %lt3A_744 = arith.cmpi slt, %select_n3A_737, %lt3A_743 : i32
          %ne3A_745 = arith.xori %lt3A_742, %lt3A_744 : i1
          %and3A_746 = arith.andi %ne3A_745, %ne3A_740 : i1
          %add3A_747 = arith.addi %rem3A_738, %select_n3A_737 : i32
          %select_n3A_748 = arith.select %and3A_746, %add3A_747, %rem3A_738 : i32
          %mul3A_749 = arith.constant 3 : i32
          %mul3A_750 = arith.muli %select_n3A_748, %mul3A_749 : i32
          %add3A_751 = arith.constant 1 : i32
          %add3A_752 = arith.addi %mul3A_750, %add3A_751 : i32
          %jit3A_753 = arith.constant 2 : i32
          %eq3A_754 = arith.constant 0 : i32
          %eq3A_755 = arith.cmpi eq, %jit3A_753, %eq3A_754 : i32
          %jit3A_756 = arith.constant 1 : i32
          %select_n3A_757 = arith.select %eq3A_755, %jit3A_756, %jit3A_753 : i32
          %rem3A_758 = arith.remsi %add3A_570, %select_n3A_757 : i32
          %ne3A_759 = arith.constant 0 : i32
          %ne3A_760 = arith.cmpi ne, %rem3A_758, %ne3A_759 : i32
          %lt3A_761 = arith.constant 0 : i32
          %lt3A_762 = arith.cmpi slt, %rem3A_758, %lt3A_761 : i32
          %lt3A_763 = arith.constant 0 : i32
          %lt3A_764 = arith.cmpi slt, %select_n3A_757, %lt3A_763 : i32
          %ne3A_765 = arith.xori %lt3A_762, %lt3A_764 : i1
          %and3A_766 = arith.andi %ne3A_765, %ne3A_760 : i1
          %add3A_767 = arith.addi %rem3A_758, %select_n3A_757 : i32
          %select_n3A_768 = arith.select %and3A_766, %add3A_767, %rem3A_758 : i32
          %jit3A_769 = arith.constant 3 : i32
          %eq3A_770 = arith.constant 0 : i32
          %eq3A_771 = arith.cmpi eq, %jit3A_769, %eq3A_770 : i32
          %jit3A_772 = arith.constant 1 : i32
          %select_n3A_773 = arith.select %eq3A_771, %jit3A_772, %jit3A_769 : i32
          %rem3A_774 = arith.remsi %add3A_570, %select_n3A_773 : i32
          %ne3A_775 = arith.constant 0 : i32
          %ne3A_776 = arith.cmpi ne, %rem3A_774, %ne3A_775 : i32
          %lt3A_777 = arith.constant 0 : i32
          %lt3A_778 = arith.cmpi slt, %rem3A_774, %lt3A_777 : i32
          %lt3A_779 = arith.constant 0 : i32
          %lt3A_780 = arith.cmpi slt, %select_n3A_773, %lt3A_779 : i32
          %ne3A_781 = arith.xori %lt3A_778, %lt3A_780 : i1
          %and3A_782 = arith.andi %ne3A_781, %ne3A_776 : i1
          %add3A_783 = arith.addi %rem3A_774, %select_n3A_773 : i32
          %select_n3A_784 = arith.select %and3A_782, %add3A_783, %rem3A_774 : i32
          %mul3A_785 = arith.constant 3 : i32
          %mul3A_786 = arith.muli %select_n3A_784, %mul3A_785 : i32
          %add3A_787 = arith.constant 2 : i32
          %add3A_788 = arith.addi %mul3A_786, %add3A_787 : i32
          %dma_wait3A_789 = tpu.memref_slice %arg16[%add3A_716, %multiple_of3A_680] : memref<9x640xi32, #tpu.memory_space<vmem>> -> memref<1x128xi32, #tpu.memory_space<vmem>>
          %dma_wait3A_790 = tpu.memref_squeeze %dma_wait3A_789 : memref<1x128xi32, #tpu.memory_space<vmem>> -> memref<128xi32, #tpu.memory_space<vmem>>
          %dma_wait3A_791 = tpu.memref_slice %arg15[%select_n3A_696, %multiple_of3A_680] : memref<2x640xi32, #tpu.memory_space<vmem>> -> memref<1x128xi32, #tpu.memory_space<vmem>>
          %dma_wait3A_792 = tpu.memref_squeeze %dma_wait3A_791 : memref<1x128xi32, #tpu.memory_space<vmem>> -> memref<128xi32, #tpu.memory_space<vmem>>
          %dma_wait3A_793 = arith.constant 0 : i32
          %dma_wait3A_794 = tpu.memref_slice %arg3[%dma_wait3A_793] : memref<1000000xi32, #tpu.memory_space<hbm>> -> memref<1000000xi32, #tpu.memory_space<hbm>>
          tpu.wait_indirect_dma semaphore(%arg22 : memref<!tpu.dma_semaphore, #tpu.memory_space<semaphore_mem>>) src(%dma_wait3A_794 : memref<1000000xi32, #tpu.memory_space<hbm>>) dst(%dma_wait3A_790 : memref<128xi32, #tpu.memory_space<vmem>>)
          %dma_wait3A_795 = tpu.memref_slice %arg16[%add3A_752, %multiple_of3A_680] : memref<9x640xi32, #tpu.memory_space<vmem>> -> memref<1x128xi32, #tpu.memory_space<vmem>>
          %dma_wait3A_796 = tpu.memref_squeeze %dma_wait3A_795 : memref<1x128xi32, #tpu.memory_space<vmem>> -> memref<128xi32, #tpu.memory_space<vmem>>
          %dma_wait3A_797 = tpu.memref_slice %arg15[%select_n3A_732, %multiple_of3A_680] : memref<2x640xi32, #tpu.memory_space<vmem>> -> memref<1x128xi32, #tpu.memory_space<vmem>>
          %dma_wait3A_798 = tpu.memref_squeeze %dma_wait3A_797 : memref<1x128xi32, #tpu.memory_space<vmem>> -> memref<128xi32, #tpu.memory_space<vmem>>
          %dma_wait3A_799 = arith.constant 0 : i32
          %dma_wait3A_800 = tpu.memref_slice %arg4[%dma_wait3A_799] : memref<1000000xi32, #tpu.memory_space<hbm>> -> memref<1000000xi32, #tpu.memory_space<hbm>>
          tpu.wait_indirect_dma semaphore(%arg22 : memref<!tpu.dma_semaphore, #tpu.memory_space<semaphore_mem>>) src(%dma_wait3A_800 : memref<1000000xi32, #tpu.memory_space<hbm>>) dst(%dma_wait3A_796 : memref<128xi32, #tpu.memory_space<vmem>>)
          %dma_wait3A_801 = tpu.memref_slice %arg16[%add3A_788, %multiple_of3A_680] : memref<9x640xi32, #tpu.memory_space<vmem>> -> memref<1x128xi32, #tpu.memory_space<vmem>>
          %dma_wait3A_802 = tpu.memref_squeeze %dma_wait3A_801 : memref<1x128xi32, #tpu.memory_space<vmem>> -> memref<128xi32, #tpu.memory_space<vmem>>
          %dma_wait3A_803 = tpu.memref_slice %arg15[%select_n3A_768, %multiple_of3A_680] : memref<2x640xi32, #tpu.memory_space<vmem>> -> memref<1x128xi32, #tpu.memory_space<vmem>>
          %dma_wait3A_804 = tpu.memref_squeeze %dma_wait3A_803 : memref<1x128xi32, #tpu.memory_space<vmem>> -> memref<128xi32, #tpu.memory_space<vmem>>
          %dma_wait3A_805 = arith.constant 0 : i32
          %dma_wait3A_806 = tpu.memref_slice %arg5[%dma_wait3A_805] : memref<1000000xi32, #tpu.memory_space<hbm>> -> memref<1000000xi32, #tpu.memory_space<hbm>>
          tpu.wait_indirect_dma semaphore(%arg22 : memref<!tpu.dma_semaphore, #tpu.memory_space<semaphore_mem>>) src(%dma_wait3A_806 : memref<1000000xi32, #tpu.memory_space<hbm>>) dst(%dma_wait3A_802 : memref<128xi32, #tpu.memory_space<vmem>>)
        }
        %scan3A_576 = arith.constant 5 : i32
        %add3A_577 = arith.constant 1 : i32
        %add3A_578 = arith.addi %while3A_336, %add3A_577 : i32
        %scan3A_579 = arith.constant 0 : i32
        %scan3A_580 = arith.constant 0 : i32
        %scan3A_581 = arith.constant 5 : i32
        %scan3A_582 = arith.addi %scan3A_580, %scan3A_581 : i32
        %scan3A_583 = arith.constant 1 : i32
        scf.for %scan3A_677 = %scan3A_580 to %scan3A_582 step %scan3A_583  : i32 {
          %mul3A_678 = arith.constant 128 : i32
          %mul3A_679 = arith.muli %scan3A_677, %mul3A_678 : i32
          %multiple_of3A_680 = tpu.assume_multiple %mul3A_679, 128 : i32
          %jit3A_681 = arith.constant 3 : i32
          %eq3A_682 = arith.constant 0 : i32
          %eq3A_683 = arith.cmpi eq, %jit3A_681, %eq3A_682 : i32
          %jit3A_684 = arith.constant 1 : i32
          %select_n3A_685 = arith.select %eq3A_683, %jit3A_684, %jit3A_681 : i32
          %rem3A_686 = arith.remsi %add3A_578, %select_n3A_685 : i32
          %ne3A_687 = arith.constant 0 : i32
          %ne3A_688 = arith.cmpi ne, %rem3A_686, %ne3A_687 : i32
          %lt3A_689 = arith.constant 0 : i32
          %lt3A_690 = arith.cmpi slt, %rem3A_686, %lt3A_689 : i32
          %lt3A_691 = arith.constant 0 : i32
          %lt3A_692 = arith.cmpi slt, %select_n3A_685, %lt3A_691 : i32
          %ne3A_693 = arith.xori %lt3A_690, %lt3A_692 : i1
          %and3A_694 = arith.andi %ne3A_693, %ne3A_688 : i1
          %add3A_695 = arith.addi %rem3A_686, %select_n3A_685 : i32
          %select_n3A_696 = arith.select %and3A_694, %add3A_695, %rem3A_686 : i32
          %mul3A_697 = arith.constant 3 : i32
          %mul3A_698 = arith.muli %select_n3A_696, %mul3A_697 : i32
          %add3A_699 = arith.constant 0 : i32
          %add3A_700 = arith.addi %mul3A_698, %add3A_699 : i32
          %jit3A_701 = arith.constant 2 : i32
          %eq3A_702 = arith.constant 0 : i32
          %eq3A_703 = arith.cmpi eq, %jit3A_701, %eq3A_702 : i32
          %jit3A_704 = arith.constant 1 : i32
          %select_n3A_705 = arith.select %eq3A_703, %jit3A_704, %jit3A_701 : i32
          %rem3A_706 = arith.remsi %add3A_578, %select_n3A_705 : i32
          %ne3A_707 = arith.constant 0 : i32
          %ne3A_708 = arith.cmpi ne, %rem3A_706, %ne3A_707 : i32
          %lt3A_709 = arith.constant 0 : i32
          %lt3A_710 = arith.cmpi slt, %rem3A_706, %lt3A_709 : i32
          %lt3A_711 = arith.constant 0 : i32
          %lt3A_712 = arith.cmpi slt, %select_n3A_705, %lt3A_711 : i32
          %ne3A_713 = arith.xori %lt3A_710, %lt3A_712 : i1
          %and3A_714 = arith.andi %ne3A_713, %ne3A_708 : i1
          %add3A_715 = arith.addi %rem3A_706, %select_n3A_705 : i32
          %select_n3A_716 = arith.select %and3A_714, %add3A_715, %rem3A_706 : i32
          %mul3A_717 = arith.constant 9 : i32
          %mul3A_718 = arith.muli %select_n3A_716, %mul3A_717 : i32
          %add3A_719 = arith.constant 0 : i32
          %add3A_720 = arith.addi %mul3A_718, %add3A_719 : i32
          %add3A_721 = arith.constant 0 : i32
          %add3A_722 = arith.addi %add3A_720, %add3A_721 : i32
          %jit3A_723 = arith.constant 3 : i32
          %eq3A_724 = arith.constant 0 : i32
          %eq3A_725 = arith.cmpi eq, %jit3A_723, %eq3A_724 : i32
          %jit3A_726 = arith.constant 1 : i32
          %select_n3A_727 = arith.select %eq3A_725, %jit3A_726, %jit3A_723 : i32
          %rem3A_728 = arith.remsi %add3A_578, %select_n3A_727 : i32
          %ne3A_729 = arith.constant 0 : i32
          %ne3A_730 = arith.cmpi ne, %rem3A_728, %ne3A_729 : i32
          %lt3A_731 = arith.constant 0 : i32
          %lt3A_732 = arith.cmpi slt, %rem3A_728, %lt3A_731 : i32
          %lt3A_733 = arith.constant 0 : i32
          %lt3A_734 = arith.cmpi slt, %select_n3A_727, %lt3A_733 : i32
          %ne3A_735 = arith.xori %lt3A_732, %lt3A_734 : i1
          %and3A_736 = arith.andi %ne3A_735, %ne3A_730 : i1
          %add3A_737 = arith.addi %rem3A_728, %select_n3A_727 : i32
          %select_n3A_738 = arith.select %and3A_736, %add3A_737, %rem3A_728 : i32
          %mul3A_739 = arith.constant 3 : i32
          %mul3A_740 = arith.muli %select_n3A_738, %mul3A_739 : i32
          %add3A_741 = arith.constant 0 : i32
          %add3A_742 = arith.addi %mul3A_740, %add3A_741 : i32
          %jit3A_743 = arith.constant 2 : i32
          %eq3A_744 = arith.constant 0 : i32
          %eq3A_745 = arith.cmpi eq, %jit3A_743, %eq3A_744 : i32
          %jit3A_746 = arith.constant 1 : i32
          %select_n3A_747 = arith.select %eq3A_745, %jit3A_746, %jit3A_743 : i32
          %rem3A_748 = arith.remsi %add3A_578, %select_n3A_747 : i32
          %ne3A_749 = arith.constant 0 : i32
          %ne3A_750 = arith.cmpi ne, %rem3A_748, %ne3A_749 : i32
          %lt3A_751 = arith.constant 0 : i32
          %lt3A_752 = arith.cmpi slt, %rem3A_748, %lt3A_751 : i32
          %lt3A_753 = arith.constant 0 : i32
          %lt3A_754 = arith.cmpi slt, %select_n3A_747, %lt3A_753 : i32
          %ne3A_755 = arith.xori %lt3A_752, %lt3A_754 : i1
          %and3A_756 = arith.andi %ne3A_755, %ne3A_750 : i1
          %add3A_757 = arith.addi %rem3A_748, %select_n3A_747 : i32
          %select_n3A_758 = arith.select %and3A_756, %add3A_757, %rem3A_748 : i32
          %mul3A_759 = arith.constant 9 : i32
          %mul3A_760 = arith.muli %select_n3A_758, %mul3A_759 : i32
          %add3A_761 = arith.constant 0 : i32
          %add3A_762 = arith.addi %mul3A_760, %add3A_761 : i32
          %add3A_763 = arith.constant 1 : i32
          %add3A_764 = arith.addi %add3A_762, %add3A_763 : i32
          %jit3A_765 = arith.constant 3 : i32
          %eq3A_766 = arith.constant 0 : i32
          %eq3A_767 = arith.cmpi eq, %jit3A_765, %eq3A_766 : i32
          %jit3A_768 = arith.constant 1 : i32
          %select_n3A_769 = arith.select %eq3A_767, %jit3A_768, %jit3A_765 : i32
          %rem3A_770 = arith.remsi %add3A_578, %select_n3A_769 : i32
          %ne3A_771 = arith.constant 0 : i32
          %ne3A_772 = arith.cmpi ne, %rem3A_770, %ne3A_771 : i32
          %lt3A_773 = arith.constant 0 : i32
          %lt3A_774 = arith.cmpi slt, %rem3A_770, %lt3A_773 : i32
          %lt3A_775 = arith.constant 0 : i32
          %lt3A_776 = arith.cmpi slt, %select_n3A_769, %lt3A_775 : i32
          %ne3A_777 = arith.xori %lt3A_774, %lt3A_776 : i1
          %and3A_778 = arith.andi %ne3A_777, %ne3A_772 : i1
          %add3A_779 = arith.addi %rem3A_770, %select_n3A_769 : i32
          %select_n3A_780 = arith.select %and3A_778, %add3A_779, %rem3A_770 : i32
          %mul3A_781 = arith.constant 3 : i32
          %mul3A_782 = arith.muli %select_n3A_780, %mul3A_781 : i32
          %add3A_783 = arith.constant 0 : i32
          %add3A_784 = arith.addi %mul3A_782, %add3A_783 : i32
          %jit3A_785 = arith.constant 2 : i32
          %eq3A_786 = arith.constant 0 : i32
          %eq3A_787 = arith.cmpi eq, %jit3A_785, %eq3A_786 : i32
          %jit3A_788 = arith.constant 1 : i32
          %select_n3A_789 = arith.select %eq3A_787, %jit3A_788, %jit3A_785 : i32
          %rem3A_790 = arith.remsi %add3A_578, %select_n3A_789 : i32
          %ne3A_791 = arith.constant 0 : i32
          %ne3A_792 = arith.cmpi ne, %rem3A_790, %ne3A_791 : i32
          %lt3A_793 = arith.constant 0 : i32
          %lt3A_794 = arith.cmpi slt, %rem3A_790, %lt3A_793 : i32
          %lt3A_795 = arith.constant 0 : i32
          %lt3A_796 = arith.cmpi slt, %select_n3A_789, %lt3A_795 : i32
          %ne3A_797 = arith.xori %lt3A_794, %lt3A_796 : i1
          %and3A_798 = arith.andi %ne3A_797, %ne3A_792 : i1
          %add3A_799 = arith.addi %rem3A_790, %select_n3A_789 : i32
          %select_n3A_800 = arith.select %and3A_798, %add3A_799, %rem3A_790 : i32
          %mul3A_801 = arith.constant 9 : i32
          %mul3A_802 = arith.muli %select_n3A_800, %mul3A_801 : i32
          %add3A_803 = arith.constant 0 : i32
          %add3A_804 = arith.addi %mul3A_802, %add3A_803 : i32
          %add3A_805 = arith.constant 2 : i32
          %add3A_806 = arith.addi %add3A_804, %add3A_805 : i32
          %jit3A_807 = arith.constant 3 : i32
          %eq3A_808 = arith.constant 0 : i32
          %eq3A_809 = arith.cmpi eq, %jit3A_807, %eq3A_808 : i32
          %jit3A_810 = arith.constant 1 : i32
          %select_n3A_811 = arith.select %eq3A_809, %jit3A_810, %jit3A_807 : i32
          %rem3A_812 = arith.remsi %add3A_578, %select_n3A_811 : i32
          %ne3A_813 = arith.constant 0 : i32
          %ne3A_814 = arith.cmpi ne, %rem3A_812, %ne3A_813 : i32
          %lt3A_815 = arith.constant 0 : i32
          %lt3A_816 = arith.cmpi slt, %rem3A_812, %lt3A_815 : i32
          %lt3A_817 = arith.constant 0 : i32
          %lt3A_818 = arith.cmpi slt, %select_n3A_811, %lt3A_817 : i32
          %ne3A_819 = arith.xori %lt3A_816, %lt3A_818 : i1
          %and3A_820 = arith.andi %ne3A_819, %ne3A_814 : i1
          %add3A_821 = arith.addi %rem3A_812, %select_n3A_811 : i32
          %select_n3A_822 = arith.select %and3A_820, %add3A_821, %rem3A_812 : i32
          %mul3A_823 = arith.constant 3 : i32
          %mul3A_824 = arith.muli %select_n3A_822, %mul3A_823 : i32
          %add3A_825 = arith.constant 1 : i32
          %add3A_826 = arith.addi %mul3A_824, %add3A_825 : i32
          %jit3A_827 = arith.constant 2 : i32
          %eq3A_828 = arith.constant 0 : i32
          %eq3A_829 = arith.cmpi eq, %jit3A_827, %eq3A_828 : i32
          %jit3A_830 = arith.constant 1 : i32
          %select_n3A_831 = arith.select %eq3A_829, %jit3A_830, %jit3A_827 : i32
          %rem3A_832 = arith.remsi %add3A_578, %select_n3A_831 : i32
          %ne3A_833 = arith.constant 0 : i32
          %ne3A_834 = arith.cmpi ne, %rem3A_832, %ne3A_833 : i32
          %lt3A_835 = arith.constant 0 : i32
          %lt3A_836 = arith.cmpi slt, %rem3A_832, %lt3A_835 : i32
          %lt3A_837 = arith.constant 0 : i32
          %lt3A_838 = arith.cmpi slt, %select_n3A_831, %lt3A_837 : i32
          %ne3A_839 = arith.xori %lt3A_836, %lt3A_838 : i1
          %and3A_840 = arith.andi %ne3A_839, %ne3A_834 : i1
          %add3A_841 = arith.addi %rem3A_832, %select_n3A_831 : i32
          %select_n3A_842 = arith.select %and3A_840, %add3A_841, %rem3A_832 : i32
          %mul3A_843 = arith.constant 9 : i32
          %mul3A_844 = arith.muli %select_n3A_842, %mul3A_843 : i32
          %add3A_845 = arith.constant 3 : i32
          %add3A_846 = arith.addi %mul3A_844, %add3A_845 : i32
          %add3A_847 = arith.constant 0 : i32
          %add3A_848 = arith.addi %add3A_846, %add3A_847 : i32
          %jit3A_849 = arith.constant 3 : i32
          %eq3A_850 = arith.constant 0 : i32
          %eq3A_851 = arith.cmpi eq, %jit3A_849, %eq3A_850 : i32
          %jit3A_852 = arith.constant 1 : i32
          %select_n3A_853 = arith.select %eq3A_851, %jit3A_852, %jit3A_849 : i32
          %rem3A_854 = arith.remsi %add3A_578, %select_n3A_853 : i32
          %ne3A_855 = arith.constant 0 : i32
          %ne3A_856 = arith.cmpi ne, %rem3A_854, %ne3A_855 : i32
          %lt3A_857 = arith.constant 0 : i32
          %lt3A_858 = arith.cmpi slt, %rem3A_854, %lt3A_857 : i32
          %lt3A_859 = arith.constant 0 : i32
          %lt3A_860 = arith.cmpi slt, %select_n3A_853, %lt3A_859 : i32
          %ne3A_861 = arith.xori %lt3A_858, %lt3A_860 : i1
          %and3A_862 = arith.andi %ne3A_861, %ne3A_856 : i1
          %add3A_863 = arith.addi %rem3A_854, %select_n3A_853 : i32
          %select_n3A_864 = arith.select %and3A_862, %add3A_863, %rem3A_854 : i32
          %mul3A_865 = arith.constant 3 : i32
          %mul3A_866 = arith.muli %select_n3A_864, %mul3A_865 : i32
          %add3A_867 = arith.constant 1 : i32
          %add3A_868 = arith.addi %mul3A_866, %add3A_867 : i32
          %jit3A_869 = arith.constant 2 : i32
          %eq3A_870 = arith.constant 0 : i32
          %eq3A_871 = arith.cmpi eq, %jit3A_869, %eq3A_870 : i32
          %jit3A_872 = arith.constant 1 : i32
          %select_n3A_873 = arith.select %eq3A_871, %jit3A_872, %jit3A_869 : i32
          %rem3A_874 = arith.remsi %add3A_578, %select_n3A_873 : i32
          %ne3A_875 = arith.constant 0 : i32
          %ne3A_876 = arith.cmpi ne, %rem3A_874, %ne3A_875 : i32
          %lt3A_877 = arith.constant 0 : i32
          %lt3A_878 = arith.cmpi slt, %rem3A_874, %lt3A_877 : i32
          %lt3A_879 = arith.constant 0 : i32
          %lt3A_880 = arith.cmpi slt, %select_n3A_873, %lt3A_879 : i32
          %ne3A_881 = arith.xori %lt3A_878, %lt3A_880 : i1
          %and3A_882 = arith.andi %ne3A_881, %ne3A_876 : i1
          %add3A_883 = arith.addi %rem3A_874, %select_n3A_873 : i32
          %select_n3A_884 = arith.select %and3A_882, %add3A_883, %rem3A_874 : i32
          %mul3A_885 = arith.constant 9 : i32
          %mul3A_886 = arith.muli %select_n3A_884, %mul3A_885 : i32
          %add3A_887 = arith.constant 3 : i32
          %add3A_888 = arith.addi %mul3A_886, %add3A_887 : i32
          %add3A_889 = arith.constant 1 : i32
          %add3A_890 = arith.addi %add3A_888, %add3A_889 : i32
          %jit3A_891 = arith.constant 3 : i32
          %eq3A_892 = arith.constant 0 : i32
          %eq3A_893 = arith.cmpi eq, %jit3A_891, %eq3A_892 : i32
          %jit3A_894 = arith.constant 1 : i32
          %select_n3A_895 = arith.select %eq3A_893, %jit3A_894, %jit3A_891 : i32
          %rem3A_896 = arith.remsi %add3A_578, %select_n3A_895 : i32
          %ne3A_897 = arith.constant 0 : i32
          %ne3A_898 = arith.cmpi ne, %rem3A_896, %ne3A_897 : i32
          %lt3A_899 = arith.constant 0 : i32
          %lt3A_900 = arith.cmpi slt, %rem3A_896, %lt3A_899 : i32
          %lt3A_901 = arith.constant 0 : i32
          %lt3A_902 = arith.cmpi slt, %select_n3A_895, %lt3A_901 : i32
          %ne3A_903 = arith.xori %lt3A_900, %lt3A_902 : i1
          %and3A_904 = arith.andi %ne3A_903, %ne3A_898 : i1
          %add3A_905 = arith.addi %rem3A_896, %select_n3A_895 : i32
          %select_n3A_906 = arith.select %and3A_904, %add3A_905, %rem3A_896 : i32
          %mul3A_907 = arith.constant 3 : i32
          %mul3A_908 = arith.muli %select_n3A_906, %mul3A_907 : i32
          %add3A_909 = arith.constant 1 : i32
          %add3A_910 = arith.addi %mul3A_908, %add3A_909 : i32
          %jit3A_911 = arith.constant 2 : i32
          %eq3A_912 = arith.constant 0 : i32
          %eq3A_913 = arith.cmpi eq, %jit3A_911, %eq3A_912 : i32
          %jit3A_914 = arith.constant 1 : i32
          %select_n3A_915 = arith.select %eq3A_913, %jit3A_914, %jit3A_911 : i32
          %rem3A_916 = arith.remsi %add3A_578, %select_n3A_915 : i32
          %ne3A_917 = arith.constant 0 : i32
          %ne3A_918 = arith.cmpi ne, %rem3A_916, %ne3A_917 : i32
          %lt3A_919 = arith.constant 0 : i32
          %lt3A_920 = arith.cmpi slt, %rem3A_916, %lt3A_919 : i32
          %lt3A_921 = arith.constant 0 : i32
          %lt3A_922 = arith.cmpi slt, %select_n3A_915, %lt3A_921 : i32
          %ne3A_923 = arith.xori %lt3A_920, %lt3A_922 : i1
          %and3A_924 = arith.andi %ne3A_923, %ne3A_918 : i1
          %add3A_925 = arith.addi %rem3A_916, %select_n3A_915 : i32
          %select_n3A_926 = arith.select %and3A_924, %add3A_925, %rem3A_916 : i32
          %mul3A_927 = arith.constant 9 : i32
          %mul3A_928 = arith.muli %select_n3A_926, %mul3A_927 : i32
          %add3A_929 = arith.constant 3 : i32
          %add3A_930 = arith.addi %mul3A_928, %add3A_929 : i32
          %add3A_931 = arith.constant 2 : i32
          %add3A_932 = arith.addi %add3A_930, %add3A_931 : i32
          %jit3A_933 = arith.constant 3 : i32
          %eq3A_934 = arith.constant 0 : i32
          %eq3A_935 = arith.cmpi eq, %jit3A_933, %eq3A_934 : i32
          %jit3A_936 = arith.constant 1 : i32
          %select_n3A_937 = arith.select %eq3A_935, %jit3A_936, %jit3A_933 : i32
          %rem3A_938 = arith.remsi %add3A_578, %select_n3A_937 : i32
          %ne3A_939 = arith.constant 0 : i32
          %ne3A_940 = arith.cmpi ne, %rem3A_938, %ne3A_939 : i32
          %lt3A_941 = arith.constant 0 : i32
          %lt3A_942 = arith.cmpi slt, %rem3A_938, %lt3A_941 : i32
          %lt3A_943 = arith.constant 0 : i32
          %lt3A_944 = arith.cmpi slt, %select_n3A_937, %lt3A_943 : i32
          %ne3A_945 = arith.xori %lt3A_942, %lt3A_944 : i1
          %and3A_946 = arith.andi %ne3A_945, %ne3A_940 : i1
          %add3A_947 = arith.addi %rem3A_938, %select_n3A_937 : i32
          %select_n3A_948 = arith.select %and3A_946, %add3A_947, %rem3A_938 : i32
          %mul3A_949 = arith.constant 3 : i32
          %mul3A_950 = arith.muli %select_n3A_948, %mul3A_949 : i32
          %add3A_951 = arith.constant 2 : i32
          %add3A_952 = arith.addi %mul3A_950, %add3A_951 : i32
          %jit3A_953 = arith.constant 2 : i32
          %eq3A_954 = arith.constant 0 : i32
          %eq3A_955 = arith.cmpi eq, %jit3A_953, %eq3A_954 : i32
          %jit3A_956 = arith.constant 1 : i32
          %select_n3A_957 = arith.select %eq3A_955, %jit3A_956, %jit3A_953 : i32
          %rem3A_958 = arith.remsi %add3A_578, %select_n3A_957 : i32
          %ne3A_959 = arith.constant 0 : i32
          %ne3A_960 = arith.cmpi ne, %rem3A_958, %ne3A_959 : i32
          %lt3A_961 = arith.constant 0 : i32
          %lt3A_962 = arith.cmpi slt, %rem3A_958, %lt3A_961 : i32
          %lt3A_963 = arith.constant 0 : i32
          %lt3A_964 = arith.cmpi slt, %select_n3A_957, %lt3A_963 : i32
          %ne3A_965 = arith.xori %lt3A_962, %lt3A_964 : i1
          %and3A_966 = arith.andi %ne3A_965, %ne3A_960 : i1
          %add3A_967 = arith.addi %rem3A_958, %select_n3A_957 : i32
          %select_n3A_968 = arith.select %and3A_966, %add3A_967, %rem3A_958 : i32
          %mul3A_969 = arith.constant 9 : i32
          %mul3A_970 = arith.muli %select_n3A_968, %mul3A_969 : i32
          %add3A_971 = arith.constant 6 : i32
          %add3A_972 = arith.addi %mul3A_970, %add3A_971 : i32
          %add3A_973 = arith.constant 0 : i32
          %add3A_974 = arith.addi %add3A_972, %add3A_973 : i32
          %jit3A_975 = arith.constant 3 : i32
          %eq3A_976 = arith.constant 0 : i32
          %eq3A_977 = arith.cmpi eq, %jit3A_975, %eq3A_976 : i32
          %jit3A_978 = arith.constant 1 : i32
          %select_n3A_979 = arith.select %eq3A_977, %jit3A_978, %jit3A_975 : i32
          %rem3A_980 = arith.remsi %add3A_578, %select_n3A_979 : i32
          %ne3A_981 = arith.constant 0 : i32
          %ne3A_982 = arith.cmpi ne, %rem3A_980, %ne3A_981 : i32
          %lt3A_983 = arith.constant 0 : i32
          %lt3A_984 = arith.cmpi slt, %rem3A_980, %lt3A_983 : i32
          %lt3A_985 = arith.constant 0 : i32
          %lt3A_986 = arith.cmpi slt, %select_n3A_979, %lt3A_985 : i32
          %ne3A_987 = arith.xori %lt3A_984, %lt3A_986 : i1
          %and3A_988 = arith.andi %ne3A_987, %ne3A_982 : i1
          %add3A_989 = arith.addi %rem3A_980, %select_n3A_979 : i32
          %select_n3A_990 = arith.select %and3A_988, %add3A_989, %rem3A_980 : i32
          %mul3A_991 = arith.constant 3 : i32
          %mul3A_992 = arith.muli %select_n3A_990, %mul3A_991 : i32
          %add3A_993 = arith.constant 2 : i32
          %add3A_994 = arith.addi %mul3A_992, %add3A_993 : i32
          %jit3A_995 = arith.constant 2 : i32
          %eq3A_996 = arith.constant 0 : i32
          %eq3A_997 = arith.cmpi eq, %jit3A_995, %eq3A_996 : i32
          %jit3A_998 = arith.constant 1 : i32
          %select_n3A_999 = arith.select %eq3A_997, %jit3A_998, %jit3A_995 : i32
          %rem3A_1000 = arith.remsi %add3A_578, %select_n3A_999 : i32
          %ne3A_1001 = arith.constant 0 : i32
          %ne3A_1002 = arith.cmpi ne, %rem3A_1000, %ne3A_1001 : i32
          %lt3A_1003 = arith.constant 0 : i32
          %lt3A_1004 = arith.cmpi slt, %rem3A_1000, %lt3A_1003 : i32
          %lt3A_1005 = arith.constant 0 : i32
          %lt3A_1006 = arith.cmpi slt, %select_n3A_999, %lt3A_1005 : i32
          %ne3A_1007 = arith.xori %lt3A_1004, %lt3A_1006 : i1
          %and3A_1008 = arith.andi %ne3A_1007, %ne3A_1002 : i1
          %add3A_1009 = arith.addi %rem3A_1000, %select_n3A_999 : i32
          %select_n3A_1010 = arith.select %and3A_1008, %add3A_1009, %rem3A_1000 : i32
          %mul3A_1011 = arith.constant 9 : i32
          %mul3A_1012 = arith.muli %select_n3A_1010, %mul3A_1011 : i32
          %add3A_1013 = arith.constant 6 : i32
          %add3A_1014 = arith.addi %mul3A_1012, %add3A_1013 : i32
          %add3A_1015 = arith.constant 1 : i32
          %add3A_1016 = arith.addi %add3A_1014, %add3A_1015 : i32
          %jit3A_1017 = arith.constant 3 : i32
          %eq3A_1018 = arith.constant 0 : i32
          %eq3A_1019 = arith.cmpi eq, %jit3A_1017, %eq3A_1018 : i32
          %jit3A_1020 = arith.constant 1 : i32
          %select_n3A_1021 = arith.select %eq3A_1019, %jit3A_1020, %jit3A_1017 : i32
          %rem3A_1022 = arith.remsi %add3A_578, %select_n3A_1021 : i32
          %ne3A_1023 = arith.constant 0 : i32
          %ne3A_1024 = arith.cmpi ne, %rem3A_1022, %ne3A_1023 : i32
          %lt3A_1025 = arith.constant 0 : i32
          %lt3A_1026 = arith.cmpi slt, %rem3A_1022, %lt3A_1025 : i32
          %lt3A_1027 = arith.constant 0 : i32
          %lt3A_1028 = arith.cmpi slt, %select_n3A_1021, %lt3A_1027 : i32
          %ne3A_1029 = arith.xori %lt3A_1026, %lt3A_1028 : i1
          %and3A_1030 = arith.andi %ne3A_1029, %ne3A_1024 : i1
          %add3A_1031 = arith.addi %rem3A_1022, %select_n3A_1021 : i32
          %select_n3A_1032 = arith.select %and3A_1030, %add3A_1031, %rem3A_1022 : i32
          %mul3A_1033 = arith.constant 3 : i32
          %mul3A_1034 = arith.muli %select_n3A_1032, %mul3A_1033 : i32
          %add3A_1035 = arith.constant 2 : i32
          %add3A_1036 = arith.addi %mul3A_1034, %add3A_1035 : i32
          %jit3A_1037 = arith.constant 2 : i32
          %eq3A_1038 = arith.constant 0 : i32
          %eq3A_1039 = arith.cmpi eq, %jit3A_1037, %eq3A_1038 : i32
          %jit3A_1040 = arith.constant 1 : i32
          %select_n3A_1041 = arith.select %eq3A_1039, %jit3A_1040, %jit3A_1037 : i32
          %rem3A_1042 = arith.remsi %add3A_578, %select_n3A_1041 : i32
          %ne3A_1043 = arith.constant 0 : i32
          %ne3A_1044 = arith.cmpi ne, %rem3A_1042, %ne3A_1043 : i32
          %lt3A_1045 = arith.constant 0 : i32
          %lt3A_1046 = arith.cmpi slt, %rem3A_1042, %lt3A_1045 : i32
          %lt3A_1047 = arith.constant 0 : i32
          %lt3A_1048 = arith.cmpi slt, %select_n3A_1041, %lt3A_1047 : i32
          %ne3A_1049 = arith.xori %lt3A_1046, %lt3A_1048 : i1
          %and3A_1050 = arith.andi %ne3A_1049, %ne3A_1044 : i1
          %add3A_1051 = arith.addi %rem3A_1042, %select_n3A_1041 : i32
          %select_n3A_1052 = arith.select %and3A_1050, %add3A_1051, %rem3A_1042 : i32
          %mul3A_1053 = arith.constant 9 : i32
          %mul3A_1054 = arith.muli %select_n3A_1052, %mul3A_1053 : i32
          %add3A_1055 = arith.constant 6 : i32
          %add3A_1056 = arith.addi %mul3A_1054, %add3A_1055 : i32
          %add3A_1057 = arith.constant 2 : i32
          %add3A_1058 = arith.addi %add3A_1056, %add3A_1057 : i32
          %dma_start3A_1059 = tpu.memref_slice %arg17[%add3A_722, %multiple_of3A_680] : memref<18x640xf32, #tpu.memory_space<vmem>> -> memref<1x128xf32, #tpu.memory_space<vmem>>
          %dma_start3A_1060 = tpu.memref_squeeze %dma_start3A_1059 : memref<1x128xf32, #tpu.memory_space<vmem>> -> memref<128xf32, #tpu.memory_space<vmem>>
          %dma_start3A_1061 = tpu.memref_slice %arg16[%add3A_700, %multiple_of3A_680] : memref<9x640xi32, #tpu.memory_space<vmem>> -> memref<1x128xi32, #tpu.memory_space<vmem>>
          %dma_start3A_1062 = tpu.memref_squeeze %dma_start3A_1061 : memref<1x128xi32, #tpu.memory_space<vmem>> -> memref<128xi32, #tpu.memory_space<vmem>>
          %dma_start3A_1063 = arith.constant 0 : i32
          %dma_start3A_1064 = tpu.memref_slice %arg6[%dma_start3A_1063] : memref<500000xf32, #tpu.memory_space<hbm>> -> memref<500000xf32, #tpu.memory_space<hbm>>
          tpu.enqueue_indirect_dma source(%dma_start3A_1064 : memref<500000xf32, #tpu.memory_space<hbm>>) target(%dma_start3A_1060 : memref<128xf32, #tpu.memory_space<vmem>>) offsets(%dma_start3A_1062 : memref<128xi32, #tpu.memory_space<vmem>>) semaphore(%arg23 : memref<!tpu.dma_semaphore, #tpu.memory_space<semaphore_mem>>)
          %dma_start3A_1065 = tpu.memref_slice %arg17[%add3A_764, %multiple_of3A_680] : memref<18x640xf32, #tpu.memory_space<vmem>> -> memref<1x128xf32, #tpu.memory_space<vmem>>
          %dma_start3A_1066 = tpu.memref_squeeze %dma_start3A_1065 : memref<1x128xf32, #tpu.memory_space<vmem>> -> memref<128xf32, #tpu.memory_space<vmem>>
          %dma_start3A_1067 = tpu.memref_slice %arg16[%add3A_742, %multiple_of3A_680] : memref<9x640xi32, #tpu.memory_space<vmem>> -> memref<1x128xi32, #tpu.memory_space<vmem>>
          %dma_start3A_1068 = tpu.memref_squeeze %dma_start3A_1067 : memref<1x128xi32, #tpu.memory_space<vmem>> -> memref<128xi32, #tpu.memory_space<vmem>>
          %dma_start3A_1069 = arith.constant 0 : i32
          %dma_start3A_1070 = tpu.memref_slice %arg7[%dma_start3A_1069] : memref<500000xf32, #tpu.memory_space<hbm>> -> memref<500000xf32, #tpu.memory_space<hbm>>
          tpu.enqueue_indirect_dma source(%dma_start3A_1070 : memref<500000xf32, #tpu.memory_space<hbm>>) target(%dma_start3A_1066 : memref<128xf32, #tpu.memory_space<vmem>>) offsets(%dma_start3A_1068 : memref<128xi32, #tpu.memory_space<vmem>>) semaphore(%arg23 : memref<!tpu.dma_semaphore, #tpu.memory_space<semaphore_mem>>)
          %dma_start3A_1071 = tpu.memref_slice %arg17[%add3A_806, %multiple_of3A_680] : memref<18x640xf32, #tpu.memory_space<vmem>> -> memref<1x128xf32, #tpu.memory_space<vmem>>
          %dma_start3A_1072 = tpu.memref_squeeze %dma_start3A_1071 : memref<1x128xf32, #tpu.memory_space<vmem>> -> memref<128xf32, #tpu.memory_space<vmem>>
          %dma_start3A_1073 = tpu.memref_slice %arg16[%add3A_784, %multiple_of3A_680] : memref<9x640xi32, #tpu.memory_space<vmem>> -> memref<1x128xi32, #tpu.memory_space<vmem>>
          %dma_start3A_1074 = tpu.memref_squeeze %dma_start3A_1073 : memref<1x128xi32, #tpu.memory_space<vmem>> -> memref<128xi32, #tpu.memory_space<vmem>>
          %dma_start3A_1075 = arith.constant 0 : i32
          %dma_start3A_1076 = tpu.memref_slice %arg8[%dma_start3A_1075] : memref<500000xf32, #tpu.memory_space<hbm>> -> memref<500000xf32, #tpu.memory_space<hbm>>
          tpu.enqueue_indirect_dma source(%dma_start3A_1076 : memref<500000xf32, #tpu.memory_space<hbm>>) target(%dma_start3A_1072 : memref<128xf32, #tpu.memory_space<vmem>>) offsets(%dma_start3A_1074 : memref<128xi32, #tpu.memory_space<vmem>>) semaphore(%arg23 : memref<!tpu.dma_semaphore, #tpu.memory_space<semaphore_mem>>)
          %dma_start3A_1077 = tpu.memref_slice %arg17[%add3A_848, %multiple_of3A_680] : memref<18x640xf32, #tpu.memory_space<vmem>> -> memref<1x128xf32, #tpu.memory_space<vmem>>
          %dma_start3A_1078 = tpu.memref_squeeze %dma_start3A_1077 : memref<1x128xf32, #tpu.memory_space<vmem>> -> memref<128xf32, #tpu.memory_space<vmem>>
          %dma_start3A_1079 = tpu.memref_slice %arg16[%add3A_826, %multiple_of3A_680] : memref<9x640xi32, #tpu.memory_space<vmem>> -> memref<1x128xi32, #tpu.memory_space<vmem>>
          %dma_start3A_1080 = tpu.memref_squeeze %dma_start3A_1079 : memref<1x128xi32, #tpu.memory_space<vmem>> -> memref<128xi32, #tpu.memory_space<vmem>>
          %dma_start3A_1081 = arith.constant 0 : i32
          %dma_start3A_1082 = tpu.memref_slice %arg6[%dma_start3A_1081] : memref<500000xf32, #tpu.memory_space<hbm>> -> memref<500000xf32, #tpu.memory_space<hbm>>
          tpu.enqueue_indirect_dma source(%dma_start3A_1082 : memref<500000xf32, #tpu.memory_space<hbm>>) target(%dma_start3A_1078 : memref<128xf32, #tpu.memory_space<vmem>>) offsets(%dma_start3A_1080 : memref<128xi32, #tpu.memory_space<vmem>>) semaphore(%arg23 : memref<!tpu.dma_semaphore, #tpu.memory_space<semaphore_mem>>)
          %dma_start3A_1083 = tpu.memref_slice %arg17[%add3A_890, %multiple_of3A_680] : memref<18x640xf32, #tpu.memory_space<vmem>> -> memref<1x128xf32, #tpu.memory_space<vmem>>
          %dma_start3A_1084 = tpu.memref_squeeze %dma_start3A_1083 : memref<1x128xf32, #tpu.memory_space<vmem>> -> memref<128xf32, #tpu.memory_space<vmem>>
          %dma_start3A_1085 = tpu.memref_slice %arg16[%add3A_868, %multiple_of3A_680] : memref<9x640xi32, #tpu.memory_space<vmem>> -> memref<1x128xi32, #tpu.memory_space<vmem>>
          %dma_start3A_1086 = tpu.memref_squeeze %dma_start3A_1085 : memref<1x128xi32, #tpu.memory_space<vmem>> -> memref<128xi32, #tpu.memory_space<vmem>>
          %dma_start3A_1087 = arith.constant 0 : i32
          %dma_start3A_1088 = tpu.memref_slice %arg7[%dma_start3A_1087] : memref<500000xf32, #tpu.memory_space<hbm>> -> memref<500000xf32, #tpu.memory_space<hbm>>
          tpu.enqueue_indirect_dma source(%dma_start3A_1088 : memref<500000xf32, #tpu.memory_space<hbm>>) target(%dma_start3A_1084 : memref<128xf32, #tpu.memory_space<vmem>>) offsets(%dma_start3A_1086 : memref<128xi32, #tpu.memory_space<vmem>>) semaphore(%arg23 : memref<!tpu.dma_semaphore, #tpu.memory_space<semaphore_mem>>)
          %dma_start3A_1089 = tpu.memref_slice %arg17[%add3A_932, %multiple_of3A_680] : memref<18x640xf32, #tpu.memory_space<vmem>> -> memref<1x128xf32, #tpu.memory_space<vmem>>
          %dma_start3A_1090 = tpu.memref_squeeze %dma_start3A_1089 : memref<1x128xf32, #tpu.memory_space<vmem>> -> memref<128xf32, #tpu.memory_space<vmem>>
          %dma_start3A_1091 = tpu.memref_slice %arg16[%add3A_910, %multiple_of3A_680] : memref<9x640xi32, #tpu.memory_space<vmem>> -> memref<1x128xi32, #tpu.memory_space<vmem>>
          %dma_start3A_1092 = tpu.memref_squeeze %dma_start3A_1091 : memref<1x128xi32, #tpu.memory_space<vmem>> -> memref<128xi32, #tpu.memory_space<vmem>>
          %dma_start3A_1093 = arith.constant 0 : i32
          %dma_start3A_1094 = tpu.memref_slice %arg8[%dma_start3A_1093] : memref<500000xf32, #tpu.memory_space<hbm>> -> memref<500000xf32, #tpu.memory_space<hbm>>
          tpu.enqueue_indirect_dma source(%dma_start3A_1094 : memref<500000xf32, #tpu.memory_space<hbm>>) target(%dma_start3A_1090 : memref<128xf32, #tpu.memory_space<vmem>>) offsets(%dma_start3A_1092 : memref<128xi32, #tpu.memory_space<vmem>>) semaphore(%arg23 : memref<!tpu.dma_semaphore, #tpu.memory_space<semaphore_mem>>)
          %dma_start3A_1095 = tpu.memref_slice %arg17[%add3A_974, %multiple_of3A_680] : memref<18x640xf32, #tpu.memory_space<vmem>> -> memref<1x128xf32, #tpu.memory_space<vmem>>
          %dma_start3A_1096 = tpu.memref_squeeze %dma_start3A_1095 : memref<1x128xf32, #tpu.memory_space<vmem>> -> memref<128xf32, #tpu.memory_space<vmem>>
          %dma_start3A_1097 = tpu.memref_slice %arg16[%add3A_952, %multiple_of3A_680] : memref<9x640xi32, #tpu.memory_space<vmem>> -> memref<1x128xi32, #tpu.memory_space<vmem>>
          %dma_start3A_1098 = tpu.memref_squeeze %dma_start3A_1097 : memref<1x128xi32, #tpu.memory_space<vmem>> -> memref<128xi32, #tpu.memory_space<vmem>>
          %dma_start3A_1099 = arith.constant 0 : i32
          %dma_start3A_1100 = tpu.memref_slice %arg6[%dma_start3A_1099] : memref<500000xf32, #tpu.memory_space<hbm>> -> memref<500000xf32, #tpu.memory_space<hbm>>
          tpu.enqueue_indirect_dma source(%dma_start3A_1100 : memref<500000xf32, #tpu.memory_space<hbm>>) target(%dma_start3A_1096 : memref<128xf32, #tpu.memory_space<vmem>>) offsets(%dma_start3A_1098 : memref<128xi32, #tpu.memory_space<vmem>>) semaphore(%arg23 : memref<!tpu.dma_semaphore, #tpu.memory_space<semaphore_mem>>)
          %dma_start3A_1101 = tpu.memref_slice %arg17[%add3A_1016, %multiple_of3A_680] : memref<18x640xf32, #tpu.memory_space<vmem>> -> memref<1x128xf32, #tpu.memory_space<vmem>>
          %dma_start3A_1102 = tpu.memref_squeeze %dma_start3A_1101 : memref<1x128xf32, #tpu.memory_space<vmem>> -> memref<128xf32, #tpu.memory_space<vmem>>
          %dma_start3A_1103 = tpu.memref_slice %arg16[%add3A_994, %multiple_of3A_680] : memref<9x640xi32, #tpu.memory_space<vmem>> -> memref<1x128xi32, #tpu.memory_space<vmem>>
          %dma_start3A_1104 = tpu.memref_squeeze %dma_start3A_1103 : memref<1x128xi32, #tpu.memory_space<vmem>> -> memref<128xi32, #tpu.memory_space<vmem>>
          %dma_start3A_1105 = arith.constant 0 : i32
          %dma_start3A_1106 = tpu.memref_slice %arg7[%dma_start3A_1105] : memref<500000xf32, #tpu.memory_space<hbm>> -> memref<500000xf32, #tpu.memory_space<hbm>>
          tpu.enqueue_indirect_dma source(%dma_start3A_1106 : memref<500000xf32, #tpu.memory_space<hbm>>) target(%dma_start3A_1102 : memref<128xf32, #tpu.memory_space<vmem>>) offsets(%dma_start3A_1104 : memref<128xi32, #tpu.memory_space<vmem>>) semaphore(%arg23 : memref<!tpu.dma_semaphore, #tpu.memory_space<semaphore_mem>>)
          %dma_start3A_1107 = tpu.memref_slice %arg17[%add3A_1058, %multiple_of3A_680] : memref<18x640xf32, #tpu.memory_space<vmem>> -> memref<1x128xf32, #tpu.memory_space<vmem>>
          %dma_start3A_1108 = tpu.memref_squeeze %dma_start3A_1107 : memref<1x128xf32, #tpu.memory_space<vmem>> -> memref<128xf32, #tpu.memory_space<vmem>>
          %dma_start3A_1109 = tpu.memref_slice %arg16[%add3A_1036, %multiple_of3A_680] : memref<9x640xi32, #tpu.memory_space<vmem>> -> memref<1x128xi32, #tpu.memory_space<vmem>>
          %dma_start3A_1110 = tpu.memref_squeeze %dma_start3A_1109 : memref<1x128xi32, #tpu.memory_space<vmem>> -> memref<128xi32, #tpu.memory_space<vmem>>
          %dma_start3A_1111 = arith.constant 0 : i32
          %dma_start3A_1112 = tpu.memref_slice %arg8[%dma_start3A_1111] : memref<500000xf32, #tpu.memory_space<hbm>> -> memref<500000xf32, #tpu.memory_space<hbm>>
          tpu.enqueue_indirect_dma source(%dma_start3A_1112 : memref<500000xf32, #tpu.memory_space<hbm>>) target(%dma_start3A_1108 : memref<128xf32, #tpu.memory_space<vmem>>) offsets(%dma_start3A_1110 : memref<128xi32, #tpu.memory_space<vmem>>) semaphore(%arg23 : memref<!tpu.dma_semaphore, #tpu.memory_space<semaphore_mem>>)
        }
        %scan3A_584 = arith.constant 5 : i32
        %add3A_585 = arith.constant 1 : i32
        %add3A_586 = arith.addi %while3A_336, %add3A_585 : i32
        %mul3A_587 = arith.constant 32 : i32
        %mul3A_588 = arith.muli %add3A_586, %mul3A_587 : i32
        %add3A_589 = arith.addi %add3A, %mul3A_588 : i32
        %mul3A_590 = arith.constant 640 : i32
        %mul3A_591 = arith.muli %add3A_589, %mul3A_590 : i32
        %multiple_of3A_592 = tpu.assume_multiple %mul3A_591, 640 : i32
        %jit3A_593 = arith.constant 2 : i32
        %eq3A_594 = arith.constant 0 : i32
        %eq3A_595 = arith.cmpi eq, %jit3A_593, %eq3A_594 : i32
        %jit3A_596 = arith.constant 1 : i32
        %select_n3A_597 = arith.select %eq3A_595, %jit3A_596, %jit3A_593 : i32
        %rem3A_598 = arith.remsi %add3A_586, %select_n3A_597 : i32
        %ne3A_599 = arith.constant 0 : i32
        %ne3A_600 = arith.cmpi ne, %rem3A_598, %ne3A_599 : i32
        %lt3A_601 = arith.constant 0 : i32
        %lt3A_602 = arith.cmpi slt, %rem3A_598, %lt3A_601 : i32
        %lt3A_603 = arith.constant 0 : i32
        %lt3A_604 = arith.cmpi slt, %select_n3A_597, %lt3A_603 : i32
        %ne3A_605 = arith.xori %lt3A_602, %lt3A_604 : i1
        %and3A_606 = arith.andi %ne3A_605, %ne3A_600 : i1
        %add3A_607 = arith.addi %rem3A_598, %select_n3A_597 : i32
        %select_n3A_608 = arith.select %and3A_606, %add3A_607, %rem3A_598 : i32
        %mul3A_609 = arith.constant 3 : i32
        %mul3A_610 = arith.muli %select_n3A_608, %mul3A_609 : i32
        %add3A_611 = arith.constant 0 : i32
        %add3A_612 = arith.addi %mul3A_610, %add3A_611 : i32
        %jit3A_613 = arith.constant 2 : i32
        %eq3A_614 = arith.constant 0 : i32
        %eq3A_615 = arith.cmpi eq, %jit3A_613, %eq3A_614 : i32
        %jit3A_616 = arith.constant 1 : i32
        %select_n3A_617 = arith.select %eq3A_615, %jit3A_616, %jit3A_613 : i32
        %rem3A_618 = arith.remsi %add3A_586, %select_n3A_617 : i32
        %ne3A_619 = arith.constant 0 : i32
        %ne3A_620 = arith.cmpi ne, %rem3A_618, %ne3A_619 : i32
        %lt3A_621 = arith.constant 0 : i32
        %lt3A_622 = arith.cmpi slt, %rem3A_618, %lt3A_621 : i32
        %lt3A_623 = arith.constant 0 : i32
        %lt3A_624 = arith.cmpi slt, %select_n3A_617, %lt3A_623 : i32
        %ne3A_625 = arith.xori %lt3A_622, %lt3A_624 : i1
        %and3A_626 = arith.andi %ne3A_625, %ne3A_620 : i1
        %add3A_627 = arith.addi %rem3A_618, %select_n3A_617 : i32
        %select_n3A_628 = arith.select %and3A_626, %add3A_627, %rem3A_618 : i32
        %mul3A_629 = arith.constant 3 : i32
        %mul3A_630 = arith.muli %select_n3A_628, %mul3A_629 : i32
        %add3A_631 = arith.constant 1 : i32
        %add3A_632 = arith.addi %mul3A_630, %add3A_631 : i32
        %jit3A_633 = arith.constant 2 : i32
        %eq3A_634 = arith.constant 0 : i32
        %eq3A_635 = arith.cmpi eq, %jit3A_633, %eq3A_634 : i32
        %jit3A_636 = arith.constant 1 : i32
        %select_n3A_637 = arith.select %eq3A_635, %jit3A_636, %jit3A_633 : i32
        %rem3A_638 = arith.remsi %add3A_586, %select_n3A_637 : i32
        %ne3A_639 = arith.constant 0 : i32
        %ne3A_640 = arith.cmpi ne, %rem3A_638, %ne3A_639 : i32
        %lt3A_641 = arith.constant 0 : i32
        %lt3A_642 = arith.cmpi slt, %rem3A_638, %lt3A_641 : i32
        %lt3A_643 = arith.constant 0 : i32
        %lt3A_644 = arith.cmpi slt, %select_n3A_637, %lt3A_643 : i32
        %ne3A_645 = arith.xori %lt3A_642, %lt3A_644 : i1
        %and3A_646 = arith.andi %ne3A_645, %ne3A_640 : i1
        %add3A_647 = arith.addi %rem3A_638, %select_n3A_637 : i32
        %select_n3A_648 = arith.select %and3A_646, %add3A_647, %rem3A_638 : i32
        %mul3A_649 = arith.constant 3 : i32
        %mul3A_650 = arith.muli %select_n3A_648, %mul3A_649 : i32
        %add3A_651 = arith.constant 2 : i32
        %add3A_652 = arith.addi %mul3A_650, %add3A_651 : i32
        %dma_start3A_653 = arith.constant 0 : i32
        %dma_start3A_654 = tpu.memref_slice %arg18[%add3A_612, %dma_start3A_653] : memref<6x640xf32, #tpu.memory_space<vmem>> -> memref<1x640xf32, #tpu.memory_space<vmem>>
        %dma_start3A_655 = tpu.memref_squeeze %dma_start3A_654 : memref<1x640xf32, #tpu.memory_space<vmem>> -> memref<640xf32, #tpu.memory_space<vmem>>
        %dma_start3A_656 = tpu.memref_slice %arg9[%multiple_of3A_592] : memref<2000000xf32, #tpu.memory_space<hbm>> -> memref<640xf32, #tpu.memory_space<hbm>>
        %dma_start3A_657 = arith.constant 0 : i32
        %dma_start3A_658 = tpu.memref_slice %arg18[%add3A_612, %dma_start3A_657] : memref<6x640xf32, #tpu.memory_space<vmem>> -> memref<1x640xf32, #tpu.memory_space<vmem>>
        %dma_start3A_659 = tpu.memref_squeeze %dma_start3A_658 : memref<1x640xf32, #tpu.memory_space<vmem>> -> memref<640xf32, #tpu.memory_space<vmem>>
        %dma_start3A_660 = tpu.memref_slice %arg9[%multiple_of3A_592] : memref<2000000xf32, #tpu.memory_space<hbm>> -> memref<640xf32, #tpu.memory_space<hbm>>
        tpu.enqueue_dma source(%dma_start3A_660 : memref<640xf32, #tpu.memory_space<hbm>>) target(%dma_start3A_659 : memref<640xf32, #tpu.memory_space<vmem>>) target_semaphore(%arg21 : memref<!tpu.dma_semaphore, #tpu.memory_space<semaphore_mem>>)
        %dma_start3A_661 = arith.constant 0 : i32
        %dma_start3A_662 = tpu.memref_slice %arg18[%add3A_632, %dma_start3A_661] : memref<6x640xf32, #tpu.memory_space<vmem>> -> memref<1x640xf32, #tpu.memory_space<vmem>>
        %dma_start3A_663 = tpu.memref_squeeze %dma_start3A_662 : memref<1x640xf32, #tpu.memory_space<vmem>> -> memref<640xf32, #tpu.memory_space<vmem>>
        %dma_start3A_664 = tpu.memref_slice %arg10[%multiple_of3A_592] : memref<2000000xf32, #tpu.memory_space<hbm>> -> memref<640xf32, #tpu.memory_space<hbm>>
        %dma_start3A_665 = arith.constant 0 : i32
        %dma_start3A_666 = tpu.memref_slice %arg18[%add3A_632, %dma_start3A_665] : memref<6x640xf32, #tpu.memory_space<vmem>> -> memref<1x640xf32, #tpu.memory_space<vmem>>
        %dma_start3A_667 = tpu.memref_squeeze %dma_start3A_666 : memref<1x640xf32, #tpu.memory_space<vmem>> -> memref<640xf32, #tpu.memory_space<vmem>>
        %dma_start3A_668 = tpu.memref_slice %arg10[%multiple_of3A_592] : memref<2000000xf32, #tpu.memory_space<hbm>> -> memref<640xf32, #tpu.memory_space<hbm>>
        tpu.enqueue_dma source(%dma_start3A_668 : memref<640xf32, #tpu.memory_space<hbm>>) target(%dma_start3A_667 : memref<640xf32, #tpu.memory_space<vmem>>) target_semaphore(%arg21 : memref<!tpu.dma_semaphore, #tpu.memory_space<semaphore_mem>>)
        %dma_start3A_669 = arith.constant 0 : i32
        %dma_start3A_670 = tpu.memref_slice %arg18[%add3A_652, %dma_start3A_669] : memref<6x640xf32, #tpu.memory_space<vmem>> -> memref<1x640xf32, #tpu.memory_space<vmem>>
        %dma_start3A_671 = tpu.memref_squeeze %dma_start3A_670 : memref<1x640xf32, #tpu.memory_space<vmem>> -> memref<640xf32, #tpu.memory_space<vmem>>
        %dma_start3A_672 = tpu.memref_slice %arg11[%multiple_of3A_592] : memref<2000000xf32, #tpu.memory_space<hbm>> -> memref<640xf32, #tpu.memory_space<hbm>>
        %dma_start3A_673 = arith.constant 0 : i32
        %dma_start3A_674 = tpu.memref_slice %arg18[%add3A_652, %dma_start3A_673] : memref<6x640xf32, #tpu.memory_space<vmem>> -> memref<1x640xf32, #tpu.memory_space<vmem>>
        %dma_start3A_675 = tpu.memref_squeeze %dma_start3A_674 : memref<1x640xf32, #tpu.memory_space<vmem>> -> memref<640xf32, #tpu.memory_space<vmem>>
        %dma_start3A_676 = tpu.memref_slice %arg11[%multiple_of3A_592] : memref<2000000xf32, #tpu.memory_space<hbm>> -> memref<640xf32, #tpu.memory_space<hbm>>
        tpu.enqueue_dma source(%dma_start3A_676 : memref<640xf32, #tpu.memory_space<hbm>>) target(%dma_start3A_675 : memref<640xf32, #tpu.memory_space<vmem>>) target_semaphore(%arg21 : memref<!tpu.dma_semaphore, #tpu.memory_space<semaphore_mem>>)
      } else {
      }
      %add3A_357 = arith.constant 2 : i32
      %add3A_358 = arith.addi %while3A_336, %add3A_357 : i32
      %lt3A_359 = arith.cmpi slt, %add3A_358, %select_n3A : i32
      %convert_element_type3A_360 = arith.extui %lt3A_359 : i1 to i32
      %cond3A_361 = arith.constant 0 : i32
      %cond3A_362 = arith.cmpi ne, %convert_element_type3A_360, %cond3A_361 : i32
      scf.if %cond3A_362 {
        %add3A_569 = arith.constant 2 : i32
        %add3A_570 = arith.addi %while3A_336, %add3A_569 : i32
        %mul3A_571 = arith.constant 32 : i32
        %mul3A_572 = arith.muli %add3A_570, %mul3A_571 : i32
        %add3A_573 = arith.addi %add3A, %mul3A_572 : i32
        %mul3A_574 = arith.constant 640 : i32
        %mul3A_575 = arith.muli %add3A_573, %mul3A_574 : i32
        %multiple_of3A_576 = tpu.assume_multiple %mul3A_575, 640 : i32
        %jit3A_577 = arith.constant 2 : i32
        %eq3A_578 = arith.constant 0 : i32
        %eq3A_579 = arith.cmpi eq, %jit3A_577, %eq3A_578 : i32
        %jit3A_580 = arith.constant 1 : i32
        %select_n3A_581 = arith.select %eq3A_579, %jit3A_580, %jit3A_577 : i32
        %rem3A_582 = arith.remsi %add3A_570, %select_n3A_581 : i32
        %ne3A_583 = arith.constant 0 : i32
        %ne3A_584 = arith.cmpi ne, %rem3A_582, %ne3A_583 : i32
        %lt3A_585 = arith.constant 0 : i32
        %lt3A_586 = arith.cmpi slt, %rem3A_582, %lt3A_585 : i32
        %lt3A_587 = arith.constant 0 : i32
        %lt3A_588 = arith.cmpi slt, %select_n3A_581, %lt3A_587 : i32
        %ne3A_589 = arith.xori %lt3A_586, %lt3A_588 : i1
        %and3A_590 = arith.andi %ne3A_589, %ne3A_584 : i1
        %add3A_591 = arith.addi %rem3A_582, %select_n3A_581 : i32
        %select_n3A_592 = arith.select %and3A_590, %add3A_591, %rem3A_582 : i32
        %dma_wait3A_593 = arith.constant 0 : i32
        %dma_wait3A_594 = tpu.memref_slice %arg15[%select_n3A_592, %dma_wait3A_593] : memref<2x640xi32, #tpu.memory_space<vmem>> -> memref<1x640xi32, #tpu.memory_space<vmem>>
        %dma_wait3A_595 = tpu.memref_squeeze %dma_wait3A_594 : memref<1x640xi32, #tpu.memory_space<vmem>> -> memref<640xi32, #tpu.memory_space<vmem>>
        %dma_wait3A_596 = tpu.memref_slice %arg2[%multiple_of3A_576] : memref<2000000xi32, #tpu.memory_space<hbm>> -> memref<640xi32, #tpu.memory_space<hbm>>
        %dma_wait3A_597 = arith.constant 0 : i32
        %dma_wait3A_598 = tpu.memref_slice %arg15[%select_n3A_592, %dma_wait3A_597] : memref<2x640xi32, #tpu.memory_space<vmem>> -> memref<1x640xi32, #tpu.memory_space<vmem>>
        %dma_wait3A_599 = tpu.memref_squeeze %dma_wait3A_598 : memref<1x640xi32, #tpu.memory_space<vmem>> -> memref<640xi32, #tpu.memory_space<vmem>>
        %dma_wait3A_600 = tpu.memref_slice %arg2[%multiple_of3A_576] : memref<2000000xi32, #tpu.memory_space<hbm>> -> memref<640xi32, #tpu.memory_space<hbm>>
        tpu.wait_dma2 semaphore(%arg20 : memref<!tpu.dma_semaphore, #tpu.memory_space<semaphore_mem>>) src(%dma_wait3A_600 : memref<640xi32, #tpu.memory_space<hbm>>) dst(%dma_wait3A_599 : memref<640xi32, #tpu.memory_space<vmem>>)
        %add3A_601 = arith.constant 2 : i32
        %add3A_602 = arith.addi %while3A_336, %add3A_601 : i32
        %scan3A_603 = arith.constant 0 : i32
        %scan3A_604 = arith.constant 0 : i32
        %scan3A_605 = arith.constant 5 : i32
        %scan3A_606 = arith.addi %scan3A_604, %scan3A_605 : i32
        %scan3A_607 = arith.constant 1 : i32
        scf.for %scan3A_609 = %scan3A_604 to %scan3A_606 step %scan3A_607  : i32 {
          %mul3A_610 = arith.constant 128 : i32
          %mul3A_611 = arith.muli %scan3A_609, %mul3A_610 : i32
          %multiple_of3A_612 = tpu.assume_multiple %mul3A_611, 128 : i32
          %jit3A_613 = arith.constant 2 : i32
          %eq3A_614 = arith.constant 0 : i32
          %eq3A_615 = arith.cmpi eq, %jit3A_613, %eq3A_614 : i32
          %jit3A_616 = arith.constant 1 : i32
          %select_n3A_617 = arith.select %eq3A_615, %jit3A_616, %jit3A_613 : i32
          %rem3A_618 = arith.remsi %add3A_602, %select_n3A_617 : i32
          %ne3A_619 = arith.constant 0 : i32
          %ne3A_620 = arith.cmpi ne, %rem3A_618, %ne3A_619 : i32
          %lt3A_621 = arith.constant 0 : i32
          %lt3A_622 = arith.cmpi slt, %rem3A_618, %lt3A_621 : i32
          %lt3A_623 = arith.constant 0 : i32
          %lt3A_624 = arith.cmpi slt, %select_n3A_617, %lt3A_623 : i32
          %ne3A_625 = arith.xori %lt3A_622, %lt3A_624 : i1
          %and3A_626 = arith.andi %ne3A_625, %ne3A_620 : i1
          %add3A_627 = arith.addi %rem3A_618, %select_n3A_617 : i32
          %select_n3A_628 = arith.select %and3A_626, %add3A_627, %rem3A_618 : i32
          %jit3A_629 = arith.constant 3 : i32
          %eq3A_630 = arith.constant 0 : i32
          %eq3A_631 = arith.cmpi eq, %jit3A_629, %eq3A_630 : i32
          %jit3A_632 = arith.constant 1 : i32
          %select_n3A_633 = arith.select %eq3A_631, %jit3A_632, %jit3A_629 : i32
          %rem3A_634 = arith.remsi %add3A_602, %select_n3A_633 : i32
          %ne3A_635 = arith.constant 0 : i32
          %ne3A_636 = arith.cmpi ne, %rem3A_634, %ne3A_635 : i32
          %lt3A_637 = arith.constant 0 : i32
          %lt3A_638 = arith.cmpi slt, %rem3A_634, %lt3A_637 : i32
          %lt3A_639 = arith.constant 0 : i32
          %lt3A_640 = arith.cmpi slt, %select_n3A_633, %lt3A_639 : i32
          %ne3A_641 = arith.xori %lt3A_638, %lt3A_640 : i1
          %and3A_642 = arith.andi %ne3A_641, %ne3A_636 : i1
          %add3A_643 = arith.addi %rem3A_634, %select_n3A_633 : i32
          %select_n3A_644 = arith.select %and3A_642, %add3A_643, %rem3A_634 : i32
          %mul3A_645 = arith.constant 3 : i32
          %mul3A_646 = arith.muli %select_n3A_644, %mul3A_645 : i32
          %add3A_647 = arith.constant 0 : i32
          %add3A_648 = arith.addi %mul3A_646, %add3A_647 : i32
          %jit3A_649 = arith.constant 2 : i32
          %eq3A_650 = arith.constant 0 : i32
          %eq3A_651 = arith.cmpi eq, %jit3A_649, %eq3A_650 : i32
          %jit3A_652 = arith.constant 1 : i32
          %select_n3A_653 = arith.select %eq3A_651, %jit3A_652, %jit3A_649 : i32
          %rem3A_654 = arith.remsi %add3A_602, %select_n3A_653 : i32
          %ne3A_655 = arith.constant 0 : i32
          %ne3A_656 = arith.cmpi ne, %rem3A_654, %ne3A_655 : i32
          %lt3A_657 = arith.constant 0 : i32
          %lt3A_658 = arith.cmpi slt, %rem3A_654, %lt3A_657 : i32
          %lt3A_659 = arith.constant 0 : i32
          %lt3A_660 = arith.cmpi slt, %select_n3A_653, %lt3A_659 : i32
          %ne3A_661 = arith.xori %lt3A_658, %lt3A_660 : i1
          %and3A_662 = arith.andi %ne3A_661, %ne3A_656 : i1
          %add3A_663 = arith.addi %rem3A_654, %select_n3A_653 : i32
          %select_n3A_664 = arith.select %and3A_662, %add3A_663, %rem3A_654 : i32
          %jit3A_665 = arith.constant 3 : i32
          %eq3A_666 = arith.constant 0 : i32
          %eq3A_667 = arith.cmpi eq, %jit3A_665, %eq3A_666 : i32
          %jit3A_668 = arith.constant 1 : i32
          %select_n3A_669 = arith.select %eq3A_667, %jit3A_668, %jit3A_665 : i32
          %rem3A_670 = arith.remsi %add3A_602, %select_n3A_669 : i32
          %ne3A_671 = arith.constant 0 : i32
          %ne3A_672 = arith.cmpi ne, %rem3A_670, %ne3A_671 : i32
          %lt3A_673 = arith.constant 0 : i32
          %lt3A_674 = arith.cmpi slt, %rem3A_670, %lt3A_673 : i32
          %lt3A_675 = arith.constant 0 : i32
          %lt3A_676 = arith.cmpi slt, %select_n3A_669, %lt3A_675 : i32
          %ne3A_677 = arith.xori %lt3A_674, %lt3A_676 : i1
          %and3A_678 = arith.andi %ne3A_677, %ne3A_672 : i1
          %add3A_679 = arith.addi %rem3A_670, %select_n3A_669 : i32
          %select_n3A_680 = arith.select %and3A_678, %add3A_679, %rem3A_670 : i32
          %mul3A_681 = arith.constant 3 : i32
          %mul3A_682 = arith.muli %select_n3A_680, %mul3A_681 : i32
          %add3A_683 = arith.constant 1 : i32
          %add3A_684 = arith.addi %mul3A_682, %add3A_683 : i32
          %jit3A_685 = arith.constant 2 : i32
          %eq3A_686 = arith.constant 0 : i32
          %eq3A_687 = arith.cmpi eq, %jit3A_685, %eq3A_686 : i32
          %jit3A_688 = arith.constant 1 : i32
          %select_n3A_689 = arith.select %eq3A_687, %jit3A_688, %jit3A_685 : i32
          %rem3A_690 = arith.remsi %add3A_602, %select_n3A_689 : i32
          %ne3A_691 = arith.constant 0 : i32
          %ne3A_692 = arith.cmpi ne, %rem3A_690, %ne3A_691 : i32
          %lt3A_693 = arith.constant 0 : i32
          %lt3A_694 = arith.cmpi slt, %rem3A_690, %lt3A_693 : i32
          %lt3A_695 = arith.constant 0 : i32
          %lt3A_696 = arith.cmpi slt, %select_n3A_689, %lt3A_695 : i32
          %ne3A_697 = arith.xori %lt3A_694, %lt3A_696 : i1
          %and3A_698 = arith.andi %ne3A_697, %ne3A_692 : i1
          %add3A_699 = arith.addi %rem3A_690, %select_n3A_689 : i32
          %select_n3A_700 = arith.select %and3A_698, %add3A_699, %rem3A_690 : i32
          %jit3A_701 = arith.constant 3 : i32
          %eq3A_702 = arith.constant 0 : i32
          %eq3A_703 = arith.cmpi eq, %jit3A_701, %eq3A_702 : i32
          %jit3A_704 = arith.constant 1 : i32
          %select_n3A_705 = arith.select %eq3A_703, %jit3A_704, %jit3A_701 : i32
          %rem3A_706 = arith.remsi %add3A_602, %select_n3A_705 : i32
          %ne3A_707 = arith.constant 0 : i32
          %ne3A_708 = arith.cmpi ne, %rem3A_706, %ne3A_707 : i32
          %lt3A_709 = arith.constant 0 : i32
          %lt3A_710 = arith.cmpi slt, %rem3A_706, %lt3A_709 : i32
          %lt3A_711 = arith.constant 0 : i32
          %lt3A_712 = arith.cmpi slt, %select_n3A_705, %lt3A_711 : i32
          %ne3A_713 = arith.xori %lt3A_710, %lt3A_712 : i1
          %and3A_714 = arith.andi %ne3A_713, %ne3A_708 : i1
          %add3A_715 = arith.addi %rem3A_706, %select_n3A_705 : i32
          %select_n3A_716 = arith.select %and3A_714, %add3A_715, %rem3A_706 : i32
          %mul3A_717 = arith.constant 3 : i32
          %mul3A_718 = arith.muli %select_n3A_716, %mul3A_717 : i32
          %add3A_719 = arith.constant 2 : i32
          %add3A_720 = arith.addi %mul3A_718, %add3A_719 : i32
          %dma_start3A_721 = tpu.memref_slice %arg16[%add3A_648, %multiple_of3A_612] : memref<9x640xi32, #tpu.memory_space<vmem>> -> memref<1x128xi32, #tpu.memory_space<vmem>>
          %dma_start3A_722 = tpu.memref_squeeze %dma_start3A_721 : memref<1x128xi32, #tpu.memory_space<vmem>> -> memref<128xi32, #tpu.memory_space<vmem>>
          %dma_start3A_723 = tpu.memref_slice %arg15[%select_n3A_628, %multiple_of3A_612] : memref<2x640xi32, #tpu.memory_space<vmem>> -> memref<1x128xi32, #tpu.memory_space<vmem>>
          %dma_start3A_724 = tpu.memref_squeeze %dma_start3A_723 : memref<1x128xi32, #tpu.memory_space<vmem>> -> memref<128xi32, #tpu.memory_space<vmem>>
          %dma_start3A_725 = arith.constant 0 : i32
          %dma_start3A_726 = tpu.memref_slice %arg3[%dma_start3A_725] : memref<1000000xi32, #tpu.memory_space<hbm>> -> memref<1000000xi32, #tpu.memory_space<hbm>>
          tpu.enqueue_indirect_dma source(%dma_start3A_726 : memref<1000000xi32, #tpu.memory_space<hbm>>) target(%dma_start3A_722 : memref<128xi32, #tpu.memory_space<vmem>>) offsets(%dma_start3A_724 : memref<128xi32, #tpu.memory_space<vmem>>) semaphore(%arg22 : memref<!tpu.dma_semaphore, #tpu.memory_space<semaphore_mem>>)
          %dma_start3A_727 = tpu.memref_slice %arg16[%add3A_684, %multiple_of3A_612] : memref<9x640xi32, #tpu.memory_space<vmem>> -> memref<1x128xi32, #tpu.memory_space<vmem>>
          %dma_start3A_728 = tpu.memref_squeeze %dma_start3A_727 : memref<1x128xi32, #tpu.memory_space<vmem>> -> memref<128xi32, #tpu.memory_space<vmem>>
          %dma_start3A_729 = tpu.memref_slice %arg15[%select_n3A_664, %multiple_of3A_612] : memref<2x640xi32, #tpu.memory_space<vmem>> -> memref<1x128xi32, #tpu.memory_space<vmem>>
          %dma_start3A_730 = tpu.memref_squeeze %dma_start3A_729 : memref<1x128xi32, #tpu.memory_space<vmem>> -> memref<128xi32, #tpu.memory_space<vmem>>
          %dma_start3A_731 = arith.constant 0 : i32
          %dma_start3A_732 = tpu.memref_slice %arg4[%dma_start3A_731] : memref<1000000xi32, #tpu.memory_space<hbm>> -> memref<1000000xi32, #tpu.memory_space<hbm>>
          tpu.enqueue_indirect_dma source(%dma_start3A_732 : memref<1000000xi32, #tpu.memory_space<hbm>>) target(%dma_start3A_728 : memref<128xi32, #tpu.memory_space<vmem>>) offsets(%dma_start3A_730 : memref<128xi32, #tpu.memory_space<vmem>>) semaphore(%arg22 : memref<!tpu.dma_semaphore, #tpu.memory_space<semaphore_mem>>)
          %dma_start3A_733 = tpu.memref_slice %arg16[%add3A_720, %multiple_of3A_612] : memref<9x640xi32, #tpu.memory_space<vmem>> -> memref<1x128xi32, #tpu.memory_space<vmem>>
          %dma_start3A_734 = tpu.memref_squeeze %dma_start3A_733 : memref<1x128xi32, #tpu.memory_space<vmem>> -> memref<128xi32, #tpu.memory_space<vmem>>
          %dma_start3A_735 = tpu.memref_slice %arg15[%select_n3A_700, %multiple_of3A_612] : memref<2x640xi32, #tpu.memory_space<vmem>> -> memref<1x128xi32, #tpu.memory_space<vmem>>
          %dma_start3A_736 = tpu.memref_squeeze %dma_start3A_735 : memref<1x128xi32, #tpu.memory_space<vmem>> -> memref<128xi32, #tpu.memory_space<vmem>>
          %dma_start3A_737 = arith.constant 0 : i32
          %dma_start3A_738 = tpu.memref_slice %arg5[%dma_start3A_737] : memref<1000000xi32, #tpu.memory_space<hbm>> -> memref<1000000xi32, #tpu.memory_space<hbm>>
          tpu.enqueue_indirect_dma source(%dma_start3A_738 : memref<1000000xi32, #tpu.memory_space<hbm>>) target(%dma_start3A_734 : memref<128xi32, #tpu.memory_space<vmem>>) offsets(%dma_start3A_736 : memref<128xi32, #tpu.memory_space<vmem>>) semaphore(%arg22 : memref<!tpu.dma_semaphore, #tpu.memory_space<semaphore_mem>>)
        }
        %scan3A_608 = arith.constant 5 : i32
      } else {
      }
      %add3A_363 = arith.constant 3 : i32
      %add3A_364 = arith.addi %while3A_336, %add3A_363 : i32
      %lt3A_365 = arith.cmpi slt, %add3A_364, %select_n3A : i32
      %convert_element_type3A_366 = arith.extui %lt3A_365 : i1 to i32
      %cond3A_367 = arith.constant 0 : i32
      %cond3A_368 = arith.cmpi ne, %convert_element_type3A_366, %cond3A_367 : i32
      scf.if %cond3A_368 {
        %add3A_569 = arith.constant 3 : i32
        %add3A_570 = arith.addi %while3A_336, %add3A_569 : i32
        %mul3A_571 = arith.constant 32 : i32
        %mul3A_572 = arith.muli %add3A_570, %mul3A_571 : i32
        %add3A_573 = arith.addi %add3A, %mul3A_572 : i32
        %mul3A_574 = arith.constant 640 : i32
        %mul3A_575 = arith.muli %add3A_573, %mul3A_574 : i32
        %multiple_of3A_576 = tpu.assume_multiple %mul3A_575, 640 : i32
        %jit3A_577 = arith.constant 2 : i32
        %eq3A_578 = arith.constant 0 : i32
        %eq3A_579 = arith.cmpi eq, %jit3A_577, %eq3A_578 : i32
        %jit3A_580 = arith.constant 1 : i32
        %select_n3A_581 = arith.select %eq3A_579, %jit3A_580, %jit3A_577 : i32
        %rem3A_582 = arith.remsi %add3A_570, %select_n3A_581 : i32
        %ne3A_583 = arith.constant 0 : i32
        %ne3A_584 = arith.cmpi ne, %rem3A_582, %ne3A_583 : i32
        %lt3A_585 = arith.constant 0 : i32
        %lt3A_586 = arith.cmpi slt, %rem3A_582, %lt3A_585 : i32
        %lt3A_587 = arith.constant 0 : i32
        %lt3A_588 = arith.cmpi slt, %select_n3A_581, %lt3A_587 : i32
        %ne3A_589 = arith.xori %lt3A_586, %lt3A_588 : i1
        %and3A_590 = arith.andi %ne3A_589, %ne3A_584 : i1
        %add3A_591 = arith.addi %rem3A_582, %select_n3A_581 : i32
        %select_n3A_592 = arith.select %and3A_590, %add3A_591, %rem3A_582 : i32
        %dma_start3A_593 = arith.constant 0 : i32
        %dma_start3A_594 = tpu.memref_slice %arg15[%select_n3A_592, %dma_start3A_593] : memref<2x640xi32, #tpu.memory_space<vmem>> -> memref<1x640xi32, #tpu.memory_space<vmem>>
        %dma_start3A_595 = tpu.memref_squeeze %dma_start3A_594 : memref<1x640xi32, #tpu.memory_space<vmem>> -> memref<640xi32, #tpu.memory_space<vmem>>
        %dma_start3A_596 = tpu.memref_slice %arg2[%multiple_of3A_576] : memref<2000000xi32, #tpu.memory_space<hbm>> -> memref<640xi32, #tpu.memory_space<hbm>>
        %dma_start3A_597 = arith.constant 0 : i32
        %dma_start3A_598 = tpu.memref_slice %arg15[%select_n3A_592, %dma_start3A_597] : memref<2x640xi32, #tpu.memory_space<vmem>> -> memref<1x640xi32, #tpu.memory_space<vmem>>
        %dma_start3A_599 = tpu.memref_squeeze %dma_start3A_598 : memref<1x640xi32, #tpu.memory_space<vmem>> -> memref<640xi32, #tpu.memory_space<vmem>>
        %dma_start3A_600 = tpu.memref_slice %arg2[%multiple_of3A_576] : memref<2000000xi32, #tpu.memory_space<hbm>> -> memref<640xi32, #tpu.memory_space<hbm>>
        tpu.enqueue_dma source(%dma_start3A_600 : memref<640xi32, #tpu.memory_space<hbm>>) target(%dma_start3A_599 : memref<640xi32, #tpu.memory_space<vmem>>) target_semaphore(%arg20 : memref<!tpu.dma_semaphore, #tpu.memory_space<semaphore_mem>>)
      } else {
      }
      %scan3A_369 = arith.constant 0 : i32
      %scan3A_370 = arith.constant 0 : i32
      %scan3A_371 = arith.constant 5 : i32
      %scan3A_372 = arith.addi %scan3A_370, %scan3A_371 : i32
      %scan3A_373 = arith.constant 1 : i32
      scf.for %scan3A_569 = %scan3A_370 to %scan3A_372 step %scan3A_373  : i32 {
        %mul3A_570 = arith.constant 128 : i32
        %mul3A_571 = arith.muli %scan3A_569, %mul3A_570 : i32
        %multiple_of3A_572 = tpu.assume_multiple %mul3A_571, 128 : i32
        %jit3A_573 = arith.constant 3 : i32
        %eq3A_574 = arith.constant 0 : i32
        %eq3A_575 = arith.cmpi eq, %jit3A_573, %eq3A_574 : i32
        %jit3A_576 = arith.constant 1 : i32
        %select_n3A_577 = arith.select %eq3A_575, %jit3A_576, %jit3A_573 : i32
        %rem3A_578 = arith.remsi %while3A_336, %select_n3A_577 : i32
        %ne3A_579 = arith.constant 0 : i32
        %ne3A_580 = arith.cmpi ne, %rem3A_578, %ne3A_579 : i32
        %lt3A_581 = arith.constant 0 : i32
        %lt3A_582 = arith.cmpi slt, %rem3A_578, %lt3A_581 : i32
        %lt3A_583 = arith.constant 0 : i32
        %lt3A_584 = arith.cmpi slt, %select_n3A_577, %lt3A_583 : i32
        %ne3A_585 = arith.xori %lt3A_582, %lt3A_584 : i1
        %and3A_586 = arith.andi %ne3A_585, %ne3A_580 : i1
        %add3A_587 = arith.addi %rem3A_578, %select_n3A_577 : i32
        %select_n3A_588 = arith.select %and3A_586, %add3A_587, %rem3A_578 : i32
        %mul3A_589 = arith.constant 3 : i32
        %mul3A_590 = arith.muli %select_n3A_588, %mul3A_589 : i32
        %add3A_591 = arith.constant 0 : i32
        %add3A_592 = arith.addi %mul3A_590, %add3A_591 : i32
        %jit3A_593 = arith.constant 2 : i32
        %eq3A_594 = arith.constant 0 : i32
        %eq3A_595 = arith.cmpi eq, %jit3A_593, %eq3A_594 : i32
        %jit3A_596 = arith.constant 1 : i32
        %select_n3A_597 = arith.select %eq3A_595, %jit3A_596, %jit3A_593 : i32
        %rem3A_598 = arith.remsi %while3A_336, %select_n3A_597 : i32
        %ne3A_599 = arith.constant 0 : i32
        %ne3A_600 = arith.cmpi ne, %rem3A_598, %ne3A_599 : i32
        %lt3A_601 = arith.constant 0 : i32
        %lt3A_602 = arith.cmpi slt, %rem3A_598, %lt3A_601 : i32
        %lt3A_603 = arith.constant 0 : i32
        %lt3A_604 = arith.cmpi slt, %select_n3A_597, %lt3A_603 : i32
        %ne3A_605 = arith.xori %lt3A_602, %lt3A_604 : i1
        %and3A_606 = arith.andi %ne3A_605, %ne3A_600 : i1
        %add3A_607 = arith.addi %rem3A_598, %select_n3A_597 : i32
        %select_n3A_608 = arith.select %and3A_606, %add3A_607, %rem3A_598 : i32
        %mul3A_609 = arith.constant 9 : i32
        %mul3A_610 = arith.muli %select_n3A_608, %mul3A_609 : i32
        %add3A_611 = arith.constant 0 : i32
        %add3A_612 = arith.addi %mul3A_610, %add3A_611 : i32
        %add3A_613 = arith.constant 0 : i32
        %add3A_614 = arith.addi %add3A_612, %add3A_613 : i32
        %jit3A_615 = arith.constant 3 : i32
        %eq3A_616 = arith.constant 0 : i32
        %eq3A_617 = arith.cmpi eq, %jit3A_615, %eq3A_616 : i32
        %jit3A_618 = arith.constant 1 : i32
        %select_n3A_619 = arith.select %eq3A_617, %jit3A_618, %jit3A_615 : i32
        %rem3A_620 = arith.remsi %while3A_336, %select_n3A_619 : i32
        %ne3A_621 = arith.constant 0 : i32
        %ne3A_622 = arith.cmpi ne, %rem3A_620, %ne3A_621 : i32
        %lt3A_623 = arith.constant 0 : i32
        %lt3A_624 = arith.cmpi slt, %rem3A_620, %lt3A_623 : i32
        %lt3A_625 = arith.constant 0 : i32
        %lt3A_626 = arith.cmpi slt, %select_n3A_619, %lt3A_625 : i32
        %ne3A_627 = arith.xori %lt3A_624, %lt3A_626 : i1
        %and3A_628 = arith.andi %ne3A_627, %ne3A_622 : i1
        %add3A_629 = arith.addi %rem3A_620, %select_n3A_619 : i32
        %select_n3A_630 = arith.select %and3A_628, %add3A_629, %rem3A_620 : i32
        %mul3A_631 = arith.constant 3 : i32
        %mul3A_632 = arith.muli %select_n3A_630, %mul3A_631 : i32
        %add3A_633 = arith.constant 0 : i32
        %add3A_634 = arith.addi %mul3A_632, %add3A_633 : i32
        %jit3A_635 = arith.constant 2 : i32
        %eq3A_636 = arith.constant 0 : i32
        %eq3A_637 = arith.cmpi eq, %jit3A_635, %eq3A_636 : i32
        %jit3A_638 = arith.constant 1 : i32
        %select_n3A_639 = arith.select %eq3A_637, %jit3A_638, %jit3A_635 : i32
        %rem3A_640 = arith.remsi %while3A_336, %select_n3A_639 : i32
        %ne3A_641 = arith.constant 0 : i32
        %ne3A_642 = arith.cmpi ne, %rem3A_640, %ne3A_641 : i32
        %lt3A_643 = arith.constant 0 : i32
        %lt3A_644 = arith.cmpi slt, %rem3A_640, %lt3A_643 : i32
        %lt3A_645 = arith.constant 0 : i32
        %lt3A_646 = arith.cmpi slt, %select_n3A_639, %lt3A_645 : i32
        %ne3A_647 = arith.xori %lt3A_644, %lt3A_646 : i1
        %and3A_648 = arith.andi %ne3A_647, %ne3A_642 : i1
        %add3A_649 = arith.addi %rem3A_640, %select_n3A_639 : i32
        %select_n3A_650 = arith.select %and3A_648, %add3A_649, %rem3A_640 : i32
        %mul3A_651 = arith.constant 9 : i32
        %mul3A_652 = arith.muli %select_n3A_650, %mul3A_651 : i32
        %add3A_653 = arith.constant 0 : i32
        %add3A_654 = arith.addi %mul3A_652, %add3A_653 : i32
        %add3A_655 = arith.constant 1 : i32
        %add3A_656 = arith.addi %add3A_654, %add3A_655 : i32
        %jit3A_657 = arith.constant 3 : i32
        %eq3A_658 = arith.constant 0 : i32
        %eq3A_659 = arith.cmpi eq, %jit3A_657, %eq3A_658 : i32
        %jit3A_660 = arith.constant 1 : i32
        %select_n3A_661 = arith.select %eq3A_659, %jit3A_660, %jit3A_657 : i32
        %rem3A_662 = arith.remsi %while3A_336, %select_n3A_661 : i32
        %ne3A_663 = arith.constant 0 : i32
        %ne3A_664 = arith.cmpi ne, %rem3A_662, %ne3A_663 : i32
        %lt3A_665 = arith.constant 0 : i32
        %lt3A_666 = arith.cmpi slt, %rem3A_662, %lt3A_665 : i32
        %lt3A_667 = arith.constant 0 : i32
        %lt3A_668 = arith.cmpi slt, %select_n3A_661, %lt3A_667 : i32
        %ne3A_669 = arith.xori %lt3A_666, %lt3A_668 : i1
        %and3A_670 = arith.andi %ne3A_669, %ne3A_664 : i1
        %add3A_671 = arith.addi %rem3A_662, %select_n3A_661 : i32
        %select_n3A_672 = arith.select %and3A_670, %add3A_671, %rem3A_662 : i32
        %mul3A_673 = arith.constant 3 : i32
        %mul3A_674 = arith.muli %select_n3A_672, %mul3A_673 : i32
        %add3A_675 = arith.constant 0 : i32
        %add3A_676 = arith.addi %mul3A_674, %add3A_675 : i32
        %jit3A_677 = arith.constant 2 : i32
        %eq3A_678 = arith.constant 0 : i32
        %eq3A_679 = arith.cmpi eq, %jit3A_677, %eq3A_678 : i32
        %jit3A_680 = arith.constant 1 : i32
        %select_n3A_681 = arith.select %eq3A_679, %jit3A_680, %jit3A_677 : i32
        %rem3A_682 = arith.remsi %while3A_336, %select_n3A_681 : i32
        %ne3A_683 = arith.constant 0 : i32
        %ne3A_684 = arith.cmpi ne, %rem3A_682, %ne3A_683 : i32
        %lt3A_685 = arith.constant 0 : i32
        %lt3A_686 = arith.cmpi slt, %rem3A_682, %lt3A_685 : i32
        %lt3A_687 = arith.constant 0 : i32
        %lt3A_688 = arith.cmpi slt, %select_n3A_681, %lt3A_687 : i32
        %ne3A_689 = arith.xori %lt3A_686, %lt3A_688 : i1
        %and3A_690 = arith.andi %ne3A_689, %ne3A_684 : i1
        %add3A_691 = arith.addi %rem3A_682, %select_n3A_681 : i32
        %select_n3A_692 = arith.select %and3A_690, %add3A_691, %rem3A_682 : i32
        %mul3A_693 = arith.constant 9 : i32
        %mul3A_694 = arith.muli %select_n3A_692, %mul3A_693 : i32
        %add3A_695 = arith.constant 0 : i32
        %add3A_696 = arith.addi %mul3A_694, %add3A_695 : i32
        %add3A_697 = arith.constant 2 : i32
        %add3A_698 = arith.addi %add3A_696, %add3A_697 : i32
        %jit3A_699 = arith.constant 3 : i32
        %eq3A_700 = arith.constant 0 : i32
        %eq3A_701 = arith.cmpi eq, %jit3A_699, %eq3A_700 : i32
        %jit3A_702 = arith.constant 1 : i32
        %select_n3A_703 = arith.select %eq3A_701, %jit3A_702, %jit3A_699 : i32
        %rem3A_704 = arith.remsi %while3A_336, %select_n3A_703 : i32
        %ne3A_705 = arith.constant 0 : i32
        %ne3A_706 = arith.cmpi ne, %rem3A_704, %ne3A_705 : i32
        %lt3A_707 = arith.constant 0 : i32
        %lt3A_708 = arith.cmpi slt, %rem3A_704, %lt3A_707 : i32
        %lt3A_709 = arith.constant 0 : i32
        %lt3A_710 = arith.cmpi slt, %select_n3A_703, %lt3A_709 : i32
        %ne3A_711 = arith.xori %lt3A_708, %lt3A_710 : i1
        %and3A_712 = arith.andi %ne3A_711, %ne3A_706 : i1
        %add3A_713 = arith.addi %rem3A_704, %select_n3A_703 : i32
        %select_n3A_714 = arith.select %and3A_712, %add3A_713, %rem3A_704 : i32
        %mul3A_715 = arith.constant 3 : i32
        %mul3A_716 = arith.muli %select_n3A_714, %mul3A_715 : i32
        %add3A_717 = arith.constant 1 : i32
        %add3A_718 = arith.addi %mul3A_716, %add3A_717 : i32
        %jit3A_719 = arith.constant 2 : i32
        %eq3A_720 = arith.constant 0 : i32
        %eq3A_721 = arith.cmpi eq, %jit3A_719, %eq3A_720 : i32
        %jit3A_722 = arith.constant 1 : i32
        %select_n3A_723 = arith.select %eq3A_721, %jit3A_722, %jit3A_719 : i32
        %rem3A_724 = arith.remsi %while3A_336, %select_n3A_723 : i32
        %ne3A_725 = arith.constant 0 : i32
        %ne3A_726 = arith.cmpi ne, %rem3A_724, %ne3A_725 : i32
        %lt3A_727 = arith.constant 0 : i32
        %lt3A_728 = arith.cmpi slt, %rem3A_724, %lt3A_727 : i32
        %lt3A_729 = arith.constant 0 : i32
        %lt3A_730 = arith.cmpi slt, %select_n3A_723, %lt3A_729 : i32
        %ne3A_731 = arith.xori %lt3A_728, %lt3A_730 : i1
        %and3A_732 = arith.andi %ne3A_731, %ne3A_726 : i1
        %add3A_733 = arith.addi %rem3A_724, %select_n3A_723 : i32
        %select_n3A_734 = arith.select %and3A_732, %add3A_733, %rem3A_724 : i32
        %mul3A_735 = arith.constant 9 : i32
        %mul3A_736 = arith.muli %select_n3A_734, %mul3A_735 : i32
        %add3A_737 = arith.constant 3 : i32
        %add3A_738 = arith.addi %mul3A_736, %add3A_737 : i32
        %add3A_739 = arith.constant 0 : i32
        %add3A_740 = arith.addi %add3A_738, %add3A_739 : i32
        %jit3A_741 = arith.constant 3 : i32
        %eq3A_742 = arith.constant 0 : i32
        %eq3A_743 = arith.cmpi eq, %jit3A_741, %eq3A_742 : i32
        %jit3A_744 = arith.constant 1 : i32
        %select_n3A_745 = arith.select %eq3A_743, %jit3A_744, %jit3A_741 : i32
        %rem3A_746 = arith.remsi %while3A_336, %select_n3A_745 : i32
        %ne3A_747 = arith.constant 0 : i32
        %ne3A_748 = arith.cmpi ne, %rem3A_746, %ne3A_747 : i32
        %lt3A_749 = arith.constant 0 : i32
        %lt3A_750 = arith.cmpi slt, %rem3A_746, %lt3A_749 : i32
        %lt3A_751 = arith.constant 0 : i32
        %lt3A_752 = arith.cmpi slt, %select_n3A_745, %lt3A_751 : i32
        %ne3A_753 = arith.xori %lt3A_750, %lt3A_752 : i1
        %and3A_754 = arith.andi %ne3A_753, %ne3A_748 : i1
        %add3A_755 = arith.addi %rem3A_746, %select_n3A_745 : i32
        %select_n3A_756 = arith.select %and3A_754, %add3A_755, %rem3A_746 : i32
        %mul3A_757 = arith.constant 3 : i32
        %mul3A_758 = arith.muli %select_n3A_756, %mul3A_757 : i32
        %add3A_759 = arith.constant 1 : i32
        %add3A_760 = arith.addi %mul3A_758, %add3A_759 : i32
        %jit3A_761 = arith.constant 2 : i32
        %eq3A_762 = arith.constant 0 : i32
        %eq3A_763 = arith.cmpi eq, %jit3A_761, %eq3A_762 : i32
        %jit3A_764 = arith.constant 1 : i32
        %select_n3A_765 = arith.select %eq3A_763, %jit3A_764, %jit3A_761 : i32
        %rem3A_766 = arith.remsi %while3A_336, %select_n3A_765 : i32
        %ne3A_767 = arith.constant 0 : i32
        %ne3A_768 = arith.cmpi ne, %rem3A_766, %ne3A_767 : i32
        %lt3A_769 = arith.constant 0 : i32
        %lt3A_770 = arith.cmpi slt, %rem3A_766, %lt3A_769 : i32
        %lt3A_771 = arith.constant 0 : i32
        %lt3A_772 = arith.cmpi slt, %select_n3A_765, %lt3A_771 : i32
        %ne3A_773 = arith.xori %lt3A_770, %lt3A_772 : i1
        %and3A_774 = arith.andi %ne3A_773, %ne3A_768 : i1
        %add3A_775 = arith.addi %rem3A_766, %select_n3A_765 : i32
        %select_n3A_776 = arith.select %and3A_774, %add3A_775, %rem3A_766 : i32
        %mul3A_777 = arith.constant 9 : i32
        %mul3A_778 = arith.muli %select_n3A_776, %mul3A_777 : i32
        %add3A_779 = arith.constant 3 : i32
        %add3A_780 = arith.addi %mul3A_778, %add3A_779 : i32
        %add3A_781 = arith.constant 1 : i32
        %add3A_782 = arith.addi %add3A_780, %add3A_781 : i32
        %jit3A_783 = arith.constant 3 : i32
        %eq3A_784 = arith.constant 0 : i32
        %eq3A_785 = arith.cmpi eq, %jit3A_783, %eq3A_784 : i32
        %jit3A_786 = arith.constant 1 : i32
        %select_n3A_787 = arith.select %eq3A_785, %jit3A_786, %jit3A_783 : i32
        %rem3A_788 = arith.remsi %while3A_336, %select_n3A_787 : i32
        %ne3A_789 = arith.constant 0 : i32
        %ne3A_790 = arith.cmpi ne, %rem3A_788, %ne3A_789 : i32
        %lt3A_791 = arith.constant 0 : i32
        %lt3A_792 = arith.cmpi slt, %rem3A_788, %lt3A_791 : i32
        %lt3A_793 = arith.constant 0 : i32
        %lt3A_794 = arith.cmpi slt, %select_n3A_787, %lt3A_793 : i32
        %ne3A_795 = arith.xori %lt3A_792, %lt3A_794 : i1
        %and3A_796 = arith.andi %ne3A_795, %ne3A_790 : i1
        %add3A_797 = arith.addi %rem3A_788, %select_n3A_787 : i32
        %select_n3A_798 = arith.select %and3A_796, %add3A_797, %rem3A_788 : i32
        %mul3A_799 = arith.constant 3 : i32
        %mul3A_800 = arith.muli %select_n3A_798, %mul3A_799 : i32
        %add3A_801 = arith.constant 1 : i32
        %add3A_802 = arith.addi %mul3A_800, %add3A_801 : i32
        %jit3A_803 = arith.constant 2 : i32
        %eq3A_804 = arith.constant 0 : i32
        %eq3A_805 = arith.cmpi eq, %jit3A_803, %eq3A_804 : i32
        %jit3A_806 = arith.constant 1 : i32
        %select_n3A_807 = arith.select %eq3A_805, %jit3A_806, %jit3A_803 : i32
        %rem3A_808 = arith.remsi %while3A_336, %select_n3A_807 : i32
        %ne3A_809 = arith.constant 0 : i32
        %ne3A_810 = arith.cmpi ne, %rem3A_808, %ne3A_809 : i32
        %lt3A_811 = arith.constant 0 : i32
        %lt3A_812 = arith.cmpi slt, %rem3A_808, %lt3A_811 : i32
        %lt3A_813 = arith.constant 0 : i32
        %lt3A_814 = arith.cmpi slt, %select_n3A_807, %lt3A_813 : i32
        %ne3A_815 = arith.xori %lt3A_812, %lt3A_814 : i1
        %and3A_816 = arith.andi %ne3A_815, %ne3A_810 : i1
        %add3A_817 = arith.addi %rem3A_808, %select_n3A_807 : i32
        %select_n3A_818 = arith.select %and3A_816, %add3A_817, %rem3A_808 : i32
        %mul3A_819 = arith.constant 9 : i32
        %mul3A_820 = arith.muli %select_n3A_818, %mul3A_819 : i32
        %add3A_821 = arith.constant 3 : i32
        %add3A_822 = arith.addi %mul3A_820, %add3A_821 : i32
        %add3A_823 = arith.constant 2 : i32
        %add3A_824 = arith.addi %add3A_822, %add3A_823 : i32
        %jit3A_825 = arith.constant 3 : i32
        %eq3A_826 = arith.constant 0 : i32
        %eq3A_827 = arith.cmpi eq, %jit3A_825, %eq3A_826 : i32
        %jit3A_828 = arith.constant 1 : i32
        %select_n3A_829 = arith.select %eq3A_827, %jit3A_828, %jit3A_825 : i32
        %rem3A_830 = arith.remsi %while3A_336, %select_n3A_829 : i32
        %ne3A_831 = arith.constant 0 : i32
        %ne3A_832 = arith.cmpi ne, %rem3A_830, %ne3A_831 : i32
        %lt3A_833 = arith.constant 0 : i32
        %lt3A_834 = arith.cmpi slt, %rem3A_830, %lt3A_833 : i32
        %lt3A_835 = arith.constant 0 : i32
        %lt3A_836 = arith.cmpi slt, %select_n3A_829, %lt3A_835 : i32
        %ne3A_837 = arith.xori %lt3A_834, %lt3A_836 : i1
        %and3A_838 = arith.andi %ne3A_837, %ne3A_832 : i1
        %add3A_839 = arith.addi %rem3A_830, %select_n3A_829 : i32
        %select_n3A_840 = arith.select %and3A_838, %add3A_839, %rem3A_830 : i32
        %mul3A_841 = arith.constant 3 : i32
        %mul3A_842 = arith.muli %select_n3A_840, %mul3A_841 : i32
        %add3A_843 = arith.constant 2 : i32
        %add3A_844 = arith.addi %mul3A_842, %add3A_843 : i32
        %jit3A_845 = arith.constant 2 : i32
        %eq3A_846 = arith.constant 0 : i32
        %eq3A_847 = arith.cmpi eq, %jit3A_845, %eq3A_846 : i32
        %jit3A_848 = arith.constant 1 : i32
        %select_n3A_849 = arith.select %eq3A_847, %jit3A_848, %jit3A_845 : i32
        %rem3A_850 = arith.remsi %while3A_336, %select_n3A_849 : i32
        %ne3A_851 = arith.constant 0 : i32
        %ne3A_852 = arith.cmpi ne, %rem3A_850, %ne3A_851 : i32
        %lt3A_853 = arith.constant 0 : i32
        %lt3A_854 = arith.cmpi slt, %rem3A_850, %lt3A_853 : i32
        %lt3A_855 = arith.constant 0 : i32
        %lt3A_856 = arith.cmpi slt, %select_n3A_849, %lt3A_855 : i32
        %ne3A_857 = arith.xori %lt3A_854, %lt3A_856 : i1
        %and3A_858 = arith.andi %ne3A_857, %ne3A_852 : i1
        %add3A_859 = arith.addi %rem3A_850, %select_n3A_849 : i32
        %select_n3A_860 = arith.select %and3A_858, %add3A_859, %rem3A_850 : i32
        %mul3A_861 = arith.constant 9 : i32
        %mul3A_862 = arith.muli %select_n3A_860, %mul3A_861 : i32
        %add3A_863 = arith.constant 6 : i32
        %add3A_864 = arith.addi %mul3A_862, %add3A_863 : i32
        %add3A_865 = arith.constant 0 : i32
        %add3A_866 = arith.addi %add3A_864, %add3A_865 : i32
        %jit3A_867 = arith.constant 3 : i32
        %eq3A_868 = arith.constant 0 : i32
        %eq3A_869 = arith.cmpi eq, %jit3A_867, %eq3A_868 : i32
        %jit3A_870 = arith.constant 1 : i32
        %select_n3A_871 = arith.select %eq3A_869, %jit3A_870, %jit3A_867 : i32
        %rem3A_872 = arith.remsi %while3A_336, %select_n3A_871 : i32
        %ne3A_873 = arith.constant 0 : i32
        %ne3A_874 = arith.cmpi ne, %rem3A_872, %ne3A_873 : i32
        %lt3A_875 = arith.constant 0 : i32
        %lt3A_876 = arith.cmpi slt, %rem3A_872, %lt3A_875 : i32
        %lt3A_877 = arith.constant 0 : i32
        %lt3A_878 = arith.cmpi slt, %select_n3A_871, %lt3A_877 : i32
        %ne3A_879 = arith.xori %lt3A_876, %lt3A_878 : i1
        %and3A_880 = arith.andi %ne3A_879, %ne3A_874 : i1
        %add3A_881 = arith.addi %rem3A_872, %select_n3A_871 : i32
        %select_n3A_882 = arith.select %and3A_880, %add3A_881, %rem3A_872 : i32
        %mul3A_883 = arith.constant 3 : i32
        %mul3A_884 = arith.muli %select_n3A_882, %mul3A_883 : i32
        %add3A_885 = arith.constant 2 : i32
        %add3A_886 = arith.addi %mul3A_884, %add3A_885 : i32
        %jit3A_887 = arith.constant 2 : i32
        %eq3A_888 = arith.constant 0 : i32
        %eq3A_889 = arith.cmpi eq, %jit3A_887, %eq3A_888 : i32
        %jit3A_890 = arith.constant 1 : i32
        %select_n3A_891 = arith.select %eq3A_889, %jit3A_890, %jit3A_887 : i32
        %rem3A_892 = arith.remsi %while3A_336, %select_n3A_891 : i32
        %ne3A_893 = arith.constant 0 : i32
        %ne3A_894 = arith.cmpi ne, %rem3A_892, %ne3A_893 : i32
        %lt3A_895 = arith.constant 0 : i32
        %lt3A_896 = arith.cmpi slt, %rem3A_892, %lt3A_895 : i32
        %lt3A_897 = arith.constant 0 : i32
        %lt3A_898 = arith.cmpi slt, %select_n3A_891, %lt3A_897 : i32
        %ne3A_899 = arith.xori %lt3A_896, %lt3A_898 : i1
        %and3A_900 = arith.andi %ne3A_899, %ne3A_894 : i1
        %add3A_901 = arith.addi %rem3A_892, %select_n3A_891 : i32
        %select_n3A_902 = arith.select %and3A_900, %add3A_901, %rem3A_892 : i32
        %mul3A_903 = arith.constant 9 : i32
        %mul3A_904 = arith.muli %select_n3A_902, %mul3A_903 : i32
        %add3A_905 = arith.constant 6 : i32
        %add3A_906 = arith.addi %mul3A_904, %add3A_905 : i32
        %add3A_907 = arith.constant 1 : i32
        %add3A_908 = arith.addi %add3A_906, %add3A_907 : i32
        %jit3A_909 = arith.constant 3 : i32
        %eq3A_910 = arith.constant 0 : i32
        %eq3A_911 = arith.cmpi eq, %jit3A_909, %eq3A_910 : i32
        %jit3A_912 = arith.constant 1 : i32
        %select_n3A_913 = arith.select %eq3A_911, %jit3A_912, %jit3A_909 : i32
        %rem3A_914 = arith.remsi %while3A_336, %select_n3A_913 : i32
        %ne3A_915 = arith.constant 0 : i32
        %ne3A_916 = arith.cmpi ne, %rem3A_914, %ne3A_915 : i32
        %lt3A_917 = arith.constant 0 : i32
        %lt3A_918 = arith.cmpi slt, %rem3A_914, %lt3A_917 : i32
        %lt3A_919 = arith.constant 0 : i32
        %lt3A_920 = arith.cmpi slt, %select_n3A_913, %lt3A_919 : i32
        %ne3A_921 = arith.xori %lt3A_918, %lt3A_920 : i1
        %and3A_922 = arith.andi %ne3A_921, %ne3A_916 : i1
        %add3A_923 = arith.addi %rem3A_914, %select_n3A_913 : i32
        %select_n3A_924 = arith.select %and3A_922, %add3A_923, %rem3A_914 : i32
        %mul3A_925 = arith.constant 3 : i32
        %mul3A_926 = arith.muli %select_n3A_924, %mul3A_925 : i32
        %add3A_927 = arith.constant 2 : i32
        %add3A_928 = arith.addi %mul3A_926, %add3A_927 : i32
        %jit3A_929 = arith.constant 2 : i32
        %eq3A_930 = arith.constant 0 : i32
        %eq3A_931 = arith.cmpi eq, %jit3A_929, %eq3A_930 : i32
        %jit3A_932 = arith.constant 1 : i32
        %select_n3A_933 = arith.select %eq3A_931, %jit3A_932, %jit3A_929 : i32
        %rem3A_934 = arith.remsi %while3A_336, %select_n3A_933 : i32
        %ne3A_935 = arith.constant 0 : i32
        %ne3A_936 = arith.cmpi ne, %rem3A_934, %ne3A_935 : i32
        %lt3A_937 = arith.constant 0 : i32
        %lt3A_938 = arith.cmpi slt, %rem3A_934, %lt3A_937 : i32
        %lt3A_939 = arith.constant 0 : i32
        %lt3A_940 = arith.cmpi slt, %select_n3A_933, %lt3A_939 : i32
        %ne3A_941 = arith.xori %lt3A_938, %lt3A_940 : i1
        %and3A_942 = arith.andi %ne3A_941, %ne3A_936 : i1
        %add3A_943 = arith.addi %rem3A_934, %select_n3A_933 : i32
        %select_n3A_944 = arith.select %and3A_942, %add3A_943, %rem3A_934 : i32
        %mul3A_945 = arith.constant 9 : i32
        %mul3A_946 = arith.muli %select_n3A_944, %mul3A_945 : i32
        %add3A_947 = arith.constant 6 : i32
        %add3A_948 = arith.addi %mul3A_946, %add3A_947 : i32
        %add3A_949 = arith.constant 2 : i32
        %add3A_950 = arith.addi %add3A_948, %add3A_949 : i32
        %dma_wait3A_951 = tpu.memref_slice %arg17[%add3A_614, %multiple_of3A_572] : memref<18x640xf32, #tpu.memory_space<vmem>> -> memref<1x128xf32, #tpu.memory_space<vmem>>
        %dma_wait3A_952 = tpu.memref_squeeze %dma_wait3A_951 : memref<1x128xf32, #tpu.memory_space<vmem>> -> memref<128xf32, #tpu.memory_space<vmem>>
        %dma_wait3A_953 = tpu.memref_slice %arg16[%add3A_592, %multiple_of3A_572] : memref<9x640xi32, #tpu.memory_space<vmem>> -> memref<1x128xi32, #tpu.memory_space<vmem>>
        %dma_wait3A_954 = tpu.memref_squeeze %dma_wait3A_953 : memref<1x128xi32, #tpu.memory_space<vmem>> -> memref<128xi32, #tpu.memory_space<vmem>>
        %dma_wait3A_955 = arith.constant 0 : i32
        %dma_wait3A_956 = tpu.memref_slice %arg6[%dma_wait3A_955] : memref<500000xf32, #tpu.memory_space<hbm>> -> memref<500000xf32, #tpu.memory_space<hbm>>
        tpu.wait_indirect_dma semaphore(%arg23 : memref<!tpu.dma_semaphore, #tpu.memory_space<semaphore_mem>>) src(%dma_wait3A_956 : memref<500000xf32, #tpu.memory_space<hbm>>) dst(%dma_wait3A_952 : memref<128xf32, #tpu.memory_space<vmem>>)
        %dma_wait3A_957 = tpu.memref_slice %arg17[%add3A_656, %multiple_of3A_572] : memref<18x640xf32, #tpu.memory_space<vmem>> -> memref<1x128xf32, #tpu.memory_space<vmem>>
        %dma_wait3A_958 = tpu.memref_squeeze %dma_wait3A_957 : memref<1x128xf32, #tpu.memory_space<vmem>> -> memref<128xf32, #tpu.memory_space<vmem>>
        %dma_wait3A_959 = tpu.memref_slice %arg16[%add3A_634, %multiple_of3A_572] : memref<9x640xi32, #tpu.memory_space<vmem>> -> memref<1x128xi32, #tpu.memory_space<vmem>>
        %dma_wait3A_960 = tpu.memref_squeeze %dma_wait3A_959 : memref<1x128xi32, #tpu.memory_space<vmem>> -> memref<128xi32, #tpu.memory_space<vmem>>
        %dma_wait3A_961 = arith.constant 0 : i32
        %dma_wait3A_962 = tpu.memref_slice %arg7[%dma_wait3A_961] : memref<500000xf32, #tpu.memory_space<hbm>> -> memref<500000xf32, #tpu.memory_space<hbm>>
        tpu.wait_indirect_dma semaphore(%arg23 : memref<!tpu.dma_semaphore, #tpu.memory_space<semaphore_mem>>) src(%dma_wait3A_962 : memref<500000xf32, #tpu.memory_space<hbm>>) dst(%dma_wait3A_958 : memref<128xf32, #tpu.memory_space<vmem>>)
        %dma_wait3A_963 = tpu.memref_slice %arg17[%add3A_698, %multiple_of3A_572] : memref<18x640xf32, #tpu.memory_space<vmem>> -> memref<1x128xf32, #tpu.memory_space<vmem>>
        %dma_wait3A_964 = tpu.memref_squeeze %dma_wait3A_963 : memref<1x128xf32, #tpu.memory_space<vmem>> -> memref<128xf32, #tpu.memory_space<vmem>>
        %dma_wait3A_965 = tpu.memref_slice %arg16[%add3A_676, %multiple_of3A_572] : memref<9x640xi32, #tpu.memory_space<vmem>> -> memref<1x128xi32, #tpu.memory_space<vmem>>
        %dma_wait3A_966 = tpu.memref_squeeze %dma_wait3A_965 : memref<1x128xi32, #tpu.memory_space<vmem>> -> memref<128xi32, #tpu.memory_space<vmem>>
        %dma_wait3A_967 = arith.constant 0 : i32
        %dma_wait3A_968 = tpu.memref_slice %arg8[%dma_wait3A_967] : memref<500000xf32, #tpu.memory_space<hbm>> -> memref<500000xf32, #tpu.memory_space<hbm>>
        tpu.wait_indirect_dma semaphore(%arg23 : memref<!tpu.dma_semaphore, #tpu.memory_space<semaphore_mem>>) src(%dma_wait3A_968 : memref<500000xf32, #tpu.memory_space<hbm>>) dst(%dma_wait3A_964 : memref<128xf32, #tpu.memory_space<vmem>>)
        %dma_wait3A_969 = tpu.memref_slice %arg17[%add3A_740, %multiple_of3A_572] : memref<18x640xf32, #tpu.memory_space<vmem>> -> memref<1x128xf32, #tpu.memory_space<vmem>>
        %dma_wait3A_970 = tpu.memref_squeeze %dma_wait3A_969 : memref<1x128xf32, #tpu.memory_space<vmem>> -> memref<128xf32, #tpu.memory_space<vmem>>
        %dma_wait3A_971 = tpu.memref_slice %arg16[%add3A_718, %multiple_of3A_572] : memref<9x640xi32, #tpu.memory_space<vmem>> -> memref<1x128xi32, #tpu.memory_space<vmem>>
        %dma_wait3A_972 = tpu.memref_squeeze %dma_wait3A_971 : memref<1x128xi32, #tpu.memory_space<vmem>> -> memref<128xi32, #tpu.memory_space<vmem>>
        %dma_wait3A_973 = arith.constant 0 : i32
        %dma_wait3A_974 = tpu.memref_slice %arg6[%dma_wait3A_973] : memref<500000xf32, #tpu.memory_space<hbm>> -> memref<500000xf32, #tpu.memory_space<hbm>>
        tpu.wait_indirect_dma semaphore(%arg23 : memref<!tpu.dma_semaphore, #tpu.memory_space<semaphore_mem>>) src(%dma_wait3A_974 : memref<500000xf32, #tpu.memory_space<hbm>>) dst(%dma_wait3A_970 : memref<128xf32, #tpu.memory_space<vmem>>)
        %dma_wait3A_975 = tpu.memref_slice %arg17[%add3A_782, %multiple_of3A_572] : memref<18x640xf32, #tpu.memory_space<vmem>> -> memref<1x128xf32, #tpu.memory_space<vmem>>
        %dma_wait3A_976 = tpu.memref_squeeze %dma_wait3A_975 : memref<1x128xf32, #tpu.memory_space<vmem>> -> memref<128xf32, #tpu.memory_space<vmem>>
        %dma_wait3A_977 = tpu.memref_slice %arg16[%add3A_760, %multiple_of3A_572] : memref<9x640xi32, #tpu.memory_space<vmem>> -> memref<1x128xi32, #tpu.memory_space<vmem>>
        %dma_wait3A_978 = tpu.memref_squeeze %dma_wait3A_977 : memref<1x128xi32, #tpu.memory_space<vmem>> -> memref<128xi32, #tpu.memory_space<vmem>>
        %dma_wait3A_979 = arith.constant 0 : i32
        %dma_wait3A_980 = tpu.memref_slice %arg7[%dma_wait3A_979] : memref<500000xf32, #tpu.memory_space<hbm>> -> memref<500000xf32, #tpu.memory_space<hbm>>
        tpu.wait_indirect_dma semaphore(%arg23 : memref<!tpu.dma_semaphore, #tpu.memory_space<semaphore_mem>>) src(%dma_wait3A_980 : memref<500000xf32, #tpu.memory_space<hbm>>) dst(%dma_wait3A_976 : memref<128xf32, #tpu.memory_space<vmem>>)
        %dma_wait3A_981 = tpu.memref_slice %arg17[%add3A_824, %multiple_of3A_572] : memref<18x640xf32, #tpu.memory_space<vmem>> -> memref<1x128xf32, #tpu.memory_space<vmem>>
        %dma_wait3A_982 = tpu.memref_squeeze %dma_wait3A_981 : memref<1x128xf32, #tpu.memory_space<vmem>> -> memref<128xf32, #tpu.memory_space<vmem>>
        %dma_wait3A_983 = tpu.memref_slice %arg16[%add3A_802, %multiple_of3A_572] : memref<9x640xi32, #tpu.memory_space<vmem>> -> memref<1x128xi32, #tpu.memory_space<vmem>>
        %dma_wait3A_984 = tpu.memref_squeeze %dma_wait3A_983 : memref<1x128xi32, #tpu.memory_space<vmem>> -> memref<128xi32, #tpu.memory_space<vmem>>
        %dma_wait3A_985 = arith.constant 0 : i32
        %dma_wait3A_986 = tpu.memref_slice %arg8[%dma_wait3A_985] : memref<500000xf32, #tpu.memory_space<hbm>> -> memref<500000xf32, #tpu.memory_space<hbm>>
        tpu.wait_indirect_dma semaphore(%arg23 : memref<!tpu.dma_semaphore, #tpu.memory_space<semaphore_mem>>) src(%dma_wait3A_986 : memref<500000xf32, #tpu.memory_space<hbm>>) dst(%dma_wait3A_982 : memref<128xf32, #tpu.memory_space<vmem>>)
        %dma_wait3A_987 = tpu.memref_slice %arg17[%add3A_866, %multiple_of3A_572] : memref<18x640xf32, #tpu.memory_space<vmem>> -> memref<1x128xf32, #tpu.memory_space<vmem>>
        %dma_wait3A_988 = tpu.memref_squeeze %dma_wait3A_987 : memref<1x128xf32, #tpu.memory_space<vmem>> -> memref<128xf32, #tpu.memory_space<vmem>>
        %dma_wait3A_989 = tpu.memref_slice %arg16[%add3A_844, %multiple_of3A_572] : memref<9x640xi32, #tpu.memory_space<vmem>> -> memref<1x128xi32, #tpu.memory_space<vmem>>
        %dma_wait3A_990 = tpu.memref_squeeze %dma_wait3A_989 : memref<1x128xi32, #tpu.memory_space<vmem>> -> memref<128xi32, #tpu.memory_space<vmem>>
        %dma_wait3A_991 = arith.constant 0 : i32
        %dma_wait3A_992 = tpu.memref_slice %arg6[%dma_wait3A_991] : memref<500000xf32, #tpu.memory_space<hbm>> -> memref<500000xf32, #tpu.memory_space<hbm>>
        tpu.wait_indirect_dma semaphore(%arg23 : memref<!tpu.dma_semaphore, #tpu.memory_space<semaphore_mem>>) src(%dma_wait3A_992 : memref<500000xf32, #tpu.memory_space<hbm>>) dst(%dma_wait3A_988 : memref<128xf32, #tpu.memory_space<vmem>>)
        %dma_wait3A_993 = tpu.memref_slice %arg17[%add3A_908, %multiple_of3A_572] : memref<18x640xf32, #tpu.memory_space<vmem>> -> memref<1x128xf32, #tpu.memory_space<vmem>>
        %dma_wait3A_994 = tpu.memref_squeeze %dma_wait3A_993 : memref<1x128xf32, #tpu.memory_space<vmem>> -> memref<128xf32, #tpu.memory_space<vmem>>
        %dma_wait3A_995 = tpu.memref_slice %arg16[%add3A_886, %multiple_of3A_572] : memref<9x640xi32, #tpu.memory_space<vmem>> -> memref<1x128xi32, #tpu.memory_space<vmem>>
        %dma_wait3A_996 = tpu.memref_squeeze %dma_wait3A_995 : memref<1x128xi32, #tpu.memory_space<vmem>> -> memref<128xi32, #tpu.memory_space<vmem>>
        %dma_wait3A_997 = arith.constant 0 : i32
        %dma_wait3A_998 = tpu.memref_slice %arg7[%dma_wait3A_997] : memref<500000xf32, #tpu.memory_space<hbm>> -> memref<500000xf32, #tpu.memory_space<hbm>>
        tpu.wait_indirect_dma semaphore(%arg23 : memref<!tpu.dma_semaphore, #tpu.memory_space<semaphore_mem>>) src(%dma_wait3A_998 : memref<500000xf32, #tpu.memory_space<hbm>>) dst(%dma_wait3A_994 : memref<128xf32, #tpu.memory_space<vmem>>)
        %dma_wait3A_999 = tpu.memref_slice %arg17[%add3A_950, %multiple_of3A_572] : memref<18x640xf32, #tpu.memory_space<vmem>> -> memref<1x128xf32, #tpu.memory_space<vmem>>
        %dma_wait3A_1000 = tpu.memref_squeeze %dma_wait3A_999 : memref<1x128xf32, #tpu.memory_space<vmem>> -> memref<128xf32, #tpu.memory_space<vmem>>
        %dma_wait3A_1001 = tpu.memref_slice %arg16[%add3A_928, %multiple_of3A_572] : memref<9x640xi32, #tpu.memory_space<vmem>> -> memref<1x128xi32, #tpu.memory_space<vmem>>
        %dma_wait3A_1002 = tpu.memref_squeeze %dma_wait3A_1001 : memref<1x128xi32, #tpu.memory_space<vmem>> -> memref<128xi32, #tpu.memory_space<vmem>>
        %dma_wait3A_1003 = arith.constant 0 : i32
        %dma_wait3A_1004 = tpu.memref_slice %arg8[%dma_wait3A_1003] : memref<500000xf32, #tpu.memory_space<hbm>> -> memref<500000xf32, #tpu.memory_space<hbm>>
        tpu.wait_indirect_dma semaphore(%arg23 : memref<!tpu.dma_semaphore, #tpu.memory_space<semaphore_mem>>) src(%dma_wait3A_1004 : memref<500000xf32, #tpu.memory_space<hbm>>) dst(%dma_wait3A_1000 : memref<128xf32, #tpu.memory_space<vmem>>)
      }
      %scan3A_374 = arith.constant 5 : i32
      %mul3A_375 = arith.constant 32 : i32
      %mul3A_376 = arith.muli %while3A_336, %mul3A_375 : i32
      %add3A_377 = arith.addi %add3A, %mul3A_376 : i32
      %mul3A_378 = arith.constant 640 : i32
      %mul3A_379 = arith.muli %add3A_377, %mul3A_378 : i32
      %multiple_of3A_380 = tpu.assume_multiple %mul3A_379, 640 : i32
      %jit3A_381 = arith.constant 2 : i32
      %eq3A_382 = arith.constant 0 : i32
      %eq3A_383 = arith.cmpi eq, %jit3A_381, %eq3A_382 : i32
      %jit3A_384 = arith.constant 1 : i32
      %select_n3A_385 = arith.select %eq3A_383, %jit3A_384, %jit3A_381 : i32
      %rem3A_386 = arith.remsi %while3A_336, %select_n3A_385 : i32
      %ne3A_387 = arith.constant 0 : i32
      %ne3A_388 = arith.cmpi ne, %rem3A_386, %ne3A_387 : i32
      %lt3A_389 = arith.constant 0 : i32
      %lt3A_390 = arith.cmpi slt, %rem3A_386, %lt3A_389 : i32
      %lt3A_391 = arith.constant 0 : i32
      %lt3A_392 = arith.cmpi slt, %select_n3A_385, %lt3A_391 : i32
      %ne3A_393 = arith.xori %lt3A_390, %lt3A_392 : i1
      %and3A_394 = arith.andi %ne3A_393, %ne3A_388 : i1
      %add3A_395 = arith.addi %rem3A_386, %select_n3A_385 : i32
      %select_n3A_396 = arith.select %and3A_394, %add3A_395, %rem3A_386 : i32
      %mul3A_397 = arith.constant 3 : i32
      %mul3A_398 = arith.muli %select_n3A_396, %mul3A_397 : i32
      %add3A_399 = arith.constant 0 : i32
      %add3A_400 = arith.addi %mul3A_398, %add3A_399 : i32
      %jit3A_401 = arith.constant 2 : i32
      %eq3A_402 = arith.constant 0 : i32
      %eq3A_403 = arith.cmpi eq, %jit3A_401, %eq3A_402 : i32
      %jit3A_404 = arith.constant 1 : i32
      %select_n3A_405 = arith.select %eq3A_403, %jit3A_404, %jit3A_401 : i32
      %rem3A_406 = arith.remsi %while3A_336, %select_n3A_405 : i32
      %ne3A_407 = arith.constant 0 : i32
      %ne3A_408 = arith.cmpi ne, %rem3A_406, %ne3A_407 : i32
      %lt3A_409 = arith.constant 0 : i32
      %lt3A_410 = arith.cmpi slt, %rem3A_406, %lt3A_409 : i32
      %lt3A_411 = arith.constant 0 : i32
      %lt3A_412 = arith.cmpi slt, %select_n3A_405, %lt3A_411 : i32
      %ne3A_413 = arith.xori %lt3A_410, %lt3A_412 : i1
      %and3A_414 = arith.andi %ne3A_413, %ne3A_408 : i1
      %add3A_415 = arith.addi %rem3A_406, %select_n3A_405 : i32
      %select_n3A_416 = arith.select %and3A_414, %add3A_415, %rem3A_406 : i32
      %mul3A_417 = arith.constant 3 : i32
      %mul3A_418 = arith.muli %select_n3A_416, %mul3A_417 : i32
      %add3A_419 = arith.constant 1 : i32
      %add3A_420 = arith.addi %mul3A_418, %add3A_419 : i32
      %jit3A_421 = arith.constant 2 : i32
      %eq3A_422 = arith.constant 0 : i32
      %eq3A_423 = arith.cmpi eq, %jit3A_421, %eq3A_422 : i32
      %jit3A_424 = arith.constant 1 : i32
      %select_n3A_425 = arith.select %eq3A_423, %jit3A_424, %jit3A_421 : i32
      %rem3A_426 = arith.remsi %while3A_336, %select_n3A_425 : i32
      %ne3A_427 = arith.constant 0 : i32
      %ne3A_428 = arith.cmpi ne, %rem3A_426, %ne3A_427 : i32
      %lt3A_429 = arith.constant 0 : i32
      %lt3A_430 = arith.cmpi slt, %rem3A_426, %lt3A_429 : i32
      %lt3A_431 = arith.constant 0 : i32
      %lt3A_432 = arith.cmpi slt, %select_n3A_425, %lt3A_431 : i32
      %ne3A_433 = arith.xori %lt3A_430, %lt3A_432 : i1
      %and3A_434 = arith.andi %ne3A_433, %ne3A_428 : i1
      %add3A_435 = arith.addi %rem3A_426, %select_n3A_425 : i32
      %select_n3A_436 = arith.select %and3A_434, %add3A_435, %rem3A_426 : i32
      %mul3A_437 = arith.constant 3 : i32
      %mul3A_438 = arith.muli %select_n3A_436, %mul3A_437 : i32
      %add3A_439 = arith.constant 2 : i32
      %add3A_440 = arith.addi %mul3A_438, %add3A_439 : i32
      %dma_wait3A_441 = arith.constant 0 : i32
      %dma_wait3A_442 = tpu.memref_slice %arg18[%add3A_400, %dma_wait3A_441] : memref<6x640xf32, #tpu.memory_space<vmem>> -> memref<1x640xf32, #tpu.memory_space<vmem>>
      %dma_wait3A_443 = tpu.memref_squeeze %dma_wait3A_442 : memref<1x640xf32, #tpu.memory_space<vmem>> -> memref<640xf32, #tpu.memory_space<vmem>>
      %dma_wait3A_444 = tpu.memref_slice %arg9[%multiple_of3A_380] : memref<2000000xf32, #tpu.memory_space<hbm>> -> memref<640xf32, #tpu.memory_space<hbm>>
      %dma_wait3A_445 = arith.constant 0 : i32
      %dma_wait3A_446 = tpu.memref_slice %arg18[%add3A_400, %dma_wait3A_445] : memref<6x640xf32, #tpu.memory_space<vmem>> -> memref<1x640xf32, #tpu.memory_space<vmem>>
      %dma_wait3A_447 = tpu.memref_squeeze %dma_wait3A_446 : memref<1x640xf32, #tpu.memory_space<vmem>> -> memref<640xf32, #tpu.memory_space<vmem>>
      %dma_wait3A_448 = tpu.memref_slice %arg9[%multiple_of3A_380] : memref<2000000xf32, #tpu.memory_space<hbm>> -> memref<640xf32, #tpu.memory_space<hbm>>
      tpu.wait_dma2 semaphore(%arg21 : memref<!tpu.dma_semaphore, #tpu.memory_space<semaphore_mem>>) src(%dma_wait3A_448 : memref<640xf32, #tpu.memory_space<hbm>>) dst(%dma_wait3A_447 : memref<640xf32, #tpu.memory_space<vmem>>)
      %dma_wait3A_449 = arith.constant 0 : i32
      %dma_wait3A_450 = tpu.memref_slice %arg18[%add3A_420, %dma_wait3A_449] : memref<6x640xf32, #tpu.memory_space<vmem>> -> memref<1x640xf32, #tpu.memory_space<vmem>>
      %dma_wait3A_451 = tpu.memref_squeeze %dma_wait3A_450 : memref<1x640xf32, #tpu.memory_space<vmem>> -> memref<640xf32, #tpu.memory_space<vmem>>
      %dma_wait3A_452 = tpu.memref_slice %arg10[%multiple_of3A_380] : memref<2000000xf32, #tpu.memory_space<hbm>> -> memref<640xf32, #tpu.memory_space<hbm>>
      %dma_wait3A_453 = arith.constant 0 : i32
      %dma_wait3A_454 = tpu.memref_slice %arg18[%add3A_420, %dma_wait3A_453] : memref<6x640xf32, #tpu.memory_space<vmem>> -> memref<1x640xf32, #tpu.memory_space<vmem>>
      %dma_wait3A_455 = tpu.memref_squeeze %dma_wait3A_454 : memref<1x640xf32, #tpu.memory_space<vmem>> -> memref<640xf32, #tpu.memory_space<vmem>>
      %dma_wait3A_456 = tpu.memref_slice %arg10[%multiple_of3A_380] : memref<2000000xf32, #tpu.memory_space<hbm>> -> memref<640xf32, #tpu.memory_space<hbm>>
      tpu.wait_dma2 semaphore(%arg21 : memref<!tpu.dma_semaphore, #tpu.memory_space<semaphore_mem>>) src(%dma_wait3A_456 : memref<640xf32, #tpu.memory_space<hbm>>) dst(%dma_wait3A_455 : memref<640xf32, #tpu.memory_space<vmem>>)
      %dma_wait3A_457 = arith.constant 0 : i32
      %dma_wait3A_458 = tpu.memref_slice %arg18[%add3A_440, %dma_wait3A_457] : memref<6x640xf32, #tpu.memory_space<vmem>> -> memref<1x640xf32, #tpu.memory_space<vmem>>
      %dma_wait3A_459 = tpu.memref_squeeze %dma_wait3A_458 : memref<1x640xf32, #tpu.memory_space<vmem>> -> memref<640xf32, #tpu.memory_space<vmem>>
      %dma_wait3A_460 = tpu.memref_slice %arg11[%multiple_of3A_380] : memref<2000000xf32, #tpu.memory_space<hbm>> -> memref<640xf32, #tpu.memory_space<hbm>>
      %dma_wait3A_461 = arith.constant 0 : i32
      %dma_wait3A_462 = tpu.memref_slice %arg18[%add3A_440, %dma_wait3A_461] : memref<6x640xf32, #tpu.memory_space<vmem>> -> memref<1x640xf32, #tpu.memory_space<vmem>>
      %dma_wait3A_463 = tpu.memref_squeeze %dma_wait3A_462 : memref<1x640xf32, #tpu.memory_space<vmem>> -> memref<640xf32, #tpu.memory_space<vmem>>
      %dma_wait3A_464 = tpu.memref_slice %arg11[%multiple_of3A_380] : memref<2000000xf32, #tpu.memory_space<hbm>> -> memref<640xf32, #tpu.memory_space<hbm>>
      tpu.wait_dma2 semaphore(%arg21 : memref<!tpu.dma_semaphore, #tpu.memory_space<semaphore_mem>>) src(%dma_wait3A_464 : memref<640xf32, #tpu.memory_space<hbm>>) dst(%dma_wait3A_463 : memref<640xf32, #tpu.memory_space<vmem>>)
      %ge3A = arith.constant 2 : i32
      %ge3A_465 = arith.cmpi sge, %while3A_336, %ge3A : i32
      %convert_element_type3A_466 = arith.extui %ge3A_465 : i1 to i32
      %cond3A_467 = arith.constant 0 : i32
      %cond3A_468 = arith.cmpi ne, %convert_element_type3A_466, %cond3A_467 : i32
      scf.if %cond3A_468 {
        %sub3A_569 = arith.constant 2 : i32
        %sub3A_570 = arith.subi %while3A_336, %sub3A_569 : i32
        %mul3A_571 = arith.constant 32 : i32
        %mul3A_572 = arith.muli %sub3A_570, %mul3A_571 : i32
        %add3A_573 = arith.addi %add3A, %mul3A_572 : i32
        %mul3A_574 = arith.constant 640 : i32
        %mul3A_575 = arith.muli %add3A_573, %mul3A_574 : i32
        %multiple_of3A_576 = tpu.assume_multiple %mul3A_575, 640 : i32
        %jit3A_577 = arith.constant 2 : i32
        %eq3A_578 = arith.constant 0 : i32
        %eq3A_579 = arith.cmpi eq, %jit3A_577, %eq3A_578 : i32
        %jit3A_580 = arith.constant 1 : i32
        %select_n3A_581 = arith.select %eq3A_579, %jit3A_580, %jit3A_577 : i32
        %rem3A_582 = arith.remsi %sub3A_570, %select_n3A_581 : i32
        %ne3A_583 = arith.constant 0 : i32
        %ne3A_584 = arith.cmpi ne, %rem3A_582, %ne3A_583 : i32
        %lt3A_585 = arith.constant 0 : i32
        %lt3A_586 = arith.cmpi slt, %rem3A_582, %lt3A_585 : i32
        %lt3A_587 = arith.constant 0 : i32
        %lt3A_588 = arith.cmpi slt, %select_n3A_581, %lt3A_587 : i32
        %ne3A_589 = arith.xori %lt3A_586, %lt3A_588 : i1
        %and3A_590 = arith.andi %ne3A_589, %ne3A_584 : i1
        %add3A_591 = arith.addi %rem3A_582, %select_n3A_581 : i32
        %select_n3A_592 = arith.select %and3A_590, %add3A_591, %rem3A_582 : i32
        %mul3A_593 = arith.constant 3 : i32
        %mul3A_594 = arith.muli %select_n3A_592, %mul3A_593 : i32
        %add3A_595 = arith.constant 0 : i32
        %add3A_596 = arith.addi %mul3A_594, %add3A_595 : i32
        %jit3A_597 = arith.constant 2 : i32
        %eq3A_598 = arith.constant 0 : i32
        %eq3A_599 = arith.cmpi eq, %jit3A_597, %eq3A_598 : i32
        %jit3A_600 = arith.constant 1 : i32
        %select_n3A_601 = arith.select %eq3A_599, %jit3A_600, %jit3A_597 : i32
        %rem3A_602 = arith.remsi %sub3A_570, %select_n3A_601 : i32
        %ne3A_603 = arith.constant 0 : i32
        %ne3A_604 = arith.cmpi ne, %rem3A_602, %ne3A_603 : i32
        %lt3A_605 = arith.constant 0 : i32
        %lt3A_606 = arith.cmpi slt, %rem3A_602, %lt3A_605 : i32
        %lt3A_607 = arith.constant 0 : i32
        %lt3A_608 = arith.cmpi slt, %select_n3A_601, %lt3A_607 : i32
        %ne3A_609 = arith.xori %lt3A_606, %lt3A_608 : i1
        %and3A_610 = arith.andi %ne3A_609, %ne3A_604 : i1
        %add3A_611 = arith.addi %rem3A_602, %select_n3A_601 : i32
        %select_n3A_612 = arith.select %and3A_610, %add3A_611, %rem3A_602 : i32
        %mul3A_613 = arith.constant 3 : i32
        %mul3A_614 = arith.muli %select_n3A_612, %mul3A_613 : i32
        %add3A_615 = arith.constant 1 : i32
        %add3A_616 = arith.addi %mul3A_614, %add3A_615 : i32
        %jit3A_617 = arith.constant 2 : i32
        %eq3A_618 = arith.constant 0 : i32
        %eq3A_619 = arith.cmpi eq, %jit3A_617, %eq3A_618 : i32
        %jit3A_620 = arith.constant 1 : i32
        %select_n3A_621 = arith.select %eq3A_619, %jit3A_620, %jit3A_617 : i32
        %rem3A_622 = arith.remsi %sub3A_570, %select_n3A_621 : i32
        %ne3A_623 = arith.constant 0 : i32
        %ne3A_624 = arith.cmpi ne, %rem3A_622, %ne3A_623 : i32
        %lt3A_625 = arith.constant 0 : i32
        %lt3A_626 = arith.cmpi slt, %rem3A_622, %lt3A_625 : i32
        %lt3A_627 = arith.constant 0 : i32
        %lt3A_628 = arith.cmpi slt, %select_n3A_621, %lt3A_627 : i32
        %ne3A_629 = arith.xori %lt3A_626, %lt3A_628 : i1
        %and3A_630 = arith.andi %ne3A_629, %ne3A_624 : i1
        %add3A_631 = arith.addi %rem3A_622, %select_n3A_621 : i32
        %select_n3A_632 = arith.select %and3A_630, %add3A_631, %rem3A_622 : i32
        %mul3A_633 = arith.constant 3 : i32
        %mul3A_634 = arith.muli %select_n3A_632, %mul3A_633 : i32
        %add3A_635 = arith.constant 2 : i32
        %add3A_636 = arith.addi %mul3A_634, %add3A_635 : i32
        %dma_wait3A_637 = arith.constant 0 : i32
        %dma_wait3A_638 = tpu.memref_slice %arg19[%add3A_596, %dma_wait3A_637] : memref<6x640xf32, #tpu.memory_space<vmem>> -> memref<1x640xf32, #tpu.memory_space<vmem>>
        %dma_wait3A_639 = tpu.memref_squeeze %dma_wait3A_638 : memref<1x640xf32, #tpu.memory_space<vmem>> -> memref<640xf32, #tpu.memory_space<vmem>>
        %dma_wait3A_640 = tpu.memref_slice %arg12[%multiple_of3A_576] : memref<2000000xf32, #tpu.memory_space<hbm>> -> memref<640xf32, #tpu.memory_space<hbm>>
        %dma_wait3A_641 = tpu.memref_slice %arg12[%multiple_of3A_576] : memref<2000000xf32, #tpu.memory_space<hbm>> -> memref<640xf32, #tpu.memory_space<hbm>>
        %dma_wait3A_642 = arith.constant 0 : i32
        %dma_wait3A_643 = tpu.memref_slice %arg19[%add3A_596, %dma_wait3A_642] : memref<6x640xf32, #tpu.memory_space<vmem>> -> memref<1x640xf32, #tpu.memory_space<vmem>>
        %dma_wait3A_644 = tpu.memref_squeeze %dma_wait3A_643 : memref<1x640xf32, #tpu.memory_space<vmem>> -> memref<640xf32, #tpu.memory_space<vmem>>
        tpu.wait_dma2 semaphore(%arg24 : memref<!tpu.dma_semaphore, #tpu.memory_space<semaphore_mem>>) src(%dma_wait3A_644 : memref<640xf32, #tpu.memory_space<vmem>>) dst(%dma_wait3A_641 : memref<640xf32, #tpu.memory_space<hbm>>)
        %dma_wait3A_645 = arith.constant 0 : i32
        %dma_wait3A_646 = tpu.memref_slice %arg19[%add3A_616, %dma_wait3A_645] : memref<6x640xf32, #tpu.memory_space<vmem>> -> memref<1x640xf32, #tpu.memory_space<vmem>>
        %dma_wait3A_647 = tpu.memref_squeeze %dma_wait3A_646 : memref<1x640xf32, #tpu.memory_space<vmem>> -> memref<640xf32, #tpu.memory_space<vmem>>
        %dma_wait3A_648 = tpu.memref_slice %arg13[%multiple_of3A_576] : memref<2000000xf32, #tpu.memory_space<hbm>> -> memref<640xf32, #tpu.memory_space<hbm>>
        %dma_wait3A_649 = tpu.memref_slice %arg13[%multiple_of3A_576] : memref<2000000xf32, #tpu.memory_space<hbm>> -> memref<640xf32, #tpu.memory_space<hbm>>
        %dma_wait3A_650 = arith.constant 0 : i32
        %dma_wait3A_651 = tpu.memref_slice %arg19[%add3A_616, %dma_wait3A_650] : memref<6x640xf32, #tpu.memory_space<vmem>> -> memref<1x640xf32, #tpu.memory_space<vmem>>
        %dma_wait3A_652 = tpu.memref_squeeze %dma_wait3A_651 : memref<1x640xf32, #tpu.memory_space<vmem>> -> memref<640xf32, #tpu.memory_space<vmem>>
        tpu.wait_dma2 semaphore(%arg24 : memref<!tpu.dma_semaphore, #tpu.memory_space<semaphore_mem>>) src(%dma_wait3A_652 : memref<640xf32, #tpu.memory_space<vmem>>) dst(%dma_wait3A_649 : memref<640xf32, #tpu.memory_space<hbm>>)
        %dma_wait3A_653 = arith.constant 0 : i32
        %dma_wait3A_654 = tpu.memref_slice %arg19[%add3A_636, %dma_wait3A_653] : memref<6x640xf32, #tpu.memory_space<vmem>> -> memref<1x640xf32, #tpu.memory_space<vmem>>
        %dma_wait3A_655 = tpu.memref_squeeze %dma_wait3A_654 : memref<1x640xf32, #tpu.memory_space<vmem>> -> memref<640xf32, #tpu.memory_space<vmem>>
        %dma_wait3A_656 = tpu.memref_slice %arg14[%multiple_of3A_576] : memref<2000000xf32, #tpu.memory_space<hbm>> -> memref<640xf32, #tpu.memory_space<hbm>>
        %dma_wait3A_657 = tpu.memref_slice %arg14[%multiple_of3A_576] : memref<2000000xf32, #tpu.memory_space<hbm>> -> memref<640xf32, #tpu.memory_space<hbm>>
        %dma_wait3A_658 = arith.constant 0 : i32
        %dma_wait3A_659 = tpu.memref_slice %arg19[%add3A_636, %dma_wait3A_658] : memref<6x640xf32, #tpu.memory_space<vmem>> -> memref<1x640xf32, #tpu.memory_space<vmem>>
        %dma_wait3A_660 = tpu.memref_squeeze %dma_wait3A_659 : memref<1x640xf32, #tpu.memory_space<vmem>> -> memref<640xf32, #tpu.memory_space<vmem>>
        tpu.wait_dma2 semaphore(%arg24 : memref<!tpu.dma_semaphore, #tpu.memory_space<semaphore_mem>>) src(%dma_wait3A_660 : memref<640xf32, #tpu.memory_space<vmem>>) dst(%dma_wait3A_657 : memref<640xf32, #tpu.memory_space<hbm>>)
      } else {
      }
      %eq3A_469 = arith.constant 0 : i32
      %eq3A_470 = arith.cmpi eq, %select_n3A_352, %eq3A_469 : i32
      %convert_element_type3A_471 = arith.extui %eq3A_470 : i1 to i32
      %cond3A_472 = arith.constant 0 : i32
      %cond3A_473 = arith.cmpi ne, %convert_element_type3A_471, %cond3A_472 : i32
      scf.if %cond3A_473 {
        %scan3A_569 = arith.constant 0 : i32
        %scan3A_570 = arith.constant 0 : i32
        %scan3A_571 = arith.constant 40 : i32
        %scan3A_572 = arith.addi %scan3A_570, %scan3A_571 : i32
        %scan3A_573 = arith.constant 1 : i32
        scf.for %scan3A_575 = %scan3A_570 to %scan3A_572 step %scan3A_573  : i32 {
          %mul3A_576 = arith.constant 16 : i32
          %mul3A_577 = arith.muli %scan3A_575, %mul3A_576 : i32
          %get3A = arith.constant 0 : i32
          %get3A_578 = arith.index_cast %get3A : i32 to index
          %get3A_579 = arith.index_cast %mul3A_577 : i32 to index
          %get3A_580 = tpu.vector_load %arg18[%get3A_578, %get3A_579] {strides = array<i32>} : memref<6x640xf32, #tpu.memory_space<vmem>>, vector<16xf32>,
          %get3A_581 = arith.constant 1 : i32
          %get3A_582 = arith.index_cast %get3A_581 : i32 to index
          %get3A_583 = arith.index_cast %mul3A_577 : i32 to index
          %get3A_584 = tpu.vector_load %arg18[%get3A_582, %get3A_583] {strides = array<i32>} : memref<6x640xf32, #tpu.memory_space<vmem>>, vector<16xf32>,
          %get3A_585 = arith.constant 2 : i32
          %get3A_586 = arith.index_cast %get3A_585 : i32 to index
          %get3A_587 = arith.index_cast %mul3A_577 : i32 to index
          %get3A_588 = tpu.vector_load %arg18[%get3A_586, %get3A_587] {strides = array<i32>} : memref<6x640xf32, #tpu.memory_space<vmem>>, vector<16xf32>,
          %get3A_589 = arith.constant 0 : i32
          %get3A_590 = arith.index_cast %get3A_589 : i32 to index
          %get3A_591 = arith.index_cast %mul3A_577 : i32 to index
          %get3A_592 = tpu.vector_load %arg17[%get3A_590, %get3A_591] {strides = array<i32>} : memref<18x640xf32, #tpu.memory_space<vmem>>, vector<16xf32>,
          %mul3A_593 = arith.mulf %get3A_580, %get3A_592 : vector<16xf32>
          %get3A_594 = arith.constant 3 : i32
          %get3A_595 = arith.index_cast %get3A_594 : i32 to index
          %get3A_596 = arith.index_cast %mul3A_577 : i32 to index
          %get3A_597 = tpu.vector_load %arg17[%get3A_595, %get3A_596] {strides = array<i32>} : memref<18x640xf32, #tpu.memory_space<vmem>>, vector<16xf32>,
          %mul3A_598 = arith.mulf %get3A_584, %get3A_597 : vector<16xf32>
          %add3A_599 = arith.addf %mul3A_593, %mul3A_598 : vector<16xf32>
          %get3A_600 = arith.constant 6 : i32
          %get3A_601 = arith.index_cast %get3A_600 : i32 to index
          %get3A_602 = arith.index_cast %mul3A_577 : i32 to index
          %get3A_603 = tpu.vector_load %arg17[%get3A_601, %get3A_602] {strides = array<i32>} : memref<18x640xf32, #tpu.memory_space<vmem>>, vector<16xf32>,
          %mul3A_604 = arith.mulf %get3A_588, %get3A_603 : vector<16xf32>
          %add3A_605 = arith.addf %add3A_599, %mul3A_604 : vector<16xf32>
          %swap3A = arith.constant 0 : i32
          %swap3A_606 = arith.index_cast %swap3A : i32 to index
          %swap3A_607 = arith.index_cast %mul3A_577 : i32 to index
          %swap3A_608 = tpu.vector_load %arg19[%swap3A_606, %swap3A_607] {strides = array<i32>} : memref<6x640xf32, #tpu.memory_space<vmem>>, vector<16xf32>,
          tpu.vector_store %arg19[%swap3A_606, %swap3A_607], %add3A_605 {strides = array<i32>} : memref<6x640xf32, #tpu.memory_space<vmem>>, vector<16xf32>,
          %get3A_609 = arith.constant 1 : i32
          %get3A_610 = arith.index_cast %get3A_609 : i32 to index
          %get3A_611 = arith.index_cast %mul3A_577 : i32 to index
          %get3A_612 = tpu.vector_load %arg17[%get3A_610, %get3A_611] {strides = array<i32>} : memref<18x640xf32, #tpu.memory_space<vmem>>, vector<16xf32>,
          %mul3A_613 = arith.mulf %get3A_580, %get3A_612 : vector<16xf32>
          %get3A_614 = arith.constant 4 : i32
          %get3A_615 = arith.index_cast %get3A_614 : i32 to index
          %get3A_616 = arith.index_cast %mul3A_577 : i32 to index
          %get3A_617 = tpu.vector_load %arg17[%get3A_615, %get3A_616] {strides = array<i32>} : memref<18x640xf32, #tpu.memory_space<vmem>>, vector<16xf32>,
          %mul3A_618 = arith.mulf %get3A_584, %get3A_617 : vector<16xf32>
          %add3A_619 = arith.addf %mul3A_613, %mul3A_618 : vector<16xf32>
          %get3A_620 = arith.constant 7 : i32
          %get3A_621 = arith.index_cast %get3A_620 : i32 to index
          %get3A_622 = arith.index_cast %mul3A_577 : i32 to index
          %get3A_623 = tpu.vector_load %arg17[%get3A_621, %get3A_622] {strides = array<i32>} : memref<18x640xf32, #tpu.memory_space<vmem>>, vector<16xf32>,
          %mul3A_624 = arith.mulf %get3A_588, %get3A_623 : vector<16xf32>
          %add3A_625 = arith.addf %add3A_619, %mul3A_624 : vector<16xf32>
          %swap3A_626 = arith.constant 1 : i32
          %swap3A_627 = arith.index_cast %swap3A_626 : i32 to index
          %swap3A_628 = arith.index_cast %mul3A_577 : i32 to index
          %swap3A_629 = tpu.vector_load %arg19[%swap3A_627, %swap3A_628] {strides = array<i32>} : memref<6x640xf32, #tpu.memory_space<vmem>>, vector<16xf32>,
          tpu.vector_store %arg19[%swap3A_627, %swap3A_628], %add3A_625 {strides = array<i32>} : memref<6x640xf32, #tpu.memory_space<vmem>>, vector<16xf32>,
          %get3A_630 = arith.constant 2 : i32
          %get3A_631 = arith.index_cast %get3A_630 : i32 to index
          %get3A_632 = arith.index_cast %mul3A_577 : i32 to index
          %get3A_633 = tpu.vector_load %arg17[%get3A_631, %get3A_632] {strides = array<i32>} : memref<18x640xf32, #tpu.memory_space<vmem>>, vector<16xf32>,
          %mul3A_634 = arith.mulf %get3A_580, %get3A_633 : vector<16xf32>
          %get3A_635 = arith.constant 5 : i32
          %get3A_636 = arith.index_cast %get3A_635 : i32 to index
          %get3A_637 = arith.index_cast %mul3A_577 : i32 to index
          %get3A_638 = tpu.vector_load %arg17[%get3A_636, %get3A_637] {strides = array<i32>} : memref<18x640xf32, #tpu.memory_space<vmem>>, vector<16xf32>,
          %mul3A_639 = arith.mulf %get3A_584, %get3A_638 : vector<16xf32>
          %add3A_640 = arith.addf %mul3A_634, %mul3A_639 : vector<16xf32>
          %get3A_641 = arith.constant 8 : i32
          %get3A_642 = arith.index_cast %get3A_641 : i32 to index
          %get3A_643 = arith.index_cast %mul3A_577 : i32 to index
          %get3A_644 = tpu.vector_load %arg17[%get3A_642, %get3A_643] {strides = array<i32>} : memref<18x640xf32, #tpu.memory_space<vmem>>, vector<16xf32>,
          %mul3A_645 = arith.mulf %get3A_588, %get3A_644 : vector<16xf32>
          %add3A_646 = arith.addf %add3A_640, %mul3A_645 : vector<16xf32>
          %swap3A_647 = arith.constant 2 : i32
          %swap3A_648 = arith.index_cast %swap3A_647 : i32 to index
          %swap3A_649 = arith.index_cast %mul3A_577 : i32 to index
          %swap3A_650 = tpu.vector_load %arg19[%swap3A_648, %swap3A_649] {strides = array<i32>} : memref<6x640xf32, #tpu.memory_space<vmem>>, vector<16xf32>,
          tpu.vector_store %arg19[%swap3A_648, %swap3A_649], %add3A_646 {strides = array<i32>} : memref<6x640xf32, #tpu.memory_space<vmem>>, vector<16xf32>,
        }
        %scan3A_574 = arith.constant 40 : i32
      } else {
      }
      %eq3A_474 = arith.constant 1 : i32
      %eq3A_475 = arith.cmpi eq, %select_n3A_352, %eq3A_474 : i32
      %convert_element_type3A_476 = arith.extui %eq3A_475 : i1 to i32
      %cond3A_477 = arith.constant 0 : i32
      %cond3A_478 = arith.cmpi ne, %convert_element_type3A_476, %cond3A_477 : i32
      scf.if %cond3A_478 {
        %scan3A_569 = arith.constant 0 : i32
        %scan3A_570 = arith.constant 0 : i32
        %scan3A_571 = arith.constant 40 : i32
        %scan3A_572 = arith.addi %scan3A_570, %scan3A_571 : i32
        %scan3A_573 = arith.constant 1 : i32
        scf.for %scan3A_575 = %scan3A_570 to %scan3A_572 step %scan3A_573  : i32 {
          %mul3A_576 = arith.constant 16 : i32
          %mul3A_577 = arith.muli %scan3A_575, %mul3A_576 : i32
          %get3A = arith.constant 3 : i32
          %get3A_578 = arith.index_cast %get3A : i32 to index
          %get3A_579 = arith.index_cast %mul3A_577 : i32 to index
          %get3A_580 = tpu.vector_load %arg18[%get3A_578, %get3A_579] {strides = array<i32>} : memref<6x640xf32, #tpu.memory_space<vmem>>, vector<16xf32>,
          %get3A_581 = arith.constant 4 : i32
          %get3A_582 = arith.index_cast %get3A_581 : i32 to index
          %get3A_583 = arith.index_cast %mul3A_577 : i32 to index
          %get3A_584 = tpu.vector_load %arg18[%get3A_582, %get3A_583] {strides = array<i32>} : memref<6x640xf32, #tpu.memory_space<vmem>>, vector<16xf32>,
          %get3A_585 = arith.constant 5 : i32
          %get3A_586 = arith.index_cast %get3A_585 : i32 to index
          %get3A_587 = arith.index_cast %mul3A_577 : i32 to index
          %get3A_588 = tpu.vector_load %arg18[%get3A_586, %get3A_587] {strides = array<i32>} : memref<6x640xf32, #tpu.memory_space<vmem>>, vector<16xf32>,
          %get3A_589 = arith.constant 9 : i32
          %get3A_590 = arith.index_cast %get3A_589 : i32 to index
          %get3A_591 = arith.index_cast %mul3A_577 : i32 to index
          %get3A_592 = tpu.vector_load %arg17[%get3A_590, %get3A_591] {strides = array<i32>} : memref<18x640xf32, #tpu.memory_space<vmem>>, vector<16xf32>,
          %mul3A_593 = arith.mulf %get3A_580, %get3A_592 : vector<16xf32>
          %get3A_594 = arith.constant 12 : i32
          %get3A_595 = arith.index_cast %get3A_594 : i32 to index
          %get3A_596 = arith.index_cast %mul3A_577 : i32 to index
          %get3A_597 = tpu.vector_load %arg17[%get3A_595, %get3A_596] {strides = array<i32>} : memref<18x640xf32, #tpu.memory_space<vmem>>, vector<16xf32>,
          %mul3A_598 = arith.mulf %get3A_584, %get3A_597 : vector<16xf32>
          %add3A_599 = arith.addf %mul3A_593, %mul3A_598 : vector<16xf32>
          %get3A_600 = arith.constant 15 : i32
          %get3A_601 = arith.index_cast %get3A_600 : i32 to index
          %get3A_602 = arith.index_cast %mul3A_577 : i32 to index
          %get3A_603 = tpu.vector_load %arg17[%get3A_601, %get3A_602] {strides = array<i32>} : memref<18x640xf32, #tpu.memory_space<vmem>>, vector<16xf32>,
          %mul3A_604 = arith.mulf %get3A_588, %get3A_603 : vector<16xf32>
          %add3A_605 = arith.addf %add3A_599, %mul3A_604 : vector<16xf32>
          %swap3A = arith.constant 3 : i32
          %swap3A_606 = arith.index_cast %swap3A : i32 to index
          %swap3A_607 = arith.index_cast %mul3A_577 : i32 to index
          %swap3A_608 = tpu.vector_load %arg19[%swap3A_606, %swap3A_607] {strides = array<i32>} : memref<6x640xf32, #tpu.memory_space<vmem>>, vector<16xf32>,
          tpu.vector_store %arg19[%swap3A_606, %swap3A_607], %add3A_605 {strides = array<i32>} : memref<6x640xf32, #tpu.memory_space<vmem>>, vector<16xf32>,
          %get3A_609 = arith.constant 10 : i32
          %get3A_610 = arith.index_cast %get3A_609 : i32 to index
          %get3A_611 = arith.index_cast %mul3A_577 : i32 to index
          %get3A_612 = tpu.vector_load %arg17[%get3A_610, %get3A_611] {strides = array<i32>} : memref<18x640xf32, #tpu.memory_space<vmem>>, vector<16xf32>,
          %mul3A_613 = arith.mulf %get3A_580, %get3A_612 : vector<16xf32>
          %get3A_614 = arith.constant 13 : i32
          %get3A_615 = arith.index_cast %get3A_614 : i32 to index
          %get3A_616 = arith.index_cast %mul3A_577 : i32 to index
          %get3A_617 = tpu.vector_load %arg17[%get3A_615, %get3A_616] {strides = array<i32>} : memref<18x640xf32, #tpu.memory_space<vmem>>, vector<16xf32>,
          %mul3A_618 = arith.mulf %get3A_584, %get3A_617 : vector<16xf32>
          %add3A_619 = arith.addf %mul3A_613, %mul3A_618 : vector<16xf32>
          %get3A_620 = arith.constant 16 : i32
          %get3A_621 = arith.index_cast %get3A_620 : i32 to index
          %get3A_622 = arith.index_cast %mul3A_577 : i32 to index
          %get3A_623 = tpu.vector_load %arg17[%get3A_621, %get3A_622] {strides = array<i32>} : memref<18x640xf32, #tpu.memory_space<vmem>>, vector<16xf32>,
          %mul3A_624 = arith.mulf %get3A_588, %get3A_623 : vector<16xf32>
          %add3A_625 = arith.addf %add3A_619, %mul3A_624 : vector<16xf32>
          %swap3A_626 = arith.constant 4 : i32
          %swap3A_627 = arith.index_cast %swap3A_626 : i32 to index
          %swap3A_628 = arith.index_cast %mul3A_577 : i32 to index
          %swap3A_629 = tpu.vector_load %arg19[%swap3A_627, %swap3A_628] {strides = array<i32>} : memref<6x640xf32, #tpu.memory_space<vmem>>, vector<16xf32>,
          tpu.vector_store %arg19[%swap3A_627, %swap3A_628], %add3A_625 {strides = array<i32>} : memref<6x640xf32, #tpu.memory_space<vmem>>, vector<16xf32>,
          %get3A_630 = arith.constant 11 : i32
          %get3A_631 = arith.index_cast %get3A_630 : i32 to index
          %get3A_632 = arith.index_cast %mul3A_577 : i32 to index
          %get3A_633 = tpu.vector_load %arg17[%get3A_631, %get3A_632] {strides = array<i32>} : memref<18x640xf32, #tpu.memory_space<vmem>>, vector<16xf32>,
          %mul3A_634 = arith.mulf %get3A_580, %get3A_633 : vector<16xf32>
          %get3A_635 = arith.constant 14 : i32
          %get3A_636 = arith.index_cast %get3A_635 : i32 to index
          %get3A_637 = arith.index_cast %mul3A_577 : i32 to index
          %get3A_638 = tpu.vector_load %arg17[%get3A_636, %get3A_637] {strides = array<i32>} : memref<18x640xf32, #tpu.memory_space<vmem>>, vector<16xf32>,
          %mul3A_639 = arith.mulf %get3A_584, %get3A_638 : vector<16xf32>
          %add3A_640 = arith.addf %mul3A_634, %mul3A_639 : vector<16xf32>
          %get3A_641 = arith.constant 17 : i32
          %get3A_642 = arith.index_cast %get3A_641 : i32 to index
          %get3A_643 = arith.index_cast %mul3A_577 : i32 to index
          %get3A_644 = tpu.vector_load %arg17[%get3A_642, %get3A_643] {strides = array<i32>} : memref<18x640xf32, #tpu.memory_space<vmem>>, vector<16xf32>,
          %mul3A_645 = arith.mulf %get3A_588, %get3A_644 : vector<16xf32>
          %add3A_646 = arith.addf %add3A_640, %mul3A_645 : vector<16xf32>
          %swap3A_647 = arith.constant 5 : i32
          %swap3A_648 = arith.index_cast %swap3A_647 : i32 to index
          %swap3A_649 = arith.index_cast %mul3A_577 : i32 to index
          %swap3A_650 = tpu.vector_load %arg19[%swap3A_648, %swap3A_649] {strides = array<i32>} : memref<6x640xf32, #tpu.memory_space<vmem>>, vector<16xf32>,
          tpu.vector_store %arg19[%swap3A_648, %swap3A_649], %add3A_646 {strides = array<i32>} : memref<6x640xf32, #tpu.memory_space<vmem>>, vector<16xf32>,
        }
        %scan3A_574 = arith.constant 40 : i32
      } else {
      }
      %mul3A_479 = arith.constant 32 : i32
      %mul3A_480 = arith.muli %while3A_336, %mul3A_479 : i32
      %add3A_481 = arith.addi %add3A, %mul3A_480 : i32
      %mul3A_482 = arith.constant 640 : i32
      %mul3A_483 = arith.muli %add3A_481, %mul3A_482 : i32
      %multiple_of3A_484 = tpu.assume_multiple %mul3A_483, 640 : i32
      %jit3A_485 = arith.constant 2 : i32
      %eq3A_486 = arith.constant 0 : i32
      %eq3A_487 = arith.cmpi eq, %jit3A_485, %eq3A_486 : i32
      %jit3A_488 = arith.constant 1 : i32
      %select_n3A_489 = arith.select %eq3A_487, %jit3A_488, %jit3A_485 : i32
      %rem3A_490 = arith.remsi %while3A_336, %select_n3A_489 : i32
      %ne3A_491 = arith.constant 0 : i32
      %ne3A_492 = arith.cmpi ne, %rem3A_490, %ne3A_491 : i32
      %lt3A_493 = arith.constant 0 : i32
      %lt3A_494 = arith.cmpi slt, %rem3A_490, %lt3A_493 : i32
      %lt3A_495 = arith.constant 0 : i32
      %lt3A_496 = arith.cmpi slt, %select_n3A_489, %lt3A_495 : i32
      %ne3A_497 = arith.xori %lt3A_494, %lt3A_496 : i1
      %and3A_498 = arith.andi %ne3A_497, %ne3A_492 : i1
      %add3A_499 = arith.addi %rem3A_490, %select_n3A_489 : i32
      %select_n3A_500 = arith.select %and3A_498, %add3A_499, %rem3A_490 : i32
      %mul3A_501 = arith.constant 3 : i32
      %mul3A_502 = arith.muli %select_n3A_500, %mul3A_501 : i32
      %add3A_503 = arith.constant 0 : i32
      %add3A_504 = arith.addi %mul3A_502, %add3A_503 : i32
      %jit3A_505 = arith.constant 2 : i32
      %eq3A_506 = arith.constant 0 : i32
      %eq3A_507 = arith.cmpi eq, %jit3A_505, %eq3A_506 : i32
      %jit3A_508 = arith.constant 1 : i32
      %select_n3A_509 = arith.select %eq3A_507, %jit3A_508, %jit3A_505 : i32
      %rem3A_510 = arith.remsi %while3A_336, %select_n3A_509 : i32
      %ne3A_511 = arith.constant 0 : i32
      %ne3A_512 = arith.cmpi ne, %rem3A_510, %ne3A_511 : i32
      %lt3A_513 = arith.constant 0 : i32
      %lt3A_514 = arith.cmpi slt, %rem3A_510, %lt3A_513 : i32
      %lt3A_515 = arith.constant 0 : i32
      %lt3A_516 = arith.cmpi slt, %select_n3A_509, %lt3A_515 : i32
      %ne3A_517 = arith.xori %lt3A_514, %lt3A_516 : i1
      %and3A_518 = arith.andi %ne3A_517, %ne3A_512 : i1
      %add3A_519 = arith.addi %rem3A_510, %select_n3A_509 : i32
      %select_n3A_520 = arith.select %and3A_518, %add3A_519, %rem3A_510 : i32
      %mul3A_521 = arith.constant 3 : i32
      %mul3A_522 = arith.muli %select_n3A_520, %mul3A_521 : i32
      %add3A_523 = arith.constant 1 : i32
      %add3A_524 = arith.addi %mul3A_522, %add3A_523 : i32
      %jit3A_525 = arith.constant 2 : i32
      %eq3A_526 = arith.constant 0 : i32
      %eq3A_527 = arith.cmpi eq, %jit3A_525, %eq3A_526 : i32
      %jit3A_528 = arith.constant 1 : i32
      %select_n3A_529 = arith.select %eq3A_527, %jit3A_528, %jit3A_525 : i32
      %rem3A_530 = arith.remsi %while3A_336, %select_n3A_529 : i32
      %ne3A_531 = arith.constant 0 : i32
      %ne3A_532 = arith.cmpi ne, %rem3A_530, %ne3A_531 : i32
      %lt3A_533 = arith.constant 0 : i32
      %lt3A_534 = arith.cmpi slt, %rem3A_530, %lt3A_533 : i32
      %lt3A_535 = arith.constant 0 : i32
      %lt3A_536 = arith.cmpi slt, %select_n3A_529, %lt3A_535 : i32
      %ne3A_537 = arith.xori %lt3A_534, %lt3A_536 : i1
      %and3A_538 = arith.andi %ne3A_537, %ne3A_532 : i1
      %add3A_539 = arith.addi %rem3A_530, %select_n3A_529 : i32
      %select_n3A_540 = arith.select %and3A_538, %add3A_539, %rem3A_530 : i32
      %mul3A_541 = arith.constant 3 : i32
      %mul3A_542 = arith.muli %select_n3A_540, %mul3A_541 : i32
      %add3A_543 = arith.constant 2 : i32
      %add3A_544 = arith.addi %mul3A_542, %add3A_543 : i32
      %dma_start3A_545 = arith.constant 0 : i32
      %dma_start3A_546 = tpu.memref_slice %arg19[%add3A_504, %dma_start3A_545] : memref<6x640xf32, #tpu.memory_space<vmem>> -> memref<1x640xf32, #tpu.memory_space<vmem>>
      %dma_start3A_547 = tpu.memref_squeeze %dma_start3A_546 : memref<1x640xf32, #tpu.memory_space<vmem>> -> memref<640xf32, #tpu.memory_space<vmem>>
      %dma_start3A_548 = tpu.memref_slice %arg12[%multiple_of3A_484] : memref<2000000xf32, #tpu.memory_space<hbm>> -> memref<640xf32, #tpu.memory_space<hbm>>
      %dma_start3A_549 = tpu.memref_slice %arg12[%multiple_of3A_484] : memref<2000000xf32, #tpu.memory_space<hbm>> -> memref<640xf32, #tpu.memory_space<hbm>>
      %dma_start3A_550 = arith.constant 0 : i32
      %dma_start3A_551 = tpu.memref_slice %arg19[%add3A_504, %dma_start3A_550] : memref<6x640xf32, #tpu.memory_space<vmem>> -> memref<1x640xf32, #tpu.memory_space<vmem>>
      %dma_start3A_552 = tpu.memref_squeeze %dma_start3A_551 : memref<1x640xf32, #tpu.memory_space<vmem>> -> memref<640xf32, #tpu.memory_space<vmem>>
      tpu.enqueue_dma source(%dma_start3A_552 : memref<640xf32, #tpu.memory_space<vmem>>) target(%dma_start3A_549 : memref<640xf32, #tpu.memory_space<hbm>>) target_semaphore(%arg24 : memref<!tpu.dma_semaphore, #tpu.memory_space<semaphore_mem>>)
      %dma_start3A_553 = arith.constant 0 : i32
      %dma_start3A_554 = tpu.memref_slice %arg19[%add3A_524, %dma_start3A_553] : memref<6x640xf32, #tpu.memory_space<vmem>> -> memref<1x640xf32, #tpu.memory_space<vmem>>
      %dma_start3A_555 = tpu.memref_squeeze %dma_start3A_554 : memref<1x640xf32, #tpu.memory_space<vmem>> -> memref<640xf32, #tpu.memory_space<vmem>>
      %dma_start3A_556 = tpu.memref_slice %arg13[%multiple_of3A_484] : memref<2000000xf32, #tpu.memory_space<hbm>> -> memref<640xf32, #tpu.memory_space<hbm>>
      %dma_start3A_557 = tpu.memref_slice %arg13[%multiple_of3A_484] : memref<2000000xf32, #tpu.memory_space<hbm>> -> memref<640xf32, #tpu.memory_space<hbm>>
      %dma_start3A_558 = arith.constant 0 : i32
      %dma_start3A_559 = tpu.memref_slice %arg19[%add3A_524, %dma_start3A_558] : memref<6x640xf32, #tpu.memory_space<vmem>> -> memref<1x640xf32, #tpu.memory_space<vmem>>
      %dma_start3A_560 = tpu.memref_squeeze %dma_start3A_559 : memref<1x640xf32, #tpu.memory_space<vmem>> -> memref<640xf32, #tpu.memory_space<vmem>>
      tpu.enqueue_dma source(%dma_start3A_560 : memref<640xf32, #tpu.memory_space<vmem>>) target(%dma_start3A_557 : memref<640xf32, #tpu.memory_space<hbm>>) target_semaphore(%arg24 : memref<!tpu.dma_semaphore, #tpu.memory_space<semaphore_mem>>)
      %dma_start3A_561 = arith.constant 0 : i32
      %dma_start3A_562 = tpu.memref_slice %arg19[%add3A_544, %dma_start3A_561] : memref<6x640xf32, #tpu.memory_space<vmem>> -> memref<1x640xf32, #tpu.memory_space<vmem>>
      %dma_start3A_563 = tpu.memref_squeeze %dma_start3A_562 : memref<1x640xf32, #tpu.memory_space<vmem>> -> memref<640xf32, #tpu.memory_space<vmem>>
      %dma_start3A_564 = tpu.memref_slice %arg14[%multiple_of3A_484] : memref<2000000xf32, #tpu.memory_space<hbm>> -> memref<640xf32, #tpu.memory_space<hbm>>
      %dma_start3A_565 = tpu.memref_slice %arg14[%multiple_of3A_484] : memref<2000000xf32, #tpu.memory_space<hbm>> -> memref<640xf32, #tpu.memory_space<hbm>>
      %dma_start3A_566 = arith.constant 0 : i32
      %dma_start3A_567 = tpu.memref_slice %arg19[%add3A_544, %dma_start3A_566] : memref<6x640xf32, #tpu.memory_space<vmem>> -> memref<1x640xf32, #tpu.memory_space<vmem>>
      %dma_start3A_568 = tpu.memref_squeeze %dma_start3A_567 : memref<1x640xf32, #tpu.memory_space<vmem>> -> memref<640xf32, #tpu.memory_space<vmem>>
      tpu.enqueue_dma source(%dma_start3A_568 : memref<640xf32, #tpu.memory_space<vmem>>) target(%dma_start3A_565 : memref<640xf32, #tpu.memory_space<hbm>>) target_semaphore(%arg24 : memref<!tpu.dma_semaphore, #tpu.memory_space<semaphore_mem>>)
    }
    %while3A_153 = arith.constant 1 : i32
    scf.for %while3A_336 = %while3A_151 to %while3A_147 step %while3A_153  : i32 {
      %jit3A_337 = arith.constant 2 : i32
      %eq3A_338 = arith.constant 0 : i32
      %eq3A_339 = arith.cmpi eq, %jit3A_337, %eq3A_338 : i32
      %jit3A_340 = arith.constant 1 : i32
      %select_n3A_341 = arith.select %eq3A_339, %jit3A_340, %jit3A_337 : i32
      %rem3A_342 = arith.remsi %while3A_336, %select_n3A_341 : i32
      %ne3A_343 = arith.constant 0 : i32
      %ne3A_344 = arith.cmpi ne, %rem3A_342, %ne3A_343 : i32
      %lt3A_345 = arith.constant 0 : i32
      %lt3A_346 = arith.cmpi slt, %rem3A_342, %lt3A_345 : i32
      %lt3A_347 = arith.constant 0 : i32
      %lt3A_348 = arith.cmpi slt, %select_n3A_341, %lt3A_347 : i32
      %ne3A_349 = arith.xori %lt3A_346, %lt3A_348 : i1
      %and3A_350 = arith.andi %ne3A_349, %ne3A_344 : i1
      %add3A_351 = arith.addi %rem3A_342, %select_n3A_341 : i32
      %select_n3A_352 = arith.select %and3A_350, %add3A_351, %rem3A_342 : i32
      %add3A_353 = arith.constant 1 : i32
      %add3A_354 = arith.addi %while3A_336, %add3A_353 : i32
      %lt3A_355 = arith.cmpi slt, %add3A_354, %select_n3A : i32
      %convert_element_type3A = arith.extui %lt3A_355 : i1 to i32
      %cond3A = arith.constant 0 : i32
      %cond3A_356 = arith.cmpi ne, %convert_element_type3A, %cond3A : i32
      scf.if %cond3A_356 {
        %add3A_569 = arith.constant 1 : i32
        %add3A_570 = arith.addi %while3A_336, %add3A_569 : i32
        %scan3A_571 = arith.constant 0 : i32
        %scan3A_572 = arith.constant 0 : i32
        %scan3A_573 = arith.constant 5 : i32
        %scan3A_574 = arith.addi %scan3A_572, %scan3A_573 : i32
        %scan3A_575 = arith.constant 1 : i32
        scf.for %scan3A_677 = %scan3A_572 to %scan3A_574 step %scan3A_575  : i32 {
          %mul3A_678 = arith.constant 128 : i32
          %mul3A_679 = arith.muli %scan3A_677, %mul3A_678 : i32
          %multiple_of3A_680 = tpu.assume_multiple %mul3A_679, 128 : i32
          %jit3A_681 = arith.constant 2 : i32
          %eq3A_682 = arith.constant 0 : i32
          %eq3A_683 = arith.cmpi eq, %jit3A_681, %eq3A_682 : i32
          %jit3A_684 = arith.constant 1 : i32
          %select_n3A_685 = arith.select %eq3A_683, %jit3A_684, %jit3A_681 : i32
          %rem3A_686 = arith.remsi %add3A_570, %select_n3A_685 : i32
          %ne3A_687 = arith.constant 0 : i32
          %ne3A_688 = arith.cmpi ne, %rem3A_686, %ne3A_687 : i32
          %lt3A_689 = arith.constant 0 : i32
          %lt3A_690 = arith.cmpi slt, %rem3A_686, %lt3A_689 : i32
          %lt3A_691 = arith.constant 0 : i32
          %lt3A_692 = arith.cmpi slt, %select_n3A_685, %lt3A_691 : i32
          %ne3A_693 = arith.xori %lt3A_690, %lt3A_692 : i1
          %and3A_694 = arith.andi %ne3A_693, %ne3A_688 : i1
          %add3A_695 = arith.addi %rem3A_686, %select_n3A_685 : i32
          %select_n3A_696 = arith.select %and3A_694, %add3A_695, %rem3A_686 : i32
          %jit3A_697 = arith.constant 3 : i32
          %eq3A_698 = arith.constant 0 : i32
          %eq3A_699 = arith.cmpi eq, %jit3A_697, %eq3A_698 : i32
          %jit3A_700 = arith.constant 1 : i32
          %select_n3A_701 = arith.select %eq3A_699, %jit3A_700, %jit3A_697 : i32
          %rem3A_702 = arith.remsi %add3A_570, %select_n3A_701 : i32
          %ne3A_703 = arith.constant 0 : i32
          %ne3A_704 = arith.cmpi ne, %rem3A_702, %ne3A_703 : i32
          %lt3A_705 = arith.constant 0 : i32
          %lt3A_706 = arith.cmpi slt, %rem3A_702, %lt3A_705 : i32
          %lt3A_707 = arith.constant 0 : i32
          %lt3A_708 = arith.cmpi slt, %select_n3A_701, %lt3A_707 : i32
          %ne3A_709 = arith.xori %lt3A_706, %lt3A_708 : i1
          %and3A_710 = arith.andi %ne3A_709, %ne3A_704 : i1
          %add3A_711 = arith.addi %rem3A_702, %select_n3A_701 : i32
          %select_n3A_712 = arith.select %and3A_710, %add3A_711, %rem3A_702 : i32
          %mul3A_713 = arith.constant 3 : i32
          %mul3A_714 = arith.muli %select_n3A_712, %mul3A_713 : i32
          %add3A_715 = arith.constant 0 : i32
          %add3A_716 = arith.addi %mul3A_714, %add3A_715 : i32
          %jit3A_717 = arith.constant 2 : i32
          %eq3A_718 = arith.constant 0 : i32
          %eq3A_719 = arith.cmpi eq, %jit3A_717, %eq3A_718 : i32
          %jit3A_720 = arith.constant 1 : i32
          %select_n3A_721 = arith.select %eq3A_719, %jit3A_720, %jit3A_717 : i32
          %rem3A_722 = arith.remsi %add3A_570, %select_n3A_721 : i32
          %ne3A_723 = arith.constant 0 : i32
          %ne3A_724 = arith.cmpi ne, %rem3A_722, %ne3A_723 : i32
          %lt3A_725 = arith.constant 0 : i32
          %lt3A_726 = arith.cmpi slt, %rem3A_722, %lt3A_725 : i32
          %lt3A_727 = arith.constant 0 : i32
          %lt3A_728 = arith.cmpi slt, %select_n3A_721, %lt3A_727 : i32
          %ne3A_729 = arith.xori %lt3A_726, %lt3A_728 : i1
          %and3A_730 = arith.andi %ne3A_729, %ne3A_724 : i1
          %add3A_731 = arith.addi %rem3A_722, %select_n3A_721 : i32
          %select_n3A_732 = arith.select %and3A_730, %add3A_731, %rem3A_722 : i32
          %jit3A_733 = arith.constant 3 : i32
          %eq3A_734 = arith.constant 0 : i32
          %eq3A_735 = arith.cmpi eq, %jit3A_733, %eq3A_734 : i32
          %jit3A_736 = arith.constant 1 : i32
          %select_n3A_737 = arith.select %eq3A_735, %jit3A_736, %jit3A_733 : i32
          %rem3A_738 = arith.remsi %add3A_570, %select_n3A_737 : i32
          %ne3A_739 = arith.constant 0 : i32
          %ne3A_740 = arith.cmpi ne, %rem3A_738, %ne3A_739 : i32
          %lt3A_741 = arith.constant 0 : i32
          %lt3A_742 = arith.cmpi slt, %rem3A_738, %lt3A_741 : i32
          %lt3A_743 = arith.constant 0 : i32
          %lt3A_744 = arith.cmpi slt, %select_n3A_737, %lt3A_743 : i32
          %ne3A_745 = arith.xori %lt3A_742, %lt3A_744 : i1
          %and3A_746 = arith.andi %ne3A_745, %ne3A_740 : i1
          %add3A_747 = arith.addi %rem3A_738, %select_n3A_737 : i32
          %select_n3A_748 = arith.select %and3A_746, %add3A_747, %rem3A_738 : i32
          %mul3A_749 = arith.constant 3 : i32
          %mul3A_750 = arith.muli %select_n3A_748, %mul3A_749 : i32
          %add3A_751 = arith.constant 1 : i32
          %add3A_752 = arith.addi %mul3A_750, %add3A_751 : i32
          %jit3A_753 = arith.constant 2 : i32
          %eq3A_754 = arith.constant 0 : i32
          %eq3A_755 = arith.cmpi eq, %jit3A_753, %eq3A_754 : i32
          %jit3A_756 = arith.constant 1 : i32
          %select_n3A_757 = arith.select %eq3A_755, %jit3A_756, %jit3A_753 : i32
          %rem3A_758 = arith.remsi %add3A_570, %select_n3A_757 : i32
          %ne3A_759 = arith.constant 0 : i32
          %ne3A_760 = arith.cmpi ne, %rem3A_758, %ne3A_759 : i32
          %lt3A_761 = arith.constant 0 : i32
          %lt3A_762 = arith.cmpi slt, %rem3A_758, %lt3A_761 : i32
          %lt3A_763 = arith.constant 0 : i32
          %lt3A_764 = arith.cmpi slt, %select_n3A_757, %lt3A_763 : i32
          %ne3A_765 = arith.xori %lt3A_762, %lt3A_764 : i1
          %and3A_766 = arith.andi %ne3A_765, %ne3A_760 : i1
          %add3A_767 = arith.addi %rem3A_758, %select_n3A_757 : i32
          %select_n3A_768 = arith.select %and3A_766, %add3A_767, %rem3A_758 : i32
          %jit3A_769 = arith.constant 3 : i32
          %eq3A_770 = arith.constant 0 : i32
          %eq3A_771 = arith.cmpi eq, %jit3A_769, %eq3A_770 : i32
          %jit3A_772 = arith.constant 1 : i32
          %select_n3A_773 = arith.select %eq3A_771, %jit3A_772, %jit3A_769 : i32
          %rem3A_774 = arith.remsi %add3A_570, %select_n3A_773 : i32
          %ne3A_775 = arith.constant 0 : i32
          %ne3A_776 = arith.cmpi ne, %rem3A_774, %ne3A_775 : i32
          %lt3A_777 = arith.constant 0 : i32
          %lt3A_778 = arith.cmpi slt, %rem3A_774, %lt3A_777 : i32
          %lt3A_779 = arith.constant 0 : i32
          %lt3A_780 = arith.cmpi slt, %select_n3A_773, %lt3A_779 : i32
          %ne3A_781 = arith.xori %lt3A_778, %lt3A_780 : i1
          %and3A_782 = arith.andi %ne3A_781, %ne3A_776 : i1
          %add3A_783 = arith.addi %rem3A_774, %select_n3A_773 : i32
          %select_n3A_784 = arith.select %and3A_782, %add3A_783, %rem3A_774 : i32
          %mul3A_785 = arith.constant 3 : i32
          %mul3A_786 = arith.muli %select_n3A_784, %mul3A_785 : i32
          %add3A_787 = arith.constant 2 : i32
          %add3A_788 = arith.addi %mul3A_786, %add3A_787 : i32
          %dma_wait3A_789 = tpu.memref_slice %arg16[%add3A_716, %multiple_of3A_680] : memref<9x640xi32, #tpu.memory_space<vmem>> -> memref<1x128xi32, #tpu.memory_space<vmem>>
          %dma_wait3A_790 = tpu.memref_squeeze %dma_wait3A_789 : memref<1x128xi32, #tpu.memory_space<vmem>> -> memref<128xi32, #tpu.memory_space<vmem>>
          %dma_wait3A_791 = tpu.memref_slice %arg15[%select_n3A_696, %multiple_of3A_680] : memref<2x640xi32, #tpu.memory_space<vmem>> -> memref<1x128xi32, #tpu.memory_space<vmem>>
          %dma_wait3A_792 = tpu.memref_squeeze %dma_wait3A_791 : memref<1x128xi32, #tpu.memory_space<vmem>> -> memref<128xi32, #tpu.memory_space<vmem>>
          %dma_wait3A_793 = arith.constant 0 : i32
          %dma_wait3A_794 = tpu.memref_slice %arg3[%dma_wait3A_793] : memref<1000000xi32, #tpu.memory_space<hbm>> -> memref<1000000xi32, #tpu.memory_space<hbm>>
          tpu.wait_indirect_dma semaphore(%arg22 : memref<!tpu.dma_semaphore, #tpu.memory_space<semaphore_mem>>) src(%dma_wait3A_794 : memref<1000000xi32, #tpu.memory_space<hbm>>) dst(%dma_wait3A_790 : memref<128xi32, #tpu.memory_space<vmem>>)
          %dma_wait3A_795 = tpu.memref_slice %arg16[%add3A_752, %multiple_of3A_680] : memref<9x640xi32, #tpu.memory_space<vmem>> -> memref<1x128xi32, #tpu.memory_space<vmem>>
          %dma_wait3A_796 = tpu.memref_squeeze %dma_wait3A_795 : memref<1x128xi32, #tpu.memory_space<vmem>> -> memref<128xi32, #tpu.memory_space<vmem>>
          %dma_wait3A_797 = tpu.memref_slice %arg15[%select_n3A_732, %multiple_of3A_680] : memref<2x640xi32, #tpu.memory_space<vmem>> -> memref<1x128xi32, #tpu.memory_space<vmem>>
          %dma_wait3A_798 = tpu.memref_squeeze %dma_wait3A_797 : memref<1x128xi32, #tpu.memory_space<vmem>> -> memref<128xi32, #tpu.memory_space<vmem>>
          %dma_wait3A_799 = arith.constant 0 : i32
          %dma_wait3A_800 = tpu.memref_slice %arg4[%dma_wait3A_799] : memref<1000000xi32, #tpu.memory_space<hbm>> -> memref<1000000xi32, #tpu.memory_space<hbm>>
          tpu.wait_indirect_dma semaphore(%arg22 : memref<!tpu.dma_semaphore, #tpu.memory_space<semaphore_mem>>) src(%dma_wait3A_800 : memref<1000000xi32, #tpu.memory_space<hbm>>) dst(%dma_wait3A_796 : memref<128xi32, #tpu.memory_space<vmem>>)
          %dma_wait3A_801 = tpu.memref_slice %arg16[%add3A_788, %multiple_of3A_680] : memref<9x640xi32, #tpu.memory_space<vmem>> -> memref<1x128xi32, #tpu.memory_space<vmem>>
          %dma_wait3A_802 = tpu.memref_squeeze %dma_wait3A_801 : memref<1x128xi32, #tpu.memory_space<vmem>> -> memref<128xi32, #tpu.memory_space<vmem>>
          %dma_wait3A_803 = tpu.memref_slice %arg15[%select_n3A_768, %multiple_of3A_680] : memref<2x640xi32, #tpu.memory_space<vmem>> -> memref<1x128xi32, #tpu.memory_space<vmem>>
          %dma_wait3A_804 = tpu.memref_squeeze %dma_wait3A_803 : memref<1x128xi32, #tpu.memory_space<vmem>> -> memref<128xi32, #tpu.memory_space<vmem>>
          %dma_wait3A_805 = arith.constant 0 : i32
          %dma_wait3A_806 = tpu.memref_slice %arg5[%dma_wait3A_805] : memref<1000000xi32, #tpu.memory_space<hbm>> -> memref<1000000xi32, #tpu.memory_space<hbm>>
          tpu.wait_indirect_dma semaphore(%arg22 : memref<!tpu.dma_semaphore, #tpu.memory_space<semaphore_mem>>) src(%dma_wait3A_806 : memref<1000000xi32, #tpu.memory_space<hbm>>) dst(%dma_wait3A_802 : memref<128xi32, #tpu.memory_space<vmem>>)
        }
        %scan3A_576 = arith.constant 5 : i32
        %add3A_577 = arith.constant 1 : i32
        %add3A_578 = arith.addi %while3A_336, %add3A_577 : i32
        %scan3A_579 = arith.constant 0 : i32
        %scan3A_580 = arith.constant 0 : i32
        %scan3A_581 = arith.constant 5 : i32
        %scan3A_582 = arith.addi %scan3A_580, %scan3A_581 : i32
        %scan3A_583 = arith.constant 1 : i32
        scf.for %scan3A_677 = %scan3A_580 to %scan3A_582 step %scan3A_583  : i32 {
          %mul3A_678 = arith.constant 128 : i32
          %mul3A_679 = arith.muli %scan3A_677, %mul3A_678 : i32
          %multiple_of3A_680 = tpu.assume_multiple %mul3A_679, 128 : i32
          %jit3A_681 = arith.constant 3 : i32
          %eq3A_682 = arith.constant 0 : i32
          %eq3A_683 = arith.cmpi eq, %jit3A_681, %eq3A_682 : i32
          %jit3A_684 = arith.constant 1 : i32
          %select_n3A_685 = arith.select %eq3A_683, %jit3A_684, %jit3A_681 : i32
          %rem3A_686 = arith.remsi %add3A_578, %select_n3A_685 : i32
          %ne3A_687 = arith.constant 0 : i32
          %ne3A_688 = arith.cmpi ne, %rem3A_686, %ne3A_687 : i32
          %lt3A_689 = arith.constant 0 : i32
          %lt3A_690 = arith.cmpi slt, %rem3A_686, %lt3A_689 : i32
          %lt3A_691 = arith.constant 0 : i32
          %lt3A_692 = arith.cmpi slt, %select_n3A_685, %lt3A_691 : i32
          %ne3A_693 = arith.xori %lt3A_690, %lt3A_692 : i1
          %and3A_694 = arith.andi %ne3A_693, %ne3A_688 : i1
          %add3A_695 = arith.addi %rem3A_686, %select_n3A_685 : i32
          %select_n3A_696 = arith.select %and3A_694, %add3A_695, %rem3A_686 : i32
          %mul3A_697 = arith.constant 3 : i32
          %mul3A_698 = arith.muli %select_n3A_696, %mul3A_697 : i32
          %add3A_699 = arith.constant 0 : i32
          %add3A_700 = arith.addi %mul3A_698, %add3A_699 : i32
          %jit3A_701 = arith.constant 2 : i32
          %eq3A_702 = arith.constant 0 : i32
          %eq3A_703 = arith.cmpi eq, %jit3A_701, %eq3A_702 : i32
          %jit3A_704 = arith.constant 1 : i32
          %select_n3A_705 = arith.select %eq3A_703, %jit3A_704, %jit3A_701 : i32
          %rem3A_706 = arith.remsi %add3A_578, %select_n3A_705 : i32
          %ne3A_707 = arith.constant 0 : i32
          %ne3A_708 = arith.cmpi ne, %rem3A_706, %ne3A_707 : i32
          %lt3A_709 = arith.constant 0 : i32
          %lt3A_710 = arith.cmpi slt, %rem3A_706, %lt3A_709 : i32
          %lt3A_711 = arith.constant 0 : i32
          %lt3A_712 = arith.cmpi slt, %select_n3A_705, %lt3A_711 : i32
          %ne3A_713 = arith.xori %lt3A_710, %lt3A_712 : i1
          %and3A_714 = arith.andi %ne3A_713, %ne3A_708 : i1
          %add3A_715 = arith.addi %rem3A_706, %select_n3A_705 : i32
          %select_n3A_716 = arith.select %and3A_714, %add3A_715, %rem3A_706 : i32
          %mul3A_717 = arith.constant 9 : i32
          %mul3A_718 = arith.muli %select_n3A_716, %mul3A_717 : i32
          %add3A_719 = arith.constant 0 : i32
          %add3A_720 = arith.addi %mul3A_718, %add3A_719 : i32
          %add3A_721 = arith.constant 0 : i32
          %add3A_722 = arith.addi %add3A_720, %add3A_721 : i32
          %jit3A_723 = arith.constant 3 : i32
          %eq3A_724 = arith.constant 0 : i32
          %eq3A_725 = arith.cmpi eq, %jit3A_723, %eq3A_724 : i32
          %jit3A_726 = arith.constant 1 : i32
          %select_n3A_727 = arith.select %eq3A_725, %jit3A_726, %jit3A_723 : i32
          %rem3A_728 = arith.remsi %add3A_578, %select_n3A_727 : i32
          %ne3A_729 = arith.constant 0 : i32
          %ne3A_730 = arith.cmpi ne, %rem3A_728, %ne3A_729 : i32
          %lt3A_731 = arith.constant 0 : i32
          %lt3A_732 = arith.cmpi slt, %rem3A_728, %lt3A_731 : i32
          %lt3A_733 = arith.constant 0 : i32
          %lt3A_734 = arith.cmpi slt, %select_n3A_727, %lt3A_733 : i32
          %ne3A_735 = arith.xori %lt3A_732, %lt3A_734 : i1
          %and3A_736 = arith.andi %ne3A_735, %ne3A_730 : i1
          %add3A_737 = arith.addi %rem3A_728, %select_n3A_727 : i32
          %select_n3A_738 = arith.select %and3A_736, %add3A_737, %rem3A_728 : i32
          %mul3A_739 = arith.constant 3 : i32
          %mul3A_740 = arith.muli %select_n3A_738, %mul3A_739 : i32
          %add3A_741 = arith.constant 0 : i32
          %add3A_742 = arith.addi %mul3A_740, %add3A_741 : i32
          %jit3A_743 = arith.constant 2 : i32
          %eq3A_744 = arith.constant 0 : i32
          %eq3A_745 = arith.cmpi eq, %jit3A_743, %eq3A_744 : i32
          %jit3A_746 = arith.constant 1 : i32
          %select_n3A_747 = arith.select %eq3A_745, %jit3A_746, %jit3A_743 : i32
          %rem3A_748 = arith.remsi %add3A_578, %select_n3A_747 : i32
          %ne3A_749 = arith.constant 0 : i32
          %ne3A_750 = arith.cmpi ne, %rem3A_748, %ne3A_749 : i32
          %lt3A_751 = arith.constant 0 : i32
          %lt3A_752 = arith.cmpi slt, %rem3A_748, %lt3A_751 : i32
          %lt3A_753 = arith.constant 0 : i32
          %lt3A_754 = arith.cmpi slt, %select_n3A_747, %lt3A_753 : i32
          %ne3A_755 = arith.xori %lt3A_752, %lt3A_754 : i1
          %and3A_756 = arith.andi %ne3A_755, %ne3A_750 : i1
          %add3A_757 = arith.addi %rem3A_748, %select_n3A_747 : i32
          %select_n3A_758 = arith.select %and3A_756, %add3A_757, %rem3A_748 : i32
          %mul3A_759 = arith.constant 9 : i32
          %mul3A_760 = arith.muli %select_n3A_758, %mul3A_759 : i32
          %add3A_761 = arith.constant 0 : i32
          %add3A_762 = arith.addi %mul3A_760, %add3A_761 : i32
          %add3A_763 = arith.constant 1 : i32
          %add3A_764 = arith.addi %add3A_762, %add3A_763 : i32
          %jit3A_765 = arith.constant 3 : i32
          %eq3A_766 = arith.constant 0 : i32
          %eq3A_767 = arith.cmpi eq, %jit3A_765, %eq3A_766 : i32
          %jit3A_768 = arith.constant 1 : i32
          %select_n3A_769 = arith.select %eq3A_767, %jit3A_768, %jit3A_765 : i32
          %rem3A_770 = arith.remsi %add3A_578, %select_n3A_769 : i32
          %ne3A_771 = arith.constant 0 : i32
          %ne3A_772 = arith.cmpi ne, %rem3A_770, %ne3A_771 : i32
          %lt3A_773 = arith.constant 0 : i32
          %lt3A_774 = arith.cmpi slt, %rem3A_770, %lt3A_773 : i32
          %lt3A_775 = arith.constant 0 : i32
          %lt3A_776 = arith.cmpi slt, %select_n3A_769, %lt3A_775 : i32
          %ne3A_777 = arith.xori %lt3A_774, %lt3A_776 : i1
          %and3A_778 = arith.andi %ne3A_777, %ne3A_772 : i1
          %add3A_779 = arith.addi %rem3A_770, %select_n3A_769 : i32
          %select_n3A_780 = arith.select %and3A_778, %add3A_779, %rem3A_770 : i32
          %mul3A_781 = arith.constant 3 : i32
          %mul3A_782 = arith.muli %select_n3A_780, %mul3A_781 : i32
          %add3A_783 = arith.constant 0 : i32
          %add3A_784 = arith.addi %mul3A_782, %add3A_783 : i32
          %jit3A_785 = arith.constant 2 : i32
          %eq3A_786 = arith.constant 0 : i32
          %eq3A_787 = arith.cmpi eq, %jit3A_785, %eq3A_786 : i32
          %jit3A_788 = arith.constant 1 : i32
          %select_n3A_789 = arith.select %eq3A_787, %jit3A_788, %jit3A_785 : i32
          %rem3A_790 = arith.remsi %add3A_578, %select_n3A_789 : i32
          %ne3A_791 = arith.constant 0 : i32
          %ne3A_792 = arith.cmpi ne, %rem3A_790, %ne3A_791 : i32
          %lt3A_793 = arith.constant 0 : i32
          %lt3A_794 = arith.cmpi slt, %rem3A_790, %lt3A_793 : i32
          %lt3A_795 = arith.constant 0 : i32
          %lt3A_796 = arith.cmpi slt, %select_n3A_789, %lt3A_795 : i32
          %ne3A_797 = arith.xori %lt3A_794, %lt3A_796 : i1
          %and3A_798 = arith.andi %ne3A_797, %ne3A_792 : i1
          %add3A_799 = arith.addi %rem3A_790, %select_n3A_789 : i32
          %select_n3A_800 = arith.select %and3A_798, %add3A_799, %rem3A_790 : i32
          %mul3A_801 = arith.constant 9 : i32
          %mul3A_802 = arith.muli %select_n3A_800, %mul3A_801 : i32
          %add3A_803 = arith.constant 0 : i32
          %add3A_804 = arith.addi %mul3A_802, %add3A_803 : i32
          %add3A_805 = arith.constant 2 : i32
          %add3A_806 = arith.addi %add3A_804, %add3A_805 : i32
          %jit3A_807 = arith.constant 3 : i32
          %eq3A_808 = arith.constant 0 : i32
          %eq3A_809 = arith.cmpi eq, %jit3A_807, %eq3A_808 : i32
          %jit3A_810 = arith.constant 1 : i32
          %select_n3A_811 = arith.select %eq3A_809, %jit3A_810, %jit3A_807 : i32
          %rem3A_812 = arith.remsi %add3A_578, %select_n3A_811 : i32
          %ne3A_813 = arith.constant 0 : i32
          %ne3A_814 = arith.cmpi ne, %rem3A_812, %ne3A_813 : i32
          %lt3A_815 = arith.constant 0 : i32
          %lt3A_816 = arith.cmpi slt, %rem3A_812, %lt3A_815 : i32
          %lt3A_817 = arith.constant 0 : i32
          %lt3A_818 = arith.cmpi slt, %select_n3A_811, %lt3A_817 : i32
          %ne3A_819 = arith.xori %lt3A_816, %lt3A_818 : i1
          %and3A_820 = arith.andi %ne3A_819, %ne3A_814 : i1
          %add3A_821 = arith.addi %rem3A_812, %select_n3A_811 : i32
          %select_n3A_822 = arith.select %and3A_820, %add3A_821, %rem3A_812 : i32
          %mul3A_823 = arith.constant 3 : i32
          %mul3A_824 = arith.muli %select_n3A_822, %mul3A_823 : i32
          %add3A_825 = arith.constant 1 : i32
          %add3A_826 = arith.addi %mul3A_824, %add3A_825 : i32
          %jit3A_827 = arith.constant 2 : i32
          %eq3A_828 = arith.constant 0 : i32
          %eq3A_829 = arith.cmpi eq, %jit3A_827, %eq3A_828 : i32
          %jit3A_830 = arith.constant 1 : i32
          %select_n3A_831 = arith.select %eq3A_829, %jit3A_830, %jit3A_827 : i32
          %rem3A_832 = arith.remsi %add3A_578, %select_n3A_831 : i32
          %ne3A_833 = arith.constant 0 : i32
          %ne3A_834 = arith.cmpi ne, %rem3A_832, %ne3A_833 : i32
          %lt3A_835 = arith.constant 0 : i32
          %lt3A_836 = arith.cmpi slt, %rem3A_832, %lt3A_835 : i32
          %lt3A_837 = arith.constant 0 : i32
          %lt3A_838 = arith.cmpi slt, %select_n3A_831, %lt3A_837 : i32
          %ne3A_839 = arith.xori %lt3A_836, %lt3A_838 : i1
          %and3A_840 = arith.andi %ne3A_839, %ne3A_834 : i1
          %add3A_841 = arith.addi %rem3A_832, %select_n3A_831 : i32
          %select_n3A_842 = arith.select %and3A_840, %add3A_841, %rem3A_832 : i32
          %mul3A_843 = arith.constant 9 : i32
          %mul3A_844 = arith.muli %select_n3A_842, %mul3A_843 : i32
          %add3A_845 = arith.constant 3 : i32
          %add3A_846 = arith.addi %mul3A_844, %add3A_845 : i32
          %add3A_847 = arith.constant 0 : i32
          %add3A_848 = arith.addi %add3A_846, %add3A_847 : i32
          %jit3A_849 = arith.constant 3 : i32
          %eq3A_850 = arith.constant 0 : i32
          %eq3A_851 = arith.cmpi eq, %jit3A_849, %eq3A_850 : i32
          %jit3A_852 = arith.constant 1 : i32
          %select_n3A_853 = arith.select %eq3A_851, %jit3A_852, %jit3A_849 : i32
          %rem3A_854 = arith.remsi %add3A_578, %select_n3A_853 : i32
          %ne3A_855 = arith.constant 0 : i32
          %ne3A_856 = arith.cmpi ne, %rem3A_854, %ne3A_855 : i32
          %lt3A_857 = arith.constant 0 : i32
          %lt3A_858 = arith.cmpi slt, %rem3A_854, %lt3A_857 : i32
          %lt3A_859 = arith.constant 0 : i32
          %lt3A_860 = arith.cmpi slt, %select_n3A_853, %lt3A_859 : i32
          %ne3A_861 = arith.xori %lt3A_858, %lt3A_860 : i1
          %and3A_862 = arith.andi %ne3A_861, %ne3A_856 : i1
          %add3A_863 = arith.addi %rem3A_854, %select_n3A_853 : i32
          %select_n3A_864 = arith.select %and3A_862, %add3A_863, %rem3A_854 : i32
          %mul3A_865 = arith.constant 3 : i32
          %mul3A_866 = arith.muli %select_n3A_864, %mul3A_865 : i32
          %add3A_867 = arith.constant 1 : i32
          %add3A_868 = arith.addi %mul3A_866, %add3A_867 : i32
          %jit3A_869 = arith.constant 2 : i32
          %eq3A_870 = arith.constant 0 : i32
          %eq3A_871 = arith.cmpi eq, %jit3A_869, %eq3A_870 : i32
          %jit3A_872 = arith.constant 1 : i32
          %select_n3A_873 = arith.select %eq3A_871, %jit3A_872, %jit3A_869 : i32
          %rem3A_874 = arith.remsi %add3A_578, %select_n3A_873 : i32
          %ne3A_875 = arith.constant 0 : i32
          %ne3A_876 = arith.cmpi ne, %rem3A_874, %ne3A_875 : i32
          %lt3A_877 = arith.constant 0 : i32
          %lt3A_878 = arith.cmpi slt, %rem3A_874, %lt3A_877 : i32
          %lt3A_879 = arith.constant 0 : i32
          %lt3A_880 = arith.cmpi slt, %select_n3A_873, %lt3A_879 : i32
          %ne3A_881 = arith.xori %lt3A_878, %lt3A_880 : i1
          %and3A_882 = arith.andi %ne3A_881, %ne3A_876 : i1
          %add3A_883 = arith.addi %rem3A_874, %select_n3A_873 : i32
          %select_n3A_884 = arith.select %and3A_882, %add3A_883, %rem3A_874 : i32
          %mul3A_885 = arith.constant 9 : i32
          %mul3A_886 = arith.muli %select_n3A_884, %mul3A_885 : i32
          %add3A_887 = arith.constant 3 : i32
          %add3A_888 = arith.addi %mul3A_886, %add3A_887 : i32
          %add3A_889 = arith.constant 1 : i32
          %add3A_890 = arith.addi %add3A_888, %add3A_889 : i32
          %jit3A_891 = arith.constant 3 : i32
          %eq3A_892 = arith.constant 0 : i32
          %eq3A_893 = arith.cmpi eq, %jit3A_891, %eq3A_892 : i32
          %jit3A_894 = arith.constant 1 : i32
          %select_n3A_895 = arith.select %eq3A_893, %jit3A_894, %jit3A_891 : i32
          %rem3A_896 = arith.remsi %add3A_578, %select_n3A_895 : i32
          %ne3A_897 = arith.constant 0 : i32
          %ne3A_898 = arith.cmpi ne, %rem3A_896, %ne3A_897 : i32
          %lt3A_899 = arith.constant 0 : i32
          %lt3A_900 = arith.cmpi slt, %rem3A_896, %lt3A_899 : i32
          %lt3A_901 = arith.constant 0 : i32
          %lt3A_902 = arith.cmpi slt, %select_n3A_895, %lt3A_901 : i32
          %ne3A_903 = arith.xori %lt3A_900, %lt3A_902 : i1
          %and3A_904 = arith.andi %ne3A_903, %ne3A_898 : i1
          %add3A_905 = arith.addi %rem3A_896, %select_n3A_895 : i32
          %select_n3A_906 = arith.select %and3A_904, %add3A_905, %rem3A_896 : i32
          %mul3A_907 = arith.constant 3 : i32
          %mul3A_908 = arith.muli %select_n3A_906, %mul3A_907 : i32
          %add3A_909 = arith.constant 1 : i32
          %add3A_910 = arith.addi %mul3A_908, %add3A_909 : i32
          %jit3A_911 = arith.constant 2 : i32
          %eq3A_912 = arith.constant 0 : i32
          %eq3A_913 = arith.cmpi eq, %jit3A_911, %eq3A_912 : i32
          %jit3A_914 = arith.constant 1 : i32
          %select_n3A_915 = arith.select %eq3A_913, %jit3A_914, %jit3A_911 : i32
          %rem3A_916 = arith.remsi %add3A_578, %select_n3A_915 : i32
          %ne3A_917 = arith.constant 0 : i32
          %ne3A_918 = arith.cmpi ne, %rem3A_916, %ne3A_917 : i32
          %lt3A_919 = arith.constant 0 : i32
          %lt3A_920 = arith.cmpi slt, %rem3A_916, %lt3A_919 : i32
          %lt3A_921 = arith.constant 0 : i32
          %lt3A_922 = arith.cmpi slt, %select_n3A_915, %lt3A_921 : i32
          %ne3A_923 = arith.xori %lt3A_920, %lt3A_922 : i1
          %and3A_924 = arith.andi %ne3A_923, %ne3A_918 : i1
          %add3A_925 = arith.addi %rem3A_916, %select_n3A_915 : i32
          %select_n3A_926 = arith.select %and3A_924, %add3A_925, %rem3A_916 : i32
          %mul3A_927 = arith.constant 9 : i32
          %mul3A_928 = arith.muli %select_n3A_926, %mul3A_927 : i32
          %add3A_929 = arith.constant 3 : i32
          %add3A_930 = arith.addi %mul3A_928, %add3A_929 : i32
          %add3A_931 = arith.constant 2 : i32
          %add3A_932 = arith.addi %add3A_930, %add3A_931 : i32
          %jit3A_933 = arith.constant 3 : i32
          %eq3A_934 = arith.constant 0 : i32
          %eq3A_935 = arith.cmpi eq, %jit3A_933, %eq3A_934 : i32
          %jit3A_936 = arith.constant 1 : i32
          %select_n3A_937 = arith.select %eq3A_935, %jit3A_936, %jit3A_933 : i32
          %rem3A_938 = arith.remsi %add3A_578, %select_n3A_937 : i32
          %ne3A_939 = arith.constant 0 : i32
          %ne3A_940 = arith.cmpi ne, %rem3A_938, %ne3A_939 : i32
          %lt3A_941 = arith.constant 0 : i32
          %lt3A_942 = arith.cmpi slt, %rem3A_938, %lt3A_941 : i32
          %lt3A_943 = arith.constant 0 : i32
          %lt3A_944 = arith.cmpi slt, %select_n3A_937, %lt3A_943 : i32
          %ne3A_945 = arith.xori %lt3A_942, %lt3A_944 : i1
          %and3A_946 = arith.andi %ne3A_945, %ne3A_940 : i1
          %add3A_947 = arith.addi %rem3A_938, %select_n3A_937 : i32
          %select_n3A_948 = arith.select %and3A_946, %add3A_947, %rem3A_938 : i32
          %mul3A_949 = arith.constant 3 : i32
          %mul3A_950 = arith.muli %select_n3A_948, %mul3A_949 : i32
          %add3A_951 = arith.constant 2 : i32
          %add3A_952 = arith.addi %mul3A_950, %add3A_951 : i32
          %jit3A_953 = arith.constant 2 : i32
          %eq3A_954 = arith.constant 0 : i32
          %eq3A_955 = arith.cmpi eq, %jit3A_953, %eq3A_954 : i32
          %jit3A_956 = arith.constant 1 : i32
          %select_n3A_957 = arith.select %eq3A_955, %jit3A_956, %jit3A_953 : i32
          %rem3A_958 = arith.remsi %add3A_578, %select_n3A_957 : i32
          %ne3A_959 = arith.constant 0 : i32
          %ne3A_960 = arith.cmpi ne, %rem3A_958, %ne3A_959 : i32
          %lt3A_961 = arith.constant 0 : i32
          %lt3A_962 = arith.cmpi slt, %rem3A_958, %lt3A_961 : i32
          %lt3A_963 = arith.constant 0 : i32
          %lt3A_964 = arith.cmpi slt, %select_n3A_957, %lt3A_963 : i32
          %ne3A_965 = arith.xori %lt3A_962, %lt3A_964 : i1
          %and3A_966 = arith.andi %ne3A_965, %ne3A_960 : i1
          %add3A_967 = arith.addi %rem3A_958, %select_n3A_957 : i32
          %select_n3A_968 = arith.select %and3A_966, %add3A_967, %rem3A_958 : i32
          %mul3A_969 = arith.constant 9 : i32
          %mul3A_970 = arith.muli %select_n3A_968, %mul3A_969 : i32
          %add3A_971 = arith.constant 6 : i32
          %add3A_972 = arith.addi %mul3A_970, %add3A_971 : i32
          %add3A_973 = arith.constant 0 : i32
          %add3A_974 = arith.addi %add3A_972, %add3A_973 : i32
          %jit3A_975 = arith.constant 3 : i32
          %eq3A_976 = arith.constant 0 : i32
          %eq3A_977 = arith.cmpi eq, %jit3A_975, %eq3A_976 : i32
          %jit3A_978 = arith.constant 1 : i32
          %select_n3A_979 = arith.select %eq3A_977, %jit3A_978, %jit3A_975 : i32
          %rem3A_980 = arith.remsi %add3A_578, %select_n3A_979 : i32
          %ne3A_981 = arith.constant 0 : i32
          %ne3A_982 = arith.cmpi ne, %rem3A_980, %ne3A_981 : i32
          %lt3A_983 = arith.constant 0 : i32
          %lt3A_984 = arith.cmpi slt, %rem3A_980, %lt3A_983 : i32
          %lt3A_985 = arith.constant 0 : i32
          %lt3A_986 = arith.cmpi slt, %select_n3A_979, %lt3A_985 : i32
          %ne3A_987 = arith.xori %lt3A_984, %lt3A_986 : i1
          %and3A_988 = arith.andi %ne3A_987, %ne3A_982 : i1
          %add3A_989 = arith.addi %rem3A_980, %select_n3A_979 : i32
          %select_n3A_990 = arith.select %and3A_988, %add3A_989, %rem3A_980 : i32
          %mul3A_991 = arith.constant 3 : i32
          %mul3A_992 = arith.muli %select_n3A_990, %mul3A_991 : i32
          %add3A_993 = arith.constant 2 : i32
          %add3A_994 = arith.addi %mul3A_992, %add3A_993 : i32
          %jit3A_995 = arith.constant 2 : i32
          %eq3A_996 = arith.constant 0 : i32
          %eq3A_997 = arith.cmpi eq, %jit3A_995, %eq3A_996 : i32
          %jit3A_998 = arith.constant 1 : i32
          %select_n3A_999 = arith.select %eq3A_997, %jit3A_998, %jit3A_995 : i32
          %rem3A_1000 = arith.remsi %add3A_578, %select_n3A_999 : i32
          %ne3A_1001 = arith.constant 0 : i32
          %ne3A_1002 = arith.cmpi ne, %rem3A_1000, %ne3A_1001 : i32
          %lt3A_1003 = arith.constant 0 : i32
          %lt3A_1004 = arith.cmpi slt, %rem3A_1000, %lt3A_1003 : i32
          %lt3A_1005 = arith.constant 0 : i32
          %lt3A_1006 = arith.cmpi slt, %select_n3A_999, %lt3A_1005 : i32
          %ne3A_1007 = arith.xori %lt3A_1004, %lt3A_1006 : i1
          %and3A_1008 = arith.andi %ne3A_1007, %ne3A_1002 : i1
          %add3A_1009 = arith.addi %rem3A_1000, %select_n3A_999 : i32
          %select_n3A_1010 = arith.select %and3A_1008, %add3A_1009, %rem3A_1000 : i32
          %mul3A_1011 = arith.constant 9 : i32
          %mul3A_1012 = arith.muli %select_n3A_1010, %mul3A_1011 : i32
          %add3A_1013 = arith.constant 6 : i32
          %add3A_1014 = arith.addi %mul3A_1012, %add3A_1013 : i32
          %add3A_1015 = arith.constant 1 : i32
          %add3A_1016 = arith.addi %add3A_1014, %add3A_1015 : i32
          %jit3A_1017 = arith.constant 3 : i32
          %eq3A_1018 = arith.constant 0 : i32
          %eq3A_1019 = arith.cmpi eq, %jit3A_1017, %eq3A_1018 : i32
          %jit3A_1020 = arith.constant 1 : i32
          %select_n3A_1021 = arith.select %eq3A_1019, %jit3A_1020, %jit3A_1017 : i32
          %rem3A_1022 = arith.remsi %add3A_578, %select_n3A_1021 : i32
          %ne3A_1023 = arith.constant 0 : i32
          %ne3A_1024 = arith.cmpi ne, %rem3A_1022, %ne3A_1023 : i32
          %lt3A_1025 = arith.constant 0 : i32
          %lt3A_1026 = arith.cmpi slt, %rem3A_1022, %lt3A_1025 : i32
          %lt3A_1027 = arith.constant 0 : i32
          %lt3A_1028 = arith.cmpi slt, %select_n3A_1021, %lt3A_1027 : i32
          %ne3A_1029 = arith.xori %lt3A_1026, %lt3A_1028 : i1
          %and3A_1030 = arith.andi %ne3A_1029, %ne3A_1024 : i1
          %add3A_1031 = arith.addi %rem3A_1022, %select_n3A_1021 : i32
          %select_n3A_1032 = arith.select %and3A_1030, %add3A_1031, %rem3A_1022 : i32
          %mul3A_1033 = arith.constant 3 : i32
          %mul3A_1034 = arith.muli %select_n3A_1032, %mul3A_1033 : i32
          %add3A_1035 = arith.constant 2 : i32
          %add3A_1036 = arith.addi %mul3A_1034, %add3A_1035 : i32
          %jit3A_1037 = arith.constant 2 : i32
          %eq3A_1038 = arith.constant 0 : i32
          %eq3A_1039 = arith.cmpi eq, %jit3A_1037, %eq3A_1038 : i32
          %jit3A_1040 = arith.constant 1 : i32
          %select_n3A_1041 = arith.select %eq3A_1039, %jit3A_1040, %jit3A_1037 : i32
          %rem3A_1042 = arith.remsi %add3A_578, %select_n3A_1041 : i32
          %ne3A_1043 = arith.constant 0 : i32
          %ne3A_1044 = arith.cmpi ne, %rem3A_1042, %ne3A_1043 : i32
          %lt3A_1045 = arith.constant 0 : i32
          %lt3A_1046 = arith.cmpi slt, %rem3A_1042, %lt3A_1045 : i32
          %lt3A_1047 = arith.constant 0 : i32
          %lt3A_1048 = arith.cmpi slt, %select_n3A_1041, %lt3A_1047 : i32
          %ne3A_1049 = arith.xori %lt3A_1046, %lt3A_1048 : i1
          %and3A_1050 = arith.andi %ne3A_1049, %ne3A_1044 : i1
          %add3A_1051 = arith.addi %rem3A_1042, %select_n3A_1041 : i32
          %select_n3A_1052 = arith.select %and3A_1050, %add3A_1051, %rem3A_1042 : i32
          %mul3A_1053 = arith.constant 9 : i32
          %mul3A_1054 = arith.muli %select_n3A_1052, %mul3A_1053 : i32
          %add3A_1055 = arith.constant 6 : i32
          %add3A_1056 = arith.addi %mul3A_1054, %add3A_1055 : i32
          %add3A_1057 = arith.constant 2 : i32
          %add3A_1058 = arith.addi %add3A_1056, %add3A_1057 : i32
          %dma_start3A_1059 = tpu.memref_slice %arg17[%add3A_722, %multiple_of3A_680] : memref<18x640xf32, #tpu.memory_space<vmem>> -> memref<1x128xf32, #tpu.memory_space<vmem>>
          %dma_start3A_1060 = tpu.memref_squeeze %dma_start3A_1059 : memref<1x128xf32, #tpu.memory_space<vmem>> -> memref<128xf32, #tpu.memory_space<vmem>>
          %dma_start3A_1061 = tpu.memref_slice %arg16[%add3A_700, %multiple_of3A_680] : memref<9x640xi32, #tpu.memory_space<vmem>> -> memref<1x128xi32, #tpu.memory_space<vmem>>
          %dma_start3A_1062 = tpu.memref_squeeze %dma_start3A_1061 : memref<1x128xi32, #tpu.memory_space<vmem>> -> memref<128xi32, #tpu.memory_space<vmem>>
          %dma_start3A_1063 = arith.constant 0 : i32
          %dma_start3A_1064 = tpu.memref_slice %arg6[%dma_start3A_1063] : memref<500000xf32, #tpu.memory_space<hbm>> -> memref<500000xf32, #tpu.memory_space<hbm>>
          tpu.enqueue_indirect_dma source(%dma_start3A_1064 : memref<500000xf32, #tpu.memory_space<hbm>>) target(%dma_start3A_1060 : memref<128xf32, #tpu.memory_space<vmem>>) offsets(%dma_start3A_1062 : memref<128xi32, #tpu.memory_space<vmem>>) semaphore(%arg23 : memref<!tpu.dma_semaphore, #tpu.memory_space<semaphore_mem>>)
          %dma_start3A_1065 = tpu.memref_slice %arg17[%add3A_764, %multiple_of3A_680] : memref<18x640xf32, #tpu.memory_space<vmem>> -> memref<1x128xf32, #tpu.memory_space<vmem>>
          %dma_start3A_1066 = tpu.memref_squeeze %dma_start3A_1065 : memref<1x128xf32, #tpu.memory_space<vmem>> -> memref<128xf32, #tpu.memory_space<vmem>>
          %dma_start3A_1067 = tpu.memref_slice %arg16[%add3A_742, %multiple_of3A_680] : memref<9x640xi32, #tpu.memory_space<vmem>> -> memref<1x128xi32, #tpu.memory_space<vmem>>
          %dma_start3A_1068 = tpu.memref_squeeze %dma_start3A_1067 : memref<1x128xi32, #tpu.memory_space<vmem>> -> memref<128xi32, #tpu.memory_space<vmem>>
          %dma_start3A_1069 = arith.constant 0 : i32
          %dma_start3A_1070 = tpu.memref_slice %arg7[%dma_start3A_1069] : memref<500000xf32, #tpu.memory_space<hbm>> -> memref<500000xf32, #tpu.memory_space<hbm>>
          tpu.enqueue_indirect_dma source(%dma_start3A_1070 : memref<500000xf32, #tpu.memory_space<hbm>>) target(%dma_start3A_1066 : memref<128xf32, #tpu.memory_space<vmem>>) offsets(%dma_start3A_1068 : memref<128xi32, #tpu.memory_space<vmem>>) semaphore(%arg23 : memref<!tpu.dma_semaphore, #tpu.memory_space<semaphore_mem>>)
          %dma_start3A_1071 = tpu.memref_slice %arg17[%add3A_806, %multiple_of3A_680] : memref<18x640xf32, #tpu.memory_space<vmem>> -> memref<1x128xf32, #tpu.memory_space<vmem>>
          %dma_start3A_1072 = tpu.memref_squeeze %dma_start3A_1071 : memref<1x128xf32, #tpu.memory_space<vmem>> -> memref<128xf32, #tpu.memory_space<vmem>>
          %dma_start3A_1073 = tpu.memref_slice %arg16[%add3A_784, %multiple_of3A_680] : memref<9x640xi32, #tpu.memory_space<vmem>> -> memref<1x128xi32, #tpu.memory_space<vmem>>
          %dma_start3A_1074 = tpu.memref_squeeze %dma_start3A_1073 : memref<1x128xi32, #tpu.memory_space<vmem>> -> memref<128xi32, #tpu.memory_space<vmem>>
          %dma_start3A_1075 = arith.constant 0 : i32
          %dma_start3A_1076 = tpu.memref_slice %arg8[%dma_start3A_1075] : memref<500000xf32, #tpu.memory_space<hbm>> -> memref<500000xf32, #tpu.memory_space<hbm>>
          tpu.enqueue_indirect_dma source(%dma_start3A_1076 : memref<500000xf32, #tpu.memory_space<hbm>>) target(%dma_start3A_1072 : memref<128xf32, #tpu.memory_space<vmem>>) offsets(%dma_start3A_1074 : memref<128xi32, #tpu.memory_space<vmem>>) semaphore(%arg23 : memref<!tpu.dma_semaphore, #tpu.memory_space<semaphore_mem>>)
          %dma_start3A_1077 = tpu.memref_slice %arg17[%add3A_848, %multiple_of3A_680] : memref<18x640xf32, #tpu.memory_space<vmem>> -> memref<1x128xf32, #tpu.memory_space<vmem>>
          %dma_start3A_1078 = tpu.memref_squeeze %dma_start3A_1077 : memref<1x128xf32, #tpu.memory_space<vmem>> -> memref<128xf32, #tpu.memory_space<vmem>>
          %dma_start3A_1079 = tpu.memref_slice %arg16[%add3A_826, %multiple_of3A_680] : memref<9x640xi32, #tpu.memory_space<vmem>> -> memref<1x128xi32, #tpu.memory_space<vmem>>
          %dma_start3A_1080 = tpu.memref_squeeze %dma_start3A_1079 : memref<1x128xi32, #tpu.memory_space<vmem>> -> memref<128xi32, #tpu.memory_space<vmem>>
          %dma_start3A_1081 = arith.constant 0 : i32
          %dma_start3A_1082 = tpu.memref_slice %arg6[%dma_start3A_1081] : memref<500000xf32, #tpu.memory_space<hbm>> -> memref<500000xf32, #tpu.memory_space<hbm>>
          tpu.enqueue_indirect_dma source(%dma_start3A_1082 : memref<500000xf32, #tpu.memory_space<hbm>>) target(%dma_start3A_1078 : memref<128xf32, #tpu.memory_space<vmem>>) offsets(%dma_start3A_1080 : memref<128xi32, #tpu.memory_space<vmem>>) semaphore(%arg23 : memref<!tpu.dma_semaphore, #tpu.memory_space<semaphore_mem>>)
          %dma_start3A_1083 = tpu.memref_slice %arg17[%add3A_890, %multiple_of3A_680] : memref<18x640xf32, #tpu.memory_space<vmem>> -> memref<1x128xf32, #tpu.memory_space<vmem>>
          %dma_start3A_1084 = tpu.memref_squeeze %dma_start3A_1083 : memref<1x128xf32, #tpu.memory_space<vmem>> -> memref<128xf32, #tpu.memory_space<vmem>>
          %dma_start3A_1085 = tpu.memref_slice %arg16[%add3A_868, %multiple_of3A_680] : memref<9x640xi32, #tpu.memory_space<vmem>> -> memref<1x128xi32, #tpu.memory_space<vmem>>
          %dma_start3A_1086 = tpu.memref_squeeze %dma_start3A_1085 : memref<1x128xi32, #tpu.memory_space<vmem>> -> memref<128xi32, #tpu.memory_space<vmem>>
          %dma_start3A_1087 = arith.constant 0 : i32
          %dma_start3A_1088 = tpu.memref_slice %arg7[%dma_start3A_1087] : memref<500000xf32, #tpu.memory_space<hbm>> -> memref<500000xf32, #tpu.memory_space<hbm>>
          tpu.enqueue_indirect_dma source(%dma_start3A_1088 : memref<500000xf32, #tpu.memory_space<hbm>>) target(%dma_start3A_1084 : memref<128xf32, #tpu.memory_space<vmem>>) offsets(%dma_start3A_1086 : memref<128xi32, #tpu.memory_space<vmem>>) semaphore(%arg23 : memref<!tpu.dma_semaphore, #tpu.memory_space<semaphore_mem>>)
          %dma_start3A_1089 = tpu.memref_slice %arg17[%add3A_932, %multiple_of3A_680] : memref<18x640xf32, #tpu.memory_space<vmem>> -> memref<1x128xf32, #tpu.memory_space<vmem>>
          %dma_start3A_1090 = tpu.memref_squeeze %dma_start3A_1089 : memref<1x128xf32, #tpu.memory_space<vmem>> -> memref<128xf32, #tpu.memory_space<vmem>>
          %dma_start3A_1091 = tpu.memref_slice %arg16[%add3A_910, %multiple_of3A_680] : memref<9x640xi32, #tpu.memory_space<vmem>> -> memref<1x128xi32, #tpu.memory_space<vmem>>
          %dma_start3A_1092 = tpu.memref_squeeze %dma_start3A_1091 : memref<1x128xi32, #tpu.memory_space<vmem>> -> memref<128xi32, #tpu.memory_space<vmem>>
          %dma_start3A_1093 = arith.constant 0 : i32
          %dma_start3A_1094 = tpu.memref_slice %arg8[%dma_start3A_1093] : memref<500000xf32, #tpu.memory_space<hbm>> -> memref<500000xf32, #tpu.memory_space<hbm>>
          tpu.enqueue_indirect_dma source(%dma_start3A_1094 : memref<500000xf32, #tpu.memory_space<hbm>>) target(%dma_start3A_1090 : memref<128xf32, #tpu.memory_space<vmem>>) offsets(%dma_start3A_1092 : memref<128xi32, #tpu.memory_space<vmem>>) semaphore(%arg23 : memref<!tpu.dma_semaphore, #tpu.memory_space<semaphore_mem>>)
          %dma_start3A_1095 = tpu.memref_slice %arg17[%add3A_974, %multiple_of3A_680] : memref<18x640xf32, #tpu.memory_space<vmem>> -> memref<1x128xf32, #tpu.memory_space<vmem>>
          %dma_start3A_1096 = tpu.memref_squeeze %dma_start3A_1095 : memref<1x128xf32, #tpu.memory_space<vmem>> -> memref<128xf32, #tpu.memory_space<vmem>>
          %dma_start3A_1097 = tpu.memref_slice %arg16[%add3A_952, %multiple_of3A_680] : memref<9x640xi32, #tpu.memory_space<vmem>> -> memref<1x128xi32, #tpu.memory_space<vmem>>
          %dma_start3A_1098 = tpu.memref_squeeze %dma_start3A_1097 : memref<1x128xi32, #tpu.memory_space<vmem>> -> memref<128xi32, #tpu.memory_space<vmem>>
          %dma_start3A_1099 = arith.constant 0 : i32
          %dma_start3A_1100 = tpu.memref_slice %arg6[%dma_start3A_1099] : memref<500000xf32, #tpu.memory_space<hbm>> -> memref<500000xf32, #tpu.memory_space<hbm>>
          tpu.enqueue_indirect_dma source(%dma_start3A_1100 : memref<500000xf32, #tpu.memory_space<hbm>>) target(%dma_start3A_1096 : memref<128xf32, #tpu.memory_space<vmem>>) offsets(%dma_start3A_1098 : memref<128xi32, #tpu.memory_space<vmem>>) semaphore(%arg23 : memref<!tpu.dma_semaphore, #tpu.memory_space<semaphore_mem>>)
          %dma_start3A_1101 = tpu.memref_slice %arg17[%add3A_1016, %multiple_of3A_680] : memref<18x640xf32, #tpu.memory_space<vmem>> -> memref<1x128xf32, #tpu.memory_space<vmem>>
          %dma_start3A_1102 = tpu.memref_squeeze %dma_start3A_1101 : memref<1x128xf32, #tpu.memory_space<vmem>> -> memref<128xf32, #tpu.memory_space<vmem>>
          %dma_start3A_1103 = tpu.memref_slice %arg16[%add3A_994, %multiple_of3A_680] : memref<9x640xi32, #tpu.memory_space<vmem>> -> memref<1x128xi32, #tpu.memory_space<vmem>>
          %dma_start3A_1104 = tpu.memref_squeeze %dma_start3A_1103 : memref<1x128xi32, #tpu.memory_space<vmem>> -> memref<128xi32, #tpu.memory_space<vmem>>
          %dma_start3A_1105 = arith.constant 0 : i32
          %dma_start3A_1106 = tpu.memref_slice %arg7[%dma_start3A_1105] : memref<500000xf32, #tpu.memory_space<hbm>> -> memref<500000xf32, #tpu.memory_space<hbm>>
          tpu.enqueue_indirect_dma source(%dma_start3A_1106 : memref<500000xf32, #tpu.memory_space<hbm>>) target(%dma_start3A_1102 : memref<128xf32, #tpu.memory_space<vmem>>) offsets(%dma_start3A_1104 : memref<128xi32, #tpu.memory_space<vmem>>) semaphore(%arg23 : memref<!tpu.dma_semaphore, #tpu.memory_space<semaphore_mem>>)
          %dma_start3A_1107 = tpu.memref_slice %arg17[%add3A_1058, %multiple_of3A_680] : memref<18x640xf32, #tpu.memory_space<vmem>> -> memref<1x128xf32, #tpu.memory_space<vmem>>
          %dma_start3A_1108 = tpu.memref_squeeze %dma_start3A_1107 : memref<1x128xf32, #tpu.memory_space<vmem>> -> memref<128xf32, #tpu.memory_space<vmem>>
          %dma_start3A_1109 = tpu.memref_slice %arg16[%add3A_1036, %multiple_of3A_680] : memref<9x640xi32, #tpu.memory_space<vmem>> -> memref<1x128xi32, #tpu.memory_space<vmem>>
          %dma_start3A_1110 = tpu.memref_squeeze %dma_start3A_1109 : memref<1x128xi32, #tpu.memory_space<vmem>> -> memref<128xi32, #tpu.memory_space<vmem>>
          %dma_start3A_1111 = arith.constant 0 : i32
          %dma_start3A_1112 = tpu.memref_slice %arg8[%dma_start3A_1111] : memref<500000xf32, #tpu.memory_space<hbm>> -> memref<500000xf32, #tpu.memory_space<hbm>>
          tpu.enqueue_indirect_dma source(%dma_start3A_1112 : memref<500000xf32, #tpu.memory_space<hbm>>) target(%dma_start3A_1108 : memref<128xf32, #tpu.memory_space<vmem>>) offsets(%dma_start3A_1110 : memref<128xi32, #tpu.memory_space<vmem>>) semaphore(%arg23 : memref<!tpu.dma_semaphore, #tpu.memory_space<semaphore_mem>>)
        }
        %scan3A_584 = arith.constant 5 : i32
        %add3A_585 = arith.constant 1 : i32
        %add3A_586 = arith.addi %while3A_336, %add3A_585 : i32
        %mul3A_587 = arith.constant 32 : i32
        %mul3A_588 = arith.muli %add3A_586, %mul3A_587 : i32
        %add3A_589 = arith.addi %add3A, %mul3A_588 : i32
        %mul3A_590 = arith.constant 640 : i32
        %mul3A_591 = arith.muli %add3A_589, %mul3A_590 : i32
        %multiple_of3A_592 = tpu.assume_multiple %mul3A_591, 640 : i32
        %jit3A_593 = arith.constant 2 : i32
        %eq3A_594 = arith.constant 0 : i32
        %eq3A_595 = arith.cmpi eq, %jit3A_593, %eq3A_594 : i32
        %jit3A_596 = arith.constant 1 : i32
        %select_n3A_597 = arith.select %eq3A_595, %jit3A_596, %jit3A_593 : i32
        %rem3A_598 = arith.remsi %add3A_586, %select_n3A_597 : i32
        %ne3A_599 = arith.constant 0 : i32
        %ne3A_600 = arith.cmpi ne, %rem3A_598, %ne3A_599 : i32
        %lt3A_601 = arith.constant 0 : i32
        %lt3A_602 = arith.cmpi slt, %rem3A_598, %lt3A_601 : i32
        %lt3A_603 = arith.constant 0 : i32
        %lt3A_604 = arith.cmpi slt, %select_n3A_597, %lt3A_603 : i32
        %ne3A_605 = arith.xori %lt3A_602, %lt3A_604 : i1
        %and3A_606 = arith.andi %ne3A_605, %ne3A_600 : i1
        %add3A_607 = arith.addi %rem3A_598, %select_n3A_597 : i32
        %select_n3A_608 = arith.select %and3A_606, %add3A_607, %rem3A_598 : i32
        %mul3A_609 = arith.constant 3 : i32
        %mul3A_610 = arith.muli %select_n3A_608, %mul3A_609 : i32
        %add3A_611 = arith.constant 0 : i32
        %add3A_612 = arith.addi %mul3A_610, %add3A_611 : i32
        %jit3A_613 = arith.constant 2 : i32
        %eq3A_614 = arith.constant 0 : i32
        %eq3A_615 = arith.cmpi eq, %jit3A_613, %eq3A_614 : i32
        %jit3A_616 = arith.constant 1 : i32
        %select_n3A_617 = arith.select %eq3A_615, %jit3A_616, %jit3A_613 : i32
        %rem3A_618 = arith.remsi %add3A_586, %select_n3A_617 : i32
        %ne3A_619 = arith.constant 0 : i32
        %ne3A_620 = arith.cmpi ne, %rem3A_618, %ne3A_619 : i32
        %lt3A_621 = arith.constant 0 : i32
        %lt3A_622 = arith.cmpi slt, %rem3A_618, %lt3A_621 : i32
        %lt3A_623 = arith.constant 0 : i32
        %lt3A_624 = arith.cmpi slt, %select_n3A_617, %lt3A_623 : i32
        %ne3A_625 = arith.xori %lt3A_622, %lt3A_624 : i1
        %and3A_626 = arith.andi %ne3A_625, %ne3A_620 : i1
        %add3A_627 = arith.addi %rem3A_618, %select_n3A_617 : i32
        %select_n3A_628 = arith.select %and3A_626, %add3A_627, %rem3A_618 : i32
        %mul3A_629 = arith.constant 3 : i32
        %mul3A_630 = arith.muli %select_n3A_628, %mul3A_629 : i32
        %add3A_631 = arith.constant 1 : i32
        %add3A_632 = arith.addi %mul3A_630, %add3A_631 : i32
        %jit3A_633 = arith.constant 2 : i32
        %eq3A_634 = arith.constant 0 : i32
        %eq3A_635 = arith.cmpi eq, %jit3A_633, %eq3A_634 : i32
        %jit3A_636 = arith.constant 1 : i32
        %select_n3A_637 = arith.select %eq3A_635, %jit3A_636, %jit3A_633 : i32
        %rem3A_638 = arith.remsi %add3A_586, %select_n3A_637 : i32
        %ne3A_639 = arith.constant 0 : i32
        %ne3A_640 = arith.cmpi ne, %rem3A_638, %ne3A_639 : i32
        %lt3A_641 = arith.constant 0 : i32
        %lt3A_642 = arith.cmpi slt, %rem3A_638, %lt3A_641 : i32
        %lt3A_643 = arith.constant 0 : i32
        %lt3A_644 = arith.cmpi slt, %select_n3A_637, %lt3A_643 : i32
        %ne3A_645 = arith.xori %lt3A_642, %lt3A_644 : i1
        %and3A_646 = arith.andi %ne3A_645, %ne3A_640 : i1
        %add3A_647 = arith.addi %rem3A_638, %select_n3A_637 : i32
        %select_n3A_648 = arith.select %and3A_646, %add3A_647, %rem3A_638 : i32
        %mul3A_649 = arith.constant 3 : i32
        %mul3A_650 = arith.muli %select_n3A_648, %mul3A_649 : i32
        %add3A_651 = arith.constant 2 : i32
        %add3A_652 = arith.addi %mul3A_650, %add3A_651 : i32
        %dma_start3A_653 = arith.constant 0 : i32
        %dma_start3A_654 = tpu.memref_slice %arg18[%add3A_612, %dma_start3A_653] : memref<6x640xf32, #tpu.memory_space<vmem>> -> memref<1x640xf32, #tpu.memory_space<vmem>>
        %dma_start3A_655 = tpu.memref_squeeze %dma_start3A_654 : memref<1x640xf32, #tpu.memory_space<vmem>> -> memref<640xf32, #tpu.memory_space<vmem>>
        %dma_start3A_656 = tpu.memref_slice %arg9[%multiple_of3A_592] : memref<2000000xf32, #tpu.memory_space<hbm>> -> memref<640xf32, #tpu.memory_space<hbm>>
        %dma_start3A_657 = arith.constant 0 : i32
        %dma_start3A_658 = tpu.memref_slice %arg18[%add3A_612, %dma_start3A_657] : memref<6x640xf32, #tpu.memory_space<vmem>> -> memref<1x640xf32, #tpu.memory_space<vmem>>
        %dma_start3A_659 = tpu.memref_squeeze %dma_start3A_658 : memref<1x640xf32, #tpu.memory_space<vmem>> -> memref<640xf32, #tpu.memory_space<vmem>>
        %dma_start3A_660 = tpu.memref_slice %arg9[%multiple_of3A_592] : memref<2000000xf32, #tpu.memory_space<hbm>> -> memref<640xf32, #tpu.memory_space<hbm>>
        tpu.enqueue_dma source(%dma_start3A_660 : memref<640xf32, #tpu.memory_space<hbm>>) target(%dma_start3A_659 : memref<640xf32, #tpu.memory_space<vmem>>) target_semaphore(%arg21 : memref<!tpu.dma_semaphore, #tpu.memory_space<semaphore_mem>>)
        %dma_start3A_661 = arith.constant 0 : i32
        %dma_start3A_662 = tpu.memref_slice %arg18[%add3A_632, %dma_start3A_661] : memref<6x640xf32, #tpu.memory_space<vmem>> -> memref<1x640xf32, #tpu.memory_space<vmem>>
        %dma_start3A_663 = tpu.memref_squeeze %dma_start3A_662 : memref<1x640xf32, #tpu.memory_space<vmem>> -> memref<640xf32, #tpu.memory_space<vmem>>
        %dma_start3A_664 = tpu.memref_slice %arg10[%multiple_of3A_592] : memref<2000000xf32, #tpu.memory_space<hbm>> -> memref<640xf32, #tpu.memory_space<hbm>>
        %dma_start3A_665 = arith.constant 0 : i32
        %dma_start3A_666 = tpu.memref_slice %arg18[%add3A_632, %dma_start3A_665] : memref<6x640xf32, #tpu.memory_space<vmem>> -> memref<1x640xf32, #tpu.memory_space<vmem>>
        %dma_start3A_667 = tpu.memref_squeeze %dma_start3A_666 : memref<1x640xf32, #tpu.memory_space<vmem>> -> memref<640xf32, #tpu.memory_space<vmem>>
        %dma_start3A_668 = tpu.memref_slice %arg10[%multiple_of3A_592] : memref<2000000xf32, #tpu.memory_space<hbm>> -> memref<640xf32, #tpu.memory_space<hbm>>
        tpu.enqueue_dma source(%dma_start3A_668 : memref<640xf32, #tpu.memory_space<hbm>>) target(%dma_start3A_667 : memref<640xf32, #tpu.memory_space<vmem>>) target_semaphore(%arg21 : memref<!tpu.dma_semaphore, #tpu.memory_space<semaphore_mem>>)
        %dma_start3A_669 = arith.constant 0 : i32
        %dma_start3A_670 = tpu.memref_slice %arg18[%add3A_652, %dma_start3A_669] : memref<6x640xf32, #tpu.memory_space<vmem>> -> memref<1x640xf32, #tpu.memory_space<vmem>>
        %dma_start3A_671 = tpu.memref_squeeze %dma_start3A_670 : memref<1x640xf32, #tpu.memory_space<vmem>> -> memref<640xf32, #tpu.memory_space<vmem>>
        %dma_start3A_672 = tpu.memref_slice %arg11[%multiple_of3A_592] : memref<2000000xf32, #tpu.memory_space<hbm>> -> memref<640xf32, #tpu.memory_space<hbm>>
        %dma_start3A_673 = arith.constant 0 : i32
        %dma_start3A_674 = tpu.memref_slice %arg18[%add3A_652, %dma_start3A_673] : memref<6x640xf32, #tpu.memory_space<vmem>> -> memref<1x640xf32, #tpu.memory_space<vmem>>
        %dma_start3A_675 = tpu.memref_squeeze %dma_start3A_674 : memref<1x640xf32, #tpu.memory_space<vmem>> -> memref<640xf32, #tpu.memory_space<vmem>>
        %dma_start3A_676 = tpu.memref_slice %arg11[%multiple_of3A_592] : memref<2000000xf32, #tpu.memory_space<hbm>> -> memref<640xf32, #tpu.memory_space<hbm>>
        tpu.enqueue_dma source(%dma_start3A_676 : memref<640xf32, #tpu.memory_space<hbm>>) target(%dma_start3A_675 : memref<640xf32, #tpu.memory_space<vmem>>) target_semaphore(%arg21 : memref<!tpu.dma_semaphore, #tpu.memory_space<semaphore_mem>>)
      } else {
      }
      %add3A_357 = arith.constant 2 : i32
      %add3A_358 = arith.addi %while3A_336, %add3A_357 : i32
      %lt3A_359 = arith.cmpi slt, %add3A_358, %select_n3A : i32
      %convert_element_type3A_360 = arith.extui %lt3A_359 : i1 to i32
      %cond3A_361 = arith.constant 0 : i32
      %cond3A_362 = arith.cmpi ne, %convert_element_type3A_360, %cond3A_361 : i32
      scf.if %cond3A_362 {
        %add3A_569 = arith.constant 2 : i32
        %add3A_570 = arith.addi %while3A_336, %add3A_569 : i32
        %mul3A_571 = arith.constant 32 : i32
        %mul3A_572 = arith.muli %add3A_570, %mul3A_571 : i32
        %add3A_573 = arith.addi %add3A, %mul3A_572 : i32
        %mul3A_574 = arith.constant 640 : i32
        %mul3A_575 = arith.muli %add3A_573, %mul3A_574 : i32
        %multiple_of3A_576 = tpu.assume_multiple %mul3A_575, 640 : i32
        %jit3A_577 = arith.constant 2 : i32
        %eq3A_578 = arith.constant 0 : i32
        %eq3A_579 = arith.cmpi eq, %jit3A_577, %eq3A_578 : i32
        %jit3A_580 = arith.constant 1 : i32
        %select_n3A_581 = arith.select %eq3A_579, %jit3A_580, %jit3A_577 : i32
        %rem3A_582 = arith.remsi %add3A_570, %select_n3A_581 : i32
        %ne3A_583 = arith.constant 0 : i32
        %ne3A_584 = arith.cmpi ne, %rem3A_582, %ne3A_583 : i32
        %lt3A_585 = arith.constant 0 : i32
        %lt3A_586 = arith.cmpi slt, %rem3A_582, %lt3A_585 : i32
        %lt3A_587 = arith.constant 0 : i32
        %lt3A_588 = arith.cmpi slt, %select_n3A_581, %lt3A_587 : i32
        %ne3A_589 = arith.xori %lt3A_586, %lt3A_588 : i1
        %and3A_590 = arith.andi %ne3A_589, %ne3A_584 : i1
        %add3A_591 = arith.addi %rem3A_582, %select_n3A_581 : i32
        %select_n3A_592 = arith.select %and3A_590, %add3A_591, %rem3A_582 : i32
        %dma_wait3A_593 = arith.constant 0 : i32
        %dma_wait3A_594 = tpu.memref_slice %arg15[%select_n3A_592, %dma_wait3A_593] : memref<2x640xi32, #tpu.memory_space<vmem>> -> memref<1x640xi32, #tpu.memory_space<vmem>>
        %dma_wait3A_595 = tpu.memref_squeeze %dma_wait3A_594 : memref<1x640xi32, #tpu.memory_space<vmem>> -> memref<640xi32, #tpu.memory_space<vmem>>
        %dma_wait3A_596 = tpu.memref_slice %arg2[%multiple_of3A_576] : memref<2000000xi32, #tpu.memory_space<hbm>> -> memref<640xi32, #tpu.memory_space<hbm>>
        %dma_wait3A_597 = arith.constant 0 : i32
        %dma_wait3A_598 = tpu.memref_slice %arg15[%select_n3A_592, %dma_wait3A_597] : memref<2x640xi32, #tpu.memory_space<vmem>> -> memref<1x640xi32, #tpu.memory_space<vmem>>
        %dma_wait3A_599 = tpu.memref_squeeze %dma_wait3A_598 : memref<1x640xi32, #tpu.memory_space<vmem>> -> memref<640xi32, #tpu.memory_space<vmem>>
        %dma_wait3A_600 = tpu.memref_slice %arg2[%multiple_of3A_576] : memref<2000000xi32, #tpu.memory_space<hbm>> -> memref<640xi32, #tpu.memory_space<hbm>>
        tpu.wait_dma2 semaphore(%arg20 : memref<!tpu.dma_semaphore, #tpu.memory_space<semaphore_mem>>) src(%dma_wait3A_600 : memref<640xi32, #tpu.memory_space<hbm>>) dst(%dma_wait3A_599 : memref<640xi32, #tpu.memory_space<vmem>>)
        %add3A_601 = arith.constant 2 : i32
        %add3A_602 = arith.addi %while3A_336, %add3A_601 : i32
        %scan3A_603 = arith.constant 0 : i32
        %scan3A_604 = arith.constant 0 : i32
        %scan3A_605 = arith.constant 5 : i32
        %scan3A_606 = arith.addi %scan3A_604, %scan3A_605 : i32
        %scan3A_607 = arith.constant 1 : i32
        scf.for %scan3A_609 = %scan3A_604 to %scan3A_606 step %scan3A_607  : i32 {
          %mul3A_610 = arith.constant 128 : i32
          %mul3A_611 = arith.muli %scan3A_609, %mul3A_610 : i32
          %multiple_of3A_612 = tpu.assume_multiple %mul3A_611, 128 : i32
          %jit3A_613 = arith.constant 2 : i32
          %eq3A_614 = arith.constant 0 : i32
          %eq3A_615 = arith.cmpi eq, %jit3A_613, %eq3A_614 : i32
          %jit3A_616 = arith.constant 1 : i32
          %select_n3A_617 = arith.select %eq3A_615, %jit3A_616, %jit3A_613 : i32
          %rem3A_618 = arith.remsi %add3A_602, %select_n3A_617 : i32
          %ne3A_619 = arith.constant 0 : i32
          %ne3A_620 = arith.cmpi ne, %rem3A_618, %ne3A_619 : i32
          %lt3A_621 = arith.constant 0 : i32
          %lt3A_622 = arith.cmpi slt, %rem3A_618, %lt3A_621 : i32
          %lt3A_623 = arith.constant 0 : i32
          %lt3A_624 = arith.cmpi slt, %select_n3A_617, %lt3A_623 : i32
          %ne3A_625 = arith.xori %lt3A_622, %lt3A_624 : i1
          %and3A_626 = arith.andi %ne3A_625, %ne3A_620 : i1
          %add3A_627 = arith.addi %rem3A_618, %select_n3A_617 : i32
          %select_n3A_628 = arith.select %and3A_626, %add3A_627, %rem3A_618 : i32
          %jit3A_629 = arith.constant 3 : i32
          %eq3A_630 = arith.constant 0 : i32
          %eq3A_631 = arith.cmpi eq, %jit3A_629, %eq3A_630 : i32
          %jit3A_632 = arith.constant 1 : i32
          %select_n3A_633 = arith.select %eq3A_631, %jit3A_632, %jit3A_629 : i32
          %rem3A_634 = arith.remsi %add3A_602, %select_n3A_633 : i32
          %ne3A_635 = arith.constant 0 : i32
          %ne3A_636 = arith.cmpi ne, %rem3A_634, %ne3A_635 : i32
          %lt3A_637 = arith.constant 0 : i32
          %lt3A_638 = arith.cmpi slt, %rem3A_634, %lt3A_637 : i32
          %lt3A_639 = arith.constant 0 : i32
          %lt3A_640 = arith.cmpi slt, %select_n3A_633, %lt3A_639 : i32
          %ne3A_641 = arith.xori %lt3A_638, %lt3A_640 : i1
          %and3A_642 = arith.andi %ne3A_641, %ne3A_636 : i1
          %add3A_643 = arith.addi %rem3A_634, %select_n3A_633 : i32
          %select_n3A_644 = arith.select %and3A_642, %add3A_643, %rem3A_634 : i32
          %mul3A_645 = arith.constant 3 : i32
          %mul3A_646 = arith.muli %select_n3A_644, %mul3A_645 : i32
          %add3A_647 = arith.constant 0 : i32
          %add3A_648 = arith.addi %mul3A_646, %add3A_647 : i32
          %jit3A_649 = arith.constant 2 : i32
          %eq3A_650 = arith.constant 0 : i32
          %eq3A_651 = arith.cmpi eq, %jit3A_649, %eq3A_650 : i32
          %jit3A_652 = arith.constant 1 : i32
          %select_n3A_653 = arith.select %eq3A_651, %jit3A_652, %jit3A_649 : i32
          %rem3A_654 = arith.remsi %add3A_602, %select_n3A_653 : i32
          %ne3A_655 = arith.constant 0 : i32
          %ne3A_656 = arith.cmpi ne, %rem3A_654, %ne3A_655 : i32
          %lt3A_657 = arith.constant 0 : i32
          %lt3A_658 = arith.cmpi slt, %rem3A_654, %lt3A_657 : i32
          %lt3A_659 = arith.constant 0 : i32
          %lt3A_660 = arith.cmpi slt, %select_n3A_653, %lt3A_659 : i32
          %ne3A_661 = arith.xori %lt3A_658, %lt3A_660 : i1
          %and3A_662 = arith.andi %ne3A_661, %ne3A_656 : i1
          %add3A_663 = arith.addi %rem3A_654, %select_n3A_653 : i32
          %select_n3A_664 = arith.select %and3A_662, %add3A_663, %rem3A_654 : i32
          %jit3A_665 = arith.constant 3 : i32
          %eq3A_666 = arith.constant 0 : i32
          %eq3A_667 = arith.cmpi eq, %jit3A_665, %eq3A_666 : i32
          %jit3A_668 = arith.constant 1 : i32
          %select_n3A_669 = arith.select %eq3A_667, %jit3A_668, %jit3A_665 : i32
          %rem3A_670 = arith.remsi %add3A_602, %select_n3A_669 : i32
          %ne3A_671 = arith.constant 0 : i32
          %ne3A_672 = arith.cmpi ne, %rem3A_670, %ne3A_671 : i32
          %lt3A_673 = arith.constant 0 : i32
          %lt3A_674 = arith.cmpi slt, %rem3A_670, %lt3A_673 : i32
          %lt3A_675 = arith.constant 0 : i32
          %lt3A_676 = arith.cmpi slt, %select_n3A_669, %lt3A_675 : i32
          %ne3A_677 = arith.xori %lt3A_674, %lt3A_676 : i1
          %and3A_678 = arith.andi %ne3A_677, %ne3A_672 : i1
          %add3A_679 = arith.addi %rem3A_670, %select_n3A_669 : i32
          %select_n3A_680 = arith.select %and3A_678, %add3A_679, %rem3A_670 : i32
          %mul3A_681 = arith.constant 3 : i32
          %mul3A_682 = arith.muli %select_n3A_680, %mul3A_681 : i32
          %add3A_683 = arith.constant 1 : i32
          %add3A_684 = arith.addi %mul3A_682, %add3A_683 : i32
          %jit3A_685 = arith.constant 2 : i32
          %eq3A_686 = arith.constant 0 : i32
          %eq3A_687 = arith.cmpi eq, %jit3A_685, %eq3A_686 : i32
          %jit3A_688 = arith.constant 1 : i32
          %select_n3A_689 = arith.select %eq3A_687, %jit3A_688, %jit3A_685 : i32
          %rem3A_690 = arith.remsi %add3A_602, %select_n3A_689 : i32
          %ne3A_691 = arith.constant 0 : i32
          %ne3A_692 = arith.cmpi ne, %rem3A_690, %ne3A_691 : i32
          %lt3A_693 = arith.constant 0 : i32
          %lt3A_694 = arith.cmpi slt, %rem3A_690, %lt3A_693 : i32
          %lt3A_695 = arith.constant 0 : i32
          %lt3A_696 = arith.cmpi slt, %select_n3A_689, %lt3A_695 : i32
          %ne3A_697 = arith.xori %lt3A_694, %lt3A_696 : i1
          %and3A_698 = arith.andi %ne3A_697, %ne3A_692 : i1
          %add3A_699 = arith.addi %rem3A_690, %select_n3A_689 : i32
          %select_n3A_700 = arith.select %and3A_698, %add3A_699, %rem3A_690 : i32
          %jit3A_701 = arith.constant 3 : i32
          %eq3A_702 = arith.constant 0 : i32
          %eq3A_703 = arith.cmpi eq, %jit3A_701, %eq3A_702 : i32
          %jit3A_704 = arith.constant 1 : i32
          %select_n3A_705 = arith.select %eq3A_703, %jit3A_704, %jit3A_701 : i32
          %rem3A_706 = arith.remsi %add3A_602, %select_n3A_705 : i32
          %ne3A_707 = arith.constant 0 : i32
          %ne3A_708 = arith.cmpi ne, %rem3A_706, %ne3A_707 : i32
          %lt3A_709 = arith.constant 0 : i32
          %lt3A_710 = arith.cmpi slt, %rem3A_706, %lt3A_709 : i32
          %lt3A_711 = arith.constant 0 : i32
          %lt3A_712 = arith.cmpi slt, %select_n3A_705, %lt3A_711 : i32
          %ne3A_713 = arith.xori %lt3A_710, %lt3A_712 : i1
          %and3A_714 = arith.andi %ne3A_713, %ne3A_708 : i1
          %add3A_715 = arith.addi %rem3A_706, %select_n3A_705 : i32
          %select_n3A_716 = arith.select %and3A_714, %add3A_715, %rem3A_706 : i32
          %mul3A_717 = arith.constant 3 : i32
          %mul3A_718 = arith.muli %select_n3A_716, %mul3A_717 : i32
          %add3A_719 = arith.constant 2 : i32
          %add3A_720 = arith.addi %mul3A_718, %add3A_719 : i32
          %dma_start3A_721 = tpu.memref_slice %arg16[%add3A_648, %multiple_of3A_612] : memref<9x640xi32, #tpu.memory_space<vmem>> -> memref<1x128xi32, #tpu.memory_space<vmem>>
          %dma_start3A_722 = tpu.memref_squeeze %dma_start3A_721 : memref<1x128xi32, #tpu.memory_space<vmem>> -> memref<128xi32, #tpu.memory_space<vmem>>
          %dma_start3A_723 = tpu.memref_slice %arg15[%select_n3A_628, %multiple_of3A_612] : memref<2x640xi32, #tpu.memory_space<vmem>> -> memref<1x128xi32, #tpu.memory_space<vmem>>
          %dma_start3A_724 = tpu.memref_squeeze %dma_start3A_723 : memref<1x128xi32, #tpu.memory_space<vmem>> -> memref<128xi32, #tpu.memory_space<vmem>>
          %dma_start3A_725 = arith.constant 0 : i32
          %dma_start3A_726 = tpu.memref_slice %arg3[%dma_start3A_725] : memref<1000000xi32, #tpu.memory_space<hbm>> -> memref<1000000xi32, #tpu.memory_space<hbm>>
          tpu.enqueue_indirect_dma source(%dma_start3A_726 : memref<1000000xi32, #tpu.memory_space<hbm>>) target(%dma_start3A_722 : memref<128xi32, #tpu.memory_space<vmem>>) offsets(%dma_start3A_724 : memref<128xi32, #tpu.memory_space<vmem>>) semaphore(%arg22 : memref<!tpu.dma_semaphore, #tpu.memory_space<semaphore_mem>>)
          %dma_start3A_727 = tpu.memref_slice %arg16[%add3A_684, %multiple_of3A_612] : memref<9x640xi32, #tpu.memory_space<vmem>> -> memref<1x128xi32, #tpu.memory_space<vmem>>
          %dma_start3A_728 = tpu.memref_squeeze %dma_start3A_727 : memref<1x128xi32, #tpu.memory_space<vmem>> -> memref<128xi32, #tpu.memory_space<vmem>>
          %dma_start3A_729 = tpu.memref_slice %arg15[%select_n3A_664, %multiple_of3A_612] : memref<2x640xi32, #tpu.memory_space<vmem>> -> memref<1x128xi32, #tpu.memory_space<vmem>>
          %dma_start3A_730 = tpu.memref_squeeze %dma_start3A_729 : memref<1x128xi32, #tpu.memory_space<vmem>> -> memref<128xi32, #tpu.memory_space<vmem>>
          %dma_start3A_731 = arith.constant 0 : i32
          %dma_start3A_732 = tpu.memref_slice %arg4[%dma_start3A_731] : memref<1000000xi32, #tpu.memory_space<hbm>> -> memref<1000000xi32, #tpu.memory_space<hbm>>
          tpu.enqueue_indirect_dma source(%dma_start3A_732 : memref<1000000xi32, #tpu.memory_space<hbm>>) target(%dma_start3A_728 : memref<128xi32, #tpu.memory_space<vmem>>) offsets(%dma_start3A_730 : memref<128xi32, #tpu.memory_space<vmem>>) semaphore(%arg22 : memref<!tpu.dma_semaphore, #tpu.memory_space<semaphore_mem>>)
          %dma_start3A_733 = tpu.memref_slice %arg16[%add3A_720, %multiple_of3A_612] : memref<9x640xi32, #tpu.memory_space<vmem>> -> memref<1x128xi32, #tpu.memory_space<vmem>>
          %dma_start3A_734 = tpu.memref_squeeze %dma_start3A_733 : memref<1x128xi32, #tpu.memory_space<vmem>> -> memref<128xi32, #tpu.memory_space<vmem>>
          %dma_start3A_735 = tpu.memref_slice %arg15[%select_n3A_700, %multiple_of3A_612] : memref<2x640xi32, #tpu.memory_space<vmem>> -> memref<1x128xi32, #tpu.memory_space<vmem>>
          %dma_start3A_736 = tpu.memref_squeeze %dma_start3A_735 : memref<1x128xi32, #tpu.memory_space<vmem>> -> memref<128xi32, #tpu.memory_space<vmem>>
          %dma_start3A_737 = arith.constant 0 : i32
          %dma_start3A_738 = tpu.memref_slice %arg5[%dma_start3A_737] : memref<1000000xi32, #tpu.memory_space<hbm>> -> memref<1000000xi32, #tpu.memory_space<hbm>>
          tpu.enqueue_indirect_dma source(%dma_start3A_738 : memref<1000000xi32, #tpu.memory_space<hbm>>) target(%dma_start3A_734 : memref<128xi32, #tpu.memory_space<vmem>>) offsets(%dma_start3A_736 : memref<128xi32, #tpu.memory_space<vmem>>) semaphore(%arg22 : memref<!tpu.dma_semaphore, #tpu.memory_space<semaphore_mem>>)
        }
        %scan3A_608 = arith.constant 5 : i32
      } else {
      }
      %add3A_363 = arith.constant 3 : i32
      %add3A_364 = arith.addi %while3A_336, %add3A_363 : i32
      %lt3A_365 = arith.cmpi slt, %add3A_364, %select_n3A : i32
      %convert_element_type3A_366 = arith.extui %lt3A_365 : i1 to i32
      %cond3A_367 = arith.constant 0 : i32
      %cond3A_368 = arith.cmpi ne, %convert_element_type3A_366, %cond3A_367 : i32
      scf.if %cond3A_368 {
        %add3A_569 = arith.constant 3 : i32
        %add3A_570 = arith.addi %while3A_336, %add3A_569 : i32
        %mul3A_571 = arith.constant 32 : i32
        %mul3A_572 = arith.muli %add3A_570, %mul3A_571 : i32
        %add3A_573 = arith.addi %add3A, %mul3A_572 : i32
        %mul3A_574 = arith.constant 640 : i32
        %mul3A_575 = arith.muli %add3A_573, %mul3A_574 : i32
        %multiple_of3A_576 = tpu.assume_multiple %mul3A_575, 640 : i32
        %jit3A_577 = arith.constant 2 : i32
        %eq3A_578 = arith.constant 0 : i32
        %eq3A_579 = arith.cmpi eq, %jit3A_577, %eq3A_578 : i32
        %jit3A_580 = arith.constant 1 : i32
        %select_n3A_581 = arith.select %eq3A_579, %jit3A_580, %jit3A_577 : i32
        %rem3A_582 = arith.remsi %add3A_570, %select_n3A_581 : i32
        %ne3A_583 = arith.constant 0 : i32
        %ne3A_584 = arith.cmpi ne, %rem3A_582, %ne3A_583 : i32
        %lt3A_585 = arith.constant 0 : i32
        %lt3A_586 = arith.cmpi slt, %rem3A_582, %lt3A_585 : i32
        %lt3A_587 = arith.constant 0 : i32
        %lt3A_588 = arith.cmpi slt, %select_n3A_581, %lt3A_587 : i32
        %ne3A_589 = arith.xori %lt3A_586, %lt3A_588 : i1
        %and3A_590 = arith.andi %ne3A_589, %ne3A_584 : i1
        %add3A_591 = arith.addi %rem3A_582, %select_n3A_581 : i32
        %select_n3A_592 = arith.select %and3A_590, %add3A_591, %rem3A_582 : i32
        %dma_start3A_593 = arith.constant 0 : i32
        %dma_start3A_594 = tpu.memref_slice %arg15[%select_n3A_592, %dma_start3A_593] : memref<2x640xi32, #tpu.memory_space<vmem>> -> memref<1x640xi32, #tpu.memory_space<vmem>>
        %dma_start3A_595 = tpu.memref_squeeze %dma_start3A_594 : memref<1x640xi32, #tpu.memory_space<vmem>> -> memref<640xi32, #tpu.memory_space<vmem>>
        %dma_start3A_596 = tpu.memref_slice %arg2[%multiple_of3A_576] : memref<2000000xi32, #tpu.memory_space<hbm>> -> memref<640xi32, #tpu.memory_space<hbm>>
        %dma_start3A_597 = arith.constant 0 : i32
        %dma_start3A_598 = tpu.memref_slice %arg15[%select_n3A_592, %dma_start3A_597] : memref<2x640xi32, #tpu.memory_space<vmem>> -> memref<1x640xi32, #tpu.memory_space<vmem>>
        %dma_start3A_599 = tpu.memref_squeeze %dma_start3A_598 : memref<1x640xi32, #tpu.memory_space<vmem>> -> memref<640xi32, #tpu.memory_space<vmem>>
        %dma_start3A_600 = tpu.memref_slice %arg2[%multiple_of3A_576] : memref<2000000xi32, #tpu.memory_space<hbm>> -> memref<640xi32, #tpu.memory_space<hbm>>
        tpu.enqueue_dma source(%dma_start3A_600 : memref<640xi32, #tpu.memory_space<hbm>>) target(%dma_start3A_599 : memref<640xi32, #tpu.memory_space<vmem>>) target_semaphore(%arg20 : memref<!tpu.dma_semaphore, #tpu.memory_space<semaphore_mem>>)
      } else {
      }
      %scan3A_369 = arith.constant 0 : i32
      %scan3A_370 = arith.constant 0 : i32
      %scan3A_371 = arith.constant 5 : i32
      %scan3A_372 = arith.addi %scan3A_370, %scan3A_371 : i32
      %scan3A_373 = arith.constant 1 : i32
      scf.for %scan3A_569 = %scan3A_370 to %scan3A_372 step %scan3A_373  : i32 {
        %mul3A_570 = arith.constant 128 : i32
        %mul3A_571 = arith.muli %scan3A_569, %mul3A_570 : i32
        %multiple_of3A_572 = tpu.assume_multiple %mul3A_571, 128 : i32
        %jit3A_573 = arith.constant 3 : i32
        %eq3A_574 = arith.constant 0 : i32
        %eq3A_575 = arith.cmpi eq, %jit3A_573, %eq3A_574 : i32
        %jit3A_576 = arith.constant 1 : i32
        %select_n3A_577 = arith.select %eq3A_575, %jit3A_576, %jit3A_573 : i32
        %rem3A_578 = arith.remsi %while3A_336, %select_n3A_577 : i32
        %ne3A_579 = arith.constant 0 : i32
        %ne3A_580 = arith.cmpi ne, %rem3A_578, %ne3A_579 : i32
        %lt3A_581 = arith.constant 0 : i32
        %lt3A_582 = arith.cmpi slt, %rem3A_578, %lt3A_581 : i32
        %lt3A_583 = arith.constant 0 : i32
        %lt3A_584 = arith.cmpi slt, %select_n3A_577, %lt3A_583 : i32
        %ne3A_585 = arith.xori %lt3A_582, %lt3A_584 : i1
        %and3A_586 = arith.andi %ne3A_585, %ne3A_580 : i1
        %add3A_587 = arith.addi %rem3A_578, %select_n3A_577 : i32
        %select_n3A_588 = arith.select %and3A_586, %add3A_587, %rem3A_578 : i32
        %mul3A_589 = arith.constant 3 : i32
        %mul3A_590 = arith.muli %select_n3A_588, %mul3A_589 : i32
        %add3A_591 = arith.constant 0 : i32
        %add3A_592 = arith.addi %mul3A_590, %add3A_591 : i32
        %jit3A_593 = arith.constant 2 : i32
        %eq3A_594 = arith.constant 0 : i32
        %eq3A_595 = arith.cmpi eq, %jit3A_593, %eq3A_594 : i32
        %jit3A_596 = arith.constant 1 : i32
        %select_n3A_597 = arith.select %eq3A_595, %jit3A_596, %jit3A_593 : i32
        %rem3A_598 = arith.remsi %while3A_336, %select_n3A_597 : i32
        %ne3A_599 = arith.constant 0 : i32
        %ne3A_600 = arith.cmpi ne, %rem3A_598, %ne3A_599 : i32
        %lt3A_601 = arith.constant 0 : i32
        %lt3A_602 = arith.cmpi slt, %rem3A_598, %lt3A_601 : i32
        %lt3A_603 = arith.constant 0 : i32
        %lt3A_604 = arith.cmpi slt, %select_n3A_597, %lt3A_603 : i32
        %ne3A_605 = arith.xori %lt3A_602, %lt3A_604 : i1
        %and3A_606 = arith.andi %ne3A_605, %ne3A_600 : i1
        %add3A_607 = arith.addi %rem3A_598, %select_n3A_597 : i32
        %select_n3A_608 = arith.select %and3A_606, %add3A_607, %rem3A_598 : i32
        %mul3A_609 = arith.constant 9 : i32
        %mul3A_610 = arith.muli %select_n3A_608, %mul3A_609 : i32
        %add3A_611 = arith.constant 0 : i32
        %add3A_612 = arith.addi %mul3A_610, %add3A_611 : i32
        %add3A_613 = arith.constant 0 : i32
        %add3A_614 = arith.addi %add3A_612, %add3A_613 : i32
        %jit3A_615 = arith.constant 3 : i32
        %eq3A_616 = arith.constant 0 : i32
        %eq3A_617 = arith.cmpi eq, %jit3A_615, %eq3A_616 : i32
        %jit3A_618 = arith.constant 1 : i32
        %select_n3A_619 = arith.select %eq3A_617, %jit3A_618, %jit3A_615 : i32
        %rem3A_620 = arith.remsi %while3A_336, %select_n3A_619 : i32
        %ne3A_621 = arith.constant 0 : i32
        %ne3A_622 = arith.cmpi ne, %rem3A_620, %ne3A_621 : i32
        %lt3A_623 = arith.constant 0 : i32
        %lt3A_624 = arith.cmpi slt, %rem3A_620, %lt3A_623 : i32
        %lt3A_625 = arith.constant 0 : i32
        %lt3A_626 = arith.cmpi slt, %select_n3A_619, %lt3A_625 : i32
        %ne3A_627 = arith.xori %lt3A_624, %lt3A_626 : i1
        %and3A_628 = arith.andi %ne3A_627, %ne3A_622 : i1
        %add3A_629 = arith.addi %rem3A_620, %select_n3A_619 : i32
        %select_n3A_630 = arith.select %and3A_628, %add3A_629, %rem3A_620 : i32
        %mul3A_631 = arith.constant 3 : i32
        %mul3A_632 = arith.muli %select_n3A_630, %mul3A_631 : i32
        %add3A_633 = arith.constant 0 : i32
        %add3A_634 = arith.addi %mul3A_632, %add3A_633 : i32
        %jit3A_635 = arith.constant 2 : i32
        %eq3A_636 = arith.constant 0 : i32
        %eq3A_637 = arith.cmpi eq, %jit3A_635, %eq3A_636 : i32
        %jit3A_638 = arith.constant 1 : i32
        %select_n3A_639 = arith.select %eq3A_637, %jit3A_638, %jit3A_635 : i32
        %rem3A_640 = arith.remsi %while3A_336, %select_n3A_639 : i32
        %ne3A_641 = arith.constant 0 : i32
        %ne3A_642 = arith.cmpi ne, %rem3A_640, %ne3A_641 : i32
        %lt3A_643 = arith.constant 0 : i32
        %lt3A_644 = arith.cmpi slt, %rem3A_640, %lt3A_643 : i32
        %lt3A_645 = arith.constant 0 : i32
        %lt3A_646 = arith.cmpi slt, %select_n3A_639, %lt3A_645 : i32
        %ne3A_647 = arith.xori %lt3A_644, %lt3A_646 : i1
        %and3A_648 = arith.andi %ne3A_647, %ne3A_642 : i1
        %add3A_649 = arith.addi %rem3A_640, %select_n3A_639 : i32
        %select_n3A_650 = arith.select %and3A_648, %add3A_649, %rem3A_640 : i32
        %mul3A_651 = arith.constant 9 : i32
        %mul3A_652 = arith.muli %select_n3A_650, %mul3A_651 : i32
        %add3A_653 = arith.constant 0 : i32
        %add3A_654 = arith.addi %mul3A_652, %add3A_653 : i32
        %add3A_655 = arith.constant 1 : i32
        %add3A_656 = arith.addi %add3A_654, %add3A_655 : i32
        %jit3A_657 = arith.constant 3 : i32
        %eq3A_658 = arith.constant 0 : i32
        %eq3A_659 = arith.cmpi eq, %jit3A_657, %eq3A_658 : i32
        %jit3A_660 = arith.constant 1 : i32
        %select_n3A_661 = arith.select %eq3A_659, %jit3A_660, %jit3A_657 : i32
        %rem3A_662 = arith.remsi %while3A_336, %select_n3A_661 : i32
        %ne3A_663 = arith.constant 0 : i32
        %ne3A_664 = arith.cmpi ne, %rem3A_662, %ne3A_663 : i32
        %lt3A_665 = arith.constant 0 : i32
        %lt3A_666 = arith.cmpi slt, %rem3A_662, %lt3A_665 : i32
        %lt3A_667 = arith.constant 0 : i32
        %lt3A_668 = arith.cmpi slt, %select_n3A_661, %lt3A_667 : i32
        %ne3A_669 = arith.xori %lt3A_666, %lt3A_668 : i1
        %and3A_670 = arith.andi %ne3A_669, %ne3A_664 : i1
        %add3A_671 = arith.addi %rem3A_662, %select_n3A_661 : i32
        %select_n3A_672 = arith.select %and3A_670, %add3A_671, %rem3A_662 : i32
        %mul3A_673 = arith.constant 3 : i32
        %mul3A_674 = arith.muli %select_n3A_672, %mul3A_673 : i32
        %add3A_675 = arith.constant 0 : i32
        %add3A_676 = arith.addi %mul3A_674, %add3A_675 : i32
        %jit3A_677 = arith.constant 2 : i32
        %eq3A_678 = arith.constant 0 : i32
        %eq3A_679 = arith.cmpi eq, %jit3A_677, %eq3A_678 : i32
        %jit3A_680 = arith.constant 1 : i32
        %select_n3A_681 = arith.select %eq3A_679, %jit3A_680, %jit3A_677 : i32
        %rem3A_682 = arith.remsi %while3A_336, %select_n3A_681 : i32
        %ne3A_683 = arith.constant 0 : i32
        %ne3A_684 = arith.cmpi ne, %rem3A_682, %ne3A_683 : i32
        %lt3A_685 = arith.constant 0 : i32
        %lt3A_686 = arith.cmpi slt, %rem3A_682, %lt3A_685 : i32
        %lt3A_687 = arith.constant 0 : i32
        %lt3A_688 = arith.cmpi slt, %select_n3A_681, %lt3A_687 : i32
        %ne3A_689 = arith.xori %lt3A_686, %lt3A_688 : i1
        %and3A_690 = arith.andi %ne3A_689, %ne3A_684 : i1
        %add3A_691 = arith.addi %rem3A_682, %select_n3A_681 : i32
        %select_n3A_692 = arith.select %and3A_690, %add3A_691, %rem3A_682 : i32
        %mul3A_693 = arith.constant 9 : i32
        %mul3A_694 = arith.muli %select_n3A_692, %mul3A_693 : i32
        %add3A_695 = arith.constant 0 : i32
        %add3A_696 = arith.addi %mul3A_694, %add3A_695 : i32
        %add3A_697 = arith.constant 2 : i32
        %add3A_698 = arith.addi %add3A_696, %add3A_697 : i32
        %jit3A_699 = arith.constant 3 : i32
        %eq3A_700 = arith.constant 0 : i32
        %eq3A_701 = arith.cmpi eq, %jit3A_699, %eq3A_700 : i32
        %jit3A_702 = arith.constant 1 : i32
        %select_n3A_703 = arith.select %eq3A_701, %jit3A_702, %jit3A_699 : i32
        %rem3A_704 = arith.remsi %while3A_336, %select_n3A_703 : i32
        %ne3A_705 = arith.constant 0 : i32
        %ne3A_706 = arith.cmpi ne, %rem3A_704, %ne3A_705 : i32
        %lt3A_707 = arith.constant 0 : i32
        %lt3A_708 = arith.cmpi slt, %rem3A_704, %lt3A_707 : i32
        %lt3A_709 = arith.constant 0 : i32
        %lt3A_710 = arith.cmpi slt, %select_n3A_703, %lt3A_709 : i32
        %ne3A_711 = arith.xori %lt3A_708, %lt3A_710 : i1
        %and3A_712 = arith.andi %ne3A_711, %ne3A_706 : i1
        %add3A_713 = arith.addi %rem3A_704, %select_n3A_703 : i32
        %select_n3A_714 = arith.select %and3A_712, %add3A_713, %rem3A_704 : i32
        %mul3A_715 = arith.constant 3 : i32
        %mul3A_716 = arith.muli %select_n3A_714, %mul3A_715 : i32
        %add3A_717 = arith.constant 1 : i32
        %add3A_718 = arith.addi %mul3A_716, %add3A_717 : i32
        %jit3A_719 = arith.constant 2 : i32
        %eq3A_720 = arith.constant 0 : i32
        %eq3A_721 = arith.cmpi eq, %jit3A_719, %eq3A_720 : i32
        %jit3A_722 = arith.constant 1 : i32
        %select_n3A_723 = arith.select %eq3A_721, %jit3A_722, %jit3A_719 : i32
        %rem3A_724 = arith.remsi %while3A_336, %select_n3A_723 : i32
        %ne3A_725 = arith.constant 0 : i32
        %ne3A_726 = arith.cmpi ne, %rem3A_724, %ne3A_725 : i32
        %lt3A_727 = arith.constant 0 : i32
        %lt3A_728 = arith.cmpi slt, %rem3A_724, %lt3A_727 : i32
        %lt3A_729 = arith.constant 0 : i32
        %lt3A_730 = arith.cmpi slt, %select_n3A_723, %lt3A_729 : i32
        %ne3A_731 = arith.xori %lt3A_728, %lt3A_730 : i1
        %and3A_732 = arith.andi %ne3A_731, %ne3A_726 : i1
        %add3A_733 = arith.addi %rem3A_724, %select_n3A_723 : i32
        %select_n3A_734 = arith.select %and3A_732, %add3A_733, %rem3A_724 : i32
        %mul3A_735 = arith.constant 9 : i32
        %mul3A_736 = arith.muli %select_n3A_734, %mul3A_735 : i32
        %add3A_737 = arith.constant 3 : i32
        %add3A_738 = arith.addi %mul3A_736, %add3A_737 : i32
        %add3A_739 = arith.constant 0 : i32
        %add3A_740 = arith.addi %add3A_738, %add3A_739 : i32
        %jit3A_741 = arith.constant 3 : i32
        %eq3A_742 = arith.constant 0 : i32
        %eq3A_743 = arith.cmpi eq, %jit3A_741, %eq3A_742 : i32
        %jit3A_744 = arith.constant 1 : i32
        %select_n3A_745 = arith.select %eq3A_743, %jit3A_744, %jit3A_741 : i32
        %rem3A_746 = arith.remsi %while3A_336, %select_n3A_745 : i32
        %ne3A_747 = arith.constant 0 : i32
        %ne3A_748 = arith.cmpi ne, %rem3A_746, %ne3A_747 : i32
        %lt3A_749 = arith.constant 0 : i32
        %lt3A_750 = arith.cmpi slt, %rem3A_746, %lt3A_749 : i32
        %lt3A_751 = arith.constant 0 : i32
        %lt3A_752 = arith.cmpi slt, %select_n3A_745, %lt3A_751 : i32
        %ne3A_753 = arith.xori %lt3A_750, %lt3A_752 : i1
        %and3A_754 = arith.andi %ne3A_753, %ne3A_748 : i1
        %add3A_755 = arith.addi %rem3A_746, %select_n3A_745 : i32
        %select_n3A_756 = arith.select %and3A_754, %add3A_755, %rem3A_746 : i32
        %mul3A_757 = arith.constant 3 : i32
        %mul3A_758 = arith.muli %select_n3A_756, %mul3A_757 : i32
        %add3A_759 = arith.constant 1 : i32
        %add3A_760 = arith.addi %mul3A_758, %add3A_759 : i32
        %jit3A_761 = arith.constant 2 : i32
        %eq3A_762 = arith.constant 0 : i32
        %eq3A_763 = arith.cmpi eq, %jit3A_761, %eq3A_762 : i32
        %jit3A_764 = arith.constant 1 : i32
        %select_n3A_765 = arith.select %eq3A_763, %jit3A_764, %jit3A_761 : i32
        %rem3A_766 = arith.remsi %while3A_336, %select_n3A_765 : i32
        %ne3A_767 = arith.constant 0 : i32
        %ne3A_768 = arith.cmpi ne, %rem3A_766, %ne3A_767 : i32
        %lt3A_769 = arith.constant 0 : i32
        %lt3A_770 = arith.cmpi slt, %rem3A_766, %lt3A_769 : i32
        %lt3A_771 = arith.constant 0 : i32
        %lt3A_772 = arith.cmpi slt, %select_n3A_765, %lt3A_771 : i32
        %ne3A_773 = arith.xori %lt3A_770, %lt3A_772 : i1
        %and3A_774 = arith.andi %ne3A_773, %ne3A_768 : i1
        %add3A_775 = arith.addi %rem3A_766, %select_n3A_765 : i32
        %select_n3A_776 = arith.select %and3A_774, %add3A_775, %rem3A_766 : i32
        %mul3A_777 = arith.constant 9 : i32
        %mul3A_778 = arith.muli %select_n3A_776, %mul3A_777 : i32
        %add3A_779 = arith.constant 3 : i32
        %add3A_780 = arith.addi %mul3A_778, %add3A_779 : i32
        %add3A_781 = arith.constant 1 : i32
        %add3A_782 = arith.addi %add3A_780, %add3A_781 : i32
        %jit3A_783 = arith.constant 3 : i32
        %eq3A_784 = arith.constant 0 : i32
        %eq3A_785 = arith.cmpi eq, %jit3A_783, %eq3A_784 : i32
        %jit3A_786 = arith.constant 1 : i32
        %select_n3A_787 = arith.select %eq3A_785, %jit3A_786, %jit3A_783 : i32
        %rem3A_788 = arith.remsi %while3A_336, %select_n3A_787 : i32
        %ne3A_789 = arith.constant 0 : i32
        %ne3A_790 = arith.cmpi ne, %rem3A_788, %ne3A_789 : i32
        %lt3A_791 = arith.constant 0 : i32
        %lt3A_792 = arith.cmpi slt, %rem3A_788, %lt3A_791 : i32
        %lt3A_793 = arith.constant 0 : i32
        %lt3A_794 = arith.cmpi slt, %select_n3A_787, %lt3A_793 : i32
        %ne3A_795 = arith.xori %lt3A_792, %lt3A_794 : i1
        %and3A_796 = arith.andi %ne3A_795, %ne3A_790 : i1
        %add3A_797 = arith.addi %rem3A_788, %select_n3A_787 : i32
        %select_n3A_798 = arith.select %and3A_796, %add3A_797, %rem3A_788 : i32
        %mul3A_799 = arith.constant 3 : i32
        %mul3A_800 = arith.muli %select_n3A_798, %mul3A_799 : i32
        %add3A_801 = arith.constant 1 : i32
        %add3A_802 = arith.addi %mul3A_800, %add3A_801 : i32
        %jit3A_803 = arith.constant 2 : i32
        %eq3A_804 = arith.constant 0 : i32
        %eq3A_805 = arith.cmpi eq, %jit3A_803, %eq3A_804 : i32
        %jit3A_806 = arith.constant 1 : i32
        %select_n3A_807 = arith.select %eq3A_805, %jit3A_806, %jit3A_803 : i32
        %rem3A_808 = arith.remsi %while3A_336, %select_n3A_807 : i32
        %ne3A_809 = arith.constant 0 : i32
        %ne3A_810 = arith.cmpi ne, %rem3A_808, %ne3A_809 : i32
        %lt3A_811 = arith.constant 0 : i32
        %lt3A_812 = arith.cmpi slt, %rem3A_808, %lt3A_811 : i32
        %lt3A_813 = arith.constant 0 : i32
        %lt3A_814 = arith.cmpi slt, %select_n3A_807, %lt3A_813 : i32
        %ne3A_815 = arith.xori %lt3A_812, %lt3A_814 : i1
        %and3A_816 = arith.andi %ne3A_815, %ne3A_810 : i1
        %add3A_817 = arith.addi %rem3A_808, %select_n3A_807 : i32
        %select_n3A_818 = arith.select %and3A_816, %add3A_817, %rem3A_808 : i32
        %mul3A_819 = arith.constant 9 : i32
        %mul3A_820 = arith.muli %select_n3A_818, %mul3A_819 : i32
        %add3A_821 = arith.constant 3 : i32
        %add3A_822 = arith.addi %mul3A_820, %add3A_821 : i32
        %add3A_823 = arith.constant 2 : i32
        %add3A_824 = arith.addi %add3A_822, %add3A_823 : i32
        %jit3A_825 = arith.constant 3 : i32
        %eq3A_826 = arith.constant 0 : i32
        %eq3A_827 = arith.cmpi eq, %jit3A_825, %eq3A_826 : i32
        %jit3A_828 = arith.constant 1 : i32
        %select_n3A_829 = arith.select %eq3A_827, %jit3A_828, %jit3A_825 : i32
        %rem3A_830 = arith.remsi %while3A_336, %select_n3A_829 : i32
        %ne3A_831 = arith.constant 0 : i32
        %ne3A_832 = arith.cmpi ne, %rem3A_830, %ne3A_831 : i32
        %lt3A_833 = arith.constant 0 : i32
        %lt3A_834 = arith.cmpi slt, %rem3A_830, %lt3A_833 : i32
        %lt3A_835 = arith.constant 0 : i32
        %lt3A_836 = arith.cmpi slt, %select_n3A_829, %lt3A_835 : i32
        %ne3A_837 = arith.xori %lt3A_834, %lt3A_836 : i1
        %and3A_838 = arith.andi %ne3A_837, %ne3A_832 : i1
        %add3A_839 = arith.addi %rem3A_830, %select_n3A_829 : i32
        %select_n3A_840 = arith.select %and3A_838, %add3A_839, %rem3A_830 : i32
        %mul3A_841 = arith.constant 3 : i32
        %mul3A_842 = arith.muli %select_n3A_840, %mul3A_841 : i32
        %add3A_843 = arith.constant 2 : i32
        %add3A_844 = arith.addi %mul3A_842, %add3A_843 : i32
        %jit3A_845 = arith.constant 2 : i32
        %eq3A_846 = arith.constant 0 : i32
        %eq3A_847 = arith.cmpi eq, %jit3A_845, %eq3A_846 : i32
        %jit3A_848 = arith.constant 1 : i32
        %select_n3A_849 = arith.select %eq3A_847, %jit3A_848, %jit3A_845 : i32
        %rem3A_850 = arith.remsi %while3A_336, %select_n3A_849 : i32
        %ne3A_851 = arith.constant 0 : i32
        %ne3A_852 = arith.cmpi ne, %rem3A_850, %ne3A_851 : i32
        %lt3A_853 = arith.constant 0 : i32
        %lt3A_854 = arith.cmpi slt, %rem3A_850, %lt3A_853 : i32
        %lt3A_855 = arith.constant 0 : i32
        %lt3A_856 = arith.cmpi slt, %select_n3A_849, %lt3A_855 : i32
        %ne3A_857 = arith.xori %lt3A_854, %lt3A_856 : i1
        %and3A_858 = arith.andi %ne3A_857, %ne3A_852 : i1
        %add3A_859 = arith.addi %rem3A_850, %select_n3A_849 : i32
        %select_n3A_860 = arith.select %and3A_858, %add3A_859, %rem3A_850 : i32
        %mul3A_861 = arith.constant 9 : i32
        %mul3A_862 = arith.muli %select_n3A_860, %mul3A_861 : i32
        %add3A_863 = arith.constant 6 : i32
        %add3A_864 = arith.addi %mul3A_862, %add3A_863 : i32
        %add3A_865 = arith.constant 0 : i32
        %add3A_866 = arith.addi %add3A_864, %add3A_865 : i32
        %jit3A_867 = arith.constant 3 : i32
        %eq3A_868 = arith.constant 0 : i32
        %eq3A_869 = arith.cmpi eq, %jit3A_867, %eq3A_868 : i32
        %jit3A_870 = arith.constant 1 : i32
        %select_n3A_871 = arith.select %eq3A_869, %jit3A_870, %jit3A_867 : i32
        %rem3A_872 = arith.remsi %while3A_336, %select_n3A_871 : i32
        %ne3A_873 = arith.constant 0 : i32
        %ne3A_874 = arith.cmpi ne, %rem3A_872, %ne3A_873 : i32
        %lt3A_875 = arith.constant 0 : i32
        %lt3A_876 = arith.cmpi slt, %rem3A_872, %lt3A_875 : i32
        %lt3A_877 = arith.constant 0 : i32
        %lt3A_878 = arith.cmpi slt, %select_n3A_871, %lt3A_877 : i32
        %ne3A_879 = arith.xori %lt3A_876, %lt3A_878 : i1
        %and3A_880 = arith.andi %ne3A_879, %ne3A_874 : i1
        %add3A_881 = arith.addi %rem3A_872, %select_n3A_871 : i32
        %select_n3A_882 = arith.select %and3A_880, %add3A_881, %rem3A_872 : i32
        %mul3A_883 = arith.constant 3 : i32
        %mul3A_884 = arith.muli %select_n3A_882, %mul3A_883 : i32
        %add3A_885 = arith.constant 2 : i32
        %add3A_886 = arith.addi %mul3A_884, %add3A_885 : i32
        %jit3A_887 = arith.constant 2 : i32
        %eq3A_888 = arith.constant 0 : i32
        %eq3A_889 = arith.cmpi eq, %jit3A_887, %eq3A_888 : i32
        %jit3A_890 = arith.constant 1 : i32
        %select_n3A_891 = arith.select %eq3A_889, %jit3A_890, %jit3A_887 : i32
        %rem3A_892 = arith.remsi %while3A_336, %select_n3A_891 : i32
        %ne3A_893 = arith.constant 0 : i32
        %ne3A_894 = arith.cmpi ne, %rem3A_892, %ne3A_893 : i32
        %lt3A_895 = arith.constant 0 : i32
        %lt3A_896 = arith.cmpi slt, %rem3A_892, %lt3A_895 : i32
        %lt3A_897 = arith.constant 0 : i32
        %lt3A_898 = arith.cmpi slt, %select_n3A_891, %lt3A_897 : i32
        %ne3A_899 = arith.xori %lt3A_896, %lt3A_898 : i1
        %and3A_900 = arith.andi %ne3A_899, %ne3A_894 : i1
        %add3A_901 = arith.addi %rem3A_892, %select_n3A_891 : i32
        %select_n3A_902 = arith.select %and3A_900, %add3A_901, %rem3A_892 : i32
        %mul3A_903 = arith.constant 9 : i32
        %mul3A_904 = arith.muli %select_n3A_902, %mul3A_903 : i32
        %add3A_905 = arith.constant 6 : i32
        %add3A_906 = arith.addi %mul3A_904, %add3A_905 : i32
        %add3A_907 = arith.constant 1 : i32
        %add3A_908 = arith.addi %add3A_906, %add3A_907 : i32
        %jit3A_909 = arith.constant 3 : i32
        %eq3A_910 = arith.constant 0 : i32
        %eq3A_911 = arith.cmpi eq, %jit3A_909, %eq3A_910 : i32
        %jit3A_912 = arith.constant 1 : i32
        %select_n3A_913 = arith.select %eq3A_911, %jit3A_912, %jit3A_909 : i32
        %rem3A_914 = arith.remsi %while3A_336, %select_n3A_913 : i32
        %ne3A_915 = arith.constant 0 : i32
        %ne3A_916 = arith.cmpi ne, %rem3A_914, %ne3A_915 : i32
        %lt3A_917 = arith.constant 0 : i32
        %lt3A_918 = arith.cmpi slt, %rem3A_914, %lt3A_917 : i32
        %lt3A_919 = arith.constant 0 : i32
        %lt3A_920 = arith.cmpi slt, %select_n3A_913, %lt3A_919 : i32
        %ne3A_921 = arith.xori %lt3A_918, %lt3A_920 : i1
        %and3A_922 = arith.andi %ne3A_921, %ne3A_916 : i1
        %add3A_923 = arith.addi %rem3A_914, %select_n3A_913 : i32
        %select_n3A_924 = arith.select %and3A_922, %add3A_923, %rem3A_914 : i32
        %mul3A_925 = arith.constant 3 : i32
        %mul3A_926 = arith.muli %select_n3A_924, %mul3A_925 : i32
        %add3A_927 = arith.constant 2 : i32
        %add3A_928 = arith.addi %mul3A_926, %add3A_927 : i32
        %jit3A_929 = arith.constant 2 : i32
        %eq3A_930 = arith.constant 0 : i32
        %eq3A_931 = arith.cmpi eq, %jit3A_929, %eq3A_930 : i32
        %jit3A_932 = arith.constant 1 : i32
        %select_n3A_933 = arith.select %eq3A_931, %jit3A_932, %jit3A_929 : i32
        %rem3A_934 = arith.remsi %while3A_336, %select_n3A_933 : i32
        %ne3A_935 = arith.constant 0 : i32
        %ne3A_936 = arith.cmpi ne, %rem3A_934, %ne3A_935 : i32
        %lt3A_937 = arith.constant 0 : i32
        %lt3A_938 = arith.cmpi slt, %rem3A_934, %lt3A_937 : i32
        %lt3A_939 = arith.constant 0 : i32
        %lt3A_940 = arith.cmpi slt, %select_n3A_933, %lt3A_939 : i32
        %ne3A_941 = arith.xori %lt3A_938, %lt3A_940 : i1
        %and3A_942 = arith.andi %ne3A_941, %ne3A_936 : i1
        %add3A_943 = arith.addi %rem3A_934, %select_n3A_933 : i32
        %select_n3A_944 = arith.select %and3A_942, %add3A_943, %rem3A_934 : i32
        %mul3A_945 = arith.constant 9 : i32
        %mul3A_946 = arith.muli %select_n3A_944, %mul3A_945 : i32
        %add3A_947 = arith.constant 6 : i32
        %add3A_948 = arith.addi %mul3A_946, %add3A_947 : i32
        %add3A_949 = arith.constant 2 : i32
        %add3A_950 = arith.addi %add3A_948, %add3A_949 : i32
        %dma_wait3A_951 = tpu.memref_slice %arg17[%add3A_614, %multiple_of3A_572] : memref<18x640xf32, #tpu.memory_space<vmem>> -> memref<1x128xf32, #tpu.memory_space<vmem>>
        %dma_wait3A_952 = tpu.memref_squeeze %dma_wait3A_951 : memref<1x128xf32, #tpu.memory_space<vmem>> -> memref<128xf32, #tpu.memory_space<vmem>>
        %dma_wait3A_953 = tpu.memref_slice %arg16[%add3A_592, %multiple_of3A_572] : memref<9x640xi32, #tpu.memory_space<vmem>> -> memref<1x128xi32, #tpu.memory_space<vmem>>
        %dma_wait3A_954 = tpu.memref_squeeze %dma_wait3A_953 : memref<1x128xi32, #tpu.memory_space<vmem>> -> memref<128xi32, #tpu.memory_space<vmem>>
        %dma_wait3A_955 = arith.constant 0 : i32
        %dma_wait3A_956 = tpu.memref_slice %arg6[%dma_wait3A_955] : memref<500000xf32, #tpu.memory_space<hbm>> -> memref<500000xf32, #tpu.memory_space<hbm>>
        tpu.wait_indirect_dma semaphore(%arg23 : memref<!tpu.dma_semaphore, #tpu.memory_space<semaphore_mem>>) src(%dma_wait3A_956 : memref<500000xf32, #tpu.memory_space<hbm>>) dst(%dma_wait3A_952 : memref<128xf32, #tpu.memory_space<vmem>>)
        %dma_wait3A_957 = tpu.memref_slice %arg17[%add3A_656, %multiple_of3A_572] : memref<18x640xf32, #tpu.memory_space<vmem>> -> memref<1x128xf32, #tpu.memory_space<vmem>>
        %dma_wait3A_958 = tpu.memref_squeeze %dma_wait3A_957 : memref<1x128xf32, #tpu.memory_space<vmem>> -> memref<128xf32, #tpu.memory_space<vmem>>
        %dma_wait3A_959 = tpu.memref_slice %arg16[%add3A_634, %multiple_of3A_572] : memref<9x640xi32, #tpu.memory_space<vmem>> -> memref<1x128xi32, #tpu.memory_space<vmem>>
        %dma_wait3A_960 = tpu.memref_squeeze %dma_wait3A_959 : memref<1x128xi32, #tpu.memory_space<vmem>> -> memref<128xi32, #tpu.memory_space<vmem>>
        %dma_wait3A_961 = arith.constant 0 : i32
        %dma_wait3A_962 = tpu.memref_slice %arg7[%dma_wait3A_961] : memref<500000xf32, #tpu.memory_space<hbm>> -> memref<500000xf32, #tpu.memory_space<hbm>>
        tpu.wait_indirect_dma semaphore(%arg23 : memref<!tpu.dma_semaphore, #tpu.memory_space<semaphore_mem>>) src(%dma_wait3A_962 : memref<500000xf32, #tpu.memory_space<hbm>>) dst(%dma_wait3A_958 : memref<128xf32, #tpu.memory_space<vmem>>)
        %dma_wait3A_963 = tpu.memref_slice %arg17[%add3A_698, %multiple_of3A_572] : memref<18x640xf32, #tpu.memory_space<vmem>> -> memref<1x128xf32, #tpu.memory_space<vmem>>
        %dma_wait3A_964 = tpu.memref_squeeze %dma_wait3A_963 : memref<1x128xf32, #tpu.memory_space<vmem>> -> memref<128xf32, #tpu.memory_space<vmem>>
        %dma_wait3A_965 = tpu.memref_slice %arg16[%add3A_676, %multiple_of3A_572] : memref<9x640xi32, #tpu.memory_space<vmem>> -> memref<1x128xi32, #tpu.memory_space<vmem>>
        %dma_wait3A_966 = tpu.memref_squeeze %dma_wait3A_965 : memref<1x128xi32, #tpu.memory_space<vmem>> -> memref<128xi32, #tpu.memory_space<vmem>>
        %dma_wait3A_967 = arith.constant 0 : i32
        %dma_wait3A_968 = tpu.memref_slice %arg8[%dma_wait3A_967] : memref<500000xf32, #tpu.memory_space<hbm>> -> memref<500000xf32, #tpu.memory_space<hbm>>
        tpu.wait_indirect_dma semaphore(%arg23 : memref<!tpu.dma_semaphore, #tpu.memory_space<semaphore_mem>>) src(%dma_wait3A_968 : memref<500000xf32, #tpu.memory_space<hbm>>) dst(%dma_wait3A_964 : memref<128xf32, #tpu.memory_space<vmem>>)
        %dma_wait3A_969 = tpu.memref_slice %arg17[%add3A_740, %multiple_of3A_572] : memref<18x640xf32, #tpu.memory_space<vmem>> -> memref<1x128xf32, #tpu.memory_space<vmem>>
        %dma_wait3A_970 = tpu.memref_squeeze %dma_wait3A_969 : memref<1x128xf32, #tpu.memory_space<vmem>> -> memref<128xf32, #tpu.memory_space<vmem>>
        %dma_wait3A_971 = tpu.memref_slice %arg16[%add3A_718, %multiple_of3A_572] : memref<9x640xi32, #tpu.memory_space<vmem>> -> memref<1x128xi32, #tpu.memory_space<vmem>>
        %dma_wait3A_972 = tpu.memref_squeeze %dma_wait3A_971 : memref<1x128xi32, #tpu.memory_space<vmem>> -> memref<128xi32, #tpu.memory_space<vmem>>
        %dma_wait3A_973 = arith.constant 0 : i32
        %dma_wait3A_974 = tpu.memref_slice %arg6[%dma_wait3A_973] : memref<500000xf32, #tpu.memory_space<hbm>> -> memref<500000xf32, #tpu.memory_space<hbm>>
        tpu.wait_indirect_dma semaphore(%arg23 : memref<!tpu.dma_semaphore, #tpu.memory_space<semaphore_mem>>) src(%dma_wait3A_974 : memref<500000xf32, #tpu.memory_space<hbm>>) dst(%dma_wait3A_970 : memref<128xf32, #tpu.memory_space<vmem>>)
        %dma_wait3A_975 = tpu.memref_slice %arg17[%add3A_782, %multiple_of3A_572] : memref<18x640xf32, #tpu.memory_space<vmem>> -> memref<1x128xf32, #tpu.memory_space<vmem>>
        %dma_wait3A_976 = tpu.memref_squeeze %dma_wait3A_975 : memref<1x128xf32, #tpu.memory_space<vmem>> -> memref<128xf32, #tpu.memory_space<vmem>>
        %dma_wait3A_977 = tpu.memref_slice %arg16[%add3A_760, %multiple_of3A_572] : memref<9x640xi32, #tpu.memory_space<vmem>> -> memref<1x128xi32, #tpu.memory_space<vmem>>
        %dma_wait3A_978 = tpu.memref_squeeze %dma_wait3A_977 : memref<1x128xi32, #tpu.memory_space<vmem>> -> memref<128xi32, #tpu.memory_space<vmem>>
        %dma_wait3A_979 = arith.constant 0 : i32
        %dma_wait3A_980 = tpu.memref_slice %arg7[%dma_wait3A_979] : memref<500000xf32, #tpu.memory_space<hbm>> -> memref<500000xf32, #tpu.memory_space<hbm>>
        tpu.wait_indirect_dma semaphore(%arg23 : memref<!tpu.dma_semaphore, #tpu.memory_space<semaphore_mem>>) src(%dma_wait3A_980 : memref<500000xf32, #tpu.memory_space<hbm>>) dst(%dma_wait3A_976 : memref<128xf32, #tpu.memory_space<vmem>>)
        %dma_wait3A_981 = tpu.memref_slice %arg17[%add3A_824, %multiple_of3A_572] : memref<18x640xf32, #tpu.memory_space<vmem>> -> memref<1x128xf32, #tpu.memory_space<vmem>>
        %dma_wait3A_982 = tpu.memref_squeeze %dma_wait3A_981 : memref<1x128xf32, #tpu.memory_space<vmem>> -> memref<128xf32, #tpu.memory_space<vmem>>
        %dma_wait3A_983 = tpu.memref_slice %arg16[%add3A_802, %multiple_of3A_572] : memref<9x640xi32, #tpu.memory_space<vmem>> -> memref<1x128xi32, #tpu.memory_space<vmem>>
        %dma_wait3A_984 = tpu.memref_squeeze %dma_wait3A_983 : memref<1x128xi32, #tpu.memory_space<vmem>> -> memref<128xi32, #tpu.memory_space<vmem>>
        %dma_wait3A_985 = arith.constant 0 : i32
        %dma_wait3A_986 = tpu.memref_slice %arg8[%dma_wait3A_985] : memref<500000xf32, #tpu.memory_space<hbm>> -> memref<500000xf32, #tpu.memory_space<hbm>>
        tpu.wait_indirect_dma semaphore(%arg23 : memref<!tpu.dma_semaphore, #tpu.memory_space<semaphore_mem>>) src(%dma_wait3A_986 : memref<500000xf32, #tpu.memory_space<hbm>>) dst(%dma_wait3A_982 : memref<128xf32, #tpu.memory_space<vmem>>)
        %dma_wait3A_987 = tpu.memref_slice %arg17[%add3A_866, %multiple_of3A_572] : memref<18x640xf32, #tpu.memory_space<vmem>> -> memref<1x128xf32, #tpu.memory_space<vmem>>
        %dma_wait3A_988 = tpu.memref_squeeze %dma_wait3A_987 : memref<1x128xf32, #tpu.memory_space<vmem>> -> memref<128xf32, #tpu.memory_space<vmem>>
        %dma_wait3A_989 = tpu.memref_slice %arg16[%add3A_844, %multiple_of3A_572] : memref<9x640xi32, #tpu.memory_space<vmem>> -> memref<1x128xi32, #tpu.memory_space<vmem>>
        %dma_wait3A_990 = tpu.memref_squeeze %dma_wait3A_989 : memref<1x128xi32, #tpu.memory_space<vmem>> -> memref<128xi32, #tpu.memory_space<vmem>>
        %dma_wait3A_991 = arith.constant 0 : i32
        %dma_wait3A_992 = tpu.memref_slice %arg6[%dma_wait3A_991] : memref<500000xf32, #tpu.memory_space<hbm>> -> memref<500000xf32, #tpu.memory_space<hbm>>
        tpu.wait_indirect_dma semaphore(%arg23 : memref<!tpu.dma_semaphore, #tpu.memory_space<semaphore_mem>>) src(%dma_wait3A_992 : memref<500000xf32, #tpu.memory_space<hbm>>) dst(%dma_wait3A_988 : memref<128xf32, #tpu.memory_space<vmem>>)
        %dma_wait3A_993 = tpu.memref_slice %arg17[%add3A_908, %multiple_of3A_572] : memref<18x640xf32, #tpu.memory_space<vmem>> -> memref<1x128xf32, #tpu.memory_space<vmem>>
        %dma_wait3A_994 = tpu.memref_squeeze %dma_wait3A_993 : memref<1x128xf32, #tpu.memory_space<vmem>> -> memref<128xf32, #tpu.memory_space<vmem>>
        %dma_wait3A_995 = tpu.memref_slice %arg16[%add3A_886, %multiple_of3A_572] : memref<9x640xi32, #tpu.memory_space<vmem>> -> memref<1x128xi32, #tpu.memory_space<vmem>>
        %dma_wait3A_996 = tpu.memref_squeeze %dma_wait3A_995 : memref<1x128xi32, #tpu.memory_space<vmem>> -> memref<128xi32, #tpu.memory_space<vmem>>
        %dma_wait3A_997 = arith.constant 0 : i32
        %dma_wait3A_998 = tpu.memref_slice %arg7[%dma_wait3A_997] : memref<500000xf32, #tpu.memory_space<hbm>> -> memref<500000xf32, #tpu.memory_space<hbm>>
        tpu.wait_indirect_dma semaphore(%arg23 : memref<!tpu.dma_semaphore, #tpu.memory_space<semaphore_mem>>) src(%dma_wait3A_998 : memref<500000xf32, #tpu.memory_space<hbm>>) dst(%dma_wait3A_994 : memref<128xf32, #tpu.memory_space<vmem>>)
        %dma_wait3A_999 = tpu.memref_slice %arg17[%add3A_950, %multiple_of3A_572] : memref<18x640xf32, #tpu.memory_space<vmem>> -> memref<1x128xf32, #tpu.memory_space<vmem>>
        %dma_wait3A_1000 = tpu.memref_squeeze %dma_wait3A_999 : memref<1x128xf32, #tpu.memory_space<vmem>> -> memref<128xf32, #tpu.memory_space<vmem>>
        %dma_wait3A_1001 = tpu.memref_slice %arg16[%add3A_928, %multiple_of3A_572] : memref<9x640xi32, #tpu.memory_space<vmem>> -> memref<1x128xi32, #tpu.memory_space<vmem>>
        %dma_wait3A_1002 = tpu.memref_squeeze %dma_wait3A_1001 : memref<1x128xi32, #tpu.memory_space<vmem>> -> memref<128xi32, #tpu.memory_space<vmem>>
        %dma_wait3A_1003 = arith.constant 0 : i32
        %dma_wait3A_1004 = tpu.memref_slice %arg8[%dma_wait3A_1003] : memref<500000xf32, #tpu.memory_space<hbm>> -> memref<500000xf32, #tpu.memory_space<hbm>>
        tpu.wait_indirect_dma semaphore(%arg23 : memref<!tpu.dma_semaphore, #tpu.memory_space<semaphore_mem>>) src(%dma_wait3A_1004 : memref<500000xf32, #tpu.memory_space<hbm>>) dst(%dma_wait3A_1000 : memref<128xf32, #tpu.memory_space<vmem>>)
      }
      %scan3A_374 = arith.constant 5 : i32
      %mul3A_375 = arith.constant 32 : i32
      %mul3A_376 = arith.muli %while3A_336, %mul3A_375 : i32
      %add3A_377 = arith.addi %add3A, %mul3A_376 : i32
      %mul3A_378 = arith.constant 640 : i32
      %mul3A_379 = arith.muli %add3A_377, %mul3A_378 : i32
      %multiple_of3A_380 = tpu.assume_multiple %mul3A_379, 640 : i32
      %jit3A_381 = arith.constant 2 : i32
      %eq3A_382 = arith.constant 0 : i32
      %eq3A_383 = arith.cmpi eq, %jit3A_381, %eq3A_382 : i32
      %jit3A_384 = arith.constant 1 : i32
      %select_n3A_385 = arith.select %eq3A_383, %jit3A_384, %jit3A_381 : i32
      %rem3A_386 = arith.remsi %while3A_336, %select_n3A_385 : i32
      %ne3A_387 = arith.constant 0 : i32
      %ne3A_388 = arith.cmpi ne, %rem3A_386, %ne3A_387 : i32
      %lt3A_389 = arith.constant 0 : i32
      %lt3A_390 = arith.cmpi slt, %rem3A_386, %lt3A_389 : i32
      %lt3A_391 = arith.constant 0 : i32
      %lt3A_392 = arith.cmpi slt, %select_n3A_385, %lt3A_391 : i32
      %ne3A_393 = arith.xori %lt3A_390, %lt3A_392 : i1
      %and3A_394 = arith.andi %ne3A_393, %ne3A_388 : i1
      %add3A_395 = arith.addi %rem3A_386, %select_n3A_385 : i32
      %select_n3A_396 = arith.select %and3A_394, %add3A_395, %rem3A_386 : i32
      %mul3A_397 = arith.constant 3 : i32
      %mul3A_398 = arith.muli %select_n3A_396, %mul3A_397 : i32
      %add3A_399 = arith.constant 0 : i32
      %add3A_400 = arith.addi %mul3A_398, %add3A_399 : i32
      %jit3A_401 = arith.constant 2 : i32
      %eq3A_402 = arith.constant 0 : i32
      %eq3A_403 = arith.cmpi eq, %jit3A_401, %eq3A_402 : i32
      %jit3A_404 = arith.constant 1 : i32
      %select_n3A_405 = arith.select %eq3A_403, %jit3A_404, %jit3A_401 : i32
      %rem3A_406 = arith.remsi %while3A_336, %select_n3A_405 : i32
      %ne3A_407 = arith.constant 0 : i32
      %ne3A_408 = arith.cmpi ne, %rem3A_406, %ne3A_407 : i32
      %lt3A_409 = arith.constant 0 : i32
      %lt3A_410 = arith.cmpi slt, %rem3A_406, %lt3A_409 : i32
      %lt3A_411 = arith.constant 0 : i32
      %lt3A_412 = arith.cmpi slt, %select_n3A_405, %lt3A_411 : i32
      %ne3A_413 = arith.xori %lt3A_410, %lt3A_412 : i1
      %and3A_414 = arith.andi %ne3A_413, %ne3A_408 : i1
      %add3A_415 = arith.addi %rem3A_406, %select_n3A_405 : i32
      %select_n3A_416 = arith.select %and3A_414, %add3A_415, %rem3A_406 : i32
      %mul3A_417 = arith.constant 3 : i32
      %mul3A_418 = arith.muli %select_n3A_416, %mul3A_417 : i32
      %add3A_419 = arith.constant 1 : i32
      %add3A_420 = arith.addi %mul3A_418, %add3A_419 : i32
      %jit3A_421 = arith.constant 2 : i32
      %eq3A_422 = arith.constant 0 : i32
      %eq3A_423 = arith.cmpi eq, %jit3A_421, %eq3A_422 : i32
      %jit3A_424 = arith.constant 1 : i32
      %select_n3A_425 = arith.select %eq3A_423, %jit3A_424, %jit3A_421 : i32
      %rem3A_426 = arith.remsi %while3A_336, %select_n3A_425 : i32
      %ne3A_427 = arith.constant 0 : i32
      %ne3A_428 = arith.cmpi ne, %rem3A_426, %ne3A_427 : i32
      %lt3A_429 = arith.constant 0 : i32
      %lt3A_430 = arith.cmpi slt, %rem3A_426, %lt3A_429 : i32
      %lt3A_431 = arith.constant 0 : i32
      %lt3A_432 = arith.cmpi slt, %select_n3A_425, %lt3A_431 : i32
      %ne3A_433 = arith.xori %lt3A_430, %lt3A_432 : i1
      %and3A_434 = arith.andi %ne3A_433, %ne3A_428 : i1
      %add3A_435 = arith.addi %rem3A_426, %select_n3A_425 : i32
      %select_n3A_436 = arith.select %and3A_434, %add3A_435, %rem3A_426 : i32
      %mul3A_437 = arith.constant 3 : i32
      %mul3A_438 = arith.muli %select_n3A_436, %mul3A_437 : i32
      %add3A_439 = arith.constant 2 : i32
      %add3A_440 = arith.addi %mul3A_438, %add3A_439 : i32
      %dma_wait3A_441 = arith.constant 0 : i32
      %dma_wait3A_442 = tpu.memref_slice %arg18[%add3A_400, %dma_wait3A_441] : memref<6x640xf32, #tpu.memory_space<vmem>> -> memref<1x640xf32, #tpu.memory_space<vmem>>
      %dma_wait3A_443 = tpu.memref_squeeze %dma_wait3A_442 : memref<1x640xf32, #tpu.memory_space<vmem>> -> memref<640xf32, #tpu.memory_space<vmem>>
      %dma_wait3A_444 = tpu.memref_slice %arg9[%multiple_of3A_380] : memref<2000000xf32, #tpu.memory_space<hbm>> -> memref<640xf32, #tpu.memory_space<hbm>>
      %dma_wait3A_445 = arith.constant 0 : i32
      %dma_wait3A_446 = tpu.memref_slice %arg18[%add3A_400, %dma_wait3A_445] : memref<6x640xf32, #tpu.memory_space<vmem>> -> memref<1x640xf32, #tpu.memory_space<vmem>>
      %dma_wait3A_447 = tpu.memref_squeeze %dma_wait3A_446 : memref<1x640xf32, #tpu.memory_space<vmem>> -> memref<640xf32, #tpu.memory_space<vmem>>
      %dma_wait3A_448 = tpu.memref_slice %arg9[%multiple_of3A_380] : memref<2000000xf32, #tpu.memory_space<hbm>> -> memref<640xf32, #tpu.memory_space<hbm>>
      tpu.wait_dma2 semaphore(%arg21 : memref<!tpu.dma_semaphore, #tpu.memory_space<semaphore_mem>>) src(%dma_wait3A_448 : memref<640xf32, #tpu.memory_space<hbm>>) dst(%dma_wait3A_447 : memref<640xf32, #tpu.memory_space<vmem>>)
      %dma_wait3A_449 = arith.constant 0 : i32
      %dma_wait3A_450 = tpu.memref_slice %arg18[%add3A_420, %dma_wait3A_449] : memref<6x640xf32, #tpu.memory_space<vmem>> -> memref<1x640xf32, #tpu.memory_space<vmem>>
      %dma_wait3A_451 = tpu.memref_squeeze %dma_wait3A_450 : memref<1x640xf32, #tpu.memory_space<vmem>> -> memref<640xf32, #tpu.memory_space<vmem>>
      %dma_wait3A_452 = tpu.memref_slice %arg10[%multiple_of3A_380] : memref<2000000xf32, #tpu.memory_space<hbm>> -> memref<640xf32, #tpu.memory_space<hbm>>
      %dma_wait3A_453 = arith.constant 0 : i32
      %dma_wait3A_454 = tpu.memref_slice %arg18[%add3A_420, %dma_wait3A_453] : memref<6x640xf32, #tpu.memory_space<vmem>> -> memref<1x640xf32, #tpu.memory_space<vmem>>
      %dma_wait3A_455 = tpu.memref_squeeze %dma_wait3A_454 : memref<1x640xf32, #tpu.memory_space<vmem>> -> memref<640xf32, #tpu.memory_space<vmem>>
      %dma_wait3A_456 = tpu.memref_slice %arg10[%multiple_of3A_380] : memref<2000000xf32, #tpu.memory_space<hbm>> -> memref<640xf32, #tpu.memory_space<hbm>>
      tpu.wait_dma2 semaphore(%arg21 : memref<!tpu.dma_semaphore, #tpu.memory_space<semaphore_mem>>) src(%dma_wait3A_456 : memref<640xf32, #tpu.memory_space<hbm>>) dst(%dma_wait3A_455 : memref<640xf32, #tpu.memory_space<vmem>>)
      %dma_wait3A_457 = arith.constant 0 : i32
      %dma_wait3A_458 = tpu.memref_slice %arg18[%add3A_440, %dma_wait3A_457] : memref<6x640xf32, #tpu.memory_space<vmem>> -> memref<1x640xf32, #tpu.memory_space<vmem>>
      %dma_wait3A_459 = tpu.memref_squeeze %dma_wait3A_458 : memref<1x640xf32, #tpu.memory_space<vmem>> -> memref<640xf32, #tpu.memory_space<vmem>>
      %dma_wait3A_460 = tpu.memref_slice %arg11[%multiple_of3A_380] : memref<2000000xf32, #tpu.memory_space<hbm>> -> memref<640xf32, #tpu.memory_space<hbm>>
      %dma_wait3A_461 = arith.constant 0 : i32
      %dma_wait3A_462 = tpu.memref_slice %arg18[%add3A_440, %dma_wait3A_461] : memref<6x640xf32, #tpu.memory_space<vmem>> -> memref<1x640xf32, #tpu.memory_space<vmem>>
      %dma_wait3A_463 = tpu.memref_squeeze %dma_wait3A_462 : memref<1x640xf32, #tpu.memory_space<vmem>> -> memref<640xf32, #tpu.memory_space<vmem>>
      %dma_wait3A_464 = tpu.memref_slice %arg11[%multiple_of3A_380] : memref<2000000xf32, #tpu.memory_space<hbm>> -> memref<640xf32, #tpu.memory_space<hbm>>
      tpu.wait_dma2 semaphore(%arg21 : memref<!tpu.dma_semaphore, #tpu.memory_space<semaphore_mem>>) src(%dma_wait3A_464 : memref<640xf32, #tpu.memory_space<hbm>>) dst(%dma_wait3A_463 : memref<640xf32, #tpu.memory_space<vmem>>)
      %ge3A = arith.constant 2 : i32
      %ge3A_465 = arith.cmpi sge, %while3A_336, %ge3A : i32
      %convert_element_type3A_466 = arith.extui %ge3A_465 : i1 to i32
      %cond3A_467 = arith.constant 0 : i32
      %cond3A_468 = arith.cmpi ne, %convert_element_type3A_466, %cond3A_467 : i32
      scf.if %cond3A_468 {
        %sub3A_569 = arith.constant 2 : i32
        %sub3A_570 = arith.subi %while3A_336, %sub3A_569 : i32
        %mul3A_571 = arith.constant 32 : i32
        %mul3A_572 = arith.muli %sub3A_570, %mul3A_571 : i32
        %add3A_573 = arith.addi %add3A, %mul3A_572 : i32
        %mul3A_574 = arith.constant 640 : i32
        %mul3A_575 = arith.muli %add3A_573, %mul3A_574 : i32
        %multiple_of3A_576 = tpu.assume_multiple %mul3A_575, 640 : i32
        %jit3A_577 = arith.constant 2 : i32
        %eq3A_578 = arith.constant 0 : i32
        %eq3A_579 = arith.cmpi eq, %jit3A_577, %eq3A_578 : i32
        %jit3A_580 = arith.constant 1 : i32
        %select_n3A_581 = arith.select %eq3A_579, %jit3A_580, %jit3A_577 : i32
        %rem3A_582 = arith.remsi %sub3A_570, %select_n3A_581 : i32
        %ne3A_583 = arith.constant 0 : i32
        %ne3A_584 = arith.cmpi ne, %rem3A_582, %ne3A_583 : i32
        %lt3A_585 = arith.constant 0 : i32
        %lt3A_586 = arith.cmpi slt, %rem3A_582, %lt3A_585 : i32
        %lt3A_587 = arith.constant 0 : i32
        %lt3A_588 = arith.cmpi slt, %select_n3A_581, %lt3A_587 : i32
        %ne3A_589 = arith.xori %lt3A_586, %lt3A_588 : i1
        %and3A_590 = arith.andi %ne3A_589, %ne3A_584 : i1
        %add3A_591 = arith.addi %rem3A_582, %select_n3A_581 : i32
        %select_n3A_592 = arith.select %and3A_590, %add3A_591, %rem3A_582 : i32
        %mul3A_593 = arith.constant 3 : i32
        %mul3A_594 = arith.muli %select_n3A_592, %mul3A_593 : i32
        %add3A_595 = arith.constant 0 : i32
        %add3A_596 = arith.addi %mul3A_594, %add3A_595 : i32
        %jit3A_597 = arith.constant 2 : i32
        %eq3A_598 = arith.constant 0 : i32
        %eq3A_599 = arith.cmpi eq, %jit3A_597, %eq3A_598 : i32
        %jit3A_600 = arith.constant 1 : i32
        %select_n3A_601 = arith.select %eq3A_599, %jit3A_600, %jit3A_597 : i32
        %rem3A_602 = arith.remsi %sub3A_570, %select_n3A_601 : i32
        %ne3A_603 = arith.constant 0 : i32
        %ne3A_604 = arith.cmpi ne, %rem3A_602, %ne3A_603 : i32
        %lt3A_605 = arith.constant 0 : i32
        %lt3A_606 = arith.cmpi slt, %rem3A_602, %lt3A_605 : i32
        %lt3A_607 = arith.constant 0 : i32
        %lt3A_608 = arith.cmpi slt, %select_n3A_601, %lt3A_607 : i32
        %ne3A_609 = arith.xori %lt3A_606, %lt3A_608 : i1
        %and3A_610 = arith.andi %ne3A_609, %ne3A_604 : i1
        %add3A_611 = arith.addi %rem3A_602, %select_n3A_601 : i32
        %select_n3A_612 = arith.select %and3A_610, %add3A_611, %rem3A_602 : i32
        %mul3A_613 = arith.constant 3 : i32
        %mul3A_614 = arith.muli %select_n3A_612, %mul3A_613 : i32
        %add3A_615 = arith.constant 1 : i32
        %add3A_616 = arith.addi %mul3A_614, %add3A_615 : i32
        %jit3A_617 = arith.constant 2 : i32
        %eq3A_618 = arith.constant 0 : i32
        %eq3A_619 = arith.cmpi eq, %jit3A_617, %eq3A_618 : i32
        %jit3A_620 = arith.constant 1 : i32
        %select_n3A_621 = arith.select %eq3A_619, %jit3A_620, %jit3A_617 : i32
        %rem3A_622 = arith.remsi %sub3A_570, %select_n3A_621 : i32
        %ne3A_623 = arith.constant 0 : i32
        %ne3A_624 = arith.cmpi ne, %rem3A_622, %ne3A_623 : i32
        %lt3A_625 = arith.constant 0 : i32
        %lt3A_626 = arith.cmpi slt, %rem3A_622, %lt3A_625 : i32
        %lt3A_627 = arith.constant 0 : i32
        %lt3A_628 = arith.cmpi slt, %select_n3A_621, %lt3A_627 : i32
        %ne3A_629 = arith.xori %lt3A_626, %lt3A_628 : i1
        %and3A_630 = arith.andi %ne3A_629, %ne3A_624 : i1
        %add3A_631 = arith.addi %rem3A_622, %select_n3A_621 : i32
        %select_n3A_632 = arith.select %and3A_630, %add3A_631, %rem3A_622 : i32
        %mul3A_633 = arith.constant 3 : i32
        %mul3A_634 = arith.muli %select_n3A_632, %mul3A_633 : i32
        %add3A_635 = arith.constant 2 : i32
        %add3A_636 = arith.addi %mul3A_634, %add3A_635 : i32
        %dma_wait3A_637 = arith.constant 0 : i32
        %dma_wait3A_638 = tpu.memref_slice %arg19[%add3A_596, %dma_wait3A_637] : memref<6x640xf32, #tpu.memory_space<vmem>> -> memref<1x640xf32, #tpu.memory_space<vmem>>
        %dma_wait3A_639 = tpu.memref_squeeze %dma_wait3A_638 : memref<1x640xf32, #tpu.memory_space<vmem>> -> memref<640xf32, #tpu.memory_space<vmem>>
        %dma_wait3A_640 = tpu.memref_slice %arg12[%multiple_of3A_576] : memref<2000000xf32, #tpu.memory_space<hbm>> -> memref<640xf32, #tpu.memory_space<hbm>>
        %dma_wait3A_641 = tpu.memref_slice %arg12[%multiple_of3A_576] : memref<2000000xf32, #tpu.memory_space<hbm>> -> memref<640xf32, #tpu.memory_space<hbm>>
        %dma_wait3A_642 = arith.constant 0 : i32
        %dma_wait3A_643 = tpu.memref_slice %arg19[%add3A_596, %dma_wait3A_642] : memref<6x640xf32, #tpu.memory_space<vmem>> -> memref<1x640xf32, #tpu.memory_space<vmem>>
        %dma_wait3A_644 = tpu.memref_squeeze %dma_wait3A_643 : memref<1x640xf32, #tpu.memory_space<vmem>> -> memref<640xf32, #tpu.memory_space<vmem>>
        tpu.wait_dma2 semaphore(%arg24 : memref<!tpu.dma_semaphore, #tpu.memory_space<semaphore_mem>>) src(%dma_wait3A_644 : memref<640xf32, #tpu.memory_space<vmem>>) dst(%dma_wait3A_641 : memref<640xf32, #tpu.memory_space<hbm>>)
        %dma_wait3A_645 = arith.constant 0 : i32
        %dma_wait3A_646 = tpu.memref_slice %arg19[%add3A_616, %dma_wait3A_645] : memref<6x640xf32, #tpu.memory_space<vmem>> -> memref<1x640xf32, #tpu.memory_space<vmem>>
        %dma_wait3A_647 = tpu.memref_squeeze %dma_wait3A_646 : memref<1x640xf32, #tpu.memory_space<vmem>> -> memref<640xf32, #tpu.memory_space<vmem>>
        %dma_wait3A_648 = tpu.memref_slice %arg13[%multiple_of3A_576] : memref<2000000xf32, #tpu.memory_space<hbm>> -> memref<640xf32, #tpu.memory_space<hbm>>
        %dma_wait3A_649 = tpu.memref_slice %arg13[%multiple_of3A_576] : memref<2000000xf32, #tpu.memory_space<hbm>> -> memref<640xf32, #tpu.memory_space<hbm>>
        %dma_wait3A_650 = arith.constant 0 : i32
        %dma_wait3A_651 = tpu.memref_slice %arg19[%add3A_616, %dma_wait3A_650] : memref<6x640xf32, #tpu.memory_space<vmem>> -> memref<1x640xf32, #tpu.memory_space<vmem>>
        %dma_wait3A_652 = tpu.memref_squeeze %dma_wait3A_651 : memref<1x640xf32, #tpu.memory_space<vmem>> -> memref<640xf32, #tpu.memory_space<vmem>>
        tpu.wait_dma2 semaphore(%arg24 : memref<!tpu.dma_semaphore, #tpu.memory_space<semaphore_mem>>) src(%dma_wait3A_652 : memref<640xf32, #tpu.memory_space<vmem>>) dst(%dma_wait3A_649 : memref<640xf32, #tpu.memory_space<hbm>>)
        %dma_wait3A_653 = arith.constant 0 : i32
        %dma_wait3A_654 = tpu.memref_slice %arg19[%add3A_636, %dma_wait3A_653] : memref<6x640xf32, #tpu.memory_space<vmem>> -> memref<1x640xf32, #tpu.memory_space<vmem>>
        %dma_wait3A_655 = tpu.memref_squeeze %dma_wait3A_654 : memref<1x640xf32, #tpu.memory_space<vmem>> -> memref<640xf32, #tpu.memory_space<vmem>>
        %dma_wait3A_656 = tpu.memref_slice %arg14[%multiple_of3A_576] : memref<2000000xf32, #tpu.memory_space<hbm>> -> memref<640xf32, #tpu.memory_space<hbm>>
        %dma_wait3A_657 = tpu.memref_slice %arg14[%multiple_of3A_576] : memref<2000000xf32, #tpu.memory_space<hbm>> -> memref<640xf32, #tpu.memory_space<hbm>>
        %dma_wait3A_658 = arith.constant 0 : i32
        %dma_wait3A_659 = tpu.memref_slice %arg19[%add3A_636, %dma_wait3A_658] : memref<6x640xf32, #tpu.memory_space<vmem>> -> memref<1x640xf32, #tpu.memory_space<vmem>>
        %dma_wait3A_660 = tpu.memref_squeeze %dma_wait3A_659 : memref<1x640xf32, #tpu.memory_space<vmem>> -> memref<640xf32, #tpu.memory_space<vmem>>
        tpu.wait_dma2 semaphore(%arg24 : memref<!tpu.dma_semaphore, #tpu.memory_space<semaphore_mem>>) src(%dma_wait3A_660 : memref<640xf32, #tpu.memory_space<vmem>>) dst(%dma_wait3A_657 : memref<640xf32, #tpu.memory_space<hbm>>)
      } else {
      }
      %eq3A_469 = arith.constant 0 : i32
      %eq3A_470 = arith.cmpi eq, %select_n3A_352, %eq3A_469 : i32
      %convert_element_type3A_471 = arith.extui %eq3A_470 : i1 to i32
      %cond3A_472 = arith.constant 0 : i32
      %cond3A_473 = arith.cmpi ne, %convert_element_type3A_471, %cond3A_472 : i32
      scf.if %cond3A_473 {
        %scan3A_569 = arith.constant 0 : i32
        %scan3A_570 = arith.constant 0 : i32
        %scan3A_571 = arith.constant 40 : i32
        %scan3A_572 = arith.addi %scan3A_570, %scan3A_571 : i32
        %scan3A_573 = arith.constant 1 : i32
        scf.for %scan3A_575 = %scan3A_570 to %scan3A_572 step %scan3A_573  : i32 {
          %mul3A_576 = arith.constant 16 : i32
          %mul3A_577 = arith.muli %scan3A_575, %mul3A_576 : i32
          %get3A = arith.constant 0 : i32
          %get3A_578 = arith.index_cast %get3A : i32 to index
          %get3A_579 = arith.index_cast %mul3A_577 : i32 to index
          %get3A_580 = tpu.vector_load %arg18[%get3A_578, %get3A_579] {strides = array<i32>} : memref<6x640xf32, #tpu.memory_space<vmem>>, vector<16xf32>,
          %get3A_581 = arith.constant 1 : i32
          %get3A_582 = arith.index_cast %get3A_581 : i32 to index
          %get3A_583 = arith.index_cast %mul3A_577 : i32 to index
          %get3A_584 = tpu.vector_load %arg18[%get3A_582, %get3A_583] {strides = array<i32>} : memref<6x640xf32, #tpu.memory_space<vmem>>, vector<16xf32>,
          %get3A_585 = arith.constant 2 : i32
          %get3A_586 = arith.index_cast %get3A_585 : i32 to index
          %get3A_587 = arith.index_cast %mul3A_577 : i32 to index
          %get3A_588 = tpu.vector_load %arg18[%get3A_586, %get3A_587] {strides = array<i32>} : memref<6x640xf32, #tpu.memory_space<vmem>>, vector<16xf32>,
          %get3A_589 = arith.constant 0 : i32
          %get3A_590 = arith.index_cast %get3A_589 : i32 to index
          %get3A_591 = arith.index_cast %mul3A_577 : i32 to index
          %get3A_592 = tpu.vector_load %arg17[%get3A_590, %get3A_591] {strides = array<i32>} : memref<18x640xf32, #tpu.memory_space<vmem>>, vector<16xf32>,
          %mul3A_593 = arith.mulf %get3A_580, %get3A_592 : vector<16xf32>
          %get3A_594 = arith.constant 3 : i32
          %get3A_595 = arith.index_cast %get3A_594 : i32 to index
          %get3A_596 = arith.index_cast %mul3A_577 : i32 to index
          %get3A_597 = tpu.vector_load %arg17[%get3A_595, %get3A_596] {strides = array<i32>} : memref<18x640xf32, #tpu.memory_space<vmem>>, vector<16xf32>,
          %mul3A_598 = arith.mulf %get3A_584, %get3A_597 : vector<16xf32>
          %add3A_599 = arith.addf %mul3A_593, %mul3A_598 : vector<16xf32>
          %get3A_600 = arith.constant 6 : i32
          %get3A_601 = arith.index_cast %get3A_600 : i32 to index
          %get3A_602 = arith.index_cast %mul3A_577 : i32 to index
          %get3A_603 = tpu.vector_load %arg17[%get3A_601, %get3A_602] {strides = array<i32>} : memref<18x640xf32, #tpu.memory_space<vmem>>, vector<16xf32>,
          %mul3A_604 = arith.mulf %get3A_588, %get3A_603 : vector<16xf32>
          %add3A_605 = arith.addf %add3A_599, %mul3A_604 : vector<16xf32>
          %swap3A = arith.constant 0 : i32
          %swap3A_606 = arith.index_cast %swap3A : i32 to index
          %swap3A_607 = arith.index_cast %mul3A_577 : i32 to index
          %swap3A_608 = tpu.vector_load %arg19[%swap3A_606, %swap3A_607] {strides = array<i32>} : memref<6x640xf32, #tpu.memory_space<vmem>>, vector<16xf32>,
          tpu.vector_store %arg19[%swap3A_606, %swap3A_607], %add3A_605 {strides = array<i32>} : memref<6x640xf32, #tpu.memory_space<vmem>>, vector<16xf32>,
          %get3A_609 = arith.constant 1 : i32
          %get3A_610 = arith.index_cast %get3A_609 : i32 to index
          %get3A_611 = arith.index_cast %mul3A_577 : i32 to index
          %get3A_612 = tpu.vector_load %arg17[%get3A_610, %get3A_611] {strides = array<i32>} : memref<18x640xf32, #tpu.memory_space<vmem>>, vector<16xf32>,
          %mul3A_613 = arith.mulf %get3A_580, %get3A_612 : vector<16xf32>
          %get3A_614 = arith.constant 4 : i32
          %get3A_615 = arith.index_cast %get3A_614 : i32 to index
          %get3A_616 = arith.index_cast %mul3A_577 : i32 to index
          %get3A_617 = tpu.vector_load %arg17[%get3A_615, %get3A_616] {strides = array<i32>} : memref<18x640xf32, #tpu.memory_space<vmem>>, vector<16xf32>,
          %mul3A_618 = arith.mulf %get3A_584, %get3A_617 : vector<16xf32>
          %add3A_619 = arith.addf %mul3A_613, %mul3A_618 : vector<16xf32>
          %get3A_620 = arith.constant 7 : i32
          %get3A_621 = arith.index_cast %get3A_620 : i32 to index
          %get3A_622 = arith.index_cast %mul3A_577 : i32 to index
          %get3A_623 = tpu.vector_load %arg17[%get3A_621, %get3A_622] {strides = array<i32>} : memref<18x640xf32, #tpu.memory_space<vmem>>, vector<16xf32>,
          %mul3A_624 = arith.mulf %get3A_588, %get3A_623 : vector<16xf32>
          %add3A_625 = arith.addf %add3A_619, %mul3A_624 : vector<16xf32>
          %swap3A_626 = arith.constant 1 : i32
          %swap3A_627 = arith.index_cast %swap3A_626 : i32 to index
          %swap3A_628 = arith.index_cast %mul3A_577 : i32 to index
          %swap3A_629 = tpu.vector_load %arg19[%swap3A_627, %swap3A_628] {strides = array<i32>} : memref<6x640xf32, #tpu.memory_space<vmem>>, vector<16xf32>,
          tpu.vector_store %arg19[%swap3A_627, %swap3A_628], %add3A_625 {strides = array<i32>} : memref<6x640xf32, #tpu.memory_space<vmem>>, vector<16xf32>,
          %get3A_630 = arith.constant 2 : i32
          %get3A_631 = arith.index_cast %get3A_630 : i32 to index
          %get3A_632 = arith.index_cast %mul3A_577 : i32 to index
          %get3A_633 = tpu.vector_load %arg17[%get3A_631, %get3A_632] {strides = array<i32>} : memref<18x640xf32, #tpu.memory_space<vmem>>, vector<16xf32>,
          %mul3A_634 = arith.mulf %get3A_580, %get3A_633 : vector<16xf32>
          %get3A_635 = arith.constant 5 : i32
          %get3A_636 = arith.index_cast %get3A_635 : i32 to index
          %get3A_637 = arith.index_cast %mul3A_577 : i32 to index
          %get3A_638 = tpu.vector_load %arg17[%get3A_636, %get3A_637] {strides = array<i32>} : memref<18x640xf32, #tpu.memory_space<vmem>>, vector<16xf32>,
          %mul3A_639 = arith.mulf %get3A_584, %get3A_638 : vector<16xf32>
          %add3A_640 = arith.addf %mul3A_634, %mul3A_639 : vector<16xf32>
          %get3A_641 = arith.constant 8 : i32
          %get3A_642 = arith.index_cast %get3A_641 : i32 to index
          %get3A_643 = arith.index_cast %mul3A_577 : i32 to index
          %get3A_644 = tpu.vector_load %arg17[%get3A_642, %get3A_643] {strides = array<i32>} : memref<18x640xf32, #tpu.memory_space<vmem>>, vector<16xf32>,
          %mul3A_645 = arith.mulf %get3A_588, %get3A_644 : vector<16xf32>
          %add3A_646 = arith.addf %add3A_640, %mul3A_645 : vector<16xf32>
          %swap3A_647 = arith.constant 2 : i32
          %swap3A_648 = arith.index_cast %swap3A_647 : i32 to index
          %swap3A_649 = arith.index_cast %mul3A_577 : i32 to index
          %swap3A_650 = tpu.vector_load %arg19[%swap3A_648, %swap3A_649] {strides = array<i32>} : memref<6x640xf32, #tpu.memory_space<vmem>>, vector<16xf32>,
          tpu.vector_store %arg19[%swap3A_648, %swap3A_649], %add3A_646 {strides = array<i32>} : memref<6x640xf32, #tpu.memory_space<vmem>>, vector<16xf32>,
        }
        %scan3A_574 = arith.constant 40 : i32
      } else {
      }
      %eq3A_474 = arith.constant 1 : i32
      %eq3A_475 = arith.cmpi eq, %select_n3A_352, %eq3A_474 : i32
      %convert_element_type3A_476 = arith.extui %eq3A_475 : i1 to i32
      %cond3A_477 = arith.constant 0 : i32
      %cond3A_478 = arith.cmpi ne, %convert_element_type3A_476, %cond3A_477 : i32
      scf.if %cond3A_478 {
        %scan3A_569 = arith.constant 0 : i32
        %scan3A_570 = arith.constant 0 : i32
        %scan3A_571 = arith.constant 40 : i32
        %scan3A_572 = arith.addi %scan3A_570, %scan3A_571 : i32
        %scan3A_573 = arith.constant 1 : i32
        scf.for %scan3A_575 = %scan3A_570 to %scan3A_572 step %scan3A_573  : i32 {
          %mul3A_576 = arith.constant 16 : i32
          %mul3A_577 = arith.muli %scan3A_575, %mul3A_576 : i32
          %get3A = arith.constant 3 : i32
          %get3A_578 = arith.index_cast %get3A : i32 to index
          %get3A_579 = arith.index_cast %mul3A_577 : i32 to index
          %get3A_580 = tpu.vector_load %arg18[%get3A_578, %get3A_579] {strides = array<i32>} : memref<6x640xf32, #tpu.memory_space<vmem>>, vector<16xf32>,
          %get3A_581 = arith.constant 4 : i32
          %get3A_582 = arith.index_cast %get3A_581 : i32 to index
          %get3A_583 = arith.index_cast %mul3A_577 : i32 to index
          %get3A_584 = tpu.vector_load %arg18[%get3A_582, %get3A_583] {strides = array<i32>} : memref<6x640xf32, #tpu.memory_space<vmem>>, vector<16xf32>,
          %get3A_585 = arith.constant 5 : i32
          %get3A_586 = arith.index_cast %get3A_585 : i32 to index
          %get3A_587 = arith.index_cast %mul3A_577 : i32 to index
          %get3A_588 = tpu.vector_load %arg18[%get3A_586, %get3A_587] {strides = array<i32>} : memref<6x640xf32, #tpu.memory_space<vmem>>, vector<16xf32>,
          %get3A_589 = arith.constant 9 : i32
          %get3A_590 = arith.index_cast %get3A_589 : i32 to index
          %get3A_591 = arith.index_cast %mul3A_577 : i32 to index
          %get3A_592 = tpu.vector_load %arg17[%get3A_590, %get3A_591] {strides = array<i32>} : memref<18x640xf32, #tpu.memory_space<vmem>>, vector<16xf32>,
          %mul3A_593 = arith.mulf %get3A_580, %get3A_592 : vector<16xf32>
          %get3A_594 = arith.constant 12 : i32
          %get3A_595 = arith.index_cast %get3A_594 : i32 to index
          %get3A_596 = arith.index_cast %mul3A_577 : i32 to index
          %get3A_597 = tpu.vector_load %arg17[%get3A_595, %get3A_596] {strides = array<i32>} : memref<18x640xf32, #tpu.memory_space<vmem>>, vector<16xf32>,
          %mul3A_598 = arith.mulf %get3A_584, %get3A_597 : vector<16xf32>
          %add3A_599 = arith.addf %mul3A_593, %mul3A_598 : vector<16xf32>
          %get3A_600 = arith.constant 15 : i32
          %get3A_601 = arith.index_cast %get3A_600 : i32 to index
          %get3A_602 = arith.index_cast %mul3A_577 : i32 to index
          %get3A_603 = tpu.vector_load %arg17[%get3A_601, %get3A_602] {strides = array<i32>} : memref<18x640xf32, #tpu.memory_space<vmem>>, vector<16xf32>,
          %mul3A_604 = arith.mulf %get3A_588, %get3A_603 : vector<16xf32>
          %add3A_605 = arith.addf %add3A_599, %mul3A_604 : vector<16xf32>
          %swap3A = arith.constant 3 : i32
          %swap3A_606 = arith.index_cast %swap3A : i32 to index
          %swap3A_607 = arith.index_cast %mul3A_577 : i32 to index
          %swap3A_608 = tpu.vector_load %arg19[%swap3A_606, %swap3A_607] {strides = array<i32>} : memref<6x640xf32, #tpu.memory_space<vmem>>, vector<16xf32>,
          tpu.vector_store %arg19[%swap3A_606, %swap3A_607], %add3A_605 {strides = array<i32>} : memref<6x640xf32, #tpu.memory_space<vmem>>, vector<16xf32>,
          %get3A_609 = arith.constant 10 : i32
          %get3A_610 = arith.index_cast %get3A_609 : i32 to index
          %get3A_611 = arith.index_cast %mul3A_577 : i32 to index
          %get3A_612 = tpu.vector_load %arg17[%get3A_610, %get3A_611] {strides = array<i32>} : memref<18x640xf32, #tpu.memory_space<vmem>>, vector<16xf32>,
          %mul3A_613 = arith.mulf %get3A_580, %get3A_612 : vector<16xf32>
          %get3A_614 = arith.constant 13 : i32
          %get3A_615 = arith.index_cast %get3A_614 : i32 to index
          %get3A_616 = arith.index_cast %mul3A_577 : i32 to index
          %get3A_617 = tpu.vector_load %arg17[%get3A_615, %get3A_616] {strides = array<i32>} : memref<18x640xf32, #tpu.memory_space<vmem>>, vector<16xf32>,
          %mul3A_618 = arith.mulf %get3A_584, %get3A_617 : vector<16xf32>
          %add3A_619 = arith.addf %mul3A_613, %mul3A_618 : vector<16xf32>
          %get3A_620 = arith.constant 16 : i32
          %get3A_621 = arith.index_cast %get3A_620 : i32 to index
          %get3A_622 = arith.index_cast %mul3A_577 : i32 to index
          %get3A_623 = tpu.vector_load %arg17[%get3A_621, %get3A_622] {strides = array<i32>} : memref<18x640xf32, #tpu.memory_space<vmem>>, vector<16xf32>,
          %mul3A_624 = arith.mulf %get3A_588, %get3A_623 : vector<16xf32>
          %add3A_625 = arith.addf %add3A_619, %mul3A_624 : vector<16xf32>
          %swap3A_626 = arith.constant 4 : i32
          %swap3A_627 = arith.index_cast %swap3A_626 : i32 to index
          %swap3A_628 = arith.index_cast %mul3A_577 : i32 to index
          %swap3A_629 = tpu.vector_load %arg19[%swap3A_627, %swap3A_628] {strides = array<i32>} : memref<6x640xf32, #tpu.memory_space<vmem>>, vector<16xf32>,
          tpu.vector_store %arg19[%swap3A_627, %swap3A_628], %add3A_625 {strides = array<i32>} : memref<6x640xf32, #tpu.memory_space<vmem>>, vector<16xf32>,
          %get3A_630 = arith.constant 11 : i32
          %get3A_631 = arith.index_cast %get3A_630 : i32 to index
          %get3A_632 = arith.index_cast %mul3A_577 : i32 to index
          %get3A_633 = tpu.vector_load %arg17[%get3A_631, %get3A_632] {strides = array<i32>} : memref<18x640xf32, #tpu.memory_space<vmem>>, vector<16xf32>,
          %mul3A_634 = arith.mulf %get3A_580, %get3A_633 : vector<16xf32>
          %get3A_635 = arith.constant 14 : i32
          %get3A_636 = arith.index_cast %get3A_635 : i32 to index
          %get3A_637 = arith.index_cast %mul3A_577 : i32 to index
          %get3A_638 = tpu.vector_load %arg17[%get3A_636, %get3A_637] {strides = array<i32>} : memref<18x640xf32, #tpu.memory_space<vmem>>, vector<16xf32>,
          %mul3A_639 = arith.mulf %get3A_584, %get3A_638 : vector<16xf32>
          %add3A_640 = arith.addf %mul3A_634, %mul3A_639 : vector<16xf32>
          %get3A_641 = arith.constant 17 : i32
          %get3A_642 = arith.index_cast %get3A_641 : i32 to index
          %get3A_643 = arith.index_cast %mul3A_577 : i32 to index
          %get3A_644 = tpu.vector_load %arg17[%get3A_642, %get3A_643] {strides = array<i32>} : memref<18x640xf32, #tpu.memory_space<vmem>>, vector<16xf32>,
          %mul3A_645 = arith.mulf %get3A_588, %get3A_644 : vector<16xf32>
          %add3A_646 = arith.addf %add3A_640, %mul3A_645 : vector<16xf32>
          %swap3A_647 = arith.constant 5 : i32
          %swap3A_648 = arith.index_cast %swap3A_647 : i32 to index
          %swap3A_649 = arith.index_cast %mul3A_577 : i32 to index
          %swap3A_650 = tpu.vector_load %arg19[%swap3A_648, %swap3A_649] {strides = array<i32>} : memref<6x640xf32, #tpu.memory_space<vmem>>, vector<16xf32>,
          tpu.vector_store %arg19[%swap3A_648, %swap3A_649], %add3A_646 {strides = array<i32>} : memref<6x640xf32, #tpu.memory_space<vmem>>, vector<16xf32>,
        }
        %scan3A_574 = arith.constant 40 : i32
      } else {
      }
      %mul3A_479 = arith.constant 32 : i32
      %mul3A_480 = arith.muli %while3A_336, %mul3A_479 : i32
      %add3A_481 = arith.addi %add3A, %mul3A_480 : i32
      %mul3A_482 = arith.constant 640 : i32
      %mul3A_483 = arith.muli %add3A_481, %mul3A_482 : i32
      %multiple_of3A_484 = tpu.assume_multiple %mul3A_483, 640 : i32
      %jit3A_485 = arith.constant 2 : i32
      %eq3A_486 = arith.constant 0 : i32
      %eq3A_487 = arith.cmpi eq, %jit3A_485, %eq3A_486 : i32
      %jit3A_488 = arith.constant 1 : i32
      %select_n3A_489 = arith.select %eq3A_487, %jit3A_488, %jit3A_485 : i32
      %rem3A_490 = arith.remsi %while3A_336, %select_n3A_489 : i32
      %ne3A_491 = arith.constant 0 : i32
      %ne3A_492 = arith.cmpi ne, %rem3A_490, %ne3A_491 : i32
      %lt3A_493 = arith.constant 0 : i32
      %lt3A_494 = arith.cmpi slt, %rem3A_490, %lt3A_493 : i32
      %lt3A_495 = arith.constant 0 : i32
      %lt3A_496 = arith.cmpi slt, %select_n3A_489, %lt3A_495 : i32
      %ne3A_497 = arith.xori %lt3A_494, %lt3A_496 : i1
      %and3A_498 = arith.andi %ne3A_497, %ne3A_492 : i1
      %add3A_499 = arith.addi %rem3A_490, %select_n3A_489 : i32
      %select_n3A_500 = arith.select %and3A_498, %add3A_499, %rem3A_490 : i32
      %mul3A_501 = arith.constant 3 : i32
      %mul3A_502 = arith.muli %select_n3A_500, %mul3A_501 : i32
      %add3A_503 = arith.constant 0 : i32
      %add3A_504 = arith.addi %mul3A_502, %add3A_503 : i32
      %jit3A_505 = arith.constant 2 : i32
      %eq3A_506 = arith.constant 0 : i32
      %eq3A_507 = arith.cmpi eq, %jit3A_505, %eq3A_506 : i32
      %jit3A_508 = arith.constant 1 : i32
      %select_n3A_509 = arith.select %eq3A_507, %jit3A_508, %jit3A_505 : i32
      %rem3A_510 = arith.remsi %while3A_336, %select_n3A_509 : i32
      %ne3A_511 = arith.constant 0 : i32
      %ne3A_512 = arith.cmpi ne, %rem3A_510, %ne3A_511 : i32
      %lt3A_513 = arith.constant 0 : i32
      %lt3A_514 = arith.cmpi slt, %rem3A_510, %lt3A_513 : i32
      %lt3A_515 = arith.constant 0 : i32
      %lt3A_516 = arith.cmpi slt, %select_n3A_509, %lt3A_515 : i32
      %ne3A_517 = arith.xori %lt3A_514, %lt3A_516 : i1
      %and3A_518 = arith.andi %ne3A_517, %ne3A_512 : i1
      %add3A_519 = arith.addi %rem3A_510, %select_n3A_509 : i32
      %select_n3A_520 = arith.select %and3A_518, %add3A_519, %rem3A_510 : i32
      %mul3A_521 = arith.constant 3 : i32
      %mul3A_522 = arith.muli %select_n3A_520, %mul3A_521 : i32
      %add3A_523 = arith.constant 1 : i32
      %add3A_524 = arith.addi %mul3A_522, %add3A_523 : i32
      %jit3A_525 = arith.constant 2 : i32
      %eq3A_526 = arith.constant 0 : i32
      %eq3A_527 = arith.cmpi eq, %jit3A_525, %eq3A_526 : i32
      %jit3A_528 = arith.constant 1 : i32
      %select_n3A_529 = arith.select %eq3A_527, %jit3A_528, %jit3A_525 : i32
      %rem3A_530 = arith.remsi %while3A_336, %select_n3A_529 : i32
      %ne3A_531 = arith.constant 0 : i32
      %ne3A_532 = arith.cmpi ne, %rem3A_530, %ne3A_531 : i32
      %lt3A_533 = arith.constant 0 : i32
      %lt3A_534 = arith.cmpi slt, %rem3A_530, %lt3A_533 : i32
      %lt3A_535 = arith.constant 0 : i32
      %lt3A_536 = arith.cmpi slt, %select_n3A_529, %lt3A_535 : i32
      %ne3A_537 = arith.xori %lt3A_534, %lt3A_536 : i1
      %and3A_538 = arith.andi %ne3A_537, %ne3A_532 : i1
      %add3A_539 = arith.addi %rem3A_530, %select_n3A_529 : i32
      %select_n3A_540 = arith.select %and3A_538, %add3A_539, %rem3A_530 : i32
      %mul3A_541 = arith.constant 3 : i32
      %mul3A_542 = arith.muli %select_n3A_540, %mul3A_541 : i32
      %add3A_543 = arith.constant 2 : i32
      %add3A_544 = arith.addi %mul3A_542, %add3A_543 : i32
      %dma_start3A_545 = arith.constant 0 : i32
      %dma_start3A_546 = tpu.memref_slice %arg19[%add3A_504, %dma_start3A_545] : memref<6x640xf32, #tpu.memory_space<vmem>> -> memref<1x640xf32, #tpu.memory_space<vmem>>
      %dma_start3A_547 = tpu.memref_squeeze %dma_start3A_546 : memref<1x640xf32, #tpu.memory_space<vmem>> -> memref<640xf32, #tpu.memory_space<vmem>>
      %dma_start3A_548 = tpu.memref_slice %arg12[%multiple_of3A_484] : memref<2000000xf32, #tpu.memory_space<hbm>> -> memref<640xf32, #tpu.memory_space<hbm>>
      %dma_start3A_549 = tpu.memref_slice %arg12[%multiple_of3A_484] : memref<2000000xf32, #tpu.memory_space<hbm>> -> memref<640xf32, #tpu.memory_space<hbm>>
      %dma_start3A_550 = arith.constant 0 : i32
      %dma_start3A_551 = tpu.memref_slice %arg19[%add3A_504, %dma_start3A_550] : memref<6x640xf32, #tpu.memory_space<vmem>> -> memref<1x640xf32, #tpu.memory_space<vmem>>
      %dma_start3A_552 = tpu.memref_squeeze %dma_start3A_551 : memref<1x640xf32, #tpu.memory_space<vmem>> -> memref<640xf32, #tpu.memory_space<vmem>>
      tpu.enqueue_dma source(%dma_start3A_552 : memref<640xf32, #tpu.memory_space<vmem>>) target(%dma_start3A_549 : memref<640xf32, #tpu.memory_space<hbm>>) target_semaphore(%arg24 : memref<!tpu.dma_semaphore, #tpu.memory_space<semaphore_mem>>)
      %dma_start3A_553 = arith.constant 0 : i32
      %dma_start3A_554 = tpu.memref_slice %arg19[%add3A_524, %dma_start3A_553] : memref<6x640xf32, #tpu.memory_space<vmem>> -> memref<1x640xf32, #tpu.memory_space<vmem>>
      %dma_start3A_555 = tpu.memref_squeeze %dma_start3A_554 : memref<1x640xf32, #tpu.memory_space<vmem>> -> memref<640xf32, #tpu.memory_space<vmem>>
      %dma_start3A_556 = tpu.memref_slice %arg13[%multiple_of3A_484] : memref<2000000xf32, #tpu.memory_space<hbm>> -> memref<640xf32, #tpu.memory_space<hbm>>
      %dma_start3A_557 = tpu.memref_slice %arg13[%multiple_of3A_484] : memref<2000000xf32, #tpu.memory_space<hbm>> -> memref<640xf32, #tpu.memory_space<hbm>>
      %dma_start3A_558 = arith.constant 0 : i32
      %dma_start3A_559 = tpu.memref_slice %arg19[%add3A_524, %dma_start3A_558] : memref<6x640xf32, #tpu.memory_space<vmem>> -> memref<1x640xf32, #tpu.memory_space<vmem>>
      %dma_start3A_560 = tpu.memref_squeeze %dma_start3A_559 : memref<1x640xf32, #tpu.memory_space<vmem>> -> memref<640xf32, #tpu.memory_space<vmem>>
      tpu.enqueue_dma source(%dma_start3A_560 : memref<640xf32, #tpu.memory_space<vmem>>) target(%dma_start3A_557 : memref<640xf32, #tpu.memory_space<hbm>>) target_semaphore(%arg24 : memref<!tpu.dma_semaphore, #tpu.memory_space<semaphore_mem>>)
      %dma_start3A_561 = arith.constant 0 : i32
      %dma_start3A_562 = tpu.memref_slice %arg19[%add3A_544, %dma_start3A_561] : memref<6x640xf32, #tpu.memory_space<vmem>> -> memref<1x640xf32, #tpu.memory_space<vmem>>
      %dma_start3A_563 = tpu.memref_squeeze %dma_start3A_562 : memref<1x640xf32, #tpu.memory_space<vmem>> -> memref<640xf32, #tpu.memory_space<vmem>>
      %dma_start3A_564 = tpu.memref_slice %arg14[%multiple_of3A_484] : memref<2000000xf32, #tpu.memory_space<hbm>> -> memref<640xf32, #tpu.memory_space<hbm>>
      %dma_start3A_565 = tpu.memref_slice %arg14[%multiple_of3A_484] : memref<2000000xf32, #tpu.memory_space<hbm>> -> memref<640xf32, #tpu.memory_space<hbm>>
      %dma_start3A_566 = arith.constant 0 : i32
      %dma_start3A_567 = tpu.memref_slice %arg19[%add3A_544, %dma_start3A_566] : memref<6x640xf32, #tpu.memory_space<vmem>> -> memref<1x640xf32, #tpu.memory_space<vmem>>
      %dma_start3A_568 = tpu.memref_squeeze %dma_start3A_567 : memref<1x640xf32, #tpu.memory_space<vmem>> -> memref<640xf32, #tpu.memory_space<vmem>>
      tpu.enqueue_dma source(%dma_start3A_568 : memref<640xf32, #tpu.memory_space<vmem>>) target(%dma_start3A_565 : memref<640xf32, #tpu.memory_space<hbm>>) target_semaphore(%arg24 : memref<!tpu.dma_semaphore, #tpu.memory_space<semaphore_mem>>)
    }
    %sub3A_154 = arith.constant 2 : i32
    %sub3A_155 = arith.subi %select_n3A, %sub3A_154 : i32
    %mul3A_156 = arith.constant 32 : i32
    %mul3A_157 = arith.muli %sub3A_155, %mul3A_156 : i32
    %add3A_158 = arith.addi %add3A, %mul3A_157 : i32
    %mul3A_159 = arith.constant 640 : i32
    %mul3A_160 = arith.muli %add3A_158, %mul3A_159 : i32
    %multiple_of3A_161 = tpu.assume_multiple %mul3A_160, 640 : i32
    %jit3A_162 = arith.constant 2 : i32
    %eq3A = arith.constant 0 : i32
    %eq3A_163 = arith.cmpi eq, %jit3A_162, %eq3A : i32
    %jit3A_164 = arith.constant 1 : i32
    %select_n3A_165 = arith.select %eq3A_163, %jit3A_164, %jit3A_162 : i32
    %rem3A_166 = arith.remsi %sub3A_155, %select_n3A_165 : i32
    %ne3A_167 = arith.constant 0 : i32
    %ne3A_168 = arith.cmpi ne, %rem3A_166, %ne3A_167 : i32
    %lt3A = arith.constant 0 : i32
    %lt3A_169 = arith.cmpi slt, %rem3A_166, %lt3A : i32
    %lt3A_170 = arith.constant 0 : i32
    %lt3A_171 = arith.cmpi slt, %select_n3A_165, %lt3A_170 : i32
    %ne3A_172 = arith.xori %lt3A_169, %lt3A_171 : i1
    %and3A_173 = arith.andi %ne3A_172, %ne3A_168 : i1
    %add3A_174 = arith.addi %rem3A_166, %select_n3A_165 : i32
    %select_n3A_175 = arith.select %and3A_173, %add3A_174, %rem3A_166 : i32
    %mul3A_176 = arith.constant 3 : i32
    %mul3A_177 = arith.muli %select_n3A_175, %mul3A_176 : i32
    %add3A_178 = arith.constant 0 : i32
    %add3A_179 = arith.addi %mul3A_177, %add3A_178 : i32
    %jit3A_180 = arith.constant 2 : i32
    %eq3A_181 = arith.constant 0 : i32
    %eq3A_182 = arith.cmpi eq, %jit3A_180, %eq3A_181 : i32
    %jit3A_183 = arith.constant 1 : i32
    %select_n3A_184 = arith.select %eq3A_182, %jit3A_183, %jit3A_180 : i32
    %rem3A_185 = arith.remsi %sub3A_155, %select_n3A_184 : i32
    %ne3A_186 = arith.constant 0 : i32
    %ne3A_187 = arith.cmpi ne, %rem3A_185, %ne3A_186 : i32
    %lt3A_188 = arith.constant 0 : i32
    %lt3A_189 = arith.cmpi slt, %rem3A_185, %lt3A_188 : i32
    %lt3A_190 = arith.constant 0 : i32
    %lt3A_191 = arith.cmpi slt, %select_n3A_184, %lt3A_190 : i32
    %ne3A_192 = arith.xori %lt3A_189, %lt3A_191 : i1
    %and3A_193 = arith.andi %ne3A_192, %ne3A_187 : i1
    %add3A_194 = arith.addi %rem3A_185, %select_n3A_184 : i32
    %select_n3A_195 = arith.select %and3A_193, %add3A_194, %rem3A_185 : i32
    %mul3A_196 = arith.constant 3 : i32
    %mul3A_197 = arith.muli %select_n3A_195, %mul3A_196 : i32
    %add3A_198 = arith.constant 1 : i32
    %add3A_199 = arith.addi %mul3A_197, %add3A_198 : i32
    %jit3A_200 = arith.constant 2 : i32
    %eq3A_201 = arith.constant 0 : i32
    %eq3A_202 = arith.cmpi eq, %jit3A_200, %eq3A_201 : i32
    %jit3A_203 = arith.constant 1 : i32
    %select_n3A_204 = arith.select %eq3A_202, %jit3A_203, %jit3A_200 : i32
    %rem3A_205 = arith.remsi %sub3A_155, %select_n3A_204 : i32
    %ne3A_206 = arith.constant 0 : i32
    %ne3A_207 = arith.cmpi ne, %rem3A_205, %ne3A_206 : i32
    %lt3A_208 = arith.constant 0 : i32
    %lt3A_209 = arith.cmpi slt, %rem3A_205, %lt3A_208 : i32
    %lt3A_210 = arith.constant 0 : i32
    %lt3A_211 = arith.cmpi slt, %select_n3A_204, %lt3A_210 : i32
    %ne3A_212 = arith.xori %lt3A_209, %lt3A_211 : i1
    %and3A_213 = arith.andi %ne3A_212, %ne3A_207 : i1
    %add3A_214 = arith.addi %rem3A_205, %select_n3A_204 : i32
    %select_n3A_215 = arith.select %and3A_213, %add3A_214, %rem3A_205 : i32
    %mul3A_216 = arith.constant 3 : i32
    %mul3A_217 = arith.muli %select_n3A_215, %mul3A_216 : i32
    %add3A_218 = arith.constant 2 : i32
    %add3A_219 = arith.addi %mul3A_217, %add3A_218 : i32
    %dma_wait3A_220 = arith.constant 0 : i32
    %dma_wait3A_221 = tpu.memref_slice %arg19[%add3A_179, %dma_wait3A_220] : memref<6x640xf32, #tpu.memory_space<vmem>> -> memref<1x640xf32, #tpu.memory_space<vmem>>
    %dma_wait3A_222 = tpu.memref_squeeze %dma_wait3A_221 : memref<1x640xf32, #tpu.memory_space<vmem>> -> memref<640xf32, #tpu.memory_space<vmem>>
    %dma_wait3A_223 = tpu.memref_slice %arg12[%multiple_of3A_161] : memref<2000000xf32, #tpu.memory_space<hbm>> -> memref<640xf32, #tpu.memory_space<hbm>>
    %dma_wait3A_224 = tpu.memref_slice %arg12[%multiple_of3A_161] : memref<2000000xf32, #tpu.memory_space<hbm>> -> memref<640xf32, #tpu.memory_space<hbm>>
    %dma_wait3A_225 = arith.constant 0 : i32
    %dma_wait3A_226 = tpu.memref_slice %arg19[%add3A_179, %dma_wait3A_225] : memref<6x640xf32, #tpu.memory_space<vmem>> -> memref<1x640xf32, #tpu.memory_space<vmem>>
    %dma_wait3A_227 = tpu.memref_squeeze %dma_wait3A_226 : memref<1x640xf32, #tpu.memory_space<vmem>> -> memref<640xf32, #tpu.memory_space<vmem>>
    tpu.wait_dma2 semaphore(%arg24 : memref<!tpu.dma_semaphore, #tpu.memory_space<semaphore_mem>>) src(%dma_wait3A_227 : memref<640xf32, #tpu.memory_space<vmem>>) dst(%dma_wait3A_224 : memref<640xf32, #tpu.memory_space<hbm>>)
    %dma_wait3A_228 = arith.constant 0 : i32
    %dma_wait3A_229 = tpu.memref_slice %arg19[%add3A_199, %dma_wait3A_228] : memref<6x640xf32, #tpu.memory_space<vmem>> -> memref<1x640xf32, #tpu.memory_space<vmem>>
    %dma_wait3A_230 = tpu.memref_squeeze %dma_wait3A_229 : memref<1x640xf32, #tpu.memory_space<vmem>> -> memref<640xf32, #tpu.memory_space<vmem>>
    %dma_wait3A_231 = tpu.memref_slice %arg13[%multiple_of3A_161] : memref<2000000xf32, #tpu.memory_space<hbm>> -> memref<640xf32, #tpu.memory_space<hbm>>
    %dma_wait3A_232 = tpu.memref_slice %arg13[%multiple_of3A_161] : memref<2000000xf32, #tpu.memory_space<hbm>> -> memref<640xf32, #tpu.memory_space<hbm>>
    %dma_wait3A_233 = arith.constant 0 : i32
    %dma_wait3A_234 = tpu.memref_slice %arg19[%add3A_199, %dma_wait3A_233] : memref<6x640xf32, #tpu.memory_space<vmem>> -> memref<1x640xf32, #tpu.memory_space<vmem>>
    %dma_wait3A_235 = tpu.memref_squeeze %dma_wait3A_234 : memref<1x640xf32, #tpu.memory_space<vmem>> -> memref<640xf32, #tpu.memory_space<vmem>>
    tpu.wait_dma2 semaphore(%arg24 : memref<!tpu.dma_semaphore, #tpu.memory_space<semaphore_mem>>) src(%dma_wait3A_235 : memref<640xf32, #tpu.memory_space<vmem>>) dst(%dma_wait3A_232 : memref<640xf32, #tpu.memory_space<hbm>>)
    %dma_wait3A_236 = arith.constant 0 : i32
    %dma_wait3A_237 = tpu.memref_slice %arg19[%add3A_219, %dma_wait3A_236] : memref<6x640xf32, #tpu.memory_space<vmem>> -> memref<1x640xf32, #tpu.memory_space<vmem>>
    %dma_wait3A_238 = tpu.memref_squeeze %dma_wait3A_237 : memref<1x640xf32, #tpu.memory_space<vmem>> -> memref<640xf32, #tpu.memory_space<vmem>>
    %dma_wait3A_239 = tpu.memref_slice %arg14[%multiple_of3A_161] : memref<2000000xf32, #tpu.memory_space<hbm>> -> memref<640xf32, #tpu.memory_space<hbm>>
    %dma_wait3A_240 = tpu.memref_slice %arg14[%multiple_of3A_161] : memref<2000000xf32, #tpu.memory_space<hbm>> -> memref<640xf32, #tpu.memory_space<hbm>>
    %dma_wait3A_241 = arith.constant 0 : i32
    %dma_wait3A_242 = tpu.memref_slice %arg19[%add3A_219, %dma_wait3A_241] : memref<6x640xf32, #tpu.memory_space<vmem>> -> memref<1x640xf32, #tpu.memory_space<vmem>>
    %dma_wait3A_243 = tpu.memref_squeeze %dma_wait3A_242 : memref<1x640xf32, #tpu.memory_space<vmem>> -> memref<640xf32, #tpu.memory_space<vmem>>
    tpu.wait_dma2 semaphore(%arg24 : memref<!tpu.dma_semaphore, #tpu.memory_space<semaphore_mem>>) src(%dma_wait3A_243 : memref<640xf32, #tpu.memory_space<vmem>>) dst(%dma_wait3A_240 : memref<640xf32, #tpu.memory_space<hbm>>)
    %sub3A_244 = arith.constant 1 : i32
    %sub3A_245 = arith.subi %select_n3A, %sub3A_244 : i32
    %mul3A_246 = arith.constant 32 : i32
    %mul3A_247 = arith.muli %sub3A_245, %mul3A_246 : i32
    %add3A_248 = arith.addi %add3A, %mul3A_247 : i32
    %mul3A_249 = arith.constant 640 : i32
    %mul3A_250 = arith.muli %add3A_248, %mul3A_249 : i32
    %multiple_of3A_251 = tpu.assume_multiple %mul3A_250, 640 : i32
    %jit3A_252 = arith.constant 2 : i32
    %eq3A_253 = arith.constant 0 : i32
    %eq3A_254 = arith.cmpi eq, %jit3A_252, %eq3A_253 : i32
    %jit3A_255 = arith.constant 1 : i32
    %select_n3A_256 = arith.select %eq3A_254, %jit3A_255, %jit3A_252 : i32
    %rem3A_257 = arith.remsi %sub3A_245, %select_n3A_256 : i32
    %ne3A_258 = arith.constant 0 : i32
    %ne3A_259 = arith.cmpi ne, %rem3A_257, %ne3A_258 : i32
    %lt3A_260 = arith.constant 0 : i32
    %lt3A_261 = arith.cmpi slt, %rem3A_257, %lt3A_260 : i32
    %lt3A_262 = arith.constant 0 : i32
    %lt3A_263 = arith.cmpi slt, %select_n3A_256, %lt3A_262 : i32
    %ne3A_264 = arith.xori %lt3A_261, %lt3A_263 : i1
    %and3A_265 = arith.andi %ne3A_264, %ne3A_259 : i1
    %add3A_266 = arith.addi %rem3A_257, %select_n3A_256 : i32
    %select_n3A_267 = arith.select %and3A_265, %add3A_266, %rem3A_257 : i32
    %mul3A_268 = arith.constant 3 : i32
    %mul3A_269 = arith.muli %select_n3A_267, %mul3A_268 : i32
    %add3A_270 = arith.constant 0 : i32
    %add3A_271 = arith.addi %mul3A_269, %add3A_270 : i32
    %jit3A_272 = arith.constant 2 : i32
    %eq3A_273 = arith.constant 0 : i32
    %eq3A_274 = arith.cmpi eq, %jit3A_272, %eq3A_273 : i32
    %jit3A_275 = arith.constant 1 : i32
    %select_n3A_276 = arith.select %eq3A_274, %jit3A_275, %jit3A_272 : i32
    %rem3A_277 = arith.remsi %sub3A_245, %select_n3A_276 : i32
    %ne3A_278 = arith.constant 0 : i32
    %ne3A_279 = arith.cmpi ne, %rem3A_277, %ne3A_278 : i32
    %lt3A_280 = arith.constant 0 : i32
    %lt3A_281 = arith.cmpi slt, %rem3A_277, %lt3A_280 : i32
    %lt3A_282 = arith.constant 0 : i32
    %lt3A_283 = arith.cmpi slt, %select_n3A_276, %lt3A_282 : i32
    %ne3A_284 = arith.xori %lt3A_281, %lt3A_283 : i1
    %and3A_285 = arith.andi %ne3A_284, %ne3A_279 : i1
    %add3A_286 = arith.addi %rem3A_277, %select_n3A_276 : i32
    %select_n3A_287 = arith.select %and3A_285, %add3A_286, %rem3A_277 : i32
    %mul3A_288 = arith.constant 3 : i32
    %mul3A_289 = arith.muli %select_n3A_287, %mul3A_288 : i32
    %add3A_290 = arith.constant 1 : i32
    %add3A_291 = arith.addi %mul3A_289, %add3A_290 : i32
    %jit3A_292 = arith.constant 2 : i32
    %eq3A_293 = arith.constant 0 : i32
    %eq3A_294 = arith.cmpi eq, %jit3A_292, %eq3A_293 : i32
    %jit3A_295 = arith.constant 1 : i32
    %select_n3A_296 = arith.select %eq3A_294, %jit3A_295, %jit3A_292 : i32
    %rem3A_297 = arith.remsi %sub3A_245, %select_n3A_296 : i32
    %ne3A_298 = arith.constant 0 : i32
    %ne3A_299 = arith.cmpi ne, %rem3A_297, %ne3A_298 : i32
    %lt3A_300 = arith.constant 0 : i32
    %lt3A_301 = arith.cmpi slt, %rem3A_297, %lt3A_300 : i32
    %lt3A_302 = arith.constant 0 : i32
    %lt3A_303 = arith.cmpi slt, %select_n3A_296, %lt3A_302 : i32
    %ne3A_304 = arith.xori %lt3A_301, %lt3A_303 : i1
    %and3A_305 = arith.andi %ne3A_304, %ne3A_299 : i1
    %add3A_306 = arith.addi %rem3A_297, %select_n3A_296 : i32
    %select_n3A_307 = arith.select %and3A_305, %add3A_306, %rem3A_297 : i32
    %mul3A_308 = arith.constant 3 : i32
    %mul3A_309 = arith.muli %select_n3A_307, %mul3A_308 : i32
    %add3A_310 = arith.constant 2 : i32
    %add3A_311 = arith.addi %mul3A_309, %add3A_310 : i32
    %dma_wait3A_312 = arith.constant 0 : i32
    %dma_wait3A_313 = tpu.memref_slice %arg19[%add3A_271, %dma_wait3A_312] : memref<6x640xf32, #tpu.memory_space<vmem>> -> memref<1x640xf32, #tpu.memory_space<vmem>>
    %dma_wait3A_314 = tpu.memref_squeeze %dma_wait3A_313 : memref<1x640xf32, #tpu.memory_space<vmem>> -> memref<640xf32, #tpu.memory_space<vmem>>
    %dma_wait3A_315 = tpu.memref_slice %arg12[%multiple_of3A_251] : memref<2000000xf32, #tpu.memory_space<hbm>> -> memref<640xf32, #tpu.memory_space<hbm>>
    %dma_wait3A_316 = tpu.memref_slice %arg12[%multiple_of3A_251] : memref<2000000xf32, #tpu.memory_space<hbm>> -> memref<640xf32, #tpu.memory_space<hbm>>
    %dma_wait3A_317 = arith.constant 0 : i32
    %dma_wait3A_318 = tpu.memref_slice %arg19[%add3A_271, %dma_wait3A_317] : memref<6x640xf32, #tpu.memory_space<vmem>> -> memref<1x640xf32, #tpu.memory_space<vmem>>
    %dma_wait3A_319 = tpu.memref_squeeze %dma_wait3A_318 : memref<1x640xf32, #tpu.memory_space<vmem>> -> memref<640xf32, #tpu.memory_space<vmem>>
    tpu.wait_dma2 semaphore(%arg24 : memref<!tpu.dma_semaphore, #tpu.memory_space<semaphore_mem>>) src(%dma_wait3A_319 : memref<640xf32, #tpu.memory_space<vmem>>) dst(%dma_wait3A_316 : memref<640xf32, #tpu.memory_space<hbm>>)
    %dma_wait3A_320 = arith.constant 0 : i32
    %dma_wait3A_321 = tpu.memref_slice %arg19[%add3A_291, %dma_wait3A_320] : memref<6x640xf32, #tpu.memory_space<vmem>> -> memref<1x640xf32, #tpu.memory_space<vmem>>
    %dma_wait3A_322 = tpu.memref_squeeze %dma_wait3A_321 : memref<1x640xf32, #tpu.memory_space<vmem>> -> memref<640xf32, #tpu.memory_space<vmem>>
    %dma_wait3A_323 = tpu.memref_slice %arg13[%multiple_of3A_251] : memref<2000000xf32, #tpu.memory_space<hbm>> -> memref<640xf32, #tpu.memory_space<hbm>>
    %dma_wait3A_324 = tpu.memref_slice %arg13[%multiple_of3A_251] : memref<2000000xf32, #tpu.memory_space<hbm>> -> memref<640xf32, #tpu.memory_space<hbm>>
    %dma_wait3A_325 = arith.constant 0 : i32
    %dma_wait3A_326 = tpu.memref_slice %arg19[%add3A_291, %dma_wait3A_325] : memref<6x640xf32, #tpu.memory_space<vmem>> -> memref<1x640xf32, #tpu.memory_space<vmem>>
    %dma_wait3A_327 = tpu.memref_squeeze %dma_wait3A_326 : memref<1x640xf32, #tpu.memory_space<vmem>> -> memref<640xf32, #tpu.memory_space<vmem>>
    tpu.wait_dma2 semaphore(%arg24 : memref<!tpu.dma_semaphore, #tpu.memory_space<semaphore_mem>>) src(%dma_wait3A_327 : memref<640xf32, #tpu.memory_space<vmem>>) dst(%dma_wait3A_324 : memref<640xf32, #tpu.memory_space<hbm>>)
    %dma_wait3A_328 = arith.constant 0 : i32
    %dma_wait3A_329 = tpu.memref_slice %arg19[%add3A_311, %dma_wait3A_328] : memref<6x640xf32, #tpu.memory_space<vmem>> -> memref<1x640xf32, #tpu.memory_space<vmem>>
    %dma_wait3A_330 = tpu.memref_squeeze %dma_wait3A_329 : memref<1x640xf32, #tpu.memory_space<vmem>> -> memref<640xf32, #tpu.memory_space<vmem>>
    %dma_wait3A_331 = tpu.memref_slice %arg14[%multiple_of3A_251] : memref<2000000xf32, #tpu.memory_space<hbm>> -> memref<640xf32, #tpu.memory_space<hbm>>
    %dma_wait3A_332 = tpu.memref_slice %arg14[%multiple_of3A_251] : memref<2000000xf32, #tpu.memory_space<hbm>> -> memref<640xf32, #tpu.memory_space<hbm>>
    %dma_wait3A_333 = arith.constant 0 : i32
    %dma_wait3A_334 = tpu.memref_slice %arg19[%add3A_311, %dma_wait3A_333] : memref<6x640xf32, #tpu.memory_space<vmem>> -> memref<1x640xf32, #tpu.memory_space<vmem>>
    %dma_wait3A_335 = tpu.memref_squeeze %dma_wait3A_334 : memref<1x640xf32, #tpu.memory_space<vmem>> -> memref<640xf32, #tpu.memory_space<vmem>>
    tpu.wait_dma2 semaphore(%arg24 : memref<!tpu.dma_semaphore, #tpu.memory_space<semaphore_mem>>) src(%dma_wait3A_335 : memref<640xf32, #tpu.memory_space<vmem>>) dst(%dma_wait3A_332 : memref<640xf32, #tpu.memory_space<hbm>>)
    return
  }
}

</mosaic_0001>

<sc_bundles>
// kernel: _sc_interp.3.cloned.1.call-start
scs
__scs_entry_jumppad:
0x0: {  	(pc) =	sbr.rel $0x88, $3  }
0x1: {  	(tag) =	ssettag $0x0;
	lr =	simm.s32 $0x1  }
0x2: {  	[smem:$0x3F97] =	sst lr;
	_ =	strace $0xD0000000  }
0x3: {  	_ = 	snop  }
0x4: {  	_ = 	snop  }
0x5: {  	_ = 	snop  }
0x6: {  	_ = 	snop  }
0x7: {  	_ = 	snop  }
__scs_overlays_trampoline_lowered:
0x8: {  	[smem:$0x3FA6] =	sst s0  }
0x9: {  	[smem:$0x3FA7] =	sst s1  }
0xa: {  	[smem:$0x3FA8] =	sst s2  }
0xb: {  	[smem:$0x3FA9] =	sst s3  }
0xc: {  	[smem:$0x3FAA] =	sst s4  }
0xd: {  	[smem:$0x3FAB] =	sst s5  }
0xe: {  	[smem:$0x3FAC] =	sst s6  }
0xf: {  	[smem:$0x3FAD] =	sst s7  }
0x10: {  	[smem:$0x3FAE] =	sst s8  }
0x11: {  	[smem:$0x3FAF] =	sst s9;
	s0 =	simm.s32 @!p0 $0x0  }
0x12: {  	s1 =	sld [smem:$0x3F95];
	s0 =	simm.s32 @p0 $0x1  }
0x13: {  	[smem:$0x3FB0] =	sst s0;
	s0 =	simm.s32 @!p1 $0x0  }
0x14: {  	s2 =	sld [smem:$0x3F94];
	s0 =	simm.s32 @p1 $0x1  }
0x15: {  	[smem:$0x3FB1] =	sst s0;
	s0 =	simm.s32 @!p2 $0x0  }
0x16: {  	s3 =	sld [smem:$0x3FDB];
	s0 =	simm.s32 @p2 $0x1  }
0x17: {  	s4 =	simm.s32 $0x1BF5;
	[smem:$0x3FB3] =	sst s0  }
0x18: {  	s0 =	sld [smem:$0x3F96];
	_ =	swait.ge [sflag:s4], $0x0  }
0x19: {  	s7 =	sld [smem:$0x3F97]  }
0x1a: {  	s8 =	sadd.s32 $0xFFFFE003, lr  }
0x1b: {  	s9 =	sadd.s32 $0xFFFFFEF7, lr;
	s5 =	simm.s32 $0xFFFFFFFF;
	p2 =	slt.u32 s8, $0xFFFFF086  }
0x1c: {  	p1 =	slt.u32 s9, $0xF7A;
	s5 =	simm.s32 @!p2 $0x0  }
0x1d: {  	s5 =	simm.s32 @p1 $0x1;
	p0 =	seq.s32 s7, s2  }
0x1e: {  	s7 =	smul.u32 @!p0 $0xF7A, s2;
	p2 =	seq.s32 @!p0 s5, $0x0  }
0x1f: {  	s9 =	smul.u32 $0xF7A, s1;
	s8 =	simm.s32 @!p0 $0x1BF5;
	p2 =	por !p2, p0  }
0x20: {  	[sflag:s8] =	ssyncset.s32 @!p0 $0xFFFFF086;
	s6 =	sadd.s32 @!p0 s3, s7;
	s7 =	simm.s32 @!p0 $0x108  }
0x21: {  	s3 =	sadd.s32 s3, s9;
	s6 =	sadd.s32 @!p0 $0x88, s6;
	s7 =	simm.s32 @p2 $0x1082  }
0x22: {  	[simem:s7], [sflag:s8] =	dma.local @!p0 [hbm:s6], $0xF7A  }
0x23: {  	s9 =	sor.u32 $0xD0000000, s2;
	s6 =	simm.s32 $0x108;
	_ =	swait.ge @!p0 [sflag:s8], $0x0  }
0x24: {  	s3 =	sadd.s32 $0x88, s3;
	s6 =	simm.s32 @!p1 $0x1082;
	[sflag:s4] =	ssyncset.s32 $0xFFFFF086  }
0x25: {  	[simem:s6], [sflag:s4] =	dma.local [hbm:s3], $0xF7A  }
0x26: {  	[smem:$0x3F97] =	sst s1;
	(tag) =	ssettag s2;
	_ =	strace s9  }
0x27: {  	s1 =	sld [smem:$0x3FA7]  }
0x28: {  	s2 =	sld [smem:$0x3FA8]  }
0x29: {  	s4 =	sld [smem:$0x3FAA]  }
0x2a: {  	p0 =	seq.s32 s5, $0x0;
	s5 =	sld [smem:$0x3FAB]  }
0x2b: {  	s6 =	sld [smem:$0x3FAC]  }
0x2c: {  	s7 =	sld [smem:$0x3FAD]  }
0x2d: {  	s3 =	simm.s32 $0x108;
	s8 =	sld [smem:$0x3FAE]  }
0x2e: {  	s3 =	simm.s32 @!p0 $0x1082;
	s9 =	sld [smem:$0x3FAF]  }
0x2f: {  	lr =	sadd.s32 s0, s3;
	s0 =	sld [smem:$0x3FA6]  }
0x30: {  	s3 =	sld [smem:$0x3FA9]  }
0x31: {  	[smem:$0x3FB2] =	sst s10  }
0x32: {  	s10 =	sld [smem:$0x3FB0];
	_ =	sdelay $0x3  }
0x33: {  	p0 =	seq.s32 s10, $0x1;
	s10 =	sld [smem:$0x3FB2];
	_ =	sdelay $0x3  }
0x34: {  	[smem:$0x3FB2] =	sst s10  }
0x35: {  	s10 =	sld [smem:$0x3FB1];
	_ =	sdelay $0x3  }
0x36: {  	p1 =	seq.s32 s10, $0x1;
	s10 =	sld [smem:$0x3FB2];
	_ =	sdelay $0x3  }
0x37: {  	[smem:$0x3FB2] =	sst s10  }
0x38: {  	s10 =	sld [smem:$0x3FB3]  }
0x39: {  	_ = 	snop;
	(pc) =	sbr.ind lr, $3  }
0x3a: {  	_ = 	snop  }
0x3b: {  	_ = 	snop  }
0x3c: {  	p2 =	seq.s32 s10, $0x1;
	s10 =	sld [smem:$0x3FB2]  }
0x3d: {  	_ =	shalt  }
0x3e: {  	_ =	shalt  }
0x3f: {  	_ =	shalt  }
0x40: {  	_ =	shalt  }
0x41: {  	_ =	shalt  }
0x42: {  	_ =	shalt  }
0x43: {  	_ =	shalt  }
0x44: {  	_ =	shalt  }
0x45: {  	_ =	shalt  }
0x46: {  	_ =	shalt  }
0x47: {  	_ =	shalt  }
0x48: {  	_ =	shalt  }
0x49: {  	_ =	shalt  }
0x4a: {  	_ =	shalt  }
0x4b: {  	_ =	shalt  }
0x4c: {  	_ =	shalt  }
0x4d: {  	_ =	shalt  }
0x4e: {  	_ =	shalt  }
0x4f: {  	_ =	shalt  }
0x50: {  	_ =	shalt  }
0x51: {  	_ =	shalt  }
0x52: {  	_ =	shalt  }
0x53: {  	_ =	shalt  }
0x54: {  	_ =	shalt  }
0x55: {  	_ =	shalt  }
0x56: {  	_ =	shalt  }
0x57: {  	_ =	shalt  }
0x58: {  	_ =	shalt  }
0x59: {  	_ =	shalt  }
0x5a: {  	_ =	shalt  }
0x5b: {  	_ =	shalt  }
0x5c: {  	_ =	shalt  }
0x5d: {  	_ =	shalt  }
0x5e: {  	_ =	shalt  }
0x5f: {  	_ =	shalt  }
0x60: {  	_ =	shalt  }
0x61: {  	_ =	shalt  }
0x62: {  	_ =	shalt  }
0x63: {  	_ =	shalt  }
0x64: {  	_ =	shalt  }
0x65: {  	_ =	shalt  }
0x66: {  	_ =	shalt  }
0x67: {  	_ =	shalt  }
0x68: {  	_ =	shalt  }
0x69: {  	_ =	shalt  }
0x6a: {  	_ =	shalt  }
0x6b: {  	_ =	shalt  }
0x6c: {  	_ =	shalt  }
0x6d: {  	_ =	shalt  }
0x6e: {  	_ =	shalt  }
0x6f: {  	_ =	shalt  }
0x70: {  	_ =	shalt  }
0x71: {  	_ =	shalt  }
0x72: {  	_ =	shalt  }
0x73: {  	_ =	shalt  }
0x74: {  	_ =	shalt  }
0x75: {  	_ =	shalt  }
0x76: {  	_ =	shalt  }
0x77: {  	_ =	shalt  }
0x78: {  	_ =	shalt  }
0x79: {  	_ =	shalt  }
0x7a: {  	_ =	shalt  }
0x7b: {  	_ =	shalt  }
0x7c: {  	_ =	shalt  }
0x7d: {  	_ =	shalt  }
0x7e: {  	_ =	shalt  }
0x7f: {  	_ =	shalt  }
0x80: {  	_ =	shalt  }
0x81: {  	_ =	shalt  }
0x82: {  	_ =	shalt  }
0x83: {  	_ =	shalt  }
0x84: {  	_ =	shalt  }
0x85: {  	_ =	shalt  }
0x86: {  	_ =	shalt  }
0x87: {  	_ =	shalt  }
.Lfunc_end0:
.L_simem_size_0:
called_computation_lowered:
.L_overlay_start_0:
0x88: {  	s2 =	sld [smem:$0x3FD9]  }
0x89: {  	s3 =	sld [smem:$0x3FFE];
	_ =	sdelay $0x1  }
0x8a: {  	s1 =	srdreg.scid  }
0x8b: {  	s0 =	sand.u32 $0x1, s1  }
0x8c: {  	s28 =	sshll.u32 s0, $0xA;
	s2 =	sadd.s32 s3, s2  }
0x8d: {  	s2 =	sadd.s32 s2, s28  }
0x8e: {  	[smem:$0x3FBE] =	sst s2  }
0x8f: {  	_ = 	snop  }
0x90: {  	s2 =	sld [smem:$0x3FC9]  }
0x91: {  	s3 =	sld [smem:$0x3FC8]  }
0x92: {  	s4 =	sld [smem:$0x3FC7]  }
0x93: {  	s5 =	sld [smem:$0x3FC6]  }
0x94: {  	s6 =	sld [smem:$0x3FC5]  }
0x95: {  	s7 =	sld [smem:$0x3FC4]  }
0x96: {  	s8 =	sld [smem:$0x3FC3]  }
0x97: {  	s9 =	sld [smem:$0x3FD0]  }
0x98: {  	s10 =	sld [smem:$0x3FC2]  }
0x99: {  	s11 =	sld [smem:$0x3FC1]  }
0x9a: {  	s13 =	simm.s32 $0xA;
	s14 =	simm.s32 $0x10;
	s12 =	sld [smem:$0x3FC0]  }
0x9b: {  	[smem:s14], [sflag:s13] =	dma.local [hbm:s9], $0x1  }
0x9c: {  	_ =	swait.eq [sflag:s13], $0x1  }
0x9d: {  	s29 =	sld [smem:$0x10];
	[sflag:s13] =	ssyncset.done $0x0  }
0x9e: {  	s30 =	sld [smem:$0x11];
	[sflag:s13] =	ssyncadd.s32 $0xFFFFFFFF  }
0x9f: {  	s31 =	sld [smem:$0x12];
	(tm) =	ssettm $0x1  }
0xa0: {  	s15 =	sld [smem:$0x3FFB];
	_ =	sdelay $0x3  }
0xa1: {  	_ =	strace s15  }
0xa2: {  	s15 =	sld [smem:$0x3FFC];
	_ =	sdelay $0x3  }
0xa3: {  	_ =	strace s15  }
0xa4: {  	s15 =	sld [smem:$0x3FFD];
	_ =	sdelay $0x3  }
0xa5: {  	_ =	strace s15  }
0xa6: {  	_ =	strace $0x8FFFFFFF  }
0xa7: {  	s20 =	sld [smem:$0x3FDB];
	_ =	sdelay $0x1  }
0xa8: {  	s16 =	simm.s32 $_scs_section_size  }
0xa9: {  	s17 =	simm.s32 $_size__tile_overlayer_lowered;
	s18 =	simm.s32 $_tile_overlayer_lowered  }
0xaa: {  	s23 =	simm.s32 $0x1BFF;
	s22 =	sshll.u32 s18, $0x1;
	s15 =	sadd.s32 s16, s20  }
0xab: {  	s19 =	simm.s32 $0x0;
	s21 =	sshll.u32 s17, $0x1;
	s17 =	sadd.s32 s22, s15  }
0xac: {  	[timem:s19], [sflag:s23] =	dma.local [hbm:s17], s21  }
0xad: {  	_ =	swait.ge [sflag:s23], s21  }
0xae: {  	s16 =	ssub.s32 $0x0, s21;
	[sflag:s23] =	ssyncset.done $0x0  }
0xaf: {  	[sflag:s23] =	ssyncadd.s32 s16;
	_ =	sdelay $0x1  }
0xb0: {  	s24 =	simm.s32 $0x1B8B  }
0xb1: {  	_ =	swait.ge [sflag:s24], $0x1  }
0xb2: {  	[sflag:s24] =	ssyncset.done $0x0  }
0xb3: {  	s25 =	simm.s32 $0x1B8E;
	[sflag:s24] =	ssyncadd.s32 $0xFFFFFFFF  }
0xb4: {  	s26 =	simm.s32 $execute0_lowered;
	[smem:$0x3FD2] =	sst s25  }
0xb5: {  	s16 =	sshll.u32 s26, $0x1;
	_ =	strace $0x80000046;
	[dreg:$0x1] =	wrdreg $0xFFFFFFFF  }
0xb6: {  	s28 =	simm.s32 $_size_execute0_lowered;
	s15 =	sadd.s32 s15, s16;
	[dreg:$0x0] =	wrdreg $0x0  }
0xb7: {  	s16 =	sshll.u32 s28, $0x1;
	[dreg:$0x2] =	wrdreg s15  }
0xb8: {  	[dreg:$0x3] =	wrdreg s16  }
0xb9: {  	[dreg:$0x4] =	wrdreg $0xC0  }
0xba: {  	_ =	task [dreg:s19], $0x5FFFF  }
0xbb: {  	[dreg:$0x1] =	wrdreg $0xFFFFFFFF  }
0xbc: {  	[dreg:$0x0] =	wrdreg $0x60  }
0xbd: {  	[dreg:$0x2] =	wrdreg s2  }
0xbe: {  	[dreg:$0x3] =	wrdreg s3  }
0xbf: {  	[dreg:$0x4] =	wrdreg s4  }
0xc0: {  	[dreg:$0x5] =	wrdreg s5  }
0xc1: {  	[dreg:$0x6] =	wrdreg s6  }
0xc2: {  	[dreg:$0x7] =	wrdreg s7  }
0xc3: {  	[dreg:$0x8] =	wrdreg s8  }
0xc4: {  	[dreg:$0x9] =	wrdreg s10  }
0xc5: {  	[dreg:$0xa] =	wrdreg s11  }
0xc6: {  	[dreg:$0xb] =	wrdreg s12  }
0xc7: {  	[dreg:$0xc] =	wrdreg s29  }
0xc8: {  	[dreg:$0xd] =	wrdreg s30  }
0xc9: {  	[dreg:$0xe] =	wrdreg s31  }
0xca: {  	[dreg:$0xf] =	wrdreg $0x9  }
0xcb: {  	_ =	task.clear_ibuf [dreg:s19], $0x10FFFF;
	_ =	strace $0x90000046  }
0xcc: {  	s29 =	simm.s32 $0x9;
	_ =	strace $0x80000048  }
0xcd: {  	_ =	swait.ge [sflag:s29], $0x1  }
0xce: {  	[sflag:s29] =	ssyncadd.s32 $0xFFFFFFFF  }
0xcf: {  	_ =	strace $0x90000048  }
0xd0: {  	_ =	sfence  }
0xd1: {  	s30 =	sld [smem:$0x0];
	_ =	sdelay $0x2  }
0xd2: {  	s31 =	sshll.u32 s1, $0xD;
	s1 =	sshrl.u32 s1, $0x2  }
0xd3: {  	s3 =	sand.u32 $0x4000, s31;
	s1 =	sadd.s32 s1, s30  }
0xd4: {  	s0 =	sor.u32 s3, s0;
	s1 =	sshll.u32 s1, $0x11  }
0xd5: {  	s0 =	sor.u32 s1, s0  }
0xd6: {  	s0 =	sadd.s32 $0x8F2B, s0  }
0xd7: {  	[sflag:s0] =	ssyncadd.remote.s32 $0x1  }
0xd8: {  	_ =	sfence.sel $0xFFFF  }
0xd9: {  	[dreg:$0x0] =	wrdreg $0xFFFFFFFF;
	(pc) =	sbr.abs _section_cstart, $3  }
0xda: {  	[dreg:$0x1] =	wrdreg $0xFFFFFFFF  }
0xdb: {  	_ =	task.clear_ibuf [dreg:s19], $0x2FFFF;
	_ =	strace $0x9FFFFFFF  }
0xdc: {  	(tm) =	ssettm $0x7FFFFFFF  }
0xdd: {  	_ =	shalt  }
tec
execute0_lowered:
.L_overlay_start_1:
0x0: {  	(tag) =	ssettag $0x1  }
0x1: {  	s0 =	rddreg [dreg:$0x0]  }
0x2: {  	s1 =	rddreg [dreg:$0x1]  }
0x3: {  	s2 =	rddreg [dreg:$0x2]  }
0x4: {  	s3 =	rddreg [dreg:$0x3]  }
0x5: {  	s4 =	rddreg [dreg:$0x4]  }
0x6: {  	s5 =	rddreg [dreg:$0x5]  }
0x7: {  	s6 =	rddreg [dreg:$0x6]  }
0x8: {  	s10 =	rddreg [dreg:$0x7]  }
0x9: {  	s7 =	srdreg.scid;
	s8 =	stileid.u32  }
0xa: {  	s19 =	rddreg [dreg:$0x8];
	s7 =	sand.u32 $0x1, s7;
	s8 =	sshll.u32 s8, $0x1  }
0xb: {  	s20 =	rddreg [dreg:$0x9];
	s16 =	sor.u32 s7, s8;
	s7 =	ssub.s32 $0x2, s7  }
0xc: {  	s14 =	rddreg [dreg:$0xc];
	s15 =	simm.s32 $0x0;
	s9 =	sshrl.u32 s7, $0x1  }
0xd: {  	[smem:$0x7FF] =	sst s15;
	s18 =	smul.u32 $0x50, s16;
	s7 =	ssub.s32 s7, s9  }
0xe: {  	_ =	strace $0x80000047;
	s8 =	smul.u32 $0x280, s16;
	s7 =	smax.u32 s7, $0x1  }
0xf: {  	s12 =	ssub.s32 $0xC54, s16;
	s24 =	sadd.s32 s10, s18;
	[dreg:$0x14] =	wrdreg s7  }
0x10: {  	s17 =	sshrl.u32 s12, $0x5;
	s10 =	sadd.s32 s19, s18;
	[dreg:$0x10] =	wrdreg s24  }
0x11: {  	s8 =	sshrl.u32 s8, $0x3;
	s12 =	sadd.s32 s20, s18;
	[dreg:$0x11] =	wrdreg s10  }
0x12: {  	s8 =	sadd.s32 s0, s8;
	s0 =	sadd.s32 s0, s18;
	[dreg:$0x12] =	wrdreg s12  }
0x13: {  	s18 =	sadd.s32 $0x10, s24;
	[dreg:$0xe] =	wrdreg s0  }
0x14: {  	s19 =	sadd.s32 $0x20, s24;
	[dreg:$0x1d] =	wrdreg s18  }
0x15: {  	s20 =	sadd.s32 $0x30, s24;
	[dreg:$0x1e] =	wrdreg s19  }
0x16: {  	s21 =	sadd.s32 $0x40, s24;
	[dreg:$0x1f] =	wrdreg s20  }
0x17: {  	s22 =	sadd.s32 $0x10, s10;
	[smem:$0x7F5] =	sst s21  }
0x18: {  	s24 =	sadd.s32 $0x30, s10;
	[smem:$0x7F6] =	sst s22  }
0x19: {  	s23 =	sadd.s32 $0xA00, s8;
	[smem:$0x7F8] =	sst s24  }
0x1a: {  	s25 =	sadd.s32 $0x1400, s8;
	[dreg:$0xf] =	wrdreg s23  }
0x1b: {  	s26 =	sadd.s32 $0xA10, s8;
	[dreg:$0x13] =	wrdreg s25  }
0x1c: {  	s28 =	sadd.s32 $0xA20, s8;
	[dreg:$0x15] =	wrdreg s26  }
0x1d: {  	s29 =	sadd.s32 $0xA30, s8;
	[dreg:$0x16] =	wrdreg s28  }
0x1e: {  	s31 =	sadd.s32 $0xA40, s8;
	[dreg:$0x17] =	wrdreg s29  }
0x1f: {  	s8 =	sadd.s32 $0x10, s0;
	[dreg:$0x18] =	wrdreg s31  }
0x20: {  	s11 =	sadd.s32 $0x20, s0;
	[dreg:$0x19] =	wrdreg s8  }
0x21: {  	s13 =	sadd.s32 $0x30, s0;
	[dreg:$0x1a] =	wrdreg s11  }
0x22: {  	s0 =	sadd.s32 $0x40, s0;
	[dreg:$0x1b] =	wrdreg s13  }
0x23: {  	[dreg:$0x1c] =	wrdreg s0;
	s23 =	sadd.s32 $0x20, s10  }
0x24: {  	s30 =	simm.s32 $0x80;
	s25 =	sadd.s32 $0x40, s10;
	[smem:$0x7F7] =	sst s23  }
.Ltmp0:
0x25: {  	s26 =	sadd.s32 $0x10, s12;
	[smem:$0x7F9] =	sst s25;
	(pc) =	sbr.rel .LBB2_1-.Ltmp0, $4  }
0x26: {  	s19 =	simm.s32 $0x3;
	s28 =	sadd.s32 $0x20, s12;
	[smem:$0x7FA] =	sst s26  }
0x27: {  	s18 =	simm.s32 $0x4;
	s29 =	sadd.s32 $0x30, s12;
	[smem:$0x7FB] =	sst s28  }
0x28: {  	s20 =	simm.s32 $0x2;
	s31 =	sadd.s32 $0x40, s12;
	[smem:$0x7FC] =	sst s29  }
0x29: {  	s8 =	simm.s32 $0x0;
	s11 =	simm.s32 $0x1200;
	[smem:$0x7FD] =	sst s31  }
.LBB2_12:
0x2a: {  	s7 =	simm.s32 $0x5  }
0x2b: {  	_ =	swait.ge [sflag:s7], $0x280  }
0x2c: {  	[sflag:s7] =	ssyncset.done $0x0  }
0x2d: {  	[sflag:s7] =	ssyncadd.s32 $0xFFFFFD80  }
0x2e: {  	_ =	swait.ge [sflag:s7], $0x280  }
0x2f: {  	[sflag:s7] =	ssyncset.done $0x0  }
0x30: {  	[sflag:s7] =	ssyncadd.s32 $0xFFFFFD80  }
0x31: {  	_ =	swait.ge [sflag:s7], $0x280  }
0x32: {  	[sflag:s7] =	ssyncset.done $0x0  }
0x33: {  	[sflag:s7] =	ssyncadd.s32 $0xFFFFFD80  }
0x34: {  	_ =	swait.ge [sflag:s7], $0x280  }
0x35: {  	[sflag:s7] =	ssyncset.done $0x0  }
0x36: {  	[sflag:s7] =	ssyncadd.s32 $0xFFFFFD80  }
0x37: {  	_ =	swait.ge [sflag:s7], $0x280  }
0x38: {  	[sflag:s7] =	ssyncset.done $0x0  }
0x39: {  	[sflag:s7] =	ssyncadd.s32 $0xFFFFFD80  }
0x3a: {  	_ =	swait.ge [sflag:s7], $0x280  }
0x3b: {  	s8 =	sld [smem:$0x7F4];
	_ =	sdelay $0x2  }
0x3c: {  	s0 =	rddreg [dreg:$0x14];
	s8 =	sadd.s32 $0x1, s8  }
0x3d: {  	p0 =	sne.s32 s8, s0  }
.Ltmp1:
0x3e: {  	_ = 	snop;
	(pc) =	sbr.rel @!p0 .LBB2_13-.Ltmp1, $3  }
0x3f: {  	_ =	sdelay $0x1  }
0x40: {  	[sflag:s7] =	ssyncset.done $0x0  }
0x41: {  	[sflag:s7] =	ssyncadd.s32 $0xFFFFFD80  }
.LBB2_1:
0x42: {  	[smem:$0x7F4] =	sst s8  }
0x43: {  	s0 =	rddreg [dreg:$0xe]  }
0x44: {  	s12 =	rddreg [dreg:$0x19]  }
0x45: {  	[tilespmem:s15], [sflag:$0x1] =	stream.linear.gather [hbm4b:s0+s15], $0x80, $0x38;
	[tilespmem:$0x9100] =	vst v63  }
0x46: {  	s7 =	simm.s32 $0x100;
	s13 =	rddreg [dreg:$0x1a]  }
0x47: {  	[tilespmem:s7], [sflag:$0x1] =	stream.linear.gather [hbm4b:s12+s15], $0x80, $0x38;
	[tilespmem:$0x9100] =	vst v63  }
0x48: {  	s21 =	simm.s32 $0x200;
	s22 =	rddreg [dreg:$0x1b]  }
0x49: {  	[tilespmem:s21], [sflag:$0x1] =	stream.linear.gather [hbm4b:s13+s15], $0x80, $0x38;
	[tilespmem:$0x9100] =	vst v63  }
0x4a: {  	s23 =	simm.s32 $0x300;
	s24 =	rddreg [dreg:$0x1c]  }
0x4b: {  	[tilespmem:s23], [sflag:$0x1] =	stream.linear.gather [hbm4b:s22+s15], $0x80, $0x38;
	[tilespmem:$0x9100] =	vst v63  }
0x4c: {  	s25 =	simm.s32 $0x400;
	s26 =	rddreg [dreg:$0xf]  }
0x4d: {  	[tilespmem:s25], [sflag:$0x1] =	stream.linear.gather [hbm4b:s24+s15], $0x80, $0x38;
	[tilespmem:$0x9100] =	vst v63  }
0x4e: {  	s28 =	rddreg [dreg:$0x15]  }
0x4f: {  	[tilespmem:s30], [sflag:$0x1] =	stream.linear.gather [hbm4b:s26+s15], $0x80, $0x38;
	[tilespmem:$0x9100] =	vst v63  }
0x50: {  	s29 =	simm.s32 $0x180;
	s9 =	rddreg [dreg:$0x17]  }
0x51: {  	[tilespmem:s29], [sflag:$0x1] =	stream.linear.gather [hbm4b:s28+s15], $0x80, $0x38;
	[tilespmem:$0x9100] =	vst v63  }
0x52: {  	s8 =	simm.s32 $0x280;
	s7 =	rddreg [dreg:$0x16]  }
0x53: {  	[tilespmem:s8], [sflag:$0x1] =	stream.linear.gather [hbm4b:s7+s15], $0x80, $0x38;
	[tilespmem:$0x9100] =	vst v63  }
0x54: {  	s10 =	simm.s32 $0x380;
	s12 =	rddreg [dreg:$0x18]  }
0x55: {  	[tilespmem:s10], [sflag:$0x1] =	stream.linear.gather [hbm4b:s9+s15], $0x80, $0x38;
	[tilespmem:$0x9100] =	vst v63  }
0x56: {  	s13 =	simm.s32 $0x480;
	s21 =	rddreg [dreg:$0x10]  }
0x57: {  	[tilespmem:s13], [sflag:$0x1] =	stream.linear.gather [hbm4b:s12+s15], $0x80, $0x38;
	[tilespmem:$0x9100] =	vst v63  }
0x58: {  	s22 =	rddreg [dreg:$0x1d];
	s24 =	simm.s32 $0x6900  }
0x59: {  	[tilespmem:s24], [sflag:$0x2] =	stream.linear.gather [hbm4b:s21+s15], $0x80, $0x38;
	[tilespmem:$0x9100] =	vst v63  }
0x5a: {  	s23 =	simm.s32 $0x6D00;
	s26 =	rddreg [dreg:$0x1f]  }
0x5b: {  	[tilespmem:s23], [sflag:$0x2] =	stream.linear.gather [hbm4b:s22+s15], $0x80, $0x38;
	[tilespmem:$0x9100] =	vst v63  }
0x5c: {  	s25 =	simm.s32 $0x7100;
	s24 =	rddreg [dreg:$0x1e]  }
0x5d: {  	[tilespmem:s25], [sflag:$0x2] =	stream.linear.gather [hbm4b:s24+s15], $0x80, $0x38;
	[tilespmem:$0x9100] =	vst v63  }
0x5e: {  	s28 =	simm.s32 $0x7500;
	s29 =	sld [smem:$0x7F5]  }
0x5f: {  	[tilespmem:s28], [sflag:$0x2] =	stream.linear.gather [hbm4b:s26+s15], $0x80, $0x38;
	[tilespmem:$0x9100] =	vst v63  }
0x60: {  	s7 =	simm.s32 $0x7900;
	s8 =	rddreg [dreg:$0x11]  }
0x61: {  	[tilespmem:s7], [sflag:$0x2] =	stream.linear.gather [hbm4b:s29+s15], $0x80, $0x38;
	[tilespmem:$0x9100] =	vst v63  }
0x62: {  	s9 =	simm.s32 $0x6980;
	s10 =	sld [smem:$0x7F6]  }
0x63: {  	[tilespmem:s9], [sflag:$0x2] =	stream.linear.gather [hbm4b:s8+s15], $0x80, $0x38;
	[tilespmem:$0x9100] =	vst v63  }
0x64: {  	s12 =	simm.s32 $0x6D80;
	s13 =	sld [smem:$0x7F7]  }
0x65: {  	[tilespmem:s12], [sflag:$0x2] =	stream.linear.gather [hbm4b:s10+s15], $0x80, $0x38;
	[tilespmem:$0x9100] =	vst v63  }
0x66: {  	s21 =	simm.s32 $0x7180;
	s22 =	sld [smem:$0x7F8]  }
0x67: {  	[tilespmem:s21], [sflag:$0x2] =	stream.linear.gather [hbm4b:s13+s15], $0x80, $0x38;
	[tilespmem:$0x9100] =	vst v63  }
0x68: {  	s23 =	simm.s32 $0x7580;
	s25 =	sld [smem:$0x7F9]  }
0x69: {  	[tilespmem:s23], [sflag:$0x2] =	stream.linear.gather [hbm4b:s22+s15], $0x80, $0x38;
	[tilespmem:$0x9100] =	vst v63  }
0x6a: {  	s26 =	simm.s32 $0x7980;
	s28 =	rddreg [dreg:$0x12]  }
0x6b: {  	[tilespmem:s26], [sflag:$0x2] =	stream.linear.gather [hbm4b:s25+s15], $0x80, $0x38;
	[tilespmem:$0x9100] =	vst v63  }
0x6c: {  	s29 =	simm.s32 $0x6A00;
	s7 =	sld [smem:$0x7FA]  }
0x6d: {  	[tilespmem:s29], [sflag:$0x2] =	stream.linear.gather [hbm4b:s28+s15], $0x80, $0x38;
	[tilespmem:$0x9100] =	vst v63  }
0x6e: {  	s8 =	simm.s32 $0x6E00;
	s9 =	sld [smem:$0x7FB]  }
0x6f: {  	[tilespmem:s8], [sflag:$0x2] =	stream.linear.gather [hbm4b:s7+s15], $0x80, $0x38;
	[tilespmem:$0x9100] =	vst v63  }
0x70: {  	s10 =	simm.s32 $0x7200;
	s12 =	sld [smem:$0x7FC]  }
0x71: {  	[tilespmem:s10], [sflag:$0x2] =	stream.linear.gather [hbm4b:s9+s15], $0x80, $0x38;
	[tilespmem:$0x9100] =	vst v63  }
0x72: {  	s13 =	simm.s32 $0x7600;
	s21 =	sld [smem:$0x7FD]  }
0x73: {  	[tilespmem:s13], [sflag:$0x2] =	stream.linear.gather [hbm4b:s12+s15], $0x80, $0x38;
	[tilespmem:$0x9100] =	vst v63  }
0x74: {  	s0 =	simm.s32 $0x1;
	s22 =	simm.s32 $0x7A00  }
0x75: {  	[tilespmem:s22], [sflag:$0x2] =	stream.linear.gather [hbm4b:s21+s15], $0x80, $0x38;
	[tilespmem:$0x9100] =	vst v63  }
0x76: {  	_ =	swait.ge [sflag:s0], $0x280  }
0x77: {  	[sflag:s0] =	ssyncset.done $0x0  }
0x78: {  	s24 =	simm.s32 $0x500;
	[sflag:s0] =	ssyncadd.s32 $0xFFFFFD80  }
0x79: {  	[tilespmem:s24], [sflag:$0x3] =	stream.indirect.gather [hbm4b:s1+s30], $0x1, s15, s30, $0xb8;
	[tilespmem:$0x9100] =	vst v63  }
0x7a: {  	s25 =	simm.s32 $0x580  }
0x7b: {  	[tilespmem:s25], [sflag:$0x3] =	stream.indirect.gather [hbm4b:s2+s30], $0x1, s15, s30, $0xb8;
	[tilespmem:$0x9100] =	vst v63  }
0x7c: {  	s26 =	simm.s32 $0x600  }
0x7d: {  	[tilespmem:s26], [sflag:$0x3] =	stream.indirect.gather [hbm4b:s3+s30], $0x1, s15, s30, $0xb8;
	[tilespmem:$0x9100] =	vst v63  }
0x7e: {  	s23 =	simm.s32 $0x100;
	s28 =	simm.s32 $0x900  }
0x7f: {  	[tilespmem:s28], [sflag:$0x3] =	stream.indirect.gather [hbm4b:s1+s30], $0x1, s23, s30, $0xb8;
	[tilespmem:$0x9100] =	vst v63  }
0x80: {  	s29 =	simm.s32 $0x980  }
0x81: {  	[tilespmem:s29], [sflag:$0x3] =	stream.indirect.gather [hbm4b:s2+s30], $0x1, s23, s30, $0xb8;
	[tilespmem:$0x9100] =	vst v63  }
0x82: {  	s31 =	simm.s32 $0xA00  }
0x83: {  	[tilespmem:s31], [sflag:$0x3] =	stream.indirect.gather [hbm4b:s3+s30], $0x1, s23, s30, $0xb8;
	[tilespmem:$0x9100] =	vst v63  }
0x84: {  	s9 =	simm.s32 $0x200;
	s13 =	simm.s32 $0xD00  }
0x85: {  	[tilespmem:s13], [sflag:$0x3] =	stream.indirect.gather [hbm4b:s1+s30], $0x1, s9, s30, $0xb8;
	[tilespmem:$0x9100] =	vst v63  }
0x86: {  	s7 =	simm.s32 $0xD80  }
0x87: {  	[tilespmem:s7], [sflag:$0x3] =	stream.indirect.gather [hbm4b:s2+s30], $0x1, s9, s30, $0xb8;
	[tilespmem:$0x9100] =	vst v63  }
0x88: {  	s8 =	simm.s32 $0xE00  }
0x89: {  	[tilespmem:s8], [sflag:$0x3] =	stream.indirect.gather [hbm4b:s3+s30], $0x1, s9, s30, $0xb8;
	[tilespmem:$0x9100] =	vst v63  }
0x8a: {  	s12 =	simm.s32 $0x300;
	s9 =	simm.s32 $0x1100  }
0x8b: {  	[tilespmem:s9], [sflag:$0x3] =	stream.indirect.gather [hbm4b:s1+s30], $0x1, s12, s30, $0xb8;
	[tilespmem:$0x9100] =	vst v63  }
0x8c: {  	s10 =	simm.s32 $0x1180  }
0x8d: {  	[tilespmem:s10], [sflag:$0x3] =	stream.indirect.gather [hbm4b:s2+s30], $0x1, s12, s30, $0xb8;
	[tilespmem:$0x9100] =	vst v63  }
0x8e: {  	_ = 	snop  }
0x8f: {  	[tilespmem:s11], [sflag:$0x3] =	stream.indirect.gather [hbm4b:s3+s30], $0x1, s12, s30, $0xb8;
	[tilespmem:$0x9100] =	vst v63  }
0x90: {  	s23 =	smov.u32 s14;
	s14 =	simm.s32 $0x400;
	s12 =	simm.s32 $0x1500  }
0x91: {  	[tilespmem:s12], [sflag:$0x3] =	stream.indirect.gather [hbm4b:s1+s30], $0x1, s14, s30, $0xb8;
	[tilespmem:$0x9100] =	vst v63  }
0x92: {  	s21 =	simm.s32 $0x1580  }
0x93: {  	[tilespmem:s21], [sflag:$0x3] =	stream.indirect.gather [hbm4b:s2+s30], $0x1, s14, s30, $0xb8;
	[tilespmem:$0x9100] =	vst v63  }
0x94: {  	s22 =	simm.s32 $0x1600  }
0x95: {  	[tilespmem:s22], [sflag:$0x3] =	stream.indirect.gather [hbm4b:s3+s30], $0x1, s14, s30, $0xb8;
	[tilespmem:$0x9100] =	vst v63  }
0x96: {  	_ =	swait.ge [sflag:s19], $0x80  }
0x97: {  	[sflag:s19] =	ssyncset.done $0x0  }
0x98: {  	[sflag:s19] =	ssyncadd.s32 $0xFFFFFF80  }
0x99: {  	_ =	swait.ge [sflag:s19], $0x80  }
0x9a: {  	[sflag:s19] =	ssyncset.done $0x0  }
0x9b: {  	[sflag:s19] =	ssyncadd.s32 $0xFFFFFF80  }
0x9c: {  	_ =	swait.ge [sflag:s19], $0x80  }
0x9d: {  	[sflag:s19] =	ssyncset.done $0x0  }
0x9e: {  	[sflag:s19] =	ssyncadd.s32 $0xFFFFFF80  }
0x9f: {  	_ =	swait.ge [sflag:s19], $0x80  }
0xa0: {  	[sflag:s19] =	ssyncset.done $0x0  }
0xa1: {  	[sflag:s19] =	ssyncadd.s32 $0xFFFFFF80  }
0xa2: {  	_ =	swait.ge [sflag:s19], $0x80  }
0xa3: {  	[sflag:s19] =	ssyncset.done $0x0  }
0xa4: {  	[sflag:s19] =	ssyncadd.s32 $0xFFFFFF80  }
0xa5: {  	_ =	swait.ge [sflag:s19], $0x80  }
0xa6: {  	[sflag:s19] =	ssyncset.done $0x0  }
0xa7: {  	[sflag:s19] =	ssyncadd.s32 $0xFFFFFF80  }
0xa8: {  	_ =	swait.ge [sflag:s19], $0x80  }
0xa9: {  	[sflag:s19] =	ssyncset.done $0x0  }
0xaa: {  	[sflag:s19] =	ssyncadd.s32 $0xFFFFFF80  }
0xab: {  	_ =	swait.ge [sflag:s19], $0x80  }
0xac: {  	[sflag:s19] =	ssyncset.done $0x0  }
0xad: {  	[sflag:s19] =	ssyncadd.s32 $0xFFFFFF80  }
0xae: {  	_ =	swait.ge [sflag:s19], $0x80  }
0xaf: {  	[sflag:s19] =	ssyncset.done $0x0  }
0xb0: {  	[sflag:s19] =	ssyncadd.s32 $0xFFFFFF80  }
0xb1: {  	_ =	swait.ge [sflag:s19], $0x80  }
0xb2: {  	[sflag:s19] =	ssyncset.done $0x0  }
0xb3: {  	[sflag:s19] =	ssyncadd.s32 $0xFFFFFF80  }
0xb4: {  	_ =	swait.ge [sflag:s19], $0x80  }
0xb5: {  	[sflag:s19] =	ssyncset.done $0x0  }
0xb6: {  	[sflag:s19] =	ssyncadd.s32 $0xFFFFFF80  }
0xb7: {  	_ =	swait.ge [sflag:s19], $0x80  }
0xb8: {  	[sflag:s19] =	ssyncset.done $0x0  }
0xb9: {  	[sflag:s19] =	ssyncadd.s32 $0xFFFFFF80  }
0xba: {  	_ =	swait.ge [sflag:s19], $0x80  }
0xbb: {  	[sflag:s19] =	ssyncset.done $0x0  }
0xbc: {  	[sflag:s19] =	ssyncadd.s32 $0xFFFFFF80  }
0xbd: {  	_ =	swait.ge [sflag:s19], $0x80  }
0xbe: {  	[sflag:s19] =	ssyncset.done $0x0  }
0xbf: {  	[sflag:s19] =	ssyncadd.s32 $0xFFFFFF80  }
0xc0: {  	_ =	swait.ge [sflag:s19], $0x80  }
0xc1: {  	[sflag:s19] =	ssyncset.done $0x0  }
0xc2: {  	s14 =	simm.s32 $0x2D00;
	[sflag:s19] =	ssyncadd.s32 $0xFFFFFF80  }
0xc3: {  	[tilespmem:s14], [sflag:$0x4] =	stream.indirect.gather [hbm4b:s4+s30], $0x1, s24, s30, $0xb8;
	[tilespmem:$0x9100] =	vst v63  }
0xc4: {  	s14 =	simm.s32 $0x2D80  }
0xc5: {  	[tilespmem:s14], [sflag:$0x4] =	stream.indirect.gather [hbm4b:s5+s30], $0x1, s24, s30, $0xb8;
	[tilespmem:$0x9100] =	vst v63  }
0xc6: {  	s14 =	simm.s32 $0x2E00  }
0xc7: {  	[tilespmem:s14], [sflag:$0x4] =	stream.indirect.gather [hbm4b:s6+s30], $0x1, s24, s30, $0xb8;
	[tilespmem:$0x9100] =	vst v63  }
0xc8: {  	s24 =	simm.s32 $0x2E80  }
0xc9: {  	[tilespmem:s24], [sflag:$0x4] =	stream.indirect.gather [hbm4b:s4+s30], $0x1, s25, s30, $0xb8;
	[tilespmem:$0x9100] =	vst v63  }
0xca: {  	s24 =	simm.s32 $0x2F00  }
0xcb: {  	[tilespmem:s24], [sflag:$0x4] =	stream.indirect.gather [hbm4b:s5+s30], $0x1, s25, s30, $0xb8;
	[tilespmem:$0x9100] =	vst v63  }
0xcc: {  	s24 =	simm.s32 $0x2F80  }
0xcd: {  	[tilespmem:s24], [sflag:$0x4] =	stream.indirect.gather [hbm4b:s6+s30], $0x1, s25, s30, $0xb8;
	[tilespmem:$0x9100] =	vst v63  }
0xce: {  	s25 =	simm.s32 $0x3000  }
0xcf: {  	[tilespmem:s25], [sflag:$0x4] =	stream.indirect.gather [hbm4b:s4+s30], $0x1, s26, s30, $0xb8;
	[tilespmem:$0x9100] =	vst v63  }
0xd0: {  	s24 =	simm.s32 $0x3080  }
0xd1: {  	[tilespmem:s24], [sflag:$0x4] =	stream.indirect.gather [hbm4b:s5+s30], $0x1, s26, s30, $0xb8;
	[tilespmem:$0x9100] =	vst v63  }
0xd2: {  	s25 =	simm.s32 $0x4100  }
0xd3: {  	[tilespmem:s25], [sflag:$0x4] =	stream.indirect.gather [hbm4b:s6+s30], $0x1, s26, s30, $0xb8;
	[tilespmem:$0x9100] =	vst v63  }
0xd4: {  	s26 =	simm.s32 $0x3100  }
0xd5: {  	[tilespmem:s26], [sflag:$0x4] =	stream.indirect.gather [hbm4b:s4+s30], $0x1, s28, s30, $0xb8;
	[tilespmem:$0x9100] =	vst v63  }
0xd6: {  	s24 =	simm.s32 $0x3180  }
0xd7: {  	[tilespmem:s24], [sflag:$0x4] =	stream.indirect.gather [hbm4b:s5+s30], $0x1, s28, s30, $0xb8;
	[tilespmem:$0x9100] =	vst v63  }
0xd8: {  	s25 =	simm.s32 $0x3200  }
0xd9: {  	[tilespmem:s25], [sflag:$0x4] =	stream.indirect.gather [hbm4b:s6+s30], $0x1, s28, s30, $0xb8;
	[tilespmem:$0x9100] =	vst v63  }
0xda: {  	s26 =	simm.s32 $0x3280  }
0xdb: {  	[tilespmem:s26], [sflag:$0x4] =	stream.indirect.gather [hbm4b:s4+s30], $0x1, s29, s30, $0xb8;
	[tilespmem:$0x9100] =	vst v63  }
0xdc: {  	s28 =	simm.s32 $0x3300  }
0xdd: {  	[tilespmem:s28], [sflag:$0x4] =	stream.indirect.gather [hbm4b:s5+s30], $0x1, s29, s30, $0xb8;
	[tilespmem:$0x9100] =	vst v63  }
0xde: {  	s24 =	simm.s32 $0x3380  }
0xdf: {  	[tilespmem:s24], [sflag:$0x4] =	stream.indirect.gather [hbm4b:s6+s30], $0x1, s29, s30, $0xb8;
	[tilespmem:$0x9100] =	vst v63  }
0xe0: {  	s25 =	simm.s32 $0x3400  }
0xe1: {  	[tilespmem:s25], [sflag:$0x4] =	stream.indirect.gather [hbm4b:s4+s30], $0x1, s31, s30, $0xb8;
	[tilespmem:$0x9100] =	vst v63  }
0xe2: {  	s26 =	simm.s32 $0x3480  }
0xe3: {  	[tilespmem:s26], [sflag:$0x4] =	stream.indirect.gather [hbm4b:s5+s30], $0x1, s31, s30, $0xb8;
	[tilespmem:$0x9100] =	vst v63  }
0xe4: {  	s28 =	simm.s32 $0x4500  }
0xe5: {  	[tilespmem:s28], [sflag:$0x4] =	stream.indirect.gather [hbm4b:s6+s30], $0x1, s31, s30, $0xb8;
	[tilespmem:$0x9100] =	vst v63  }
0xe6: {  	s29 =	simm.s32 $0x3500  }
0xe7: {  	[tilespmem:s29], [sflag:$0x4] =	stream.indirect.gather [hbm4b:s4+s30], $0x1, s13, s30, $0xb8;
	[tilespmem:$0x9100] =	vst v63  }
0xe8: {  	s24 =	simm.s32 $0x3580  }
0xe9: {  	[tilespmem:s24], [sflag:$0x4] =	stream.indirect.gather [hbm4b:s5+s30], $0x1, s13, s30, $0xb8;
	[tilespmem:$0x9100] =	vst v63  }
0xea: {  	s25 =	simm.s32 $0x3600  }
0xeb: {  	[tilespmem:s25], [sflag:$0x4] =	stream.indirect.gather [hbm4b:s6+s30], $0x1, s13, s30, $0xb8;
	[tilespmem:$0x9100] =	vst v63  }
0xec: {  	s26 =	simm.s32 $0x3680  }
0xed: {  	[tilespmem:s26], [sflag:$0x4] =	stream.indirect.gather [hbm4b:s4+s30], $0x1, s7, s30, $0xb8;
	[tilespmem:$0x9100] =	vst v63  }
0xee: {  	s28 =	simm.s32 $0x3700  }
0xef: {  	[tilespmem:s28], [sflag:$0x4] =	stream.indirect.gather [hbm4b:s5+s30], $0x1, s7, s30, $0xb8;
	[tilespmem:$0x9100] =	vst v63  }
0xf0: {  	s29 =	simm.s32 $0x3780  }
0xf1: {  	[tilespmem:s29], [sflag:$0x4] =	stream.indirect.gather [hbm4b:s6+s30], $0x1, s7, s30, $0xb8;
	[tilespmem:$0x9100] =	vst v63  }
0xf2: {  	s24 =	simm.s32 $0x3800  }
0xf3: {  	[tilespmem:s24], [sflag:$0x4] =	stream.indirect.gather [hbm4b:s4+s30], $0x1, s8, s30, $0xb8;
	[tilespmem:$0x9100] =	vst v63  }
0xf4: {  	s25 =	simm.s32 $0x3880  }
0xf5: {  	[tilespmem:s25], [sflag:$0x4] =	stream.indirect.gather [hbm4b:s5+s30], $0x1, s8, s30, $0xb8;
	[tilespmem:$0x9100] =	vst v63  }
0xf6: {  	s26 =	simm.s32 $0x4900  }
0xf7: {  	[tilespmem:s26], [sflag:$0x4] =	stream.indirect.gather [hbm4b:s6+s30], $0x1, s8, s30, $0xb8;
	[tilespmem:$0x9100] =	vst v63  }
0xf8: {  	s28 =	simm.s32 $0x3900  }
0xf9: {  	[tilespmem:s28], [sflag:$0x4] =	stream.indirect.gather [hbm4b:s4+s30], $0x1, s9, s30, $0xb8;
	[tilespmem:$0x9100] =	vst v63  }
0xfa: {  	s29 =	simm.s32 $0x3980  }
0xfb: {  	[tilespmem:s29], [sflag:$0x4] =	stream.indirect.gather [hbm4b:s5+s30], $0x1, s9, s30, $0xb8;
	[tilespmem:$0x9100] =	vst v63  }
0xfc: {  	s8 =	simm.s32 $0x3A00  }
0xfd: {  	[tilespmem:s8], [sflag:$0x4] =	stream.indirect.gather [hbm4b:s6+s30], $0x1, s9, s30, $0xb8;
	[tilespmem:$0x9100] =	vst v63  }
0xfe: {  	s9 =	simm.s32 $0x3A80  }
0xff: {  	[tilespmem:s9], [sflag:$0x4] =	stream.indirect.gather [hbm4b:s4+s30], $0x1, s10, s30, $0xb8;
	[tilespmem:$0x9100] =	vst v63  }
0x100: {  	s14 =	smov.u32 s23;
	s23 =	simm.s32 $0x3B00  }
0x101: {  	[tilespmem:s23], [sflag:$0x4] =	stream.indirect.gather [hbm4b:s5+s30], $0x1, s10, s30, $0xb8;
	[tilespmem:$0x9100] =	vst v63  }
0x102: {  	s24 =	simm.s32 $0x3B80  }
0x103: {  	[tilespmem:s24], [sflag:$0x4] =	stream.indirect.gather [hbm4b:s6+s30], $0x1, s10, s30, $0xb8;
	[tilespmem:$0x9100] =	vst v63  }
0x104: {  	s25 =	simm.s32 $0x3C00  }
0x105: {  	[tilespmem:s25], [sflag:$0x4] =	stream.indirect.gather [hbm4b:s4+s30], $0x1, s11, s30, $0xb8;
	[tilespmem:$0x9100] =	vst v63  }
0x106: {  	s26 =	simm.s32 $0x3C80  }
0x107: {  	[tilespmem:s26], [sflag:$0x4] =	stream.indirect.gather [hbm4b:s5+s30], $0x1, s11, s30, $0xb8;
	[tilespmem:$0x9100] =	vst v63  }
0x108: {  	s28 =	simm.s32 $0x4D00  }
0x109: {  	[tilespmem:s28], [sflag:$0x4] =	stream.indirect.gather [hbm4b:s6+s30], $0x1, s11, s30, $0xb8;
	[tilespmem:$0x9100] =	vst v63  }
0x10a: {  	s29 =	simm.s32 $0x3D00  }
0x10b: {  	[tilespmem:s29], [sflag:$0x4] =	stream.indirect.gather [hbm4b:s4+s30], $0x1, s12, s30, $0xb8;
	[tilespmem:$0x9100] =	vst v63  }
0x10c: {  	s8 =	simm.s32 $0x3D80  }
0x10d: {  	[tilespmem:s8], [sflag:$0x4] =	stream.indirect.gather [hbm4b:s5+s30], $0x1, s12, s30, $0xb8;
	[tilespmem:$0x9100] =	vst v63  }
0x10e: {  	s9 =	simm.s32 $0x3E00  }
0x10f: {  	[tilespmem:s9], [sflag:$0x4] =	stream.indirect.gather [hbm4b:s6+s30], $0x1, s12, s30, $0xb8;
	[tilespmem:$0x9100] =	vst v63  }
0x110: {  	s10 =	simm.s32 $0x3E80  }
0x111: {  	[tilespmem:s10], [sflag:$0x4] =	stream.indirect.gather [hbm4b:s4+s30], $0x1, s21, s30, $0xb8;
	[tilespmem:$0x9100] =	vst v63  }
0x112: {  	s12 =	simm.s32 $0x3F00  }
0x113: {  	[tilespmem:s12], [sflag:$0x4] =	stream.indirect.gather [hbm4b:s5+s30], $0x1, s21, s30, $0xb8;
	[tilespmem:$0x9100] =	vst v63  }
0x114: {  	s23 =	simm.s32 $0x3F80  }
0x115: {  	[tilespmem:s23], [sflag:$0x4] =	stream.indirect.gather [hbm4b:s6+s30], $0x1, s21, s30, $0xb8;
	[tilespmem:$0x9100] =	vst v63  }
0x116: {  	s24 =	simm.s32 $0x4000  }
0x117: {  	[tilespmem:s24], [sflag:$0x4] =	stream.indirect.gather [hbm4b:s4+s30], $0x1, s22, s30, $0xb8;
	[tilespmem:$0x9100] =	vst v63  }
0x118: {  	s25 =	simm.s32 $0x4080  }
0x119: {  	[tilespmem:s25], [sflag:$0x4] =	stream.indirect.gather [hbm4b:s5+s30], $0x1, s22, s30, $0xb8;
	[tilespmem:$0x9100] =	vst v63  }
0x11a: {  	s26 =	simm.s32 $0x5100  }
0x11b: {  	[tilespmem:s26], [sflag:$0x4] =	stream.indirect.gather [hbm4b:s6+s30], $0x1, s22, s30, $0xb8;
	[tilespmem:$0x9100] =	vst v63  }
0x11c: {  	s13 =	rddreg [dreg:$0xb];
	_ =	swait.ge [sflag:s0], $0x280  }
0x11d: {  	[sflag:s0] =	ssyncset.done $0x0  }
0x11e: {  	s28 =	simm.s32 $0x680;
	[sflag:s0] =	ssyncadd.s32 $0xFFFFFD80  }
0x11f: {  	[tilespmem:s28], [sflag:$0x3] =	stream.indirect.gather [hbm4b:s1+s30], $0x1, s30, s30, $0xb8;
	[tilespmem:$0x9100] =	vst v63  }
0x120: {  	s29 =	simm.s32 $0x700  }
0x121: {  	[tilespmem:s29], [sflag:$0x3] =	stream.indirect.gather [hbm4b:s2+s30], $0x1, s30, s30, $0xb8;
	[tilespmem:$0x9100] =	vst v63  }
0x122: {  	s7 =	simm.s32 $0x780  }
0x123: {  	[tilespmem:s7], [sflag:$0x3] =	stream.indirect.gather [hbm4b:s3+s30], $0x1, s30, s30, $0xb8;
	[tilespmem:$0x9100] =	vst v63  }
0x124: {  	s8 =	simm.s32 $0xA80;
	s9 =	simm.s32 $0x180  }
0x125: {  	[tilespmem:s8], [sflag:$0x3] =	stream.indirect.gather [hbm4b:s1+s30], $0x1, s9, s30, $0xb8;
	[tilespmem:$0x9100] =	vst v63  }
0x126: {  	s10 =	simm.s32 $0xB00  }
0x127: {  	[tilespmem:s10], [sflag:$0x3] =	stream.indirect.gather [hbm4b:s2+s30], $0x1, s9, s30, $0xb8;
	[tilespmem:$0x9100] =	vst v63  }
0x128: {  	s12 =	simm.s32 $0xB80  }
0x129: {  	[tilespmem:s12], [sflag:$0x3] =	stream.indirect.gather [hbm4b:s3+s30], $0x1, s9, s30, $0xb8;
	[tilespmem:$0x9100] =	vst v63  }
0x12a: {  	s21 =	simm.s32 $0xE80;
	s22 =	simm.s32 $0x280  }
0x12b: {  	[tilespmem:s21], [sflag:$0x3] =	stream.indirect.gather [hbm4b:s1+s30], $0x1, s22, s30, $0xb8;
	[tilespmem:$0x9100] =	vst v63  }
0x12c: {  	s23 =	simm.s32 $0xF00  }
0x12d: {  	[tilespmem:s23], [sflag:$0x3] =	stream.indirect.gather [hbm4b:s2+s30], $0x1, s22, s30, $0xb8;
	[tilespmem:$0x9100] =	vst v63  }
0x12e: {  	s24 =	simm.s32 $0xF80  }
0x12f: {  	[tilespmem:s24], [sflag:$0x3] =	stream.indirect.gather [hbm4b:s3+s30], $0x1, s22, s30, $0xb8;
	[tilespmem:$0x9100] =	vst v63  }
0x130: {  	s25 =	simm.s32 $0x1280;
	s26 =	simm.s32 $0x380  }
0x131: {  	[tilespmem:s25], [sflag:$0x3] =	stream.indirect.gather [hbm4b:s1+s30], $0x1, s26, s30, $0xb8;
	[tilespmem:$0x9100] =	vst v63  }
0x132: {  	s28 =	simm.s32 $0x1300  }
0x133: {  	[tilespmem:s28], [sflag:$0x3] =	stream.indirect.gather [hbm4b:s2+s30], $0x1, s26, s30, $0xb8;
	[tilespmem:$0x9100] =	vst v63  }
0x134: {  	s29 =	simm.s32 $0x1380  }
0x135: {  	[tilespmem:s29], [sflag:$0x3] =	stream.indirect.gather [hbm4b:s3+s30], $0x1, s26, s30, $0xb8;
	[tilespmem:$0x9100] =	vst v63  }
0x136: {  	s7 =	simm.s32 $0x1680;
	s8 =	simm.s32 $0x480  }
0x137: {  	[tilespmem:s7], [sflag:$0x3] =	stream.indirect.gather [hbm4b:s1+s30], $0x1, s8, s30, $0xb8;
	[tilespmem:$0x9100] =	vst v63  }
0x138: {  	s9 =	simm.s32 $0x1700  }
0x139: {  	[tilespmem:s9], [sflag:$0x3] =	stream.indirect.gather [hbm4b:s2+s30], $0x1, s8, s30, $0xb8;
	[tilespmem:$0x9100] =	vst v63  }
0x13a: {  	s10 =	simm.s32 $0x1780  }
0x13b: {  	[tilespmem:s10], [sflag:$0x3] =	stream.indirect.gather [hbm4b:s3+s30], $0x1, s8, s30, $0xb8;
	[tilespmem:$0x9100] =	vst v63  }
0x13c: {  	s12 =	rddreg [dreg:$0x13]  }
0x13d: {  	[tilespmem:s15], [sflag:$0x1] =	stream.linear.gather [hbm4b:s12+s15], $0x80, $0x38;
	[tilespmem:$0x9100] =	vst v63  }
0x13e: {  	s21 =	sadd.s32 $0x10, s12;
	s22 =	simm.s32 $0x100  }
0x13f: {  	[tilespmem:s22], [sflag:$0x1] =	stream.linear.gather [hbm4b:s21+s15], $0x80, $0x38;
	[tilespmem:$0x9100] =	vst v63  }
0x140: {  	s23 =	sadd.s32 $0x20, s12;
	s24 =	simm.s32 $0x200  }
0x141: {  	[tilespmem:s24], [sflag:$0x1] =	stream.linear.gather [hbm4b:s23+s15], $0x80, $0x38;
	[tilespmem:$0x9100] =	vst v63  }
.Ltmp2:
0x142: {  	_ = 	snop;
	(pc) =	sbr.rel .LBB2_2-.Ltmp2, $4  }
0x143: {  	s25 =	sadd.s32 $0x30, s12;
	s26 =	simm.s32 $0x300  }
0x144: {  	[tilespmem:s26], [sflag:$0x1] =	stream.linear.gather [hbm4b:s25+s15], $0x80, $0x38;
	[tilespmem:$0x9100] =	vst v63  }
0x145: {  	s31 =	simm.s32 $0x0;
	s28 =	sadd.s32 $0x40, s12;
	s29 =	simm.s32 $0x400  }
0x146: {  	[tilespmem:s29], [sflag:$0x1] =	stream.linear.gather [hbm4b:s28+s15], $0x80, $0x38;
	[tilespmem:$0x9100] =	vst v63  }
.LBB2_11:
0x147: {  	s0 =	sshll.u32 s31, $0x5  }
0x148: {  	s7 =	smul.u32 $0x600, s9;
	s0 =	sor.u32 s16, s0  }
0x149: {  	s0 =	smul.u32 $0x280, s0;
	_ =	sdelay $0x1  }
0x14a: {  	s8 =	rddreg [dreg:$0xa];
	s7 =	sshrl.u32 s7, $0x2;
	s0 =	sshrl.u32 s0, $0x3  }
0x14b: {  	s23 =	sadd.s32 $0x7D00, s7;
	s8 =	sadd.s32 s8, s0  }
0x14c: {  	[hbm4b:s8+s15] =	stream.linear.scatter [tilespmem:s23], [sflag:$0x5], $0x80, $0x38;
	[tilespmem:$0x9100] =	vst v63  }
0x14d: {  	s24 =	sadd.s32 $0x8100, s7;
	s10 =	sadd.s32 $0x10, s8  }
0x14e: {  	[hbm4b:s10+s15] =	stream.linear.scatter [tilespmem:s24], [sflag:$0x5], $0x80, $0x38;
	[tilespmem:$0x9100] =	vst v63  }
0x14f: {  	s25 =	sadd.s32 $0x8500, s7;
	s26 =	sadd.s32 $0x20, s8  }
0x150: {  	[hbm4b:s26+s15] =	stream.linear.scatter [tilespmem:s25], [sflag:$0x5], $0x80, $0x38;
	[tilespmem:$0x9100] =	vst v63  }
0x151: {  	s28 =	sadd.s32 $0x8900, s7;
	s29 =	sadd.s32 $0x30, s8  }
0x152: {  	[hbm4b:s29+s15] =	stream.linear.scatter [tilespmem:s28], [sflag:$0x5], $0x80, $0x38;
	[tilespmem:$0x9100] =	vst v63  }
0x153: {  	s21 =	sadd.s32 $0x8D00, s7;
	s8 =	sadd.s32 $0x40, s8  }
0x154: {  	[hbm4b:s8+s15] =	stream.linear.scatter [tilespmem:s21], [sflag:$0x5], $0x80, $0x38;
	[tilespmem:$0x9100] =	vst v63  }
0x155: {  	s22 =	sadd.s32 $0x7D80, s7;
	s8 =	sadd.s32 s13, s0  }
0x156: {  	[hbm4b:s8+s15] =	stream.linear.scatter [tilespmem:s22], [sflag:$0x5], $0x80, $0x38;
	[tilespmem:$0x9100] =	vst v63  }
0x157: {  	s23 =	sadd.s32 $0x8180, s7;
	s24 =	sadd.s32 $0x10, s8  }
0x158: {  	[hbm4b:s24+s15] =	stream.linear.scatter [tilespmem:s23], [sflag:$0x5], $0x80, $0x38;
	[tilespmem:$0x9100] =	vst v63  }
0x159: {  	s25 =	sadd.s32 $0x8580, s7;
	s26 =	sadd.s32 $0x20, s8  }
0x15a: {  	[hbm4b:s26+s15] =	stream.linear.scatter [tilespmem:s25], [sflag:$0x5], $0x80, $0x38;
	[tilespmem:$0x9100] =	vst v63  }
0x15b: {  	s28 =	sadd.s32 $0x8980, s7;
	s29 =	sadd.s32 $0x30, s8  }
0x15c: {  	[hbm4b:s29+s15] =	stream.linear.scatter [tilespmem:s28], [sflag:$0x5], $0x80, $0x38;
	[tilespmem:$0x9100] =	vst v63  }
0x15d: {  	s21 =	sadd.s32 $0x8D80, s7;
	s8 =	sadd.s32 $0x40, s8  }
0x15e: {  	[hbm4b:s8+s15] =	stream.linear.scatter [tilespmem:s21], [sflag:$0x5], $0x80, $0x38;
	[tilespmem:$0x9100] =	vst v63  }
0x15f: {  	s0 =	sadd.s32 s14, s0;
	s22 =	sor.u32 $0x7E00, s7  }
0x160: {  	[hbm4b:s0+s15] =	stream.linear.scatter [tilespmem:s22], [sflag:$0x5], $0x80, $0x38;
	[tilespmem:$0x9100] =	vst v63  }
0x161: {  	s23 =	sor.u32 $0x8200, s7;
	s24 =	sadd.s32 $0x10, s0  }
0x162: {  	[hbm4b:s24+s15] =	stream.linear.scatter [tilespmem:s23], [sflag:$0x5], $0x80, $0x38;
	[tilespmem:$0x9100] =	vst v63  }
0x163: {  	p0 =	sne.s32 s12, s17;
	s25 =	sor.u32 $0x8600, s7;
	s26 =	sadd.s32 $0x20, s0  }
0x164: {  	[hbm4b:s26+s15] =	stream.linear.scatter [tilespmem:s25], [sflag:$0x5], $0x80, $0x38;
	[tilespmem:$0x9100] =	vst v63  }
.Ltmp3:
0x165: {  	_ = 	snop;
	(pc) =	sbr.rel @!p0 .LBB2_12-.Ltmp3, $4  }
0x166: {  	s28 =	sor.u32 $0x8A00, s7;
	s29 =	sadd.s32 $0x30, s0  }
0x167: {  	[hbm4b:s29+s15] =	stream.linear.scatter [tilespmem:s28], [sflag:$0x5], $0x80, $0x38;
	[tilespmem:$0x9100] =	vst v63  }
0x168: {  	s31 =	smov.u32 s12;
	s7 =	sor.u32 $0x8E00, s7;
	s0 =	sadd.s32 $0x40, s0  }
0x169: {  	[hbm4b:s0+s15] =	stream.linear.scatter [tilespmem:s7], [sflag:$0x5], $0x80, $0x38;
	[tilespmem:$0x9100] =	vst v63  }
.LBB2_2:
0x16a: {  	s12 =	sadd.s32 $0x1, s31  }
0x16b: {  	p0 =	sge.u32 s12, s17  }
.Ltmp4:
0x16c: {  	_ = 	snop;
	(pc) =	sbr.rel @p0 .LBB2_4-.Ltmp4, $1  }
0x16d: {  	_ =	sdelay $0x3  }
0x16e: {  	_ =	swait.ge [sflag:s19], $0x80  }
0x16f: {  	[sflag:s19] =	ssyncset.done $0x0  }
0x170: {  	[sflag:s19] =	ssyncadd.s32 $0xFFFFFF80  }
0x171: {  	_ =	swait.ge [sflag:s19], $0x80  }
0x172: {  	[sflag:s19] =	ssyncset.done $0x0  }
0x173: {  	[sflag:s19] =	ssyncadd.s32 $0xFFFFFF80  }
0x174: {  	_ =	swait.ge [sflag:s19], $0x80  }
0x175: {  	[sflag:s19] =	ssyncset.done $0x0  }
0x176: {  	[sflag:s19] =	ssyncadd.s32 $0xFFFFFF80  }
0x177: {  	_ =	swait.ge [sflag:s19], $0x80  }
0x178: {  	[sflag:s19] =	ssyncset.done $0x0  }
0x179: {  	[sflag:s19] =	ssyncadd.s32 $0xFFFFFF80  }
0x17a: {  	_ =	swait.ge [sflag:s19], $0x80  }
0x17b: {  	[sflag:s19] =	ssyncset.done $0x0  }
0x17c: {  	[sflag:s19] =	ssyncadd.s32 $0xFFFFFF80  }
0x17d: {  	_ =	swait.ge [sflag:s19], $0x80  }
0x17e: {  	[sflag:s19] =	ssyncset.done $0x0  }
0x17f: {  	[sflag:s19] =	ssyncadd.s32 $0xFFFFFF80  }
0x180: {  	_ =	swait.ge [sflag:s19], $0x80  }
0x181: {  	[sflag:s19] =	ssyncset.done $0x0  }
0x182: {  	[sflag:s19] =	ssyncadd.s32 $0xFFFFFF80  }
0x183: {  	_ =	swait.ge [sflag:s19], $0x80  }
0x184: {  	[sflag:s19] =	ssyncset.done $0x0  }
0x185: {  	[sflag:s19] =	ssyncadd.s32 $0xFFFFFF80  }
0x186: {  	_ =	swait.ge [sflag:s19], $0x80  }
0x187: {  	[sflag:s19] =	ssyncset.done $0x0  }
0x188: {  	[sflag:s19] =	ssyncadd.s32 $0xFFFFFF80  }
0x189: {  	_ =	swait.ge [sflag:s19], $0x80  }
0x18a: {  	[sflag:s19] =	ssyncset.done $0x0  }
0x18b: {  	s7 =	smulhi.u32 $0xAAAAAAAB, s12;
	s8 =	sand.u32 $0x1, s12;
	[sflag:s19] =	ssyncadd.s32 $0xFFFFFF80  }
0x18c: {  	p0 =	seq.s32 s8, $0x1;
	_ =	swait.ge [sflag:s19], $0x80  }
0x18d: {  	s9 =	sshrl.u32 s7, $0x1;
	s7 =	simm.s32 $0x9;
	[sflag:s19] =	ssyncset.done $0x0  }
0x18e: {  	s7 =	simm.s32 @!p0 $0x0;
	[sflag:s19] =	ssyncadd.s32 $0xFFFFFF80  }
0x18f: {  	s26 =	smul.u32 $0x3, s9;
	s28 =	sshrl.u32 s7, $0x3;
	_ =	swait.ge [sflag:s19], $0x80  }
0x190: {  	s23 =	sshll.u32 s7, $0x7;
	s25 =	sadd.s32 $0x1, s7;
	[sflag:s19] =	ssyncset.done $0x0  }
0x191: {  	s8 =	ssub.s32 s12, s26;
	s9 =	smul.u32 $0x5000, s28;
	[sflag:s19] =	ssyncadd.s32 $0xFFFFFF80  }
0x192: {  	s10 =	sand.u32 $0x80, s23;
	s29 =	sshrl.u32 s25, $0x3;
	_ =	swait.ge [sflag:s19], $0x80  }
0x193: {  	s28 =	sadd.s32 $0x3, s7;
	s24 =	smul.u32 $0x3, s8;
	[sflag:s19] =	ssyncset.done $0x0  }
0x194: {  	s26 =	sshll.u32 s25, $0x7;
	s8 =	smul.u32 $0x180, s8;
	[sflag:s19] =	ssyncadd.s32 $0xFFFFFF80  }
0x195: {  	s23 =	smul.u32 $0x5000, s29;
	s29 =	sadd.s32 $0x5, s7;
	_ =	swait.ge [sflag:s19], $0x80  }
0x196: {  	s26 =	sand.u32 $0x180, s26;
	s9 =	sshrl.u32 s9, $0x2;
	[sflag:s19] =	ssyncset.done $0x0  }
0x197: {  	s9 =	sor.u32 s10, s9;
	s25 =	sand.u32 $0x380, s8;
	[sflag:s19] =	ssyncadd.s32 $0xFFFFFF80  }
0x198: {  	s23 =	sshrl.u32 s23, $0x2;
	s8 =	sadd.s32 $0x80, s8;
	_ =	swait.ge [sflag:s19], $0x80  }
0x199: {  	s22 =	sadd.s32 $0x2D00, s9;
	s21 =	sadd.s32 $0x500, s25;
	[sflag:s19] =	ssyncset.done $0x0  }
0x19a: {  	s26 =	sor.u32 s26, s23;
	s23 =	sshrl.u32 s28, $0x3;
	[sflag:s19] =	ssyncadd.s32 $0xFFFFFF80  }
0x19b: {  	[tilespmem:s22], [sflag:$0x4] =	stream.indirect.gather [hbm4b:s4+s30], $0x1, s21, s30, $0xb8;
	[tilespmem:$0x9100] =	vst v63  }
0x19c: {  	s28 =	sshll.u32 s28, $0x7;
	s0 =	sadd.s32 $0x2D00, s26;
	s23 =	smul.u32 $0x5000, s23  }
0x19d: {  	[tilespmem:s0], [sflag:$0x4] =	stream.indirect.gather [hbm4b:s5+s30], $0x1, s21, s30, $0xb8;
	[tilespmem:$0x9100] =	vst v63  }
0x19e: {  	s28 =	sand.u32 $0x380, s28;
	s23 =	sshrl.u32 s23, $0x2;
	s0 =	sshrl.u32 s29, $0x3  }
0x19f: {  	s28 =	sor.u32 s28, s23;
	s23 =	sadd.s32 $0x2E00, s9;
	s0 =	smul.u32 $0x5000, s0  }
0x1a0: {  	[tilespmem:s23], [sflag:$0x4] =	stream.indirect.gather [hbm4b:s6+s30], $0x1, s21, s30, $0xb8;
	[tilespmem:$0x9100] =	vst v63  }
0x1a1: {  	s22 =	sadd.s32 $0x2D00, s28;
	s29 =	sshll.u32 s29, $0x7;
	s21 =	sadd.s32 $0x2, s24  }
0x1a2: {  	s23 =	sand.u32 $0x380, s29;
	s24 =	sand.u32 $0x380, s8;
	s0 =	sshrl.u32 s0, $0x2  }
0x1a3: {  	s8 =	sadd.s32 $0x500, s24;
	s29 =	sor.u32 s23, s0;
	s23 =	sshrl.u32 s21, $0x3  }
0x1a4: {  	[tilespmem:s22], [sflag:$0x4] =	stream.indirect.gather [hbm4b:s4+s30], $0x1, s8, s30, $0xb8;
	[tilespmem:$0x9100] =	vst v63  }
0x1a5: {  	s21 =	sshll.u32 s21, $0x7;
	s0 =	smul.u32 $0x5000, s23;
	s23 =	sadd.s32 $0x2F00, s9  }
0x1a6: {  	[tilespmem:s23], [sflag:$0x4] =	stream.indirect.gather [hbm4b:s5+s30], $0x1, s8, s30, $0xb8;
	[tilespmem:$0x9100] =	vst v63  }
0x1a7: {  	s21 =	sand.u32 $0x380, s21;
	s0 =	sshrl.u32 s0, $0x2  }
0x1a8: {  	s22 =	sadd.s32 $0x2D00, s29;
	s23 =	sor.u32 s21, s0  }
0x1a9: {  	[tilespmem:s22], [sflag:$0x4] =	stream.indirect.gather [hbm4b:s6+s30], $0x1, s8, s30, $0xb8;
	[tilespmem:$0x9100] =	vst v63  }
0x1aa: {  	s0 =	sadd.s32 $0x7, s7;
	s22 =	sadd.s32 $0x3000, s9;
	s21 =	sadd.s32 $0x500, s23  }
0x1ab: {  	[tilespmem:s22], [sflag:$0x4] =	stream.indirect.gather [hbm4b:s4+s30], $0x1, s21, s30, $0xb8;
	[tilespmem:$0x9100] =	vst v63  }
0x1ac: {  	s7 =	sadd.s32 $0x8, s7;
	s22 =	sshrl.u32 s0, $0x3  }
0x1ad: {  	s7 =	sshrl.u32 s7, $0x3;
	s8 =	smul.u32 $0x5000, s22  }
0x1ae: {  	s0 =	sshll.u32 s0, $0x7;
	s22 =	smul.u32 $0x5000, s7  }
0x1af: {  	s0 =	sand.u32 $0x380, s0;
	s8 =	sshrl.u32 s8, $0x2  }
0x1b0: {  	s7 =	sor.u32 s0, s8;
	s8 =	sshrl.u32 s22, $0x2  }
0x1b1: {  	s8 =	sor.u32 s10, s8;
	s22 =	sadd.s32 $0x2D00, s7  }
0x1b2: {  	[tilespmem:s22], [sflag:$0x4] =	stream.indirect.gather [hbm4b:s5+s30], $0x1, s21, s30, $0xb8;
	[tilespmem:$0x9100] =	vst v63  }
0x1b3: {  	s10 =	sadd.s32 $0x2D00, s8  }
0x1b4: {  	[tilespmem:s10], [sflag:$0x4] =	stream.indirect.gather [hbm4b:s6+s30], $0x1, s21, s30, $0xb8;
	[tilespmem:$0x9100] =	vst v63  }
0x1b5: {  	s21 =	sadd.s32 $0x3100, s9;
	s10 =	sadd.s32 $0x900, s25  }
0x1b6: {  	[tilespmem:s21], [sflag:$0x4] =	stream.indirect.gather [hbm4b:s4+s30], $0x1, s10, s30, $0xb8;
	[tilespmem:$0x9100] =	vst v63  }
0x1b7: {  	s22 =	sadd.s32 $0x3100, s26  }
0x1b8: {  	[tilespmem:s22], [sflag:$0x4] =	stream.indirect.gather [hbm4b:s5+s30], $0x1, s10, s30, $0xb8;
	[tilespmem:$0x9100] =	vst v63  }
0x1b9: {  	s21 =	sadd.s32 $0x3200, s9  }
0x1ba: {  	[tilespmem:s21], [sflag:$0x4] =	stream.indirect.gather [hbm4b:s6+s30], $0x1, s10, s30, $0xb8;
	[tilespmem:$0x9100] =	vst v63  }
0x1bb: {  	s22 =	sadd.s32 $0x3100, s28;
	s10 =	sadd.s32 $0x900, s24  }
0x1bc: {  	[tilespmem:s22], [sflag:$0x4] =	stream.indirect.gather [hbm4b:s4+s30], $0x1, s10, s30, $0xb8;
	[tilespmem:$0x9100] =	vst v63  }
0x1bd: {  	s21 =	sadd.s32 $0x3300, s9  }
0x1be: {  	[tilespmem:s21], [sflag:$0x4] =	stream.indirect.gather [hbm4b:s5+s30], $0x1, s10, s30, $0xb8;
	[tilespmem:$0x9100] =	vst v63  }
0x1bf: {  	s22 =	sadd.s32 $0x3100, s29  }
0x1c0: {  	[tilespmem:s22], [sflag:$0x4] =	stream.indirect.gather [hbm4b:s6+s30], $0x1, s10, s30, $0xb8;
	[tilespmem:$0x9100] =	vst v63  }
0x1c1: {  	s21 =	sadd.s32 $0x3400, s9;
	s10 =	sadd.s32 $0x900, s23  }
0x1c2: {  	[tilespmem:s21], [sflag:$0x4] =	stream.indirect.gather [hbm4b:s4+s30], $0x1, s10, s30, $0xb8;
	[tilespmem:$0x9100] =	vst v63  }
0x1c3: {  	s22 =	sadd.s32 $0x3100, s7  }
0x1c4: {  	[tilespmem:s22], [sflag:$0x4] =	stream.indirect.gather [hbm4b:s5+s30], $0x1, s10, s30, $0xb8;
	[tilespmem:$0x9100] =	vst v63  }
0x1c5: {  	s21 =	sadd.s32 $0x3100, s8  }
0x1c6: {  	[tilespmem:s21], [sflag:$0x4] =	stream.indirect.gather [hbm4b:s6+s30], $0x1, s10, s30, $0xb8;
	[tilespmem:$0x9100] =	vst v63  }
0x1c7: {  	s22 =	sadd.s32 $0x3500, s9;
	s10 =	sadd.s32 $0xD00, s25  }
0x1c8: {  	[tilespmem:s22], [sflag:$0x4] =	stream.indirect.gather [hbm4b:s4+s30], $0x1, s10, s30, $0xb8;
	[tilespmem:$0x9100] =	vst v63  }
0x1c9: {  	s21 =	sadd.s32 $0x3500, s26  }
0x1ca: {  	[tilespmem:s21], [sflag:$0x4] =	stream.indirect.gather [hbm4b:s5+s30], $0x1, s10, s30, $0xb8;
	[tilespmem:$0x9100] =	vst v63  }
0x1cb: {  	s22 =	sadd.s32 $0x3600, s9  }
0x1cc: {  	[tilespmem:s22], [sflag:$0x4] =	stream.indirect.gather [hbm4b:s6+s30], $0x1, s10, s30, $0xb8;
	[tilespmem:$0x9100] =	vst v63  }
0x1cd: {  	s21 =	sadd.s32 $0x3500, s28;
	s10 =	sadd.s32 $0xD00, s24  }
0x1ce: {  	[tilespmem:s21], [sflag:$0x4] =	stream.indirect.gather [hbm4b:s4+s30], $0x1, s10, s30, $0xb8;
	[tilespmem:$0x9100] =	vst v63  }
0x1cf: {  	s22 =	sadd.s32 $0x3700, s9  }
0x1d0: {  	[tilespmem:s22], [sflag:$0x4] =	stream.indirect.gather [hbm4b:s5+s30], $0x1, s10, s30, $0xb8;
	[tilespmem:$0x9100] =	vst v63  }
0x1d1: {  	s21 =	sadd.s32 $0x3500, s29  }
0x1d2: {  	[tilespmem:s21], [sflag:$0x4] =	stream.indirect.gather [hbm4b:s6+s30], $0x1, s10, s30, $0xb8;
	[tilespmem:$0x9100] =	vst v63  }
0x1d3: {  	s22 =	sadd.s32 $0x3800, s9;
	s10 =	sadd.s32 $0xD00, s23  }
0x1d4: {  	[tilespmem:s22], [sflag:$0x4] =	stream.indirect.gather [hbm4b:s4+s30], $0x1, s10, s30, $0xb8;
	[tilespmem:$0x9100] =	vst v63  }
0x1d5: {  	s21 =	sadd.s32 $0x3500, s7  }
0x1d6: {  	[tilespmem:s21], [sflag:$0x4] =	stream.indirect.gather [hbm4b:s5+s30], $0x1, s10, s30, $0xb8;
	[tilespmem:$0x9100] =	vst v63  }
0x1d7: {  	s22 =	sadd.s32 $0x3500, s8  }
0x1d8: {  	[tilespmem:s22], [sflag:$0x4] =	stream.indirect.gather [hbm4b:s6+s30], $0x1, s10, s30, $0xb8;
	[tilespmem:$0x9100] =	vst v63  }
0x1d9: {  	s21 =	sadd.s32 $0x3900, s9;
	s10 =	sadd.s32 $0x1100, s25  }
0x1da: {  	[tilespmem:s21], [sflag:$0x4] =	stream.indirect.gather [hbm4b:s4+s30], $0x1, s10, s30, $0xb8;
	[tilespmem:$0x9100] =	vst v63  }
0x1db: {  	s22 =	sadd.s32 $0x3900, s26  }
0x1dc: {  	[tilespmem:s22], [sflag:$0x4] =	stream.indirect.gather [hbm4b:s5+s30], $0x1, s10, s30, $0xb8;
	[tilespmem:$0x9100] =	vst v63  }
0x1dd: {  	s21 =	sadd.s32 $0x3A00, s9  }
0x1de: {  	[tilespmem:s21], [sflag:$0x4] =	stream.indirect.gather [hbm4b:s6+s30], $0x1, s10, s30, $0xb8;
	[tilespmem:$0x9100] =	vst v63  }
0x1df: {  	s22 =	sadd.s32 $0x3900, s28;
	s10 =	sadd.s32 $0x1100, s24  }
0x1e0: {  	[tilespmem:s22], [sflag:$0x4] =	stream.indirect.gather [hbm4b:s4+s30], $0x1, s10, s30, $0xb8;
	[tilespmem:$0x9100] =	vst v63  }
0x1e1: {  	s21 =	sadd.s32 $0x3B00, s9  }
0x1e2: {  	[tilespmem:s21], [sflag:$0x4] =	stream.indirect.gather [hbm4b:s5+s30], $0x1, s10, s30, $0xb8;
	[tilespmem:$0x9100] =	vst v63  }
0x1e3: {  	s22 =	sadd.s32 $0x3900, s29  }
0x1e4: {  	[tilespmem:s22], [sflag:$0x4] =	stream.indirect.gather [hbm4b:s6+s30], $0x1, s10, s30, $0xb8;
	[tilespmem:$0x9100] =	vst v63  }
0x1e5: {  	s21 =	sadd.s32 $0x3C00, s9;
	s10 =	sadd.s32 $0x1100, s23  }
0x1e6: {  	[tilespmem:s21], [sflag:$0x4] =	stream.indirect.gather [hbm4b:s4+s30], $0x1, s10, s30, $0xb8;
	[tilespmem:$0x9100] =	vst v63  }
0x1e7: {  	s22 =	sadd.s32 $0x3900, s7  }
0x1e8: {  	[tilespmem:s22], [sflag:$0x4] =	stream.indirect.gather [hbm4b:s5+s30], $0x1, s10, s30, $0xb8;
	[tilespmem:$0x9100] =	vst v63  }
0x1e9: {  	s21 =	sadd.s32 $0x3900, s8  }
0x1ea: {  	[tilespmem:s21], [sflag:$0x4] =	stream.indirect.gather [hbm4b:s6+s30], $0x1, s10, s30, $0xb8;
	[tilespmem:$0x9100] =	vst v63  }
0x1eb: {  	s25 =	sadd.s32 $0x1500, s25;
	s22 =	sadd.s32 $0x3D00, s9  }
0x1ec: {  	[tilespmem:s22], [sflag:$0x4] =	stream.indirect.gather [hbm4b:s4+s30], $0x1, s25, s30, $0xb8;
	[tilespmem:$0x9100] =	vst v63  }
0x1ed: {  	s26 =	sadd.s32 $0x3D00, s26  }
0x1ee: {  	[tilespmem:s26], [sflag:$0x4] =	stream.indirect.gather [hbm4b:s5+s30], $0x1, s25, s30, $0xb8;
	[tilespmem:$0x9100] =	vst v63  }
0x1ef: {  	s21 =	sadd.s32 $0x3E00, s9  }
0x1f0: {  	[tilespmem:s21], [sflag:$0x4] =	stream.indirect.gather [hbm4b:s6+s30], $0x1, s25, s30, $0xb8;
	[tilespmem:$0x9100] =	vst v63  }
0x1f1: {  	s24 =	sadd.s32 $0x1500, s24;
	s22 =	sadd.s32 $0x3D00, s28  }
0x1f2: {  	[tilespmem:s22], [sflag:$0x4] =	stream.indirect.gather [hbm4b:s4+s30], $0x1, s24, s30, $0xb8;
	[tilespmem:$0x9100] =	vst v63  }
0x1f3: {  	s25 =	sadd.s32 $0x3F00, s9  }
0x1f4: {  	[tilespmem:s25], [sflag:$0x4] =	stream.indirect.gather [hbm4b:s5+s30], $0x1, s24, s30, $0xb8;
	[tilespmem:$0x9100] =	vst v63  }
0x1f5: {  	s26 =	sadd.s32 $0x3D00, s29  }
0x1f6: {  	[tilespmem:s26], [sflag:$0x4] =	stream.indirect.gather [hbm4b:s6+s30], $0x1, s24, s30, $0xb8;
	[tilespmem:$0x9100] =	vst v63  }
0x1f7: {  	s28 =	sor.u32 $0x4000, s9;
	s29 =	sadd.s32 $0x1500, s23  }
0x1f8: {  	[tilespmem:s28], [sflag:$0x4] =	stream.indirect.gather [hbm4b:s4+s30], $0x1, s29, s30, $0xb8;
	[tilespmem:$0x9100] =	vst v63  }
0x1f9: {  	s7 =	sadd.s32 $0x3D00, s7;
	s10 =	sshll.u32 s12, $0x5  }
0x1fa: {  	[tilespmem:s7], [sflag:$0x4] =	stream.indirect.gather [hbm4b:s5+s30], $0x1, s29, s30, $0xb8;
	[tilespmem:$0x9100] =	vst v63  }
0x1fb: {  	s8 =	sadd.s32 $0x3D00, s8;
	s0 =	sor.u32 s16, s10;
	s7 =	simm.s32 $0x180  }
0x1fc: {  	s0 =	smul.u32 $0x50, s0;
	s22 =	rddreg [dreg:$0x7];
	s7 =	simm.s32 @!p0 $0x0  }
0x1fd: {  	[tilespmem:s8], [sflag:$0x4] =	stream.indirect.gather [hbm4b:s6+s30], $0x1, s29, s30, $0xb8;
	[tilespmem:$0x9100] =	vst v63  }
0x1fe: {  	s9 =	sadd.s32 s22, s0;
	s21 =	sadd.s32 $0x6900, s7  }
0x1ff: {  	[tilespmem:s21], [sflag:$0x2] =	stream.linear.gather [hbm4b:s9+s15], $0x80, $0x38;
	[tilespmem:$0x9100] =	vst v63  }
0x200: {  	s23 =	sadd.s32 $0x10, s9;
	s24 =	sadd.s32 $0x6D00, s7  }
0x201: {  	[tilespmem:s24], [sflag:$0x2] =	stream.linear.gather [hbm4b:s23+s15], $0x80, $0x38;
	[tilespmem:$0x9100] =	vst v63  }
0x202: {  	s25 =	sadd.s32 $0x20, s9;
	s26 =	sadd.s32 $0x7100, s7  }
0x203: {  	[tilespmem:s26], [sflag:$0x2] =	stream.linear.gather [hbm4b:s25+s15], $0x80, $0x38;
	[tilespmem:$0x9100] =	vst v63  }
0x204: {  	s28 =	sadd.s32 $0x30, s9;
	s29 =	sadd.s32 $0x7500, s7  }
0x205: {  	[tilespmem:s29], [sflag:$0x2] =	stream.linear.gather [hbm4b:s28+s15], $0x80, $0x38;
	[tilespmem:$0x9100] =	vst v63  }
0x206: {  	s22 =	rddreg [dreg:$0x8];
	s10 =	sadd.s32 $0x7900, s7;
	s9 =	sadd.s32 $0x40, s9  }
0x207: {  	[tilespmem:s10], [sflag:$0x2] =	stream.linear.gather [hbm4b:s9+s15], $0x80, $0x38;
	[tilespmem:$0x9100] =	vst v63  }
0x208: {  	s21 =	sadd.s32 $0x6980, s7;
	s9 =	sadd.s32 s22, s0  }
0x209: {  	[tilespmem:s21], [sflag:$0x2] =	stream.linear.gather [hbm4b:s9+s15], $0x80, $0x38;
	[tilespmem:$0x9100] =	vst v63  }
0x20a: {  	s24 =	sadd.s32 $0x6D80, s7;
	s23 =	sadd.s32 $0x10, s9  }
0x20b: {  	[tilespmem:s24], [sflag:$0x2] =	stream.linear.gather [hbm4b:s23+s15], $0x80, $0x38;
	[tilespmem:$0x9100] =	vst v63  }
0x20c: {  	s26 =	sadd.s32 $0x7180, s7;
	s25 =	sadd.s32 $0x20, s9  }
0x20d: {  	[tilespmem:s26], [sflag:$0x2] =	stream.linear.gather [hbm4b:s25+s15], $0x80, $0x38;
	[tilespmem:$0x9100] =	vst v63  }
0x20e: {  	s29 =	sadd.s32 $0x7580, s7;
	s28 =	sadd.s32 $0x30, s9  }
0x20f: {  	[tilespmem:s29], [sflag:$0x2] =	stream.linear.gather [hbm4b:s28+s15], $0x80, $0x38;
	[tilespmem:$0x9100] =	vst v63  }
0x210: {  	s10 =	sadd.s32 $0x7980, s7;
	s22 =	rddreg [dreg:$0x9];
	s9 =	sadd.s32 $0x40, s9  }
0x211: {  	[tilespmem:s10], [sflag:$0x2] =	stream.linear.gather [hbm4b:s9+s15], $0x80, $0x38;
	[tilespmem:$0x9100] =	vst v63  }
0x212: {  	s0 =	sadd.s32 s22, s0;
	s21 =	sor.u32 $0x6A00, s7  }
0x213: {  	[tilespmem:s21], [sflag:$0x2] =	stream.linear.gather [hbm4b:s0+s15], $0x80, $0x38;
	[tilespmem:$0x9100] =	vst v63  }
0x214: {  	s23 =	sadd.s32 $0x10, s0;
	s24 =	sor.u32 $0x6E00, s7  }
0x215: {  	[tilespmem:s24], [sflag:$0x2] =	stream.linear.gather [hbm4b:s23+s15], $0x80, $0x38;
	[tilespmem:$0x9100] =	vst v63  }
0x216: {  	s25 =	sadd.s32 $0x20, s0;
	s26 =	sor.u32 $0x7200, s7  }
0x217: {  	[tilespmem:s26], [sflag:$0x2] =	stream.linear.gather [hbm4b:s25+s15], $0x80, $0x38;
	[tilespmem:$0x9100] =	vst v63  }
0x218: {  	s28 =	sadd.s32 $0x30, s0;
	s29 =	sor.u32 $0x7600, s7  }
0x219: {  	[tilespmem:s29], [sflag:$0x2] =	stream.linear.gather [hbm4b:s28+s15], $0x80, $0x38;
	[tilespmem:$0x9100] =	vst v63  }
0x21a: {  	s7 =	sor.u32 $0x7A00, s7;
	s0 =	sadd.s32 $0x40, s0  }
0x21b: {  	[tilespmem:s7], [sflag:$0x2] =	stream.linear.gather [hbm4b:s0+s15], $0x80, $0x38;
	[tilespmem:$0x9100] =	vst v63  }
.LBB2_4:
0x21c: {  	s0 =	sadd.s32 $0x2, s31  }
0x21d: {  	p0 =	sge.u32 s0, s17  }
0x21e: {  	s7 =	smulhi.u32 @!p0 $0xAAAAAAAB, s0;
	_ =	sdelay $0x1  }
0x21f: {  	s7 =	sshrl.u32 @!p0 s7, $0x1  }
0x220: {  	s7 =	smul.u32 @!p0 $0x3, s7;
	_ =	sdelay $0x1  }
0x221: {  	s0 =	ssub.s32 @!p0 s0, s7  }
0x222: {  	s7 =	simm.s32 @!p0 $0x1;
	s8 =	smul.u32 @!p0 $0x3, s0  }
0x223: {  	s9 =	sshll.u32 @!p0 s31, $0x7;
	_ =	swait.ge @!p0 [sflag:s7], $0x280;
	s0 =	smul.u32 @!p0 $0x180, s0  }
0x224: {  	s22 =	simm.s32 @!p0 $0x80;
	s9 =	sand.u32 @!p0 $0x80, s9;
	[sflag:s7] =	ssyncset.done @!p0 $0x0  }
0x225: {  	s8 =	sadd.s32 @!p0 $0x2, s8;
	[sflag:s7] =	ssyncadd.s32 @!p0 $0xFFFFFD80;
	s10 =	sand.u32 @!p0 $0x380, s0  }
0x226: {  	s0 =	sadd.s32 @!p0 $0x80, s0;
	s7 =	sshrl.u32 @!p0 s8, $0x3;
	s21 =	sadd.s32 @!p0 $0x500, s10  }
0x227: {  	s0 =	sand.u32 @!p0 $0x380, s0;
	s8 =	sshll.u32 @!p0 s8, $0x7;
	s7 =	smul.u32 @!p0 $0x5000, s7  }
0x228: {  	[tilespmem:s21], [sflag:$0x3] =	stream.indirect.gather @!p0 [hbm4b:s1+s22], $0x1, s9, s22, $0xb8;
	[tilespmem:$0x9100] =	vst v63  }
0x229: {  	s8 =	sand.u32 @!p0 $0x380, s8;
	s21 =	sadd.s32 @!p0 $0x500, s0;
	s7 =	sshrl.u32 @!p0 s7, $0x2  }
0x22a: {  	[tilespmem:s21], [sflag:$0x3] =	stream.indirect.gather @!p0 [hbm4b:s2+s22], $0x1, s9, s22, $0xb8;
	[tilespmem:$0x9100] =	vst v63  }
0x22b: {  	s7 =	sor.u32 @!p0 s8, s7  }
0x22c: {  	s8 =	sadd.s32 @!p0 $0x500, s7  }
0x22d: {  	[tilespmem:s8], [sflag:$0x3] =	stream.indirect.gather @!p0 [hbm4b:s3+s22], $0x1, s9, s22, $0xb8;
	[tilespmem:$0x9100] =	vst v63  }
0x22e: {  	s21 =	sor.u32 @!p0 $0x100, s9;
	s8 =	sadd.s32 @!p0 $0x900, s10  }
0x22f: {  	[tilespmem:s8], [sflag:$0x3] =	stream.indirect.gather @!p0 [hbm4b:s1+s22], $0x1, s21, s22, $0xb8;
	[tilespmem:$0x9100] =	vst v63  }
0x230: {  	s8 =	sadd.s32 @!p0 $0x900, s0  }
0x231: {  	[tilespmem:s8], [sflag:$0x3] =	stream.indirect.gather @!p0 [hbm4b:s2+s22], $0x1, s21, s22, $0xb8;
	[tilespmem:$0x9100] =	vst v63  }
0x232: {  	s8 =	sadd.s32 @!p0 $0x900, s7  }
0x233: {  	[tilespmem:s8], [sflag:$0x3] =	stream.indirect.gather @!p0 [hbm4b:s3+s22], $0x1, s21, s22, $0xb8;
	[tilespmem:$0x9100] =	vst v63  }
0x234: {  	s8 =	sadd.s32 @!p0 $0xD00, s10;
	s21 =	sor.u32 @!p0 $0x200, s9  }
0x235: {  	[tilespmem:s8], [sflag:$0x3] =	stream.indirect.gather @!p0 [hbm4b:s1+s22], $0x1, s21, s22, $0xb8;
	[tilespmem:$0x9100] =	vst v63  }
0x236: {  	s8 =	sadd.s32 @!p0 $0xD00, s0  }
0x237: {  	[tilespmem:s8], [sflag:$0x3] =	stream.indirect.gather @!p0 [hbm4b:s2+s22], $0x1, s21, s22, $0xb8;
	[tilespmem:$0x9100] =	vst v63  }
0x238: {  	s8 =	sadd.s32 @!p0 $0xD00, s7  }
0x239: {  	[tilespmem:s8], [sflag:$0x3] =	stream.indirect.gather @!p0 [hbm4b:s3+s22], $0x1, s21, s22, $0xb8;
	[tilespmem:$0x9100] =	vst v63  }
0x23a: {  	s8 =	sadd.s32 @!p0 $0x1100, s10;
	s21 =	sor.u32 @!p0 $0x300, s9  }
0x23b: {  	[tilespmem:s8], [sflag:$0x3] =	stream.indirect.gather @!p0 [hbm4b:s1+s22], $0x1, s21, s22, $0xb8;
	[tilespmem:$0x9100] =	vst v63  }
0x23c: {  	s8 =	sadd.s32 @!p0 $0x1100, s0  }
0x23d: {  	[tilespmem:s8], [sflag:$0x3] =	stream.indirect.gather @!p0 [hbm4b:s2+s22], $0x1, s21, s22, $0xb8;
	[tilespmem:$0x9100] =	vst v63  }
0x23e: {  	s8 =	sadd.s32 @!p0 $0x1100, s7  }
0x23f: {  	[tilespmem:s8], [sflag:$0x3] =	stream.indirect.gather @!p0 [hbm4b:s3+s22], $0x1, s21, s22, $0xb8;
	[tilespmem:$0x9100] =	vst v63  }
0x240: {  	s9 =	sor.u32 @!p0 $0x400, s9;
	s8 =	sadd.s32 @!p0 $0x1500, s10  }
0x241: {  	[tilespmem:s8], [sflag:$0x3] =	stream.indirect.gather @!p0 [hbm4b:s1+s22], $0x1, s9, s22, $0xb8;
	[tilespmem:$0x9100] =	vst v63  }
0x242: {  	s0 =	sadd.s32 @!p0 $0x1500, s0  }
0x243: {  	[tilespmem:s0], [sflag:$0x3] =	stream.indirect.gather @!p0 [hbm4b:s2+s22], $0x1, s9, s22, $0xb8;
	[tilespmem:$0x9100] =	vst v63  }
0x244: {  	s0 =	sadd.s32 @!p0 $0x1500, s7  }
0x245: {  	[tilespmem:s0], [sflag:$0x3] =	stream.indirect.gather @!p0 [hbm4b:s3+s22], $0x1, s9, s22, $0xb8;
	[tilespmem:$0x9100] =	vst v63  }
0x246: {  	s0 =	sadd.s32 $0x3, s31  }
0x247: {  	p0 =	sge.u32 s0, s17  }
0x248: {  	s7 =	sshll.u32 @!p0 s0, $0x5  }
0x249: {  	s7 =	sor.u32 @!p0 s16, s7  }
0x24a: {  	s7 =	smul.u32 @!p0 $0x50, s7  }
0x24b: {  	s8 =	rddreg [dreg:$0x0];
	s0 =	sshll.u32 @!p0 s0, $0x7  }
0x24c: {  	s0 =	sand.u32 @!p0 $0x80, s0;
	s7 =	sadd.s32 @!p0 s8, s7;
	s8 =	simm.s32 @!p0 $0x0  }
0x24d: {  	[tilespmem:s0], [sflag:$0x1] =	stream.linear.gather @!p0 [hbm4b:s7+s8], $0x80, $0x38;
	[tilespmem:$0x9100] =	vst v63  }
0x24e: {  	s10 =	sor.u32 @!p0 $0x100, s0;
	s9 =	sadd.s32 @!p0 $0x10, s7  }
0x24f: {  	[tilespmem:s10], [sflag:$0x1] =	stream.linear.gather @!p0 [hbm4b:s9+s8], $0x80, $0x38;
	[tilespmem:$0x9100] =	vst v63  }
0x250: {  	s9 =	sadd.s32 @!p0 $0x20, s7;
	s10 =	sor.u32 @!p0 $0x200, s0  }
0x251: {  	[tilespmem:s10], [sflag:$0x1] =	stream.linear.gather @!p0 [hbm4b:s9+s8], $0x80, $0x38;
	[tilespmem:$0x9100] =	vst v63  }
0x252: {  	s9 =	sadd.s32 @!p0 $0x30, s7;
	s10 =	sor.u32 @!p0 $0x300, s0  }
0x253: {  	[tilespmem:s10], [sflag:$0x1] =	stream.linear.gather @!p0 [hbm4b:s9+s8], $0x80, $0x38;
	[tilespmem:$0x9100] =	vst v63  }
0x254: {  	s7 =	sadd.s32 @!p0 $0x40, s7;
	s0 =	sor.u32 @!p0 $0x400, s0  }
0x255: {  	[tilespmem:s0], [sflag:$0x1] =	stream.linear.gather @!p0 [hbm4b:s7+s8], $0x80, $0x38;
	[tilespmem:$0x9100] =	vst v63  }
0x256: {  	_ =	swait.ge [sflag:s18], $0x80  }
0x257: {  	[sflag:s18] =	ssyncset.done $0x0  }
0x258: {  	[sflag:s18] =	ssyncadd.s32 $0xFFFFFF80  }
0x259: {  	_ =	swait.ge [sflag:s18], $0x80  }
0x25a: {  	[sflag:s18] =	ssyncset.done $0x0  }
0x25b: {  	[sflag:s18] =	ssyncadd.s32 $0xFFFFFF80  }
0x25c: {  	_ =	swait.ge [sflag:s18], $0x80  }
0x25d: {  	[sflag:s18] =	ssyncset.done $0x0  }
0x25e: {  	[sflag:s18] =	ssyncadd.s32 $0xFFFFFF80  }
0x25f: {  	_ =	swait.ge [sflag:s18], $0x80  }
0x260: {  	[sflag:s18] =	ssyncset.done $0x0  }
0x261: {  	[sflag:s18] =	ssyncadd.s32 $0xFFFFFF80  }
0x262: {  	_ =	swait.ge [sflag:s18], $0x80  }
0x263: {  	[sflag:s18] =	ssyncset.done $0x0  }
0x264: {  	[sflag:s18] =	ssyncadd.s32 $0xFFFFFF80  }
0x265: {  	_ =	swait.ge [sflag:s18], $0x80  }
0x266: {  	[sflag:s18] =	ssyncset.done $0x0  }
0x267: {  	[sflag:s18] =	ssyncadd.s32 $0xFFFFFF80  }
0x268: {  	_ =	swait.ge [sflag:s18], $0x80  }
0x269: {  	[sflag:s18] =	ssyncset.done $0x0  }
0x26a: {  	[sflag:s18] =	ssyncadd.s32 $0xFFFFFF80  }
0x26b: {  	_ =	swait.ge [sflag:s18], $0x80  }
0x26c: {  	[sflag:s18] =	ssyncset.done $0x0  }
0x26d: {  	[sflag:s18] =	ssyncadd.s32 $0xFFFFFF80  }
0x26e: {  	_ =	swait.ge [sflag:s18], $0x80  }
0x26f: {  	[sflag:s18] =	ssyncset.done $0x0  }
0x270: {  	[sflag:s18] =	ssyncadd.s32 $0xFFFFFF80  }
0x271: {  	_ =	swait.ge [sflag:s18], $0x80  }
0x272: {  	[sflag:s18] =	ssyncset.done $0x0  }
0x273: {  	[sflag:s18] =	ssyncadd.s32 $0xFFFFFF80  }
0x274: {  	_ =	swait.ge [sflag:s18], $0x80  }
0x275: {  	[sflag:s18] =	ssyncset.done $0x0  }
0x276: {  	[sflag:s18] =	ssyncadd.s32 $0xFFFFFF80  }
0x277: {  	_ =	swait.ge [sflag:s18], $0x80  }
0x278: {  	[sflag:s18] =	ssyncset.done $0x0  }
0x279: {  	[sflag:s18] =	ssyncadd.s32 $0xFFFFFF80  }
0x27a: {  	_ =	swait.ge [sflag:s18], $0x80  }
0x27b: {  	[sflag:s18] =	ssyncset.done $0x0  }
0x27c: {  	[sflag:s18] =	ssyncadd.s32 $0xFFFFFF80  }
0x27d: {  	_ =	swait.ge [sflag:s18], $0x80  }
0x27e: {  	[sflag:s18] =	ssyncset.done $0x0  }
0x27f: {  	[sflag:s18] =	ssyncadd.s32 $0xFFFFFF80  }
0x280: {  	_ =	swait.ge [sflag:s18], $0x80  }
0x281: {  	[sflag:s18] =	ssyncset.done $0x0  }
0x282: {  	[sflag:s18] =	ssyncadd.s32 $0xFFFFFF80  }
0x283: {  	_ =	swait.ge [sflag:s18], $0x80  }
0x284: {  	[sflag:s18] =	ssyncset.done $0x0  }
0x285: {  	[sflag:s18] =	ssyncadd.s32 $0xFFFFFF80  }
0x286: {  	_ =	swait.ge [sflag:s18], $0x80  }
0x287: {  	[sflag:s18] =	ssyncset.done $0x0  }
0x288: {  	[sflag:s18] =	ssyncadd.s32 $0xFFFFFF80  }
0x289: {  	_ =	swait.ge [sflag:s18], $0x80  }
0x28a: {  	[sflag:s18] =	ssyncset.done $0x0  }
0x28b: {  	[sflag:s18] =	ssyncadd.s32 $0xFFFFFF80  }
0x28c: {  	_ =	swait.ge [sflag:s18], $0x80  }
0x28d: {  	[sflag:s18] =	ssyncset.done $0x0  }
0x28e: {  	[sflag:s18] =	ssyncadd.s32 $0xFFFFFF80  }
0x28f: {  	_ =	swait.ge [sflag:s18], $0x80  }
0x290: {  	[sflag:s18] =	ssyncset.done $0x0  }
0x291: {  	[sflag:s18] =	ssyncadd.s32 $0xFFFFFF80  }
0x292: {  	_ =	swait.ge [sflag:s18], $0x80  }
0x293: {  	[sflag:s18] =	ssyncset.done $0x0  }
0x294: {  	[sflag:s18] =	ssyncadd.s32 $0xFFFFFF80  }
0x295: {  	_ =	swait.ge [sflag:s18], $0x80  }
0x296: {  	[sflag:s18] =	ssyncset.done $0x0  }
0x297: {  	[sflag:s18] =	ssyncadd.s32 $0xFFFFFF80  }
0x298: {  	_ =	swait.ge [sflag:s18], $0x80  }
0x299: {  	[sflag:s18] =	ssyncset.done $0x0  }
0x29a: {  	[sflag:s18] =	ssyncadd.s32 $0xFFFFFF80  }
0x29b: {  	_ =	swait.ge [sflag:s18], $0x80  }
0x29c: {  	[sflag:s18] =	ssyncset.done $0x0  }
0x29d: {  	[sflag:s18] =	ssyncadd.s32 $0xFFFFFF80  }
0x29e: {  	_ =	swait.ge [sflag:s18], $0x80  }
0x29f: {  	[sflag:s18] =	ssyncset.done $0x0  }
0x2a0: {  	[sflag:s18] =	ssyncadd.s32 $0xFFFFFF80  }
0x2a1: {  	_ =	swait.ge [sflag:s18], $0x80  }
0x2a2: {  	[sflag:s18] =	ssyncset.done $0x0  }
0x2a3: {  	[sflag:s18] =	ssyncadd.s32 $0xFFFFFF80  }
0x2a4: {  	_ =	swait.ge [sflag:s18], $0x80  }
0x2a5: {  	[sflag:s18] =	ssyncset.done $0x0  }
0x2a6: {  	[sflag:s18] =	ssyncadd.s32 $0xFFFFFF80  }
0x2a7: {  	_ =	swait.ge [sflag:s18], $0x80  }
0x2a8: {  	[sflag:s18] =	ssyncset.done $0x0  }
0x2a9: {  	[sflag:s18] =	ssyncadd.s32 $0xFFFFFF80  }
0x2aa: {  	_ =	swait.ge [sflag:s18], $0x80  }
0x2ab: {  	[sflag:s18] =	ssyncset.done $0x0  }
0x2ac: {  	[sflag:s18] =	ssyncadd.s32 $0xFFFFFF80  }
0x2ad: {  	_ =	swait.ge [sflag:s18], $0x80  }
0x2ae: {  	[sflag:s18] =	ssyncset.done $0x0  }
0x2af: {  	[sflag:s18] =	ssyncadd.s32 $0xFFFFFF80  }
0x2b0: {  	_ =	swait.ge [sflag:s18], $0x80  }
0x2b1: {  	[sflag:s18] =	ssyncset.done $0x0  }
0x2b2: {  	[sflag:s18] =	ssyncadd.s32 $0xFFFFFF80  }
0x2b3: {  	_ =	swait.ge [sflag:s18], $0x80  }
0x2b4: {  	[sflag:s18] =	ssyncset.done $0x0  }
0x2b5: {  	[sflag:s18] =	ssyncadd.s32 $0xFFFFFF80  }
0x2b6: {  	_ =	swait.ge [sflag:s18], $0x80  }
0x2b7: {  	[sflag:s18] =	ssyncset.done $0x0  }
0x2b8: {  	[sflag:s18] =	ssyncadd.s32 $0xFFFFFF80  }
0x2b9: {  	_ =	swait.ge [sflag:s18], $0x80  }
0x2ba: {  	[sflag:s18] =	ssyncset.done $0x0  }
0x2bb: {  	[sflag:s18] =	ssyncadd.s32 $0xFFFFFF80  }
0x2bc: {  	_ =	swait.ge [sflag:s18], $0x80  }
0x2bd: {  	[sflag:s18] =	ssyncset.done $0x0  }
0x2be: {  	[sflag:s18] =	ssyncadd.s32 $0xFFFFFF80  }
0x2bf: {  	_ =	swait.ge [sflag:s18], $0x80  }
0x2c0: {  	[sflag:s18] =	ssyncset.done $0x0  }
0x2c1: {  	[sflag:s18] =	ssyncadd.s32 $0xFFFFFF80  }
0x2c2: {  	_ =	swait.ge [sflag:s18], $0x80  }
0x2c3: {  	[sflag:s18] =	ssyncset.done $0x0  }
0x2c4: {  	[sflag:s18] =	ssyncadd.s32 $0xFFFFFF80  }
0x2c5: {  	_ =	swait.ge [sflag:s18], $0x80  }
0x2c6: {  	[sflag:s18] =	ssyncset.done $0x0  }
0x2c7: {  	[sflag:s18] =	ssyncadd.s32 $0xFFFFFF80  }
0x2c8: {  	_ =	swait.ge [sflag:s18], $0x80  }
0x2c9: {  	[sflag:s18] =	ssyncset.done $0x0  }
0x2ca: {  	[sflag:s18] =	ssyncadd.s32 $0xFFFFFF80  }
0x2cb: {  	_ =	swait.ge [sflag:s18], $0x80  }
0x2cc: {  	[sflag:s18] =	ssyncset.done $0x0  }
0x2cd: {  	[sflag:s18] =	ssyncadd.s32 $0xFFFFFF80  }
0x2ce: {  	_ =	swait.ge [sflag:s18], $0x80  }
0x2cf: {  	[sflag:s18] =	ssyncset.done $0x0  }
0x2d0: {  	[sflag:s18] =	ssyncadd.s32 $0xFFFFFF80  }
0x2d1: {  	_ =	swait.ge [sflag:s18], $0x80  }
0x2d2: {  	[sflag:s18] =	ssyncset.done $0x0  }
0x2d3: {  	[sflag:s18] =	ssyncadd.s32 $0xFFFFFF80  }
0x2d4: {  	_ =	swait.ge [sflag:s18], $0x80  }
0x2d5: {  	[sflag:s18] =	ssyncset.done $0x0  }
0x2d6: {  	[sflag:s18] =	ssyncadd.s32 $0xFFFFFF80  }
0x2d7: {  	_ =	swait.ge [sflag:s18], $0x80  }
0x2d8: {  	[sflag:s18] =	ssyncset.done $0x0  }
0x2d9: {  	[sflag:s18] =	ssyncadd.s32 $0xFFFFFF80  }
0x2da: {  	_ =	swait.ge [sflag:s18], $0x80  }
0x2db: {  	[sflag:s18] =	ssyncset.done $0x0  }
0x2dc: {  	[sflag:s18] =	ssyncadd.s32 $0xFFFFFF80  }
0x2dd: {  	_ =	swait.ge [sflag:s20], $0x280  }
0x2de: {  	[sflag:s20] =	ssyncset.done $0x0  }
0x2df: {  	[sflag:s20] =	ssyncadd.s32 $0xFFFFFD80  }
0x2e0: {  	_ =	swait.ge [sflag:s20], $0x280  }
0x2e1: {  	[sflag:s20] =	ssyncset.done $0x0  }
0x2e2: {  	[sflag:s20] =	ssyncadd.s32 $0xFFFFFD80  }
0x2e3: {  	_ =	swait.ge [sflag:s20], $0x280  }
0x2e4: {  	p0 =	slt.u32 s31, $0x2;
	[sflag:s20] =	ssyncset.done $0x0  }
0x2e5: {  	s0 =	simm.s32 @!p0 $0x5;
	[sflag:s20] =	ssyncadd.s32 $0xFFFFFD80  }
0x2e6: {  	_ =	swait.ge @!p0 [sflag:s0], $0x280  }
0x2e7: {  	[sflag:s0] =	ssyncset.done @!p0 $0x0  }
0x2e8: {  	s9 =	sand.u32 $0x1, s31;
	[sflag:s0] =	ssyncadd.s32 @!p0 $0xFFFFFD80  }
0x2e9: {  	p1 =	seq.s32 s9, $0x1;
	_ =	swait.ge @!p0 [sflag:s0], $0x280  }
.Ltmp5:
0x2ea: {  	[sflag:s0] =	ssyncset.done @!p0 $0x0;
	(pc) =	sbr.rel @p1 .LBB2_8-.Ltmp5, $4  }
0x2eb: {  	[sflag:s0] =	ssyncadd.s32 @!p0 $0xFFFFFD80  }
0x2ec: {  	_ =	swait.ge @!p0 [sflag:s0], $0x280  }
0x2ed: {  	[sflag:s0] =	ssyncset.done @!p0 $0x0  }
0x2ee: {  	s25 =	simm.s32 $0x0;
	[sflag:s0] =	ssyncadd.s32 @!p0 $0xFFFFFD80  }
0x2ef: {  	s0 =	sand.u32 $0x70, s25;
	s7 =	sand.u32 $0x1C00, s25  }
0x2f0: {  	s28 =	sor.u32 s0, s7  }
0x2f1: {  	v3 =	vld [tilespmem:s28+$0x2E00]  }
0x2f2: {  	v7 =	vld [tilespmem:s28+$0x2F80]  }
0x2f3: {  	v1 =	vld [tilespmem:s28+$0x6900]  }
0x2f4: {  	v2 =	vld [tilespmem:s28+$0x6980]  }
0x2f5: {  	v0 =	vld [tilespmem:s28+$0x2D00]  }
0x2f6: {  	v6 =	vld [tilespmem:s28+$0x2E80]  }
0x2f7: {  	v4 =	vld [tilespmem:s28+$0x6A00]  }
0x2f8: {  	v8 =	vld [tilespmem:s28+$0x3000]  }
0x2f9: {  	s29 =	simm.s32 $0x10;
	s7 =	simm.s32 $0x80;
	v9 =	vld [tilespmem:s28+$0x4100]  }
0x2fa: {  	s26 =	sand.u32 $0x70, s29;
	s8 =	sand.u32 $0x1C00, s7;
	v5 =	vld [tilespmem:s28+$0x2D80]  }
0x2fb: {  	s26 =	sor.u32 s26, s8;
	v10 =	vmul.f32 v0, v1;
	v11 =	vmul.f32 v6, v2;
	v6 =	vld [tilespmem:s28+$0x2F00]  }
0x2fc: {  	v0 =	vld [tilespmem:s26+$0x2E00];
	v12 =	vmul.f32 v3, v1;
	v13 =	vmul.f32 v7, v2  }
0x2fd: {  	v3 =	vld [tilespmem:s26+$0x2F80];
	v10 =	vadd.f32 v11, v10;
	v11 =	vmul.f32 v8, v4  }
0x2fe: {  	v7 =	vld [tilespmem:s26+$0x6900];
	v63 =	vmul.f32 v9, v4;
	v12 =	vadd.f32 v13, v12  }
0x2ff: {  	v9 =	vld [tilespmem:s26+$0x2D00];
	v10 =	vadd.f32 v11, v10  }
0x300: {  	s23 =	simm.s32 $0x20;
	s24 =	sor.u32 s25, s25;
	s8 =	simm.s32 $0x80;
	v8 =	vld [tilespmem:s26+$0x6980];
	v11 =	vadd.f32 v63, v12  }
.LBB2_6:
0x301: {  	p0 =	sne.s32 s23, $0x270;
	v12 =	vld [tilespmem:s26+$0x2E80];
	[tilespmem:s28+$0x7D00] =	vst v10;
	s0 =	sor.u32 $0x380, s24;
	s10 =	smov.u32 s29  }
0x302: {  	s29 =	smov.u32 s23;
	v10 =	vld [tilespmem:s0+$0x2D00];
	[tilespmem:s28+$0x7E00] =	vst v11  }
0x303: {  	v11 =	vld [tilespmem:s26+$0x6A00]  }
0x304: {  	v13 =	vld [tilespmem:s26+$0x3000]  }
0x305: {  	s7 =	sadd.s32 $0x80, s7;
	v15 =	vmul.f32 v5, v1;
	v16 =	vmul.f32 v6, v2;
	v1 =	vmovc v7;
	v2 =	vmov v8;
	v14 =	vld [tilespmem:s26+$0x4100]  }
0x306: {  	s0 =	sand.u32 $0x70, s23;
	s21 =	sand.u32 $0x1C00, s7;
	v7 =	vmul.f32 v9, v1;
	v5 =	vld [tilespmem:s26+$0x2D80]  }
0x307: {  	s0 =	sor.u32 s0, s21;
	v9 =	vadd.f32 v16, v15;
	v8 =	vmul.f32 v12, v2;
	v6 =	vld [tilespmem:s26+$0x2F00];
	v10 =	vmul.f32 v10, v4  }
.Ltmp6:
0x308: {  	v15 =	vmul.f32 v3, v2;
	v12 =	vmul.f32 v0, v1;
	v0 =	vld [tilespmem:s0+$0x2E00];
	v4 =	vmov v11;
	(pc) =	sbr.rel @p0 .LBB2_6-.Ltmp6, $4  }
0x309: {  	v11 =	vadd.f32 v8, v7;
	v3 =	vld [tilespmem:s0+$0x2F80];
	v13 =	vmul.f32 v13, v4;
	v9 =	vadd.f32 v10, v9  }
0x30a: {  	v12 =	vadd.f32 v15, v12;
	v7 =	vld [tilespmem:s0+$0x6900];
	v14 =	vmul.f32 v14, v4  }
0x30b: {  	v8 =	vld [tilespmem:s0+$0x6980];
	v10 =	vadd.f32 v13, v11;
	[tilespmem:s28+$0x7D80] =	vst v9;
	s28 =	smov.u32 s26;
	s26 =	smov.u32 s0  }
0x30c: {  	s23 =	sadd.s32 $0x10, s23;
	s24 =	sor.u32 s8, s10;
	s8 =	smov.u32 s7;
	v9 =	vld [tilespmem:s26+$0x2D00];
	v11 =	vadd.f32 v14, v12  }
0x30d: {  	v12 =	vld [tilespmem:s26+$0x2E80];
	[tilespmem:s28+$0x7D00] =	vst v10;
	s0 =	sor.u32 $0x380, s24  }
0x30e: {  	v10 =	vld [tilespmem:s0+$0x2D00];
	[tilespmem:s28+$0x7E00] =	vst v11  }
0x30f: {  	v11 =	vld [tilespmem:s26+$0x6A00]  }
0x310: {  	v13 =	vld [tilespmem:s26+$0x3000];
	_ =	sdelay $0x1  }
0x311: {  	v1 =	vmul.f32 v5, v1;
	v2 =	vmul.f32 v6, v2  }
0x312: {  	v55 =	vmul.f32 v9, v7;
	v56 =	vmul.f32 v12, v8  }
0x313: {  	v1 =	vadd.f32 v2, v1;
	v57 =	vmul.f32 v10, v4  }
0x314: {  	v5 =	vadd.f32 v56, v55;
	v59 =	vmul.f32 v13, v11  }
0x315: {  	v58 =	vld [tilespmem:s26+$0x4100];
	v1 =	vadd.f32 v57, v1  }
0x316: {  	v60 =	vld [tilespmem:s26+$0x2D80];
	v5 =	vadd.f32 v59, v5  }
0x317: {  	s29 =	sor.u32 s8, s29;
	v61 =	vld [tilespmem:s26+$0x2F00];
	[tilespmem:s28+$0x7D80] =	vst v1  }
0x318: {  	s0 =	sor.u32 $0x380, s29;
	[tilespmem:s26+$0x7D00] =	vst v5  }
0x319: {  	v1 =	vld [tilespmem:s0+$0x2D00];
	_ =	sdelay $0x1  }
0x31a: {  	v0 =	vmul.f32 v0, v7;
	v3 =	vmul.f32 v3, v8  }
0x31b: {  	v62 =	vmul.f32 v60, v7;
	v2 =	vmul.f32 v61, v8  }
0x31c: {  	p0 =	seq.s32 s9, $0x0;
	v0 =	vadd.f32 v3, v0;
	v63 =	vmul.f32 v58, v11  }
.Ltmp7:
0x31d: {  	v2 =	vadd.f32 v2, v62;
	v1 =	vmul.f32 v1, v11;
	(pc) =	sbr.rel @p0 .LBB2_11-.Ltmp7, $4  }
0x31e: {  	v0 =	vadd.f32 v63, v0  }
0x31f: {  	v1 =	vadd.f32 v1, v2  }
0x320: {  	[tilespmem:s26+$0x7E00] =	vst v0  }
0x321: {  	[tilespmem:s26+$0x7D80] =	vst v1  }
.LBB2_8:
0x322: {  	s0 =	sand.u32 $0x70, s25;
	s7 =	sand.u32 $0x1C00, s25  }
0x323: {  	s24 =	sor.u32 s0, s7  }
0x324: {  	v8 =	vld [tilespmem:s24+$0x6A80]  }
0x325: {  	v1 =	vld [tilespmem:s24+$0x6B00]  }
0x326: {  	v2 =	vld [tilespmem:s24+$0x4280]  }
0x327: {  	v3 =	vld [tilespmem:s24+$0x4400]  }
0x328: {  	v0 =	vld [tilespmem:s24+$0x6B80]  }
0x329: {  	v6 =	vld [tilespmem:s24+$0x5580]  }
0x32a: {  	v7 =	vld [tilespmem:s24+$0x4180]  }
0x32b: {  	v9 =	vld [tilespmem:s24+$0x4300]  }
0x32c: {  	v11 =	vld [tilespmem:s24+$0x4200];
	v2 =	vmul.f32 v2, v8;
	v3 =	vmul.f32 v3, v1  }
0x32d: {  	s29 =	simm.s32 $0x10;
	s7 =	simm.s32 $0x80;
	v4 =	vld [tilespmem:s24+$0x4380]  }
0x32e: {  	s0 =	sand.u32 $0x70, s29;
	s8 =	sand.u32 $0x1C00, s7;
	v5 =	vld [tilespmem:s24+$0x4480];
	v10 =	vmul.f32 v6, v0;
	v3 =	vadd.f32 v3, v2  }
0x32f: {  	s23 =	sor.u32 s0, s8;
	v6 =	vld [tilespmem:s24+$0x5500]  }
0x330: {  	v7 =	vmul.f32 v7, v8;
	v9 =	vmul.f32 v9, v1;
	v2 =	vld [tilespmem:s23+$0x6A80];
	v10 =	vadd.f32 v10, v3  }
0x331: {  	s8 =	simm.s32 $0x20;
	v8 =	vmul.f32 v11, v8;
	v3 =	vld [tilespmem:s23+$0x6B00]  }
.LBB2_9:
0x332: {  	p0 =	sne.s32 s8, $0x270;
	v11 =	vld [tilespmem:s23+$0x4280];
	v7 =	vadd.f32 v9, v7;
	v1 =	vmul.f32 v4, v1;
	[tilespmem:s24+$0x7F80] =	vst v10  }
0x333: {  	v4 =	vld [tilespmem:s23+$0x4400];
	v5 =	vmul.f32 v5, v0  }
0x334: {  	v9 =	vadd.f32 v1, v8;
	v6 =	vmul.f32 v6, v0;
	v0 =	vld [tilespmem:s23+$0x6B80]  }
0x335: {  	v8 =	vld [tilespmem:s23+$0x5580];
	v5 =	vadd.f32 v5, v7;
	v12 =	vmov v2  }
0x336: {  	v2 =	vld [tilespmem:s23+$0x4180];
	v6 =	vadd.f32 v6, v9;
	v1 =	vmov v3  }
0x337: {  	v3 =	vld [tilespmem:s23+$0x4300];
	[tilespmem:s24+$0x7E80] =	vst v5  }
0x338: {  	v7 =	vmul.f32 v11, v12;
	v13 =	vld [tilespmem:s23+$0x4200];
	v9 =	vmul.f32 v4, v1;
	[tilespmem:s24+$0x7F00] =	vst v6;
	s24 =	smov.u32 s23  }
.Ltmp8:
0x339: {  	s7 =	sadd.s32 $0x80, s7;
	v4 =	vld [tilespmem:s24+$0x4380];
	(pc) =	sbr.rel @p0 .LBB2_9-.Ltmp8, $4  }
0x33a: {  	s0 =	sand.u32 $0x70, s8;
	s10 =	sand.u32 $0x1C00, s7;
	v5 =	vld [tilespmem:s24+$0x4480];
	v10 =	vadd.f32 v9, v7;
	v8 =	vmul.f32 v8, v0  }
0x33b: {  	s23 =	sor.u32 s0, s10;
	v7 =	vmul.f32 v2, v12;
	v6 =	vld [tilespmem:s24+$0x5500]  }
0x33c: {  	v2 =	vld [tilespmem:s23+$0x6A80];
	v9 =	vmul.f32 v3, v1;
	v10 =	vadd.f32 v8, v10  }
0x33d: {  	s8 =	sadd.s32 $0x10, s8;
	v3 =	vld [tilespmem:s23+$0x6B00];
	v8 =	vmul.f32 v13, v12  }
0x33e: {  	v11 =	vld [tilespmem:s23+$0x4280];
	[tilespmem:s24+$0x7F80] =	vst v10;
	v1 =	vmul.f32 v4, v1  }
0x33f: {  	v7 =	vadd.f32 v9, v7;
	v10 =	vld [tilespmem:s23+$0x4400];
	v51 =	vmul.f32 v5, v0  }
0x340: {  	v52 =	vld [tilespmem:s23+$0x6B80];
	v1 =	vadd.f32 v1, v8;
	v54 =	vmul.f32 v6, v0  }
0x341: {  	v53 =	vld [tilespmem:s23+$0x5580];
	v4 =	vadd.f32 v51, v7  }
0x342: {  	v55 =	vld [tilespmem:s23+$0x4180];
	v0 =	vadd.f32 v54, v1  }
0x343: {  	v56 =	vld [tilespmem:s23+$0x4300];
	[tilespmem:s24+$0x7E80] =	vst v4  }
0x344: {  	v57 =	vld [tilespmem:s23+$0x4200];
	[tilespmem:s24+$0x7F00] =	vst v0  }
0x345: {  	v0 =	vld [tilespmem:s23+$0x4380]  }
0x346: {  	v4 =	vld [tilespmem:s23+$0x4480]  }
0x347: {  	v58 =	vmul.f32 v11, v2;
	v59 =	vld [tilespmem:s23+$0x5500]  }
0x348: {  	v10 =	vmul.f32 v10, v3;
	v9 =	vmul.f32 v53, v52  }
0x349: {  	v6 =	vmul.f32 v55, v2;
	v7 =	vmul.f32 v56, v3  }
0x34a: {  	v8 =	vadd.f32 v10, v58;
	v1 =	vmul.f32 v57, v2;
	v0 =	vmul.f32 v0, v3  }
0x34b: {  	v60 =	vadd.f32 v7, v6;
	v61 =	vmul.f32 v4, v52  }
.Ltmp9:
0x34c: {  	v62 =	vadd.f32 v9, v8;
	v63 =	vmul.f32 v59, v52;
	v0 =	vadd.f32 v0, v1;
	(pc) =	sbr.rel .LBB2_11-.Ltmp9, $4  }
0x34d: {  	v2 =	vadd.f32 v61, v60  }
0x34e: {  	[tilespmem:s23+$0x7F80] =	vst v62;
	v0 =	vadd.f32 v63, v0  }
0x34f: {  	[tilespmem:s23+$0x7E80] =	vst v2  }
0x350: {  	[tilespmem:s23+$0x7F00] =	vst v0  }
.LBB2_13:
0x351: {  	_ =	sfence.sel $0x180000  }
0x352: {  	[bflag:$0x0] =	sbarrier.arrive $0xFFFF  }
0x353: {  	_ =	strace $0x90000047  }
0x354: {  	s0 =	stileid.u32;
	[bflag:$0x2] =	sbarrier.arrive $0xFFFF  }
0x355: {  	p0 =	sne.s32 s0, $0x0;
	s0 =	rddreg [dreg:$0xd]  }
0x356: {  	s0 =	sadd.s32 @!p0 $0x100000, s0  }
0x357: {  	[sflag:s0] =	ssyncadd.tile.s32 @!p0 $0x1;
	_ =	shalt  }
.Lfunc_end2:
_tile_overlayer_lowered:
.L_overlay_start_2:
0x358: {  	(tag) =	ssettag $0x2  }
0x359: {  	s0 =	rddreg [dreg:$0x0];
	s2 =	stileid.u32  }
0x35a: {  	s1 =	rddreg [dreg:$0x1];
	p0 =	sne.s32 s2, $0x0  }
0x35b: {  	s3 =	rddreg [dreg:$0x2];
	[bflag:$0x3] =	sbarrier.arrive $0xFFFF;
	s2 =	simm.s32 @!p0 $0x1C06  }
0x35c: {  	[timem:s3], [sflag:s2] =	dma.local @!p0 [hbm:s0], s1  }
0x35d: {  	s0 =	simm.s32 @!p0 $0x6  }
0x35e: {  	_ =	swait.ge @!p0 [sflag:s0], s1  }
0x35f: {  	s1 =	ssub.s32 @!p0 $0x0, s1;
	[sflag:s0] =	ssyncset.done @!p0 $0x0  }
0x360: {  	[sflag:s0] =	ssyncadd.s32 @!p0 s1  }
0x361: {  	[bflag:$0x3] =	sbarrier.arrive $0xFFFF  }
0x362: {  	_ =	shalt  }

</sc_bundles>
